<compile_context>
chip_gen: v7x
topology: tpu7x:2x2x1
jax: 0.10.2.dev20260603
libtpu: 0.0.44.dev20260713+nightly
codegen_flags: <defaults>
</compile_context>

<pallas_src>
import functools

import jax
import jax.numpy as jnp
from jax import lax
from jax.experimental import pallas as pl
from jax.experimental.pallas import tpu as pltpu
from jax.experimental.pallas import tpu_sc as plsc

_N = 10000
_E = 320000
_C = 128
_NC = 2
_NS = 16
_NPAD = 10240
_ROWS_PER_TILE = _NPAD // _NS
_EDGES_PER_CORE = _E // _NC
_EDGES_PER_TILE = _EDGES_PER_CORE // _NS
_B = 112
_SEGC = 6
_NSEG = 15
_EPT = _NSEG * _SEGC * _B
_EPAD = _NC * _NS * _EPT


def _segsum_sc(x, src5, dst5):
  mesh = plsc.VectorSubcoreMesh(
      core_axis_name="c", subcore_axis_name="s", num_cores=_NC,
      num_subcores=_NS)

  @functools.partial(
      pl.kernel,
      out_type=jax.ShapeDtypeStruct((_NC, _NPAD, _C), jnp.float32),
      mesh=mesh,
      scratch_types=[
          pltpu.VMEM_SHARED((_NPAD, _C), jnp.float32),
          pltpu.VMEM((_SEGC, _B), jnp.int32),
          pltpu.VMEM((_SEGC, _B), jnp.int32),
          pltpu.VMEM((_SEGC, _B), jnp.int32),
          pltpu.VMEM((_SEGC, _B), jnp.int32),
          pltpu.VMEM((_B, _C), jnp.float32),
          pltpu.VMEM((_B, _C), jnp.float32),
          pltpu.VMEM((_B, _C), jnp.float32),
          [pltpu.SemaphoreType.DMA] * 10,
      ],
  )
  def k(x_hbm, src_hbm, dst_hbm, out_hbm, acc,
        sbuf0, sbuf1, dbuf0, dbuf1, rows0, rows1, rows2, sems):
    c = lax.axis_index("c")
    s = lax.axis_index("s")
    w = c * _NS + s
    row0 = s * _ROWS_PER_TILE
    sbuf = (sbuf0, sbuf1)
    dbuf = (dbuf0, dbuf1)
    rows = (rows0, rows1, rows2)
    issem = (sems[0], sems[1])
    idsem = (sems[2], sems[3])
    gsem = (sems[4], sems[5], sems[6])
    ssem = (sems[7], sems[8], sems[9])

    def seg_start(sb, g):
      pltpu.async_copy(src_hbm.at[w, g], sbuf[sb], issem[sb])
      pltpu.async_copy(dst_hbm.at[w, g], dbuf[sb], idsem[sb])

    def seg_wait(sb):
      pltpu.make_async_copy(src_hbm.at[w, 0], sbuf[sb], issem[sb]).wait()
      pltpu.make_async_copy(dst_hbm.at[w, 0], dbuf[sb], idsem[sb]).wait()

    def g_start(b, sb, k_):
      pltpu.async_copy(x_hbm.at[sbuf[sb].at[k_]], rows[b], gsem[b])

    def g_wait(b):
      pltpu.make_async_copy(x_hbm.at[sbuf[0].at[0]], rows[b], gsem[b]).wait()

    def s_start(b, sb, k_):
      pltpu.async_copy(rows[b], acc.at[dbuf[sb].at[k_]], ssem[b], add=True)

    def s_wait(b):
      pltpu.make_async_copy(rows[b], acc.at[dbuf[0].at[0]], ssem[b]).wait()

    seg_start(0, 0)

    zv = jnp.zeros((16,), jnp.float32)

    def zbody(i, carry):
      rows0[i // 8, pl.ds((i % 8) * 16, 16)] = zv
      return carry

    lax.fori_loop(0, _B * _C // 16, zbody, 0)
    for r in range(_ROWS_PER_TILE // _B):
      pltpu.sync_copy(rows0, acc.at[pl.ds(row0 + r * _B, _B)])
    _TAIL = _ROWS_PER_TILE % _B
    if _TAIL:
      pltpu.sync_copy(
          rows0.at[pl.ds(0, _TAIL)],
          acc.at[pl.ds(row0 + (_ROWS_PER_TILE // _B) * _B, _TAIL)])
    plsc.subcore_barrier()
    seg_wait(0)
    g_start(0, 0, 0)
    g_start(1, 0, 1)

    def chunks(sb, seg, first, last):
      for k_ in range(_SEGC):
        b = k_ % 3
        b1 = (k_ + 2) % 3
        g_wait(b)
        s_start(b, sb, k_)
        if k_ == 0 and first:
          pass
        else:
          s_wait(b1)
        if k_ == 0 and not last:
          seg_start(1 - sb, seg + 1)
        if k_ < _SEGC - 2:
          g_start(b1, sb, k_ + 2)
        elif not last:
          if k_ == _SEGC - 2:
            seg_wait(1 - sb)
            g_start(b1, 1 - sb, 0)
          else:
            g_start(b1, 1 - sb, 1)

    def body(gg, carry):
      for sb in (0, 1):
        chunks(sb, 2 * gg + sb, first=False, last=False)
      return carry

    chunks(0, 0, first=True, last=False)
    chunks(1, 1, first=False, last=False)
    lax.fori_loop(1, (_NSEG - 1) // 2, body, 0)
    chunks(0, _NSEG - 1, first=False, last=True)
    s_wait((_NSEG * _SEGC - 1) % 3)

    plsc.subcore_barrier()
    pltpu.sync_copy(acc.at[pl.ds(row0, _ROWS_PER_TILE)],
                    out_hbm.at[c, pl.ds(row0, _ROWS_PER_TILE)])

  return k(x, src5, dst5)


_RB = 5000
_GRID = _N // _RB


def _mm_head(fu, w):
  def body(fu_ref, w_ref, o_ref):
    o_ref[...] = jnp.dot(fu_ref[...], w_ref[...],
                         preferred_element_type=jnp.float32)
  return pl.pallas_call(
      body,
      grid=(_GRID,),
      in_specs=[
          pl.BlockSpec((_RB, _C), lambda i: (i, 0)),
          pl.BlockSpec((_C, _C), lambda i: (0, 0)),
      ],
      out_specs=pl.BlockSpec((_RB, _C), lambda i: (i, 0)),
      out_shape=jax.ShapeDtypeStruct((_N, _C), jnp.float32),
  )(fu, w)


def _mm_mid(fu, fd, p, wsu, wn1, ws1, bu, b1):
  def body(fu_ref, fd_ref, p_ref, wsu_ref, wn1_ref, ws1_ref, bu_ref, b1_ref,
           z_ref, s_ref):
    x1 = (jnp.dot(fu_ref[...], wsu_ref[...],
                  preferred_element_type=jnp.float32)
          + p_ref[0] + p_ref[1] + bu_ref[...])
    fd = fd_ref[...]
    z_ref[...] = (
        jnp.dot(x1, wn1_ref[0:_C], preferred_element_type=jnp.float32)
        + jnp.dot(fd, wn1_ref[_C:2 * _C], preferred_element_type=jnp.float32))
    s_ref[...] = (
        jnp.dot(x1, ws1_ref[0:_C], preferred_element_type=jnp.float32)
        + jnp.dot(fd, ws1_ref[_C:2 * _C], preferred_element_type=jnp.float32)
        + b1_ref[...])
  return pl.pallas_call(
      body,
      grid=(_GRID,),
      in_specs=[
          pl.BlockSpec((_RB, _C), lambda i: (i, 0)),
          pl.BlockSpec((_RB, _C), lambda i: (i, 0)),
          pl.BlockSpec((_NC, _RB, _C), lambda i: (0, i, 0)),
          pl.BlockSpec((_C, _C), lambda i: (0, 0)),
          pl.BlockSpec((2 * _C, _C), lambda i: (0, 0)),
          pl.BlockSpec((2 * _C, _C), lambda i: (0, 0)),
          pl.BlockSpec((1, _C), lambda i: (0, 0)),
          pl.BlockSpec((1, _C), lambda i: (0, 0)),
      ],
      out_specs=[
          pl.BlockSpec((_RB, _C), lambda i: (i, 0)),
          pl.BlockSpec((_RB, _C), lambda i: (i, 0)),
      ],
      out_shape=[
          jax.ShapeDtypeStruct((_N, _C), jnp.float32),
          jax.ShapeDtypeStruct((_N, _C), jnp.float32),
      ],
  )(fu, fd, p, wsu, wn1, ws1, bu, b1)


def _mm_tail(s, q):
  def body(s_ref, q_ref, o_ref):
    o_ref[...] = jnp.maximum(s_ref[...] + q_ref[0] + q_ref[1], 0.0)
  return pl.pallas_call(
      body,
      grid=(_GRID,),
      in_specs=[
          pl.BlockSpec((_RB, _C), lambda i: (i, 0)),
          pl.BlockSpec((_NC, _RB, _C), lambda i: (0, i, 0)),
      ],
      out_specs=pl.BlockSpec((_RB, _C), lambda i: (i, 0)),
      out_shape=jax.ShapeDtypeStruct((_N, _C), jnp.float32),
  )(s, q)


def kernel(from_up, from_down, edge_index, W_self_up, W_nbr_up, b_up,
           W_self_1, W_nbr_1, b_1):
  npad_e = _EPAD - _E
  pad_src = jnp.arange(npad_e, dtype=jnp.int32) % _N
  pad_dst = _N + jnp.arange(npad_e, dtype=jnp.int32) % (_NPAD - _N)
  src = jnp.concatenate([edge_index[0], pad_src]).reshape(
      _NC * _NS, _NSEG, _SEGC, _B)
  dst = jnp.concatenate([edge_index[1], pad_dst]).reshape(
      _NC * _NS, _NSEG, _SEGC, _B)
  bu = b_up.reshape(1, _C)
  b1 = b_1.reshape(1, _C)

  u = _mm_head(from_up, W_nbr_up)
  p = _segsum_sc(u, src, dst)
  z, s = _mm_mid(from_up, from_down, p, W_self_up, W_nbr_1, W_self_1, bu, b1)
  q = _segsum_sc(z, src, dst)
  return _mm_tail(s, q)

# --- scband reference (transcript-rebuilt; emitter-appended) ---
"""Pipeline reference for scband-mesh-up-conv-49383533969437 (READ-ONLY COPY).

The authoritative reference and input builder live on the scoring server;
editing this copy changes nothing except your own understanding.
"""

import jax, jax.numpy as jnp
import numpy as np

N = 10000
E = 320000
C_IN = 128
C_OUT = 128


def setup_inputs(seed: int = 0) -> dict:
    key = jax.random.key(seed)
    ks = jax.random.split(key, 10)
    from_up = jax.random.normal(ks[0], (N, C_IN), dtype=jnp.float32)
    from_down = jax.random.normal(ks[1], (N, C_OUT), dtype=jnp.float32)
    edge_index = jax.random.randint(ks[2], (2, E), 0, N, dtype=jnp.int32)
    s = 1.0 / np.sqrt(C_IN)
    s2 = 1.0 / np.sqrt(2 * C_OUT)
    W_self_up = jax.random.normal(ks[3], (C_IN, C_OUT), dtype=jnp.float32) * s
    W_nbr_up = jax.random.normal(ks[4], (C_IN, C_OUT), dtype=jnp.float32) * s
    b_up = jnp.zeros((C_OUT,), dtype=jnp.float32)
    W_self_1 = jax.random.normal(ks[5], (2 * C_OUT, C_OUT), dtype=jnp.float32) * s2
    W_nbr_1 = jax.random.normal(ks[6], (2 * C_OUT, C_OUT), dtype=jnp.float32) * s2
    b_1 = jnp.zeros((C_OUT,), dtype=jnp.float32)
    return {
        'from_up': from_up,
        'from_down': from_down,
        'edge_index': edge_index,
        'W_self_up': W_self_up,
        'W_nbr_up': W_nbr_up,
        'b_up': b_up,
        'W_self_1': W_self_1,
        'W_nbr_1': W_nbr_1,
        'b_1': b_1,
    }


def _mesh_conv(x, edge_index, W_self, W_nbr, b):
    # message passing conv over mesh edge graph: gather src features,
    # scatter-add (segment_sum) into dst nodes, then linear transform.
    src = edge_index[0]
    dst = edge_index[1]
    msgs = jnp.take(x, src, axis=0)
    agg = jax.ops.segment_sum(msgs, dst, num_segments=N)
    return x @ W_self + agg @ W_nbr + b


def reference(from_up, from_down, edge_index, W_self_up, W_nbr_up, b_up, W_self_1, W_nbr_1, b_1):
    # MeshUpConv.forward with blocks=0, unroll=0, batch_norm=False, transfer_data=True
    x1 = _mesh_conv(from_up, edge_index, W_self_up, W_nbr_up, b_up)
    # transfer_data: concat skip connection from encoder along channel dim
    x1 = jnp.concatenate([x1, from_down], axis=1)
    x1 = _mesh_conv(x1, edge_index, W_self_1, W_nbr_1, b_1)
    x1 = jax.nn.relu(x1)
    # blocks=0 -> no conv2 loop; return node features (meshes passthrough omitted)
    return x1

if __name__ == "__main__":
    import jax
    _d = setup_inputs()
    print(jax.jit(kernel)(*tuple(_d.values())))

</pallas_src>

<mosaic_0001>
#map = affine_map<(d0, d1) -> (0, 0)>
#map1 = affine_map<(d0, d1) -> (0, 0, 0, 0)>
#map2 = affine_map<(d0, d1) -> (0, 0, 0)>
module attributes {stable_mosaic.version = 14 : i64} {
  func.func @k(%arg0: i32, %arg1: i32, %arg2: memref<10000x128xf32, #tpu.memory_space<hbm>>, %arg3: memref<32x15x6x112xi32, #tpu.memory_space<hbm>>, %arg4: memref<32x15x6x112xi32, #tpu.memory_space<hbm>>, %arg5: memref<2x10240x128xf32, #tpu.memory_space<hbm>>, %arg6: memref<10240x128xf32, #tpu.memory_space<vmem_shared>>, %arg7: memref<6x112xi32, #tpu.memory_space<vmem>>, %arg8: memref<6x112xi32, #tpu.memory_space<vmem>>, %arg9: memref<6x112xi32, #tpu.memory_space<vmem>>, %arg10: memref<6x112xi32, #tpu.memory_space<vmem>>, %arg11: memref<112x128xf32, #tpu.memory_space<vmem>>, %arg12: memref<112x128xf32, #tpu.memory_space<vmem>>, %arg13: memref<112x128xf32, #tpu.memory_space<vmem>>, %arg14: memref<!tpu.dma_semaphore, #tpu.memory_space<semaphore_mem>>, %arg15: memref<!tpu.dma_semaphore, #tpu.memory_space<semaphore_mem>>, %arg16: memref<!tpu.dma_semaphore, #tpu.memory_space<semaphore_mem>>, %arg17: memref<!tpu.dma_semaphore, #tpu.memory_space<semaphore_mem>>, %arg18: memref<!tpu.dma_semaphore, #tpu.memory_space<semaphore_mem>>, %arg19: memref<!tpu.dma_semaphore, #tpu.memory_space<semaphore_mem>>, %arg20: memref<!tpu.dma_semaphore, #tpu.memory_space<semaphore_mem>>, %arg21: memref<!tpu.dma_semaphore, #tpu.memory_space<semaphore_mem>>, %arg22: memref<!tpu.dma_semaphore, #tpu.memory_space<semaphore_mem>>, %arg23: memref<!tpu.dma_semaphore, #tpu.memory_space<semaphore_mem>>) attributes {dimension_semantics = [#tpu.dimension_semantics<core_parallel>, #tpu.dimension_semantics<subcore_parallel>], iteration_bounds = array<i64: 2, 16>, scalar_prefetch = 0 : i64, scratch_operands = 18 : i64, tpu.core_type = #tpu.core_type<sc_vector_subcore>, window_params = [{transform_indices = #map}, {transform_indices = #map1}, {transform_indices = #map1}, {transform_indices = #map2}]} {
    %mul3A = arith.constant 16 : i32
    %mul3A_0 = arith.muli %arg0, %mul3A : i32
    %add3A = arith.addi %mul3A_0, %arg1 : i32
    %mul3A_1 = arith.constant 640 : i32
    %mul3A_2 = arith.muli %arg1, %mul3A_1 : i32
    %dma_start3A = arith.constant 0 : i32
    %dma_start3A_3 = arith.constant 0 : i32
    %dma_start3A_4 = arith.constant 0 : i32
    %dma_start3A_5 = tpu.memref_slice %arg3[%add3A, %dma_start3A, %dma_start3A_3, %dma_start3A_4] : memref<32x15x6x112xi32, #tpu.memory_space<hbm>> -> memref<1x1x6x112xi32, #tpu.memory_space<hbm>>
    %dma_start3A_6 = tpu.memref_squeeze %dma_start3A_5 : memref<1x1x6x112xi32, #tpu.memory_space<hbm>> -> memref<6x112xi32, #tpu.memory_space<hbm>>
    %dma_start3A_7 = arith.constant 0 : i32
    %dma_start3A_8 = arith.constant 0 : i32
    %dma_start3A_9 = tpu.memref_slice %arg3[%add3A, %dma_start3A, %dma_start3A_7, %dma_start3A_8] : memref<32x15x6x112xi32, #tpu.memory_space<hbm>> -> memref<1x1x6x112xi32, #tpu.memory_space<hbm>>
    %dma_start3A_10 = tpu.memref_squeeze %dma_start3A_9 : memref<1x1x6x112xi32, #tpu.memory_space<hbm>> -> memref<6x112xi32, #tpu.memory_space<hbm>>
    tpu.enqueue_dma source(%dma_start3A_10 : memref<6x112xi32, #tpu.memory_space<hbm>>) target(%arg7 : memref<6x112xi32, #tpu.memory_space<vmem>>) target_semaphore(%arg14 : memref<!tpu.dma_semaphore, #tpu.memory_space<semaphore_mem>>)
    %dma_start3A_11 = arith.constant 0 : i32
    %dma_start3A_12 = arith.constant 0 : i32
    %dma_start3A_13 = arith.constant 0 : i32
    %dma_start3A_14 = tpu.memref_slice %arg4[%add3A, %dma_start3A_11, %dma_start3A_12, %dma_start3A_13] : memref<32x15x6x112xi32, #tpu.memory_space<hbm>> -> memref<1x1x6x112xi32, #tpu.memory_space<hbm>>
    %dma_start3A_15 = tpu.memref_squeeze %dma_start3A_14 : memref<1x1x6x112xi32, #tpu.memory_space<hbm>> -> memref<6x112xi32, #tpu.memory_space<hbm>>
    %dma_start3A_16 = arith.constant 0 : i32
    %dma_start3A_17 = arith.constant 0 : i32
    %dma_start3A_18 = tpu.memref_slice %arg4[%add3A, %dma_start3A_11, %dma_start3A_16, %dma_start3A_17] : memref<32x15x6x112xi32, #tpu.memory_space<hbm>> -> memref<1x1x6x112xi32, #tpu.memory_space<hbm>>
    %dma_start3A_19 = tpu.memref_squeeze %dma_start3A_18 : memref<1x1x6x112xi32, #tpu.memory_space<hbm>> -> memref<6x112xi32, #tpu.memory_space<hbm>>
    tpu.enqueue_dma source(%dma_start3A_19 : memref<6x112xi32, #tpu.memory_space<hbm>>) target(%arg9 : memref<6x112xi32, #tpu.memory_space<vmem>>) target_semaphore(%arg16 : memref<!tpu.dma_semaphore, #tpu.memory_space<semaphore_mem>>)
    %broadcast_in_dim3A = arith.constant 0.000000e+00 : f32
    %broadcast_in_dim3A_20 = vector.broadcast %broadcast_in_dim3A : f32 to vector<16xf32>
    %scan3A = arith.constant 0 : i32
    %scan3A_21 = arith.constant 0 : i32
    %scan3A_22 = arith.constant 896 : i32
    %scan3A_23 = arith.addi %scan3A_21, %scan3A_22 : i32
    %scan3A_24 = arith.constant 1 : i32
    scf.for %scan3A_638 = %scan3A_21 to %scan3A_23 step %scan3A_24  : i32 {
      %jit3A = arith.constant 8 : i32
      %div3A = arith.divsi %scan3A_638, %jit3A : i32
      %sign3A = arith.constant 0 : i32
      %sign3A_639 = arith.cmpi sgt, %scan3A_638, %sign3A : i32
      %sign3A_640 = arith.extui %sign3A_639 : i1 to i32
      %sign3A_641 = arith.constant 0 : i32
      %sign3A_642 = arith.cmpi slt, %scan3A_638, %sign3A_641 : i32
      %sign3A_643 = arith.extui %sign3A_642 : i1 to i32
      %sign3A_644 = arith.subi %sign3A_640, %sign3A_643 : i32
      %sign3A_645 = arith.constant 0 : i32
      %sign3A_646 = arith.cmpi sgt, %jit3A, %sign3A_645 : i32
      %sign3A_647 = arith.extui %sign3A_646 : i1 to i32
      %sign3A_648 = arith.constant 0 : i32
      %sign3A_649 = arith.cmpi slt, %jit3A, %sign3A_648 : i32
      %sign3A_650 = arith.extui %sign3A_649 : i1 to i32
      %sign3A_651 = arith.subi %sign3A_647, %sign3A_650 : i32
      %ne3A = arith.cmpi ne, %sign3A_644, %sign3A_651 : i32
      %rem3A = arith.remsi %scan3A_638, %jit3A : i32
      %ne3A_652 = arith.constant 0 : i32
      %ne3A_653 = arith.cmpi ne, %rem3A, %ne3A_652 : i32
      %and3A = arith.andi %ne3A, %ne3A_653 : i1
      %sub3A = arith.constant 1 : i32
      %sub3A_654 = arith.subi %div3A, %sub3A : i32
      %select_n3A = arith.select %and3A, %sub3A_654, %div3A : i32
      %jit3A_655 = arith.constant 8 : i32
      %eq3A = arith.constant 0 : i32
      %eq3A_656 = arith.cmpi eq, %jit3A_655, %eq3A : i32
      %jit3A_657 = arith.constant 1 : i32
      %select_n3A_658 = arith.select %eq3A_656, %jit3A_657, %jit3A_655 : i32
      %rem3A_659 = arith.remsi %scan3A_638, %select_n3A_658 : i32
      %ne3A_660 = arith.constant 0 : i32
      %ne3A_661 = arith.cmpi ne, %rem3A_659, %ne3A_660 : i32
      %lt3A = arith.constant 0 : i32
      %lt3A_662 = arith.cmpi slt, %rem3A_659, %lt3A : i32
      %lt3A_663 = arith.constant 0 : i32
      %lt3A_664 = arith.cmpi slt, %select_n3A_658, %lt3A_663 : i32
      %ne3A_665 = arith.xori %lt3A_662, %lt3A_664 : i1
      %and3A_666 = arith.andi %ne3A_665, %ne3A_661 : i1
      %add3A_667 = arith.addi %rem3A_659, %select_n3A_658 : i32
      %select_n3A_668 = arith.select %and3A_666, %add3A_667, %rem3A_659 : i32
      %mul3A_669 = arith.constant 16 : i32
      %mul3A_670 = arith.muli %select_n3A_668, %mul3A_669 : i32
      %swap3A = arith.index_cast %select_n3A : i32 to index
      %swap3A_671 = arith.index_cast %mul3A_670 : i32 to index
      %swap3A_672 = tpu.vector_load %arg11[%swap3A, %swap3A_671] {strides = array<i32>} : memref<112x128xf32, #tpu.memory_space<vmem>>, vector<1x16xf32>,
      %swap3A_673 = vector.shape_cast %swap3A_672 : vector<1x16xf32> to vector<16xf32>
      %swap3A_674 = vector.shape_cast %broadcast_in_dim3A_20 : vector<16xf32> to vector<1x16xf32>
      tpu.vector_store %arg11[%swap3A, %swap3A_671], %swap3A_674 {strides = array<i32>} : memref<112x128xf32, #tpu.memory_space<vmem>>, vector<1x16xf32>,
    }
    %scan3A_25 = arith.constant 896 : i32
    %add3A_26 = arith.constant 0 : i32
    %add3A_27 = arith.addi %mul3A_2, %add3A_26 : i32
    "tpu.region"() ({
      %run_scoped3A = tpu.sem_alloc : memref<!tpu.dma_semaphore, #tpu.memory_space<semaphore_mem>>
      %dma_start3A_638 = arith.constant 0 : i32
      %dma_start3A_639 = tpu.memref_slice %arg6[%add3A_27, %dma_start3A_638] : memref<10240x128xf32, #tpu.memory_space<vmem_shared>> -> memref<112x128xf32, #tpu.memory_space<vmem_shared>>
      %dma_start3A_640 = arith.constant 0 : i32
      %dma_start3A_641 = tpu.memref_slice %arg6[%add3A_27, %dma_start3A_640] : memref<10240x128xf32, #tpu.memory_space<vmem_shared>> -> memref<112x128xf32, #tpu.memory_space<vmem_shared>>
      tpu.enqueue_dma source(%arg11 : memref<112x128xf32, #tpu.memory_space<vmem>>) target(%dma_start3A_641 : memref<112x128xf32, #tpu.memory_space<vmem_shared>>) target_semaphore(%run_scoped3A : memref<!tpu.dma_semaphore, #tpu.memory_space<semaphore_mem>>)
      %dma_wait3A_642 = arith.constant 0 : i32
      %dma_wait3A_643 = tpu.memref_slice %arg6[%add3A_27, %dma_wait3A_642] : memref<10240x128xf32, #tpu.memory_space<vmem_shared>> -> memref<112x128xf32, #tpu.memory_space<vmem_shared>>
      %dma_wait3A_644 = arith.constant 0 : i32
      %dma_wait3A_645 = tpu.memref_slice %arg6[%add3A_27, %dma_wait3A_644] : memref<10240x128xf32, #tpu.memory_space<vmem_shared>> -> memref<112x128xf32, #tpu.memory_space<vmem_shared>>
      tpu.wait_dma2 semaphore(%run_scoped3A : memref<!tpu.dma_semaphore, #tpu.memory_space<semaphore_mem>>) src(%arg11 : memref<112x128xf32, #tpu.memory_space<vmem>>) dst(%dma_wait3A_645 : memref<112x128xf32, #tpu.memory_space<vmem_shared>>)
      tpu.yield
    }) : () -> ()
    %add3A_28 = arith.constant 112 : i32
    %add3A_29 = arith.addi %mul3A_2, %add3A_28 : i32
    "tpu.region"() ({
      %run_scoped3A = tpu.sem_alloc : memref<!tpu.dma_semaphore, #tpu.memory_space<semaphore_mem>>
      %dma_start3A_638 = arith.constant 0 : i32
      %dma_start3A_639 = tpu.memref_slice %arg6[%add3A_29, %dma_start3A_638] : memref<10240x128xf32, #tpu.memory_space<vmem_shared>> -> memref<112x128xf32, #tpu.memory_space<vmem_shared>>
      %dma_start3A_640 = arith.constant 0 : i32
      %dma_start3A_641 = tpu.memref_slice %arg6[%add3A_29, %dma_start3A_640] : memref<10240x128xf32, #tpu.memory_space<vmem_shared>> -> memref<112x128xf32, #tpu.memory_space<vmem_shared>>
      tpu.enqueue_dma source(%arg11 : memref<112x128xf32, #tpu.memory_space<vmem>>) target(%dma_start3A_641 : memref<112x128xf32, #tpu.memory_space<vmem_shared>>) target_semaphore(%run_scoped3A : memref<!tpu.dma_semaphore, #tpu.memory_space<semaphore_mem>>)
      %dma_wait3A_642 = arith.constant 0 : i32
      %dma_wait3A_643 = tpu.memref_slice %arg6[%add3A_29, %dma_wait3A_642] : memref<10240x128xf32, #tpu.memory_space<vmem_shared>> -> memref<112x128xf32, #tpu.memory_space<vmem_shared>>
      %dma_wait3A_644 = arith.constant 0 : i32
      %dma_wait3A_645 = tpu.memref_slice %arg6[%add3A_29, %dma_wait3A_644] : memref<10240x128xf32, #tpu.memory_space<vmem_shared>> -> memref<112x128xf32, #tpu.memory_space<vmem_shared>>
      tpu.wait_dma2 semaphore(%run_scoped3A : memref<!tpu.dma_semaphore, #tpu.memory_space<semaphore_mem>>) src(%arg11 : memref<112x128xf32, #tpu.memory_space<vmem>>) dst(%dma_wait3A_645 : memref<112x128xf32, #tpu.memory_space<vmem_shared>>)
      tpu.yield
    }) : () -> ()
    %add3A_30 = arith.constant 224 : i32
    %add3A_31 = arith.addi %mul3A_2, %add3A_30 : i32
    "tpu.region"() ({
      %run_scoped3A = tpu.sem_alloc : memref<!tpu.dma_semaphore, #tpu.memory_space<semaphore_mem>>
      %dma_start3A_638 = arith.constant 0 : i32
      %dma_start3A_639 = tpu.memref_slice %arg6[%add3A_31, %dma_start3A_638] : memref<10240x128xf32, #tpu.memory_space<vmem_shared>> -> memref<112x128xf32, #tpu.memory_space<vmem_shared>>
      %dma_start3A_640 = arith.constant 0 : i32
      %dma_start3A_641 = tpu.memref_slice %arg6[%add3A_31, %dma_start3A_640] : memref<10240x128xf32, #tpu.memory_space<vmem_shared>> -> memref<112x128xf32, #tpu.memory_space<vmem_shared>>
      tpu.enqueue_dma source(%arg11 : memref<112x128xf32, #tpu.memory_space<vmem>>) target(%dma_start3A_641 : memref<112x128xf32, #tpu.memory_space<vmem_shared>>) target_semaphore(%run_scoped3A : memref<!tpu.dma_semaphore, #tpu.memory_space<semaphore_mem>>)
      %dma_wait3A_642 = arith.constant 0 : i32
      %dma_wait3A_643 = tpu.memref_slice %arg6[%add3A_31, %dma_wait3A_642] : memref<10240x128xf32, #tpu.memory_space<vmem_shared>> -> memref<112x128xf32, #tpu.memory_space<vmem_shared>>
      %dma_wait3A_644 = arith.constant 0 : i32
      %dma_wait3A_645 = tpu.memref_slice %arg6[%add3A_31, %dma_wait3A_644] : memref<10240x128xf32, #tpu.memory_space<vmem_shared>> -> memref<112x128xf32, #tpu.memory_space<vmem_shared>>
      tpu.wait_dma2 semaphore(%run_scoped3A : memref<!tpu.dma_semaphore, #tpu.memory_space<semaphore_mem>>) src(%arg11 : memref<112x128xf32, #tpu.memory_space<vmem>>) dst(%dma_wait3A_645 : memref<112x128xf32, #tpu.memory_space<vmem_shared>>)
      tpu.yield
    }) : () -> ()
    %add3A_32 = arith.constant 336 : i32
    %add3A_33 = arith.addi %mul3A_2, %add3A_32 : i32
    "tpu.region"() ({
      %run_scoped3A = tpu.sem_alloc : memref<!tpu.dma_semaphore, #tpu.memory_space<semaphore_mem>>
      %dma_start3A_638 = arith.constant 0 : i32
      %dma_start3A_639 = tpu.memref_slice %arg6[%add3A_33, %dma_start3A_638] : memref<10240x128xf32, #tpu.memory_space<vmem_shared>> -> memref<112x128xf32, #tpu.memory_space<vmem_shared>>
      %dma_start3A_640 = arith.constant 0 : i32
      %dma_start3A_641 = tpu.memref_slice %arg6[%add3A_33, %dma_start3A_640] : memref<10240x128xf32, #tpu.memory_space<vmem_shared>> -> memref<112x128xf32, #tpu.memory_space<vmem_shared>>
      tpu.enqueue_dma source(%arg11 : memref<112x128xf32, #tpu.memory_space<vmem>>) target(%dma_start3A_641 : memref<112x128xf32, #tpu.memory_space<vmem_shared>>) target_semaphore(%run_scoped3A : memref<!tpu.dma_semaphore, #tpu.memory_space<semaphore_mem>>)
      %dma_wait3A_642 = arith.constant 0 : i32
      %dma_wait3A_643 = tpu.memref_slice %arg6[%add3A_33, %dma_wait3A_642] : memref<10240x128xf32, #tpu.memory_space<vmem_shared>> -> memref<112x128xf32, #tpu.memory_space<vmem_shared>>
      %dma_wait3A_644 = arith.constant 0 : i32
      %dma_wait3A_645 = tpu.memref_slice %arg6[%add3A_33, %dma_wait3A_644] : memref<10240x128xf32, #tpu.memory_space<vmem_shared>> -> memref<112x128xf32, #tpu.memory_space<vmem_shared>>
      tpu.wait_dma2 semaphore(%run_scoped3A : memref<!tpu.dma_semaphore, #tpu.memory_space<semaphore_mem>>) src(%arg11 : memref<112x128xf32, #tpu.memory_space<vmem>>) dst(%dma_wait3A_645 : memref<112x128xf32, #tpu.memory_space<vmem_shared>>)
      tpu.yield
    }) : () -> ()
    %add3A_34 = arith.constant 448 : i32
    %add3A_35 = arith.addi %mul3A_2, %add3A_34 : i32
    "tpu.region"() ({
      %run_scoped3A = tpu.sem_alloc : memref<!tpu.dma_semaphore, #tpu.memory_space<semaphore_mem>>
      %dma_start3A_638 = arith.constant 0 : i32
      %dma_start3A_639 = tpu.memref_slice %arg6[%add3A_35, %dma_start3A_638] : memref<10240x128xf32, #tpu.memory_space<vmem_shared>> -> memref<112x128xf32, #tpu.memory_space<vmem_shared>>
      %dma_start3A_640 = arith.constant 0 : i32
      %dma_start3A_641 = tpu.memref_slice %arg6[%add3A_35, %dma_start3A_640] : memref<10240x128xf32, #tpu.memory_space<vmem_shared>> -> memref<112x128xf32, #tpu.memory_space<vmem_shared>>
      tpu.enqueue_dma source(%arg11 : memref<112x128xf32, #tpu.memory_space<vmem>>) target(%dma_start3A_641 : memref<112x128xf32, #tpu.memory_space<vmem_shared>>) target_semaphore(%run_scoped3A : memref<!tpu.dma_semaphore, #tpu.memory_space<semaphore_mem>>)
      %dma_wait3A_642 = arith.constant 0 : i32
      %dma_wait3A_643 = tpu.memref_slice %arg6[%add3A_35, %dma_wait3A_642] : memref<10240x128xf32, #tpu.memory_space<vmem_shared>> -> memref<112x128xf32, #tpu.memory_space<vmem_shared>>
      %dma_wait3A_644 = arith.constant 0 : i32
      %dma_wait3A_645 = tpu.memref_slice %arg6[%add3A_35, %dma_wait3A_644] : memref<10240x128xf32, #tpu.memory_space<vmem_shared>> -> memref<112x128xf32, #tpu.memory_space<vmem_shared>>
      tpu.wait_dma2 semaphore(%run_scoped3A : memref<!tpu.dma_semaphore, #tpu.memory_space<semaphore_mem>>) src(%arg11 : memref<112x128xf32, #tpu.memory_space<vmem>>) dst(%dma_wait3A_645 : memref<112x128xf32, #tpu.memory_space<vmem_shared>>)
      tpu.yield
    }) : () -> ()
    %add3A_36 = arith.constant 560 : i32
    %add3A_37 = arith.addi %mul3A_2, %add3A_36 : i32
    "tpu.region"() ({
      %run_scoped3A = tpu.sem_alloc : memref<!tpu.dma_semaphore, #tpu.memory_space<semaphore_mem>>
      %dma_start3A_638 = arith.constant 0 : i32
      %dma_start3A_639 = arith.constant 0 : i32
      %dma_start3A_640 = tpu.memref_slice %arg11[%dma_start3A_638, %dma_start3A_639] : memref<112x128xf32, #tpu.memory_space<vmem>> -> memref<80x128xf32, #tpu.memory_space<vmem>>
      %dma_start3A_641 = arith.constant 0 : i32
      %dma_start3A_642 = tpu.memref_slice %arg6[%add3A_37, %dma_start3A_641] : memref<10240x128xf32, #tpu.memory_space<vmem_shared>> -> memref<80x128xf32, #tpu.memory_space<vmem_shared>>
      %dma_start3A_643 = arith.constant 0 : i32
      %dma_start3A_644 = tpu.memref_slice %arg6[%add3A_37, %dma_start3A_643] : memref<10240x128xf32, #tpu.memory_space<vmem_shared>> -> memref<80x128xf32, #tpu.memory_space<vmem_shared>>
      %dma_start3A_645 = arith.constant 0 : i32
      %dma_start3A_646 = arith.constant 0 : i32
      %dma_start3A_647 = tpu.memref_slice %arg11[%dma_start3A_645, %dma_start3A_646] : memref<112x128xf32, #tpu.memory_space<vmem>> -> memref<80x128xf32, #tpu.memory_space<vmem>>
      tpu.enqueue_dma source(%dma_start3A_647 : memref<80x128xf32, #tpu.memory_space<vmem>>) target(%dma_start3A_644 : memref<80x128xf32, #tpu.memory_space<vmem_shared>>) target_semaphore(%run_scoped3A : memref<!tpu.dma_semaphore, #tpu.memory_space<semaphore_mem>>)
      %dma_wait3A_648 = arith.constant 0 : i32
      %dma_wait3A_649 = arith.constant 0 : i32
      %dma_wait3A_650 = tpu.memref_slice %arg11[%dma_wait3A_648, %dma_wait3A_649] : memref<112x128xf32, #tpu.memory_space<vmem>> -> memref<80x128xf32, #tpu.memory_space<vmem>>
      %dma_wait3A_651 = arith.constant 0 : i32
      %dma_wait3A_652 = tpu.memref_slice %arg6[%add3A_37, %dma_wait3A_651] : memref<10240x128xf32, #tpu.memory_space<vmem_shared>> -> memref<80x128xf32, #tpu.memory_space<vmem_shared>>
      %dma_wait3A_653 = arith.constant 0 : i32
      %dma_wait3A_654 = tpu.memref_slice %arg6[%add3A_37, %dma_wait3A_653] : memref<10240x128xf32, #tpu.memory_space<vmem_shared>> -> memref<80x128xf32, #tpu.memory_space<vmem_shared>>
      %dma_wait3A_655 = arith.constant 0 : i32
      %dma_wait3A_656 = arith.constant 0 : i32
      %dma_wait3A_657 = tpu.memref_slice %arg11[%dma_wait3A_655, %dma_wait3A_656] : memref<112x128xf32, #tpu.memory_space<vmem>> -> memref<80x128xf32, #tpu.memory_space<vmem>>
      tpu.wait_dma2 semaphore(%run_scoped3A : memref<!tpu.dma_semaphore, #tpu.memory_space<semaphore_mem>>) src(%dma_wait3A_657 : memref<80x128xf32, #tpu.memory_space<vmem>>) dst(%dma_wait3A_654 : memref<80x128xf32, #tpu.memory_space<vmem_shared>>)
      tpu.yield
    }) : () -> ()
    %barrier3A = arith.constant 0 : index
    tpu.barrier barrier_id(%barrier3A)
    %dma_wait3A = arith.constant 0 : i32
    %dma_wait3A_38 = arith.constant 0 : i32
    %dma_wait3A_39 = arith.constant 0 : i32
    %dma_wait3A_40 = tpu.memref_slice %arg3[%add3A, %dma_wait3A, %dma_wait3A_38, %dma_wait3A_39] : memref<32x15x6x112xi32, #tpu.memory_space<hbm>> -> memref<1x1x6x112xi32, #tpu.memory_space<hbm>>
    %dma_wait3A_41 = tpu.memref_squeeze %dma_wait3A_40 : memref<1x1x6x112xi32, #tpu.memory_space<hbm>> -> memref<6x112xi32, #tpu.memory_space<hbm>>
    %dma_wait3A_42 = arith.constant 0 : i32
    %dma_wait3A_43 = arith.constant 0 : i32
    %dma_wait3A_44 = tpu.memref_slice %arg3[%add3A, %dma_wait3A, %dma_wait3A_42, %dma_wait3A_43] : memref<32x15x6x112xi32, #tpu.memory_space<hbm>> -> memref<1x1x6x112xi32, #tpu.memory_space<hbm>>
    %dma_wait3A_45 = tpu.memref_squeeze %dma_wait3A_44 : memref<1x1x6x112xi32, #tpu.memory_space<hbm>> -> memref<6x112xi32, #tpu.memory_space<hbm>>
    tpu.wait_dma2 semaphore(%arg14 : memref<!tpu.dma_semaphore, #tpu.memory_space<semaphore_mem>>) src(%dma_wait3A_45 : memref<6x112xi32, #tpu.memory_space<hbm>>) dst(%arg7 : memref<6x112xi32, #tpu.memory_space<vmem>>)
    %dma_wait3A_46 = arith.constant 0 : i32
    %dma_wait3A_47 = arith.constant 0 : i32
    %dma_wait3A_48 = arith.constant 0 : i32
    %dma_wait3A_49 = tpu.memref_slice %arg4[%add3A, %dma_wait3A_46, %dma_wait3A_47, %dma_wait3A_48] : memref<32x15x6x112xi32, #tpu.memory_space<hbm>> -> memref<1x1x6x112xi32, #tpu.memory_space<hbm>>
    %dma_wait3A_50 = tpu.memref_squeeze %dma_wait3A_49 : memref<1x1x6x112xi32, #tpu.memory_space<hbm>> -> memref<6x112xi32, #tpu.memory_space<hbm>>
    %dma_wait3A_51 = arith.constant 0 : i32
    %dma_wait3A_52 = arith.constant 0 : i32
    %dma_wait3A_53 = tpu.memref_slice %arg4[%add3A, %dma_wait3A_46, %dma_wait3A_51, %dma_wait3A_52] : memref<32x15x6x112xi32, #tpu.memory_space<hbm>> -> memref<1x1x6x112xi32, #tpu.memory_space<hbm>>
    %dma_wait3A_54 = tpu.memref_squeeze %dma_wait3A_53 : memref<1x1x6x112xi32, #tpu.memory_space<hbm>> -> memref<6x112xi32, #tpu.memory_space<hbm>>
    tpu.wait_dma2 semaphore(%arg16 : memref<!tpu.dma_semaphore, #tpu.memory_space<semaphore_mem>>) src(%dma_wait3A_54 : memref<6x112xi32, #tpu.memory_space<hbm>>) dst(%arg9 : memref<6x112xi32, #tpu.memory_space<vmem>>)
    %dma_start3A_55 = arith.constant 0 : i32
    %dma_start3A_56 = arith.constant 0 : i32
    %dma_start3A_57 = tpu.memref_slice %arg7[%dma_start3A_55, %dma_start3A_56] : memref<6x112xi32, #tpu.memory_space<vmem>> -> memref<1x112xi32, #tpu.memory_space<vmem>>
    %dma_start3A_58 = tpu.memref_squeeze %dma_start3A_57 : memref<1x112xi32, #tpu.memory_space<vmem>> -> memref<112xi32, #tpu.memory_space<vmem>>
    %dma_start3A_59 = arith.constant 0 : i32
    %dma_start3A_60 = arith.constant 0 : i32
    %dma_start3A_61 = tpu.memref_slice %arg2[%dma_start3A_59, %dma_start3A_60] : memref<10000x128xf32, #tpu.memory_space<hbm>> -> memref<10000x128xf32, #tpu.memory_space<hbm>>
    tpu.enqueue_indirect_dma source(%dma_start3A_61 : memref<10000x128xf32, #tpu.memory_space<hbm>>) target(%arg11 : memref<112x128xf32, #tpu.memory_space<vmem>>) offsets(%dma_start3A_58 : memref<112xi32, #tpu.memory_space<vmem>>) semaphore(%arg18 : memref<!tpu.dma_semaphore, #tpu.memory_space<semaphore_mem>>)
    %dma_start3A_62 = arith.constant 1 : i32
    %dma_start3A_63 = arith.constant 0 : i32
    %dma_start3A_64 = tpu.memref_slice %arg7[%dma_start3A_62, %dma_start3A_63] : memref<6x112xi32, #tpu.memory_space<vmem>> -> memref<1x112xi32, #tpu.memory_space<vmem>>
    %dma_start3A_65 = tpu.memref_squeeze %dma_start3A_64 : memref<1x112xi32, #tpu.memory_space<vmem>> -> memref<112xi32, #tpu.memory_space<vmem>>
    %dma_start3A_66 = arith.constant 0 : i32
    %dma_start3A_67 = arith.constant 0 : i32
    %dma_start3A_68 = tpu.memref_slice %arg2[%dma_start3A_66, %dma_start3A_67] : memref<10000x128xf32, #tpu.memory_space<hbm>> -> memref<10000x128xf32, #tpu.memory_space<hbm>>
    tpu.enqueue_indirect_dma source(%dma_start3A_68 : memref<10000x128xf32, #tpu.memory_space<hbm>>) target(%arg12 : memref<112x128xf32, #tpu.memory_space<vmem>>) offsets(%dma_start3A_65 : memref<112xi32, #tpu.memory_space<vmem>>) semaphore(%arg19 : memref<!tpu.dma_semaphore, #tpu.memory_space<semaphore_mem>>)
    %dma_wait3A_69 = arith.constant 0 : i32
    %dma_wait3A_70 = arith.constant 0 : i32
    %dma_wait3A_71 = tpu.memref_slice %arg7[%dma_wait3A_69, %dma_wait3A_70] : memref<6x112xi32, #tpu.memory_space<vmem>> -> memref<1x112xi32, #tpu.memory_space<vmem>>
    %dma_wait3A_72 = tpu.memref_squeeze %dma_wait3A_71 : memref<1x112xi32, #tpu.memory_space<vmem>> -> memref<112xi32, #tpu.memory_space<vmem>>
    %dma_wait3A_73 = arith.constant 0 : i32
    %dma_wait3A_74 = arith.constant 0 : i32
    %dma_wait3A_75 = tpu.memref_slice %arg2[%dma_wait3A_73, %dma_wait3A_74] : memref<10000x128xf32, #tpu.memory_space<hbm>> -> memref<10000x128xf32, #tpu.memory_space<hbm>>
    tpu.wait_indirect_dma semaphore(%arg18 : memref<!tpu.dma_semaphore, #tpu.memory_space<semaphore_mem>>) src(%dma_wait3A_75 : memref<10000x128xf32, #tpu.memory_space<hbm>>) dst(%arg11 : memref<112x128xf32, #tpu.memory_space<vmem>>)
    %dma_start3A_76 = arith.constant 0 : i32
    %dma_start3A_77 = arith.constant 0 : i32
    %dma_start3A_78 = tpu.memref_slice %arg9[%dma_start3A_76, %dma_start3A_77] : memref<6x112xi32, #tpu.memory_space<vmem>> -> memref<1x112xi32, #tpu.memory_space<vmem>>
    %dma_start3A_79 = tpu.memref_squeeze %dma_start3A_78 : memref<1x112xi32, #tpu.memory_space<vmem>> -> memref<112xi32, #tpu.memory_space<vmem>>
    %dma_start3A_80 = arith.constant 0 : i32
    %dma_start3A_81 = arith.constant 0 : i32
    %dma_start3A_82 = tpu.memref_slice %arg6[%dma_start3A_80, %dma_start3A_81] : memref<10240x128xf32, #tpu.memory_space<vmem_shared>> -> memref<10240x128xf32, #tpu.memory_space<vmem_shared>>
    tpu.enqueue_indirect_dma source(%arg11 : memref<112x128xf32, #tpu.memory_space<vmem>>) target(%dma_start3A_82 : memref<10240x128xf32, #tpu.memory_space<vmem_shared>>) offsets(%dma_start3A_79 : memref<112xi32, #tpu.memory_space<vmem>>) semaphore(%arg21 : memref<!tpu.dma_semaphore, #tpu.memory_space<semaphore_mem>>) {add = true}
    %dma_start3A_83 = arith.constant 1 : i32
    %dma_start3A_84 = arith.constant 0 : i32
    %dma_start3A_85 = arith.constant 0 : i32
    %dma_start3A_86 = tpu.memref_slice %arg3[%add3A, %dma_start3A_83, %dma_start3A_84, %dma_start3A_85] : memref<32x15x6x112xi32, #tpu.memory_space<hbm>> -> memref<1x1x6x112xi32, #tpu.memory_space<hbm>>
    %dma_start3A_87 = tpu.memref_squeeze %dma_start3A_86 : memref<1x1x6x112xi32, #tpu.memory_space<hbm>> -> memref<6x112xi32, #tpu.memory_space<hbm>>
    %dma_start3A_88 = arith.constant 0 : i32
    %dma_start3A_89 = arith.constant 0 : i32
    %dma_start3A_90 = tpu.memref_slice %arg3[%add3A, %dma_start3A_83, %dma_start3A_88, %dma_start3A_89] : memref<32x15x6x112xi32, #tpu.memory_space<hbm>> -> memref<1x1x6x112xi32, #tpu.memory_space<hbm>>
    %dma_start3A_91 = tpu.memref_squeeze %dma_start3A_90 : memref<1x1x6x112xi32, #tpu.memory_space<hbm>> -> memref<6x112xi32, #tpu.memory_space<hbm>>
    tpu.enqueue_dma source(%dma_start3A_91 : memref<6x112xi32, #tpu.memory_space<hbm>>) target(%arg8 : memref<6x112xi32, #tpu.memory_space<vmem>>) target_semaphore(%arg15 : memref<!tpu.dma_semaphore, #tpu.memory_space<semaphore_mem>>)
    %dma_start3A_92 = arith.constant 1 : i32
    %dma_start3A_93 = arith.constant 0 : i32
    %dma_start3A_94 = arith.constant 0 : i32
    %dma_start3A_95 = tpu.memref_slice %arg4[%add3A, %dma_start3A_92, %dma_start3A_93, %dma_start3A_94] : memref<32x15x6x112xi32, #tpu.memory_space<hbm>> -> memref<1x1x6x112xi32, #tpu.memory_space<hbm>>
    %dma_start3A_96 = tpu.memref_squeeze %dma_start3A_95 : memref<1x1x6x112xi32, #tpu.memory_space<hbm>> -> memref<6x112xi32, #tpu.memory_space<hbm>>
    %dma_start3A_97 = arith.constant 0 : i32
    %dma_start3A_98 = arith.constant 0 : i32
    %dma_start3A_99 = tpu.memref_slice %arg4[%add3A, %dma_start3A_92, %dma_start3A_97, %dma_start3A_98] : memref<32x15x6x112xi32, #tpu.memory_space<hbm>> -> memref<1x1x6x112xi32, #tpu.memory_space<hbm>>
    %dma_start3A_100 = tpu.memref_squeeze %dma_start3A_99 : memref<1x1x6x112xi32, #tpu.memory_space<hbm>> -> memref<6x112xi32, #tpu.memory_space<hbm>>
    tpu.enqueue_dma source(%dma_start3A_100 : memref<6x112xi32, #tpu.memory_space<hbm>>) target(%arg10 : memref<6x112xi32, #tpu.memory_space<vmem>>) target_semaphore(%arg17 : memref<!tpu.dma_semaphore, #tpu.memory_space<semaphore_mem>>)
    %dma_start3A_101 = arith.constant 2 : i32
    %dma_start3A_102 = arith.constant 0 : i32
    %dma_start3A_103 = tpu.memref_slice %arg7[%dma_start3A_101, %dma_start3A_102] : memref<6x112xi32, #tpu.memory_space<vmem>> -> memref<1x112xi32, #tpu.memory_space<vmem>>
    %dma_start3A_104 = tpu.memref_squeeze %dma_start3A_103 : memref<1x112xi32, #tpu.memory_space<vmem>> -> memref<112xi32, #tpu.memory_space<vmem>>
    %dma_start3A_105 = arith.constant 0 : i32
    %dma_start3A_106 = arith.constant 0 : i32
    %dma_start3A_107 = tpu.memref_slice %arg2[%dma_start3A_105, %dma_start3A_106] : memref<10000x128xf32, #tpu.memory_space<hbm>> -> memref<10000x128xf32, #tpu.memory_space<hbm>>
    tpu.enqueue_indirect_dma source(%dma_start3A_107 : memref<10000x128xf32, #tpu.memory_space<hbm>>) target(%arg13 : memref<112x128xf32, #tpu.memory_space<vmem>>) offsets(%dma_start3A_104 : memref<112xi32, #tpu.memory_space<vmem>>) semaphore(%arg20 : memref<!tpu.dma_semaphore, #tpu.memory_space<semaphore_mem>>)
    %dma_wait3A_108 = arith.constant 0 : i32
    %dma_wait3A_109 = arith.constant 0 : i32
    %dma_wait3A_110 = tpu.memref_slice %arg7[%dma_wait3A_108, %dma_wait3A_109] : memref<6x112xi32, #tpu.memory_space<vmem>> -> memref<1x112xi32, #tpu.memory_space<vmem>>
    %dma_wait3A_111 = tpu.memref_squeeze %dma_wait3A_110 : memref<1x112xi32, #tpu.memory_space<vmem>> -> memref<112xi32, #tpu.memory_space<vmem>>
    %dma_wait3A_112 = arith.constant 0 : i32
    %dma_wait3A_113 = arith.constant 0 : i32
    %dma_wait3A_114 = tpu.memref_slice %arg2[%dma_wait3A_112, %dma_wait3A_113] : memref<10000x128xf32, #tpu.memory_space<hbm>> -> memref<10000x128xf32, #tpu.memory_space<hbm>>
    tpu.wait_indirect_dma semaphore(%arg19 : memref<!tpu.dma_semaphore, #tpu.memory_space<semaphore_mem>>) src(%dma_wait3A_114 : memref<10000x128xf32, #tpu.memory_space<hbm>>) dst(%arg12 : memref<112x128xf32, #tpu.memory_space<vmem>>)
    %dma_start3A_115 = arith.constant 1 : i32
    %dma_start3A_116 = arith.constant 0 : i32
    %dma_start3A_117 = tpu.memref_slice %arg9[%dma_start3A_115, %dma_start3A_116] : memref<6x112xi32, #tpu.memory_space<vmem>> -> memref<1x112xi32, #tpu.memory_space<vmem>>
    %dma_start3A_118 = tpu.memref_squeeze %dma_start3A_117 : memref<1x112xi32, #tpu.memory_space<vmem>> -> memref<112xi32, #tpu.memory_space<vmem>>
    %dma_start3A_119 = arith.constant 0 : i32
    %dma_start3A_120 = arith.constant 0 : i32
    %dma_start3A_121 = tpu.memref_slice %arg6[%dma_start3A_119, %dma_start3A_120] : memref<10240x128xf32, #tpu.memory_space<vmem_shared>> -> memref<10240x128xf32, #tpu.memory_space<vmem_shared>>
    tpu.enqueue_indirect_dma source(%arg12 : memref<112x128xf32, #tpu.memory_space<vmem>>) target(%dma_start3A_121 : memref<10240x128xf32, #tpu.memory_space<vmem_shared>>) offsets(%dma_start3A_118 : memref<112xi32, #tpu.memory_space<vmem>>) semaphore(%arg22 : memref<!tpu.dma_semaphore, #tpu.memory_space<semaphore_mem>>) {add = true}
    %dma_wait3A_122 = arith.constant 0 : i32
    %dma_wait3A_123 = arith.constant 0 : i32
    %dma_wait3A_124 = tpu.memref_slice %arg9[%dma_wait3A_122, %dma_wait3A_123] : memref<6x112xi32, #tpu.memory_space<vmem>> -> memref<1x112xi32, #tpu.memory_space<vmem>>
    %dma_wait3A_125 = tpu.memref_squeeze %dma_wait3A_124 : memref<1x112xi32, #tpu.memory_space<vmem>> -> memref<112xi32, #tpu.memory_space<vmem>>
    %dma_wait3A_126 = arith.constant 0 : i32
    %dma_wait3A_127 = arith.constant 0 : i32
    %dma_wait3A_128 = tpu.memref_slice %arg6[%dma_wait3A_126, %dma_wait3A_127] : memref<10240x128xf32, #tpu.memory_space<vmem_shared>> -> memref<10240x128xf32, #tpu.memory_space<vmem_shared>>
    tpu.wait_indirect_dma semaphore(%arg21 : memref<!tpu.dma_semaphore, #tpu.memory_space<semaphore_mem>>) src(%arg11 : memref<112x128xf32, #tpu.memory_space<vmem>>) dst(%dma_wait3A_128 : memref<10240x128xf32, #tpu.memory_space<vmem_shared>>)
    %dma_start3A_129 = arith.constant 3 : i32
    %dma_start3A_130 = arith.constant 0 : i32
    %dma_start3A_131 = tpu.memref_slice %arg7[%dma_start3A_129, %dma_start3A_130] : memref<6x112xi32, #tpu.memory_space<vmem>> -> memref<1x112xi32, #tpu.memory_space<vmem>>
    %dma_start3A_132 = tpu.memref_squeeze %dma_start3A_131 : memref<1x112xi32, #tpu.memory_space<vmem>> -> memref<112xi32, #tpu.memory_space<vmem>>
    %dma_start3A_133 = arith.constant 0 : i32
    %dma_start3A_134 = arith.constant 0 : i32
    %dma_start3A_135 = tpu.memref_slice %arg2[%dma_start3A_133, %dma_start3A_134] : memref<10000x128xf32, #tpu.memory_space<hbm>> -> memref<10000x128xf32, #tpu.memory_space<hbm>>
    tpu.enqueue_indirect_dma source(%dma_start3A_135 : memref<10000x128xf32, #tpu.memory_space<hbm>>) target(%arg11 : memref<112x128xf32, #tpu.memory_space<vmem>>) offsets(%dma_start3A_132 : memref<112xi32, #tpu.memory_space<vmem>>) semaphore(%arg18 : memref<!tpu.dma_semaphore, #tpu.memory_space<semaphore_mem>>)
    %dma_wait3A_136 = arith.constant 0 : i32
    %dma_wait3A_137 = arith.constant 0 : i32
    %dma_wait3A_138 = tpu.memref_slice %arg7[%dma_wait3A_136, %dma_wait3A_137] : memref<6x112xi32, #tpu.memory_space<vmem>> -> memref<1x112xi32, #tpu.memory_space<vmem>>
    %dma_wait3A_139 = tpu.memref_squeeze %dma_wait3A_138 : memref<1x112xi32, #tpu.memory_space<vmem>> -> memref<112xi32, #tpu.memory_space<vmem>>
    %dma_wait3A_140 = arith.constant 0 : i32
    %dma_wait3A_141 = arith.constant 0 : i32
    %dma_wait3A_142 = tpu.memref_slice %arg2[%dma_wait3A_140, %dma_wait3A_141] : memref<10000x128xf32, #tpu.memory_space<hbm>> -> memref<10000x128xf32, #tpu.memory_space<hbm>>
    tpu.wait_indirect_dma semaphore(%arg20 : memref<!tpu.dma_semaphore, #tpu.memory_space<semaphore_mem>>) src(%dma_wait3A_142 : memref<10000x128xf32, #tpu.memory_space<hbm>>) dst(%arg13 : memref<112x128xf32, #tpu.memory_space<vmem>>)
    %dma_start3A_143 = arith.constant 2 : i32
    %dma_start3A_144 = arith.constant 0 : i32
    %dma_start3A_145 = tpu.memref_slice %arg9[%dma_start3A_143, %dma_start3A_144] : memref<6x112xi32, #tpu.memory_space<vmem>> -> memref<1x112xi32, #tpu.memory_space<vmem>>
    %dma_start3A_146 = tpu.memref_squeeze %dma_start3A_145 : memref<1x112xi32, #tpu.memory_space<vmem>> -> memref<112xi32, #tpu.memory_space<vmem>>
    %dma_start3A_147 = arith.constant 0 : i32
    %dma_start3A_148 = arith.constant 0 : i32
    %dma_start3A_149 = tpu.memref_slice %arg6[%dma_start3A_147, %dma_start3A_148] : memref<10240x128xf32, #tpu.memory_space<vmem_shared>> -> memref<10240x128xf32, #tpu.memory_space<vmem_shared>>
    tpu.enqueue_indirect_dma source(%arg13 : memref<112x128xf32, #tpu.memory_space<vmem>>) target(%dma_start3A_149 : memref<10240x128xf32, #tpu.memory_space<vmem_shared>>) offsets(%dma_start3A_146 : memref<112xi32, #tpu.memory_space<vmem>>) semaphore(%arg23 : memref<!tpu.dma_semaphore, #tpu.memory_space<semaphore_mem>>) {add = true}
    %dma_wait3A_150 = arith.constant 0 : i32
    %dma_wait3A_151 = arith.constant 0 : i32
    %dma_wait3A_152 = tpu.memref_slice %arg9[%dma_wait3A_150, %dma_wait3A_151] : memref<6x112xi32, #tpu.memory_space<vmem>> -> memref<1x112xi32, #tpu.memory_space<vmem>>
    %dma_wait3A_153 = tpu.memref_squeeze %dma_wait3A_152 : memref<1x112xi32, #tpu.memory_space<vmem>> -> memref<112xi32, #tpu.memory_space<vmem>>
    %dma_wait3A_154 = arith.constant 0 : i32
    %dma_wait3A_155 = arith.constant 0 : i32
    %dma_wait3A_156 = tpu.memref_slice %arg6[%dma_wait3A_154, %dma_wait3A_155] : memref<10240x128xf32, #tpu.memory_space<vmem_shared>> -> memref<10240x128xf32, #tpu.memory_space<vmem_shared>>
    tpu.wait_indirect_dma semaphore(%arg22 : memref<!tpu.dma_semaphore, #tpu.memory_space<semaphore_mem>>) src(%arg12 : memref<112x128xf32, #tpu.memory_space<vmem>>) dst(%dma_wait3A_156 : memref<10240x128xf32, #tpu.memory_space<vmem_shared>>)
    %dma_start3A_157 = arith.constant 4 : i32
    %dma_start3A_158 = arith.constant 0 : i32
    %dma_start3A_159 = tpu.memref_slice %arg7[%dma_start3A_157, %dma_start3A_158] : memref<6x112xi32, #tpu.memory_space<vmem>> -> memref<1x112xi32, #tpu.memory_space<vmem>>
    %dma_start3A_160 = tpu.memref_squeeze %dma_start3A_159 : memref<1x112xi32, #tpu.memory_space<vmem>> -> memref<112xi32, #tpu.memory_space<vmem>>
    %dma_start3A_161 = arith.constant 0 : i32
    %dma_start3A_162 = arith.constant 0 : i32
    %dma_start3A_163 = tpu.memref_slice %arg2[%dma_start3A_161, %dma_start3A_162] : memref<10000x128xf32, #tpu.memory_space<hbm>> -> memref<10000x128xf32, #tpu.memory_space<hbm>>
    tpu.enqueue_indirect_dma source(%dma_start3A_163 : memref<10000x128xf32, #tpu.memory_space<hbm>>) target(%arg12 : memref<112x128xf32, #tpu.memory_space<vmem>>) offsets(%dma_start3A_160 : memref<112xi32, #tpu.memory_space<vmem>>) semaphore(%arg19 : memref<!tpu.dma_semaphore, #tpu.memory_space<semaphore_mem>>)
    %dma_wait3A_164 = arith.constant 0 : i32
    %dma_wait3A_165 = arith.constant 0 : i32
    %dma_wait3A_166 = tpu.memref_slice %arg7[%dma_wait3A_164, %dma_wait3A_165] : memref<6x112xi32, #tpu.memory_space<vmem>> -> memref<1x112xi32, #tpu.memory_space<vmem>>
    %dma_wait3A_167 = tpu.memref_squeeze %dma_wait3A_166 : memref<1x112xi32, #tpu.memory_space<vmem>> -> memref<112xi32, #tpu.memory_space<vmem>>
    %dma_wait3A_168 = arith.constant 0 : i32
    %dma_wait3A_169 = arith.constant 0 : i32
    %dma_wait3A_170 = tpu.memref_slice %arg2[%dma_wait3A_168, %dma_wait3A_169] : memref<10000x128xf32, #tpu.memory_space<hbm>> -> memref<10000x128xf32, #tpu.memory_space<hbm>>
    tpu.wait_indirect_dma semaphore(%arg18 : memref<!tpu.dma_semaphore, #tpu.memory_space<semaphore_mem>>) src(%dma_wait3A_170 : memref<10000x128xf32, #tpu.memory_space<hbm>>) dst(%arg11 : memref<112x128xf32, #tpu.memory_space<vmem>>)
    %dma_start3A_171 = arith.constant 3 : i32
    %dma_start3A_172 = arith.constant 0 : i32
    %dma_start3A_173 = tpu.memref_slice %arg9[%dma_start3A_171, %dma_start3A_172] : memref<6x112xi32, #tpu.memory_space<vmem>> -> memref<1x112xi32, #tpu.memory_space<vmem>>
    %dma_start3A_174 = tpu.memref_squeeze %dma_start3A_173 : memref<1x112xi32, #tpu.memory_space<vmem>> -> memref<112xi32, #tpu.memory_space<vmem>>
    %dma_start3A_175 = arith.constant 0 : i32
    %dma_start3A_176 = arith.constant 0 : i32
    %dma_start3A_177 = tpu.memref_slice %arg6[%dma_start3A_175, %dma_start3A_176] : memref<10240x128xf32, #tpu.memory_space<vmem_shared>> -> memref<10240x128xf32, #tpu.memory_space<vmem_shared>>
    tpu.enqueue_indirect_dma source(%arg11 : memref<112x128xf32, #tpu.memory_space<vmem>>) target(%dma_start3A_177 : memref<10240x128xf32, #tpu.memory_space<vmem_shared>>) offsets(%dma_start3A_174 : memref<112xi32, #tpu.memory_space<vmem>>) semaphore(%arg21 : memref<!tpu.dma_semaphore, #tpu.memory_space<semaphore_mem>>) {add = true}
    %dma_wait3A_178 = arith.constant 0 : i32
    %dma_wait3A_179 = arith.constant 0 : i32
    %dma_wait3A_180 = tpu.memref_slice %arg9[%dma_wait3A_178, %dma_wait3A_179] : memref<6x112xi32, #tpu.memory_space<vmem>> -> memref<1x112xi32, #tpu.memory_space<vmem>>
    %dma_wait3A_181 = tpu.memref_squeeze %dma_wait3A_180 : memref<1x112xi32, #tpu.memory_space<vmem>> -> memref<112xi32, #tpu.memory_space<vmem>>
    %dma_wait3A_182 = arith.constant 0 : i32
    %dma_wait3A_183 = arith.constant 0 : i32
    %dma_wait3A_184 = tpu.memref_slice %arg6[%dma_wait3A_182, %dma_wait3A_183] : memref<10240x128xf32, #tpu.memory_space<vmem_shared>> -> memref<10240x128xf32, #tpu.memory_space<vmem_shared>>
    tpu.wait_indirect_dma semaphore(%arg23 : memref<!tpu.dma_semaphore, #tpu.memory_space<semaphore_mem>>) src(%arg13 : memref<112x128xf32, #tpu.memory_space<vmem>>) dst(%dma_wait3A_184 : memref<10240x128xf32, #tpu.memory_space<vmem_shared>>)
    %dma_start3A_185 = arith.constant 5 : i32
    %dma_start3A_186 = arith.constant 0 : i32
    %dma_start3A_187 = tpu.memref_slice %arg7[%dma_start3A_185, %dma_start3A_186] : memref<6x112xi32, #tpu.memory_space<vmem>> -> memref<1x112xi32, #tpu.memory_space<vmem>>
    %dma_start3A_188 = tpu.memref_squeeze %dma_start3A_187 : memref<1x112xi32, #tpu.memory_space<vmem>> -> memref<112xi32, #tpu.memory_space<vmem>>
    %dma_start3A_189 = arith.constant 0 : i32
    %dma_start3A_190 = arith.constant 0 : i32
    %dma_start3A_191 = tpu.memref_slice %arg2[%dma_start3A_189, %dma_start3A_190] : memref<10000x128xf32, #tpu.memory_space<hbm>> -> memref<10000x128xf32, #tpu.memory_space<hbm>>
    tpu.enqueue_indirect_dma source(%dma_start3A_191 : memref<10000x128xf32, #tpu.memory_space<hbm>>) target(%arg13 : memref<112x128xf32, #tpu.memory_space<vmem>>) offsets(%dma_start3A_188 : memref<112xi32, #tpu.memory_space<vmem>>) semaphore(%arg20 : memref<!tpu.dma_semaphore, #tpu.memory_space<semaphore_mem>>)
    %dma_wait3A_192 = arith.constant 0 : i32
    %dma_wait3A_193 = arith.constant 0 : i32
    %dma_wait3A_194 = tpu.memref_slice %arg7[%dma_wait3A_192, %dma_wait3A_193] : memref<6x112xi32, #tpu.memory_space<vmem>> -> memref<1x112xi32, #tpu.memory_space<vmem>>
    %dma_wait3A_195 = tpu.memref_squeeze %dma_wait3A_194 : memref<1x112xi32, #tpu.memory_space<vmem>> -> memref<112xi32, #tpu.memory_space<vmem>>
    %dma_wait3A_196 = arith.constant 0 : i32
    %dma_wait3A_197 = arith.constant 0 : i32
    %dma_wait3A_198 = tpu.memref_slice %arg2[%dma_wait3A_196, %dma_wait3A_197] : memref<10000x128xf32, #tpu.memory_space<hbm>> -> memref<10000x128xf32, #tpu.memory_space<hbm>>
    tpu.wait_indirect_dma semaphore(%arg19 : memref<!tpu.dma_semaphore, #tpu.memory_space<semaphore_mem>>) src(%dma_wait3A_198 : memref<10000x128xf32, #tpu.memory_space<hbm>>) dst(%arg12 : memref<112x128xf32, #tpu.memory_space<vmem>>)
    %dma_start3A_199 = arith.constant 4 : i32
    %dma_start3A_200 = arith.constant 0 : i32
    %dma_start3A_201 = tpu.memref_slice %arg9[%dma_start3A_199, %dma_start3A_200] : memref<6x112xi32, #tpu.memory_space<vmem>> -> memref<1x112xi32, #tpu.memory_space<vmem>>
    %dma_start3A_202 = tpu.memref_squeeze %dma_start3A_201 : memref<1x112xi32, #tpu.memory_space<vmem>> -> memref<112xi32, #tpu.memory_space<vmem>>
    %dma_start3A_203 = arith.constant 0 : i32
    %dma_start3A_204 = arith.constant 0 : i32
    %dma_start3A_205 = tpu.memref_slice %arg6[%dma_start3A_203, %dma_start3A_204] : memref<10240x128xf32, #tpu.memory_space<vmem_shared>> -> memref<10240x128xf32, #tpu.memory_space<vmem_shared>>
    tpu.enqueue_indirect_dma source(%arg12 : memref<112x128xf32, #tpu.memory_space<vmem>>) target(%dma_start3A_205 : memref<10240x128xf32, #tpu.memory_space<vmem_shared>>) offsets(%dma_start3A_202 : memref<112xi32, #tpu.memory_space<vmem>>) semaphore(%arg22 : memref<!tpu.dma_semaphore, #tpu.memory_space<semaphore_mem>>) {add = true}
    %dma_wait3A_206 = arith.constant 0 : i32
    %dma_wait3A_207 = arith.constant 0 : i32
    %dma_wait3A_208 = tpu.memref_slice %arg9[%dma_wait3A_206, %dma_wait3A_207] : memref<6x112xi32, #tpu.memory_space<vmem>> -> memref<1x112xi32, #tpu.memory_space<vmem>>
    %dma_wait3A_209 = tpu.memref_squeeze %dma_wait3A_208 : memref<1x112xi32, #tpu.memory_space<vmem>> -> memref<112xi32, #tpu.memory_space<vmem>>
    %dma_wait3A_210 = arith.constant 0 : i32
    %dma_wait3A_211 = arith.constant 0 : i32
    %dma_wait3A_212 = tpu.memref_slice %arg6[%dma_wait3A_210, %dma_wait3A_211] : memref<10240x128xf32, #tpu.memory_space<vmem_shared>> -> memref<10240x128xf32, #tpu.memory_space<vmem_shared>>
    tpu.wait_indirect_dma semaphore(%arg21 : memref<!tpu.dma_semaphore, #tpu.memory_space<semaphore_mem>>) src(%arg11 : memref<112x128xf32, #tpu.memory_space<vmem>>) dst(%dma_wait3A_212 : memref<10240x128xf32, #tpu.memory_space<vmem_shared>>)
    %dma_wait3A_213 = arith.constant 0 : i32
    %dma_wait3A_214 = arith.constant 0 : i32
    %dma_wait3A_215 = arith.constant 0 : i32
    %dma_wait3A_216 = tpu.memref_slice %arg3[%add3A, %dma_wait3A_213, %dma_wait3A_214, %dma_wait3A_215] : memref<32x15x6x112xi32, #tpu.memory_space<hbm>> -> memref<1x1x6x112xi32, #tpu.memory_space<hbm>>
    %dma_wait3A_217 = tpu.memref_squeeze %dma_wait3A_216 : memref<1x1x6x112xi32, #tpu.memory_space<hbm>> -> memref<6x112xi32, #tpu.memory_space<hbm>>
    %dma_wait3A_218 = arith.constant 0 : i32
    %dma_wait3A_219 = arith.constant 0 : i32
    %dma_wait3A_220 = tpu.memref_slice %arg3[%add3A, %dma_wait3A_213, %dma_wait3A_218, %dma_wait3A_219] : memref<32x15x6x112xi32, #tpu.memory_space<hbm>> -> memref<1x1x6x112xi32, #tpu.memory_space<hbm>>
    %dma_wait3A_221 = tpu.memref_squeeze %dma_wait3A_220 : memref<1x1x6x112xi32, #tpu.memory_space<hbm>> -> memref<6x112xi32, #tpu.memory_space<hbm>>
    tpu.wait_dma2 semaphore(%arg15 : memref<!tpu.dma_semaphore, #tpu.memory_space<semaphore_mem>>) src(%dma_wait3A_221 : memref<6x112xi32, #tpu.memory_space<hbm>>) dst(%arg8 : memref<6x112xi32, #tpu.memory_space<vmem>>)
    %dma_wait3A_222 = arith.constant 0 : i32
    %dma_wait3A_223 = arith.constant 0 : i32
    %dma_wait3A_224 = arith.constant 0 : i32
    %dma_wait3A_225 = tpu.memref_slice %arg4[%add3A, %dma_wait3A_222, %dma_wait3A_223, %dma_wait3A_224] : memref<32x15x6x112xi32, #tpu.memory_space<hbm>> -> memref<1x1x6x112xi32, #tpu.memory_space<hbm>>
    %dma_wait3A_226 = tpu.memref_squeeze %dma_wait3A_225 : memref<1x1x6x112xi32, #tpu.memory_space<hbm>> -> memref<6x112xi32, #tpu.memory_space<hbm>>
    %dma_wait3A_227 = arith.constant 0 : i32
    %dma_wait3A_228 = arith.constant 0 : i32
    %dma_wait3A_229 = tpu.memref_slice %arg4[%add3A, %dma_wait3A_222, %dma_wait3A_227, %dma_wait3A_228] : memref<32x15x6x112xi32, #tpu.memory_space<hbm>> -> memref<1x1x6x112xi32, #tpu.memory_space<hbm>>
    %dma_wait3A_230 = tpu.memref_squeeze %dma_wait3A_229 : memref<1x1x6x112xi32, #tpu.memory_space<hbm>> -> memref<6x112xi32, #tpu.memory_space<hbm>>
    tpu.wait_dma2 semaphore(%arg17 : memref<!tpu.dma_semaphore, #tpu.memory_space<semaphore_mem>>) src(%dma_wait3A_230 : memref<6x112xi32, #tpu.memory_space<hbm>>) dst(%arg10 : memref<6x112xi32, #tpu.memory_space<vmem>>)
    %dma_start3A_231 = arith.constant 0 : i32
    %dma_start3A_232 = arith.constant 0 : i32
    %dma_start3A_233 = tpu.memref_slice %arg8[%dma_start3A_231, %dma_start3A_232] : memref<6x112xi32, #tpu.memory_space<vmem>> -> memref<1x112xi32, #tpu.memory_space<vmem>>
    %dma_start3A_234 = tpu.memref_squeeze %dma_start3A_233 : memref<1x112xi32, #tpu.memory_space<vmem>> -> memref<112xi32, #tpu.memory_space<vmem>>
    %dma_start3A_235 = arith.constant 0 : i32
    %dma_start3A_236 = arith.constant 0 : i32
    %dma_start3A_237 = tpu.memref_slice %arg2[%dma_start3A_235, %dma_start3A_236] : memref<10000x128xf32, #tpu.memory_space<hbm>> -> memref<10000x128xf32, #tpu.memory_space<hbm>>
    tpu.enqueue_indirect_dma source(%dma_start3A_237 : memref<10000x128xf32, #tpu.memory_space<hbm>>) target(%arg11 : memref<112x128xf32, #tpu.memory_space<vmem>>) offsets(%dma_start3A_234 : memref<112xi32, #tpu.memory_space<vmem>>) semaphore(%arg18 : memref<!tpu.dma_semaphore, #tpu.memory_space<semaphore_mem>>)
    %dma_wait3A_238 = arith.constant 0 : i32
    %dma_wait3A_239 = arith.constant 0 : i32
    %dma_wait3A_240 = tpu.memref_slice %arg7[%dma_wait3A_238, %dma_wait3A_239] : memref<6x112xi32, #tpu.memory_space<vmem>> -> memref<1x112xi32, #tpu.memory_space<vmem>>
    %dma_wait3A_241 = tpu.memref_squeeze %dma_wait3A_240 : memref<1x112xi32, #tpu.memory_space<vmem>> -> memref<112xi32, #tpu.memory_space<vmem>>
    %dma_wait3A_242 = arith.constant 0 : i32
    %dma_wait3A_243 = arith.constant 0 : i32
    %dma_wait3A_244 = tpu.memref_slice %arg2[%dma_wait3A_242, %dma_wait3A_243] : memref<10000x128xf32, #tpu.memory_space<hbm>> -> memref<10000x128xf32, #tpu.memory_space<hbm>>
    tpu.wait_indirect_dma semaphore(%arg20 : memref<!tpu.dma_semaphore, #tpu.memory_space<semaphore_mem>>) src(%dma_wait3A_244 : memref<10000x128xf32, #tpu.memory_space<hbm>>) dst(%arg13 : memref<112x128xf32, #tpu.memory_space<vmem>>)
    %dma_start3A_245 = arith.constant 5 : i32
    %dma_start3A_246 = arith.constant 0 : i32
    %dma_start3A_247 = tpu.memref_slice %arg9[%dma_start3A_245, %dma_start3A_246] : memref<6x112xi32, #tpu.memory_space<vmem>> -> memref<1x112xi32, #tpu.memory_space<vmem>>
    %dma_start3A_248 = tpu.memref_squeeze %dma_start3A_247 : memref<1x112xi32, #tpu.memory_space<vmem>> -> memref<112xi32, #tpu.memory_space<vmem>>
    %dma_start3A_249 = arith.constant 0 : i32
    %dma_start3A_250 = arith.constant 0 : i32
    %dma_start3A_251 = tpu.memref_slice %arg6[%dma_start3A_249, %dma_start3A_250] : memref<10240x128xf32, #tpu.memory_space<vmem_shared>> -> memref<10240x128xf32, #tpu.memory_space<vmem_shared>>
    tpu.enqueue_indirect_dma source(%arg13 : memref<112x128xf32, #tpu.memory_space<vmem>>) target(%dma_start3A_251 : memref<10240x128xf32, #tpu.memory_space<vmem_shared>>) offsets(%dma_start3A_248 : memref<112xi32, #tpu.memory_space<vmem>>) semaphore(%arg23 : memref<!tpu.dma_semaphore, #tpu.memory_space<semaphore_mem>>) {add = true}
    %dma_wait3A_252 = arith.constant 0 : i32
    %dma_wait3A_253 = arith.constant 0 : i32
    %dma_wait3A_254 = tpu.memref_slice %arg9[%dma_wait3A_252, %dma_wait3A_253] : memref<6x112xi32, #tpu.memory_space<vmem>> -> memref<1x112xi32, #tpu.memory_space<vmem>>
    %dma_wait3A_255 = tpu.memref_squeeze %dma_wait3A_254 : memref<1x112xi32, #tpu.memory_space<vmem>> -> memref<112xi32, #tpu.memory_space<vmem>>
    %dma_wait3A_256 = arith.constant 0 : i32
    %dma_wait3A_257 = arith.constant 0 : i32
    %dma_wait3A_258 = tpu.memref_slice %arg6[%dma_wait3A_256, %dma_wait3A_257] : memref<10240x128xf32, #tpu.memory_space<vmem_shared>> -> memref<10240x128xf32, #tpu.memory_space<vmem_shared>>
    tpu.wait_indirect_dma semaphore(%arg22 : memref<!tpu.dma_semaphore, #tpu.memory_space<semaphore_mem>>) src(%arg12 : memref<112x128xf32, #tpu.memory_space<vmem>>) dst(%dma_wait3A_258 : memref<10240x128xf32, #tpu.memory_space<vmem_shared>>)
    %dma_start3A_259 = arith.constant 1 : i32
    %dma_start3A_260 = arith.constant 0 : i32
    %dma_start3A_261 = tpu.memref_slice %arg8[%dma_start3A_259, %dma_start3A_260] : memref<6x112xi32, #tpu.memory_space<vmem>> -> memref<1x112xi32, #tpu.memory_space<vmem>>
    %dma_start3A_262 = tpu.memref_squeeze %dma_start3A_261 : memref<1x112xi32, #tpu.memory_space<vmem>> -> memref<112xi32, #tpu.memory_space<vmem>>
    %dma_start3A_263 = arith.constant 0 : i32
    %dma_start3A_264 = arith.constant 0 : i32
    %dma_start3A_265 = tpu.memref_slice %arg2[%dma_start3A_263, %dma_start3A_264] : memref<10000x128xf32, #tpu.memory_space<hbm>> -> memref<10000x128xf32, #tpu.memory_space<hbm>>
    tpu.enqueue_indirect_dma source(%dma_start3A_265 : memref<10000x128xf32, #tpu.memory_space<hbm>>) target(%arg12 : memref<112x128xf32, #tpu.memory_space<vmem>>) offsets(%dma_start3A_262 : memref<112xi32, #tpu.memory_space<vmem>>) semaphore(%arg19 : memref<!tpu.dma_semaphore, #tpu.memory_space<semaphore_mem>>)
    %dma_wait3A_266 = arith.constant 0 : i32
    %dma_wait3A_267 = arith.constant 0 : i32
    %dma_wait3A_268 = tpu.memref_slice %arg7[%dma_wait3A_266, %dma_wait3A_267] : memref<6x112xi32, #tpu.memory_space<vmem>> -> memref<1x112xi32, #tpu.memory_space<vmem>>
    %dma_wait3A_269 = tpu.memref_squeeze %dma_wait3A_268 : memref<1x112xi32, #tpu.memory_space<vmem>> -> memref<112xi32, #tpu.memory_space<vmem>>
    %dma_wait3A_270 = arith.constant 0 : i32
    %dma_wait3A_271 = arith.constant 0 : i32
    %dma_wait3A_272 = tpu.memref_slice %arg2[%dma_wait3A_270, %dma_wait3A_271] : memref<10000x128xf32, #tpu.memory_space<hbm>> -> memref<10000x128xf32, #tpu.memory_space<hbm>>
    tpu.wait_indirect_dma semaphore(%arg18 : memref<!tpu.dma_semaphore, #tpu.memory_space<semaphore_mem>>) src(%dma_wait3A_272 : memref<10000x128xf32, #tpu.memory_space<hbm>>) dst(%arg11 : memref<112x128xf32, #tpu.memory_space<vmem>>)
    %dma_start3A_273 = arith.constant 0 : i32
    %dma_start3A_274 = arith.constant 0 : i32
    %dma_start3A_275 = tpu.memref_slice %arg10[%dma_start3A_273, %dma_start3A_274] : memref<6x112xi32, #tpu.memory_space<vmem>> -> memref<1x112xi32, #tpu.memory_space<vmem>>
    %dma_start3A_276 = tpu.memref_squeeze %dma_start3A_275 : memref<1x112xi32, #tpu.memory_space<vmem>> -> memref<112xi32, #tpu.memory_space<vmem>>
    %dma_start3A_277 = arith.constant 0 : i32
    %dma_start3A_278 = arith.constant 0 : i32
    %dma_start3A_279 = tpu.memref_slice %arg6[%dma_start3A_277, %dma_start3A_278] : memref<10240x128xf32, #tpu.memory_space<vmem_shared>> -> memref<10240x128xf32, #tpu.memory_space<vmem_shared>>
    tpu.enqueue_indirect_dma source(%arg11 : memref<112x128xf32, #tpu.memory_space<vmem>>) target(%dma_start3A_279 : memref<10240x128xf32, #tpu.memory_space<vmem_shared>>) offsets(%dma_start3A_276 : memref<112xi32, #tpu.memory_space<vmem>>) semaphore(%arg21 : memref<!tpu.dma_semaphore, #tpu.memory_space<semaphore_mem>>) {add = true}
    %dma_wait3A_280 = arith.constant 0 : i32
    %dma_wait3A_281 = arith.constant 0 : i32
    %dma_wait3A_282 = tpu.memref_slice %arg9[%dma_wait3A_280, %dma_wait3A_281] : memref<6x112xi32, #tpu.memory_space<vmem>> -> memref<1x112xi32, #tpu.memory_space<vmem>>
    %dma_wait3A_283 = tpu.memref_squeeze %dma_wait3A_282 : memref<1x112xi32, #tpu.memory_space<vmem>> -> memref<112xi32, #tpu.memory_space<vmem>>
    %dma_wait3A_284 = arith.constant 0 : i32
    %dma_wait3A_285 = arith.constant 0 : i32
    %dma_wait3A_286 = tpu.memref_slice %arg6[%dma_wait3A_284, %dma_wait3A_285] : memref<10240x128xf32, #tpu.memory_space<vmem_shared>> -> memref<10240x128xf32, #tpu.memory_space<vmem_shared>>
    tpu.wait_indirect_dma semaphore(%arg23 : memref<!tpu.dma_semaphore, #tpu.memory_space<semaphore_mem>>) src(%arg13 : memref<112x128xf32, #tpu.memory_space<vmem>>) dst(%dma_wait3A_286 : memref<10240x128xf32, #tpu.memory_space<vmem_shared>>)
    %dma_start3A_287 = arith.constant 2 : i32
    %dma_start3A_288 = arith.constant 0 : i32
    %dma_start3A_289 = arith.constant 0 : i32
    %dma_start3A_290 = tpu.memref_slice %arg3[%add3A, %dma_start3A_287, %dma_start3A_288, %dma_start3A_289] : memref<32x15x6x112xi32, #tpu.memory_space<hbm>> -> memref<1x1x6x112xi32, #tpu.memory_space<hbm>>
    %dma_start3A_291 = tpu.memref_squeeze %dma_start3A_290 : memref<1x1x6x112xi32, #tpu.memory_space<hbm>> -> memref<6x112xi32, #tpu.memory_space<hbm>>
    %dma_start3A_292 = arith.constant 0 : i32
    %dma_start3A_293 = arith.constant 0 : i32
    %dma_start3A_294 = tpu.memref_slice %arg3[%add3A, %dma_start3A_287, %dma_start3A_292, %dma_start3A_293] : memref<32x15x6x112xi32, #tpu.memory_space<hbm>> -> memref<1x1x6x112xi32, #tpu.memory_space<hbm>>
    %dma_start3A_295 = tpu.memref_squeeze %dma_start3A_294 : memref<1x1x6x112xi32, #tpu.memory_space<hbm>> -> memref<6x112xi32, #tpu.memory_space<hbm>>
    tpu.enqueue_dma source(%dma_start3A_295 : memref<6x112xi32, #tpu.memory_space<hbm>>) target(%arg7 : memref<6x112xi32, #tpu.memory_space<vmem>>) target_semaphore(%arg14 : memref<!tpu.dma_semaphore, #tpu.memory_space<semaphore_mem>>)
    %dma_start3A_296 = arith.constant 2 : i32
    %dma_start3A_297 = arith.constant 0 : i32
    %dma_start3A_298 = arith.constant 0 : i32
    %dma_start3A_299 = tpu.memref_slice %arg4[%add3A, %dma_start3A_296, %dma_start3A_297, %dma_start3A_298] : memref<32x15x6x112xi32, #tpu.memory_space<hbm>> -> memref<1x1x6x112xi32, #tpu.memory_space<hbm>>
    %dma_start3A_300 = tpu.memref_squeeze %dma_start3A_299 : memref<1x1x6x112xi32, #tpu.memory_space<hbm>> -> memref<6x112xi32, #tpu.memory_space<hbm>>
    %dma_start3A_301 = arith.constant 0 : i32
    %dma_start3A_302 = arith.constant 0 : i32
    %dma_start3A_303 = tpu.memref_slice %arg4[%add3A, %dma_start3A_296, %dma_start3A_301, %dma_start3A_302] : memref<32x15x6x112xi32, #tpu.memory_space<hbm>> -> memref<1x1x6x112xi32, #tpu.memory_space<hbm>>
    %dma_start3A_304 = tpu.memref_squeeze %dma_start3A_303 : memref<1x1x6x112xi32, #tpu.memory_space<hbm>> -> memref<6x112xi32, #tpu.memory_space<hbm>>
    tpu.enqueue_dma source(%dma_start3A_304 : memref<6x112xi32, #tpu.memory_space<hbm>>) target(%arg9 : memref<6x112xi32, #tpu.memory_space<vmem>>) target_semaphore(%arg16 : memref<!tpu.dma_semaphore, #tpu.memory_space<semaphore_mem>>)
    %dma_start3A_305 = arith.constant 2 : i32
    %dma_start3A_306 = arith.constant 0 : i32
    %dma_start3A_307 = tpu.memref_slice %arg8[%dma_start3A_305, %dma_start3A_306] : memref<6x112xi32, #tpu.memory_space<vmem>> -> memref<1x112xi32, #tpu.memory_space<vmem>>
    %dma_start3A_308 = tpu.memref_squeeze %dma_start3A_307 : memref<1x112xi32, #tpu.memory_space<vmem>> -> memref<112xi32, #tpu.memory_space<vmem>>
    %dma_start3A_309 = arith.constant 0 : i32
    %dma_start3A_310 = arith.constant 0 : i32
    %dma_start3A_311 = tpu.memref_slice %arg2[%dma_start3A_309, %dma_start3A_310] : memref<10000x128xf32, #tpu.memory_space<hbm>> -> memref<10000x128xf32, #tpu.memory_space<hbm>>
    tpu.enqueue_indirect_dma source(%dma_start3A_311 : memref<10000x128xf32, #tpu.memory_space<hbm>>) target(%arg13 : memref<112x128xf32, #tpu.memory_space<vmem>>) offsets(%dma_start3A_308 : memref<112xi32, #tpu.memory_space<vmem>>) semaphore(%arg20 : memref<!tpu.dma_semaphore, #tpu.memory_space<semaphore_mem>>)
    %dma_wait3A_312 = arith.constant 0 : i32
    %dma_wait3A_313 = arith.constant 0 : i32
    %dma_wait3A_314 = tpu.memref_slice %arg7[%dma_wait3A_312, %dma_wait3A_313] : memref<6x112xi32, #tpu.memory_space<vmem>> -> memref<1x112xi32, #tpu.memory_space<vmem>>
    %dma_wait3A_315 = tpu.memref_squeeze %dma_wait3A_314 : memref<1x112xi32, #tpu.memory_space<vmem>> -> memref<112xi32, #tpu.memory_space<vmem>>
    %dma_wait3A_316 = arith.constant 0 : i32
    %dma_wait3A_317 = arith.constant 0 : i32
    %dma_wait3A_318 = tpu.memref_slice %arg2[%dma_wait3A_316, %dma_wait3A_317] : memref<10000x128xf32, #tpu.memory_space<hbm>> -> memref<10000x128xf32, #tpu.memory_space<hbm>>
    tpu.wait_indirect_dma semaphore(%arg19 : memref<!tpu.dma_semaphore, #tpu.memory_space<semaphore_mem>>) src(%dma_wait3A_318 : memref<10000x128xf32, #tpu.memory_space<hbm>>) dst(%arg12 : memref<112x128xf32, #tpu.memory_space<vmem>>)
    %dma_start3A_319 = arith.constant 1 : i32
    %dma_start3A_320 = arith.constant 0 : i32
    %dma_start3A_321 = tpu.memref_slice %arg10[%dma_start3A_319, %dma_start3A_320] : memref<6x112xi32, #tpu.memory_space<vmem>> -> memref<1x112xi32, #tpu.memory_space<vmem>>
    %dma_start3A_322 = tpu.memref_squeeze %dma_start3A_321 : memref<1x112xi32, #tpu.memory_space<vmem>> -> memref<112xi32, #tpu.memory_space<vmem>>
    %dma_start3A_323 = arith.constant 0 : i32
    %dma_start3A_324 = arith.constant 0 : i32
    %dma_start3A_325 = tpu.memref_slice %arg6[%dma_start3A_323, %dma_start3A_324] : memref<10240x128xf32, #tpu.memory_space<vmem_shared>> -> memref<10240x128xf32, #tpu.memory_space<vmem_shared>>
    tpu.enqueue_indirect_dma source(%arg12 : memref<112x128xf32, #tpu.memory_space<vmem>>) target(%dma_start3A_325 : memref<10240x128xf32, #tpu.memory_space<vmem_shared>>) offsets(%dma_start3A_322 : memref<112xi32, #tpu.memory_space<vmem>>) semaphore(%arg22 : memref<!tpu.dma_semaphore, #tpu.memory_space<semaphore_mem>>) {add = true}
    %dma_wait3A_326 = arith.constant 0 : i32
    %dma_wait3A_327 = arith.constant 0 : i32
    %dma_wait3A_328 = tpu.memref_slice %arg9[%dma_wait3A_326, %dma_wait3A_327] : memref<6x112xi32, #tpu.memory_space<vmem>> -> memref<1x112xi32, #tpu.memory_space<vmem>>
    %dma_wait3A_329 = tpu.memref_squeeze %dma_wait3A_328 : memref<1x112xi32, #tpu.memory_space<vmem>> -> memref<112xi32, #tpu.memory_space<vmem>>
    %dma_wait3A_330 = arith.constant 0 : i32
    %dma_wait3A_331 = arith.constant 0 : i32
    %dma_wait3A_332 = tpu.memref_slice %arg6[%dma_wait3A_330, %dma_wait3A_331] : memref<10240x128xf32, #tpu.memory_space<vmem_shared>> -> memref<10240x128xf32, #tpu.memory_space<vmem_shared>>
    tpu.wait_indirect_dma semaphore(%arg21 : memref<!tpu.dma_semaphore, #tpu.memory_space<semaphore_mem>>) src(%arg11 : memref<112x128xf32, #tpu.memory_space<vmem>>) dst(%dma_wait3A_332 : memref<10240x128xf32, #tpu.memory_space<vmem_shared>>)
    %dma_start3A_333 = arith.constant 3 : i32
    %dma_start3A_334 = arith.constant 0 : i32
    %dma_start3A_335 = tpu.memref_slice %arg8[%dma_start3A_333, %dma_start3A_334] : memref<6x112xi32, #tpu.memory_space<vmem>> -> memref<1x112xi32, #tpu.memory_space<vmem>>
    %dma_start3A_336 = tpu.memref_squeeze %dma_start3A_335 : memref<1x112xi32, #tpu.memory_space<vmem>> -> memref<112xi32, #tpu.memory_space<vmem>>
    %dma_start3A_337 = arith.constant 0 : i32
    %dma_start3A_338 = arith.constant 0 : i32
    %dma_start3A_339 = tpu.memref_slice %arg2[%dma_start3A_337, %dma_start3A_338] : memref<10000x128xf32, #tpu.memory_space<hbm>> -> memref<10000x128xf32, #tpu.memory_space<hbm>>
    tpu.enqueue_indirect_dma source(%dma_start3A_339 : memref<10000x128xf32, #tpu.memory_space<hbm>>) target(%arg11 : memref<112x128xf32, #tpu.memory_space<vmem>>) offsets(%dma_start3A_336 : memref<112xi32, #tpu.memory_space<vmem>>) semaphore(%arg18 : memref<!tpu.dma_semaphore, #tpu.memory_space<semaphore_mem>>)
    %dma_wait3A_340 = arith.constant 0 : i32
    %dma_wait3A_341 = arith.constant 0 : i32
    %dma_wait3A_342 = tpu.memref_slice %arg7[%dma_wait3A_340, %dma_wait3A_341] : memref<6x112xi32, #tpu.memory_space<vmem>> -> memref<1x112xi32, #tpu.memory_space<vmem>>
    %dma_wait3A_343 = tpu.memref_squeeze %dma_wait3A_342 : memref<1x112xi32, #tpu.memory_space<vmem>> -> memref<112xi32, #tpu.memory_space<vmem>>
    %dma_wait3A_344 = arith.constant 0 : i32
    %dma_wait3A_345 = arith.constant 0 : i32
    %dma_wait3A_346 = tpu.memref_slice %arg2[%dma_wait3A_344, %dma_wait3A_345] : memref<10000x128xf32, #tpu.memory_space<hbm>> -> memref<10000x128xf32, #tpu.memory_space<hbm>>
    tpu.wait_indirect_dma semaphore(%arg20 : memref<!tpu.dma_semaphore, #tpu.memory_space<semaphore_mem>>) src(%dma_wait3A_346 : memref<10000x128xf32, #tpu.memory_space<hbm>>) dst(%arg13 : memref<112x128xf32, #tpu.memory_space<vmem>>)
    %dma_start3A_347 = arith.constant 2 : i32
    %dma_start3A_348 = arith.constant 0 : i32
    %dma_start3A_349 = tpu.memref_slice %arg10[%dma_start3A_347, %dma_start3A_348] : memref<6x112xi32, #tpu.memory_space<vmem>> -> memref<1x112xi32, #tpu.memory_space<vmem>>
    %dma_start3A_350 = tpu.memref_squeeze %dma_start3A_349 : memref<1x112xi32, #tpu.memory_space<vmem>> -> memref<112xi32, #tpu.memory_space<vmem>>
    %dma_start3A_351 = arith.constant 0 : i32
    %dma_start3A_352 = arith.constant 0 : i32
    %dma_start3A_353 = tpu.memref_slice %arg6[%dma_start3A_351, %dma_start3A_352] : memref<10240x128xf32, #tpu.memory_space<vmem_shared>> -> memref<10240x128xf32, #tpu.memory_space<vmem_shared>>
    tpu.enqueue_indirect_dma source(%arg13 : memref<112x128xf32, #tpu.memory_space<vmem>>) target(%dma_start3A_353 : memref<10240x128xf32, #tpu.memory_space<vmem_shared>>) offsets(%dma_start3A_350 : memref<112xi32, #tpu.memory_space<vmem>>) semaphore(%arg23 : memref<!tpu.dma_semaphore, #tpu.memory_space<semaphore_mem>>) {add = true}
    %dma_wait3A_354 = arith.constant 0 : i32
    %dma_wait3A_355 = arith.constant 0 : i32
    %dma_wait3A_356 = tpu.memref_slice %arg9[%dma_wait3A_354, %dma_wait3A_355] : memref<6x112xi32, #tpu.memory_space<vmem>> -> memref<1x112xi32, #tpu.memory_space<vmem>>
    %dma_wait3A_357 = tpu.memref_squeeze %dma_wait3A_356 : memref<1x112xi32, #tpu.memory_space<vmem>> -> memref<112xi32, #tpu.memory_space<vmem>>
    %dma_wait3A_358 = arith.constant 0 : i32
    %dma_wait3A_359 = arith.constant 0 : i32
    %dma_wait3A_360 = tpu.memref_slice %arg6[%dma_wait3A_358, %dma_wait3A_359] : memref<10240x128xf32, #tpu.memory_space<vmem_shared>> -> memref<10240x128xf32, #tpu.memory_space<vmem_shared>>
    tpu.wait_indirect_dma semaphore(%arg22 : memref<!tpu.dma_semaphore, #tpu.memory_space<semaphore_mem>>) src(%arg12 : memref<112x128xf32, #tpu.memory_space<vmem>>) dst(%dma_wait3A_360 : memref<10240x128xf32, #tpu.memory_space<vmem_shared>>)
    %dma_start3A_361 = arith.constant 4 : i32
    %dma_start3A_362 = arith.constant 0 : i32
    %dma_start3A_363 = tpu.memref_slice %arg8[%dma_start3A_361, %dma_start3A_362] : memref<6x112xi32, #tpu.memory_space<vmem>> -> memref<1x112xi32, #tpu.memory_space<vmem>>
    %dma_start3A_364 = tpu.memref_squeeze %dma_start3A_363 : memref<1x112xi32, #tpu.memory_space<vmem>> -> memref<112xi32, #tpu.memory_space<vmem>>
    %dma_start3A_365 = arith.constant 0 : i32
    %dma_start3A_366 = arith.constant 0 : i32
    %dma_start3A_367 = tpu.memref_slice %arg2[%dma_start3A_365, %dma_start3A_366] : memref<10000x128xf32, #tpu.memory_space<hbm>> -> memref<10000x128xf32, #tpu.memory_space<hbm>>
    tpu.enqueue_indirect_dma source(%dma_start3A_367 : memref<10000x128xf32, #tpu.memory_space<hbm>>) target(%arg12 : memref<112x128xf32, #tpu.memory_space<vmem>>) offsets(%dma_start3A_364 : memref<112xi32, #tpu.memory_space<vmem>>) semaphore(%arg19 : memref<!tpu.dma_semaphore, #tpu.memory_space<semaphore_mem>>)
    %dma_wait3A_368 = arith.constant 0 : i32
    %dma_wait3A_369 = arith.constant 0 : i32
    %dma_wait3A_370 = tpu.memref_slice %arg7[%dma_wait3A_368, %dma_wait3A_369] : memref<6x112xi32, #tpu.memory_space<vmem>> -> memref<1x112xi32, #tpu.memory_space<vmem>>
    %dma_wait3A_371 = tpu.memref_squeeze %dma_wait3A_370 : memref<1x112xi32, #tpu.memory_space<vmem>> -> memref<112xi32, #tpu.memory_space<vmem>>
    %dma_wait3A_372 = arith.constant 0 : i32
    %dma_wait3A_373 = arith.constant 0 : i32
    %dma_wait3A_374 = tpu.memref_slice %arg2[%dma_wait3A_372, %dma_wait3A_373] : memref<10000x128xf32, #tpu.memory_space<hbm>> -> memref<10000x128xf32, #tpu.memory_space<hbm>>
    tpu.wait_indirect_dma semaphore(%arg18 : memref<!tpu.dma_semaphore, #tpu.memory_space<semaphore_mem>>) src(%dma_wait3A_374 : memref<10000x128xf32, #tpu.memory_space<hbm>>) dst(%arg11 : memref<112x128xf32, #tpu.memory_space<vmem>>)
    %dma_start3A_375 = arith.constant 3 : i32
    %dma_start3A_376 = arith.constant 0 : i32
    %dma_start3A_377 = tpu.memref_slice %arg10[%dma_start3A_375, %dma_start3A_376] : memref<6x112xi32, #tpu.memory_space<vmem>> -> memref<1x112xi32, #tpu.memory_space<vmem>>
    %dma_start3A_378 = tpu.memref_squeeze %dma_start3A_377 : memref<1x112xi32, #tpu.memory_space<vmem>> -> memref<112xi32, #tpu.memory_space<vmem>>
    %dma_start3A_379 = arith.constant 0 : i32
    %dma_start3A_380 = arith.constant 0 : i32
    %dma_start3A_381 = tpu.memref_slice %arg6[%dma_start3A_379, %dma_start3A_380] : memref<10240x128xf32, #tpu.memory_space<vmem_shared>> -> memref<10240x128xf32, #tpu.memory_space<vmem_shared>>
    tpu.enqueue_indirect_dma source(%arg11 : memref<112x128xf32, #tpu.memory_space<vmem>>) target(%dma_start3A_381 : memref<10240x128xf32, #tpu.memory_space<vmem_shared>>) offsets(%dma_start3A_378 : memref<112xi32, #tpu.memory_space<vmem>>) semaphore(%arg21 : memref<!tpu.dma_semaphore, #tpu.memory_space<semaphore_mem>>) {add = true}
    %dma_wait3A_382 = arith.constant 0 : i32
    %dma_wait3A_383 = arith.constant 0 : i32
    %dma_wait3A_384 = tpu.memref_slice %arg9[%dma_wait3A_382, %dma_wait3A_383] : memref<6x112xi32, #tpu.memory_space<vmem>> -> memref<1x112xi32, #tpu.memory_space<vmem>>
    %dma_wait3A_385 = tpu.memref_squeeze %dma_wait3A_384 : memref<1x112xi32, #tpu.memory_space<vmem>> -> memref<112xi32, #tpu.memory_space<vmem>>
    %dma_wait3A_386 = arith.constant 0 : i32
    %dma_wait3A_387 = arith.constant 0 : i32
    %dma_wait3A_388 = tpu.memref_slice %arg6[%dma_wait3A_386, %dma_wait3A_387] : memref<10240x128xf32, #tpu.memory_space<vmem_shared>> -> memref<10240x128xf32, #tpu.memory_space<vmem_shared>>
    tpu.wait_indirect_dma semaphore(%arg23 : memref<!tpu.dma_semaphore, #tpu.memory_space<semaphore_mem>>) src(%arg13 : memref<112x128xf32, #tpu.memory_space<vmem>>) dst(%dma_wait3A_388 : memref<10240x128xf32, #tpu.memory_space<vmem_shared>>)
    %dma_start3A_389 = arith.constant 5 : i32
    %dma_start3A_390 = arith.constant 0 : i32
    %dma_start3A_391 = tpu.memref_slice %arg8[%dma_start3A_389, %dma_start3A_390] : memref<6x112xi32, #tpu.memory_space<vmem>> -> memref<1x112xi32, #tpu.memory_space<vmem>>
    %dma_start3A_392 = tpu.memref_squeeze %dma_start3A_391 : memref<1x112xi32, #tpu.memory_space<vmem>> -> memref<112xi32, #tpu.memory_space<vmem>>
    %dma_start3A_393 = arith.constant 0 : i32
    %dma_start3A_394 = arith.constant 0 : i32
    %dma_start3A_395 = tpu.memref_slice %arg2[%dma_start3A_393, %dma_start3A_394] : memref<10000x128xf32, #tpu.memory_space<hbm>> -> memref<10000x128xf32, #tpu.memory_space<hbm>>
    tpu.enqueue_indirect_dma source(%dma_start3A_395 : memref<10000x128xf32, #tpu.memory_space<hbm>>) target(%arg13 : memref<112x128xf32, #tpu.memory_space<vmem>>) offsets(%dma_start3A_392 : memref<112xi32, #tpu.memory_space<vmem>>) semaphore(%arg20 : memref<!tpu.dma_semaphore, #tpu.memory_space<semaphore_mem>>)
    %dma_wait3A_396 = arith.constant 0 : i32
    %dma_wait3A_397 = arith.constant 0 : i32
    %dma_wait3A_398 = tpu.memref_slice %arg7[%dma_wait3A_396, %dma_wait3A_397] : memref<6x112xi32, #tpu.memory_space<vmem>> -> memref<1x112xi32, #tpu.memory_space<vmem>>
    %dma_wait3A_399 = tpu.memref_squeeze %dma_wait3A_398 : memref<1x112xi32, #tpu.memory_space<vmem>> -> memref<112xi32, #tpu.memory_space<vmem>>
    %dma_wait3A_400 = arith.constant 0 : i32
    %dma_wait3A_401 = arith.constant 0 : i32
    %dma_wait3A_402 = tpu.memref_slice %arg2[%dma_wait3A_400, %dma_wait3A_401] : memref<10000x128xf32, #tpu.memory_space<hbm>> -> memref<10000x128xf32, #tpu.memory_space<hbm>>
    tpu.wait_indirect_dma semaphore(%arg19 : memref<!tpu.dma_semaphore, #tpu.memory_space<semaphore_mem>>) src(%dma_wait3A_402 : memref<10000x128xf32, #tpu.memory_space<hbm>>) dst(%arg12 : memref<112x128xf32, #tpu.memory_space<vmem>>)
    %dma_start3A_403 = arith.constant 4 : i32
    %dma_start3A_404 = arith.constant 0 : i32
    %dma_start3A_405 = tpu.memref_slice %arg10[%dma_start3A_403, %dma_start3A_404] : memref<6x112xi32, #tpu.memory_space<vmem>> -> memref<1x112xi32, #tpu.memory_space<vmem>>
    %dma_start3A_406 = tpu.memref_squeeze %dma_start3A_405 : memref<1x112xi32, #tpu.memory_space<vmem>> -> memref<112xi32, #tpu.memory_space<vmem>>
    %dma_start3A_407 = arith.constant 0 : i32
    %dma_start3A_408 = arith.constant 0 : i32
    %dma_start3A_409 = tpu.memref_slice %arg6[%dma_start3A_407, %dma_start3A_408] : memref<10240x128xf32, #tpu.memory_space<vmem_shared>> -> memref<10240x128xf32, #tpu.memory_space<vmem_shared>>
    tpu.enqueue_indirect_dma source(%arg12 : memref<112x128xf32, #tpu.memory_space<vmem>>) target(%dma_start3A_409 : memref<10240x128xf32, #tpu.memory_space<vmem_shared>>) offsets(%dma_start3A_406 : memref<112xi32, #tpu.memory_space<vmem>>) semaphore(%arg22 : memref<!tpu.dma_semaphore, #tpu.memory_space<semaphore_mem>>) {add = true}
    %dma_wait3A_410 = arith.constant 0 : i32
    %dma_wait3A_411 = arith.constant 0 : i32
    %dma_wait3A_412 = tpu.memref_slice %arg9[%dma_wait3A_410, %dma_wait3A_411] : memref<6x112xi32, #tpu.memory_space<vmem>> -> memref<1x112xi32, #tpu.memory_space<vmem>>
    %dma_wait3A_413 = tpu.memref_squeeze %dma_wait3A_412 : memref<1x112xi32, #tpu.memory_space<vmem>> -> memref<112xi32, #tpu.memory_space<vmem>>
    %dma_wait3A_414 = arith.constant 0 : i32
    %dma_wait3A_415 = arith.constant 0 : i32
    %dma_wait3A_416 = tpu.memref_slice %arg6[%dma_wait3A_414, %dma_wait3A_415] : memref<10240x128xf32, #tpu.memory_space<vmem_shared>> -> memref<10240x128xf32, #tpu.memory_space<vmem_shared>>
    tpu.wait_indirect_dma semaphore(%arg21 : memref<!tpu.dma_semaphore, #tpu.memory_space<semaphore_mem>>) src(%arg11 : memref<112x128xf32, #tpu.memory_space<vmem>>) dst(%dma_wait3A_416 : memref<10240x128xf32, #tpu.memory_space<vmem_shared>>)
    %dma_wait3A_417 = arith.constant 0 : i32
    %dma_wait3A_418 = arith.constant 0 : i32
    %dma_wait3A_419 = arith.constant 0 : i32
    %dma_wait3A_420 = tpu.memref_slice %arg3[%add3A, %dma_wait3A_417, %dma_wait3A_418, %dma_wait3A_419] : memref<32x15x6x112xi32, #tpu.memory_space<hbm>> -> memref<1x1x6x112xi32, #tpu.memory_space<hbm>>
    %dma_wait3A_421 = tpu.memref_squeeze %dma_wait3A_420 : memref<1x1x6x112xi32, #tpu.memory_space<hbm>> -> memref<6x112xi32, #tpu.memory_space<hbm>>
    %dma_wait3A_422 = arith.constant 0 : i32
    %dma_wait3A_423 = arith.constant 0 : i32
    %dma_wait3A_424 = tpu.memref_slice %arg3[%add3A, %dma_wait3A_417, %dma_wait3A_422, %dma_wait3A_423] : memref<32x15x6x112xi32, #tpu.memory_space<hbm>> -> memref<1x1x6x112xi32, #tpu.memory_space<hbm>>
    %dma_wait3A_425 = tpu.memref_squeeze %dma_wait3A_424 : memref<1x1x6x112xi32, #tpu.memory_space<hbm>> -> memref<6x112xi32, #tpu.memory_space<hbm>>
    tpu.wait_dma2 semaphore(%arg14 : memref<!tpu.dma_semaphore, #tpu.memory_space<semaphore_mem>>) src(%dma_wait3A_425 : memref<6x112xi32, #tpu.memory_space<hbm>>) dst(%arg7 : memref<6x112xi32, #tpu.memory_space<vmem>>)
    %dma_wait3A_426 = arith.constant 0 : i32
    %dma_wait3A_427 = arith.constant 0 : i32
    %dma_wait3A_428 = arith.constant 0 : i32
    %dma_wait3A_429 = tpu.memref_slice %arg4[%add3A, %dma_wait3A_426, %dma_wait3A_427, %dma_wait3A_428] : memref<32x15x6x112xi32, #tpu.memory_space<hbm>> -> memref<1x1x6x112xi32, #tpu.memory_space<hbm>>
    %dma_wait3A_430 = tpu.memref_squeeze %dma_wait3A_429 : memref<1x1x6x112xi32, #tpu.memory_space<hbm>> -> memref<6x112xi32, #tpu.memory_space<hbm>>
    %dma_wait3A_431 = arith.constant 0 : i32
    %dma_wait3A_432 = arith.constant 0 : i32
    %dma_wait3A_433 = tpu.memref_slice %arg4[%add3A, %dma_wait3A_426, %dma_wait3A_431, %dma_wait3A_432] : memref<32x15x6x112xi32, #tpu.memory_space<hbm>> -> memref<1x1x6x112xi32, #tpu.memory_space<hbm>>
    %dma_wait3A_434 = tpu.memref_squeeze %dma_wait3A_433 : memref<1x1x6x112xi32, #tpu.memory_space<hbm>> -> memref<6x112xi32, #tpu.memory_space<hbm>>
    tpu.wait_dma2 semaphore(%arg16 : memref<!tpu.dma_semaphore, #tpu.memory_space<semaphore_mem>>) src(%dma_wait3A_434 : memref<6x112xi32, #tpu.memory_space<hbm>>) dst(%arg9 : memref<6x112xi32, #tpu.memory_space<vmem>>)
    %dma_start3A_435 = arith.constant 0 : i32
    %dma_start3A_436 = arith.constant 0 : i32
    %dma_start3A_437 = tpu.memref_slice %arg7[%dma_start3A_435, %dma_start3A_436] : memref<6x112xi32, #tpu.memory_space<vmem>> -> memref<1x112xi32, #tpu.memory_space<vmem>>
    %dma_start3A_438 = tpu.memref_squeeze %dma_start3A_437 : memref<1x112xi32, #tpu.memory_space<vmem>> -> memref<112xi32, #tpu.memory_space<vmem>>
    %dma_start3A_439 = arith.constant 0 : i32
    %dma_start3A_440 = arith.constant 0 : i32
    %dma_start3A_441 = tpu.memref_slice %arg2[%dma_start3A_439, %dma_start3A_440] : memref<10000x128xf32, #tpu.memory_space<hbm>> -> memref<10000x128xf32, #tpu.memory_space<hbm>>
    tpu.enqueue_indirect_dma source(%dma_start3A_441 : memref<10000x128xf32, #tpu.memory_space<hbm>>) target(%arg11 : memref<112x128xf32, #tpu.memory_space<vmem>>) offsets(%dma_start3A_438 : memref<112xi32, #tpu.memory_space<vmem>>) semaphore(%arg18 : memref<!tpu.dma_semaphore, #tpu.memory_space<semaphore_mem>>)
    %dma_wait3A_442 = arith.constant 0 : i32
    %dma_wait3A_443 = arith.constant 0 : i32
    %dma_wait3A_444 = tpu.memref_slice %arg7[%dma_wait3A_442, %dma_wait3A_443] : memref<6x112xi32, #tpu.memory_space<vmem>> -> memref<1x112xi32, #tpu.memory_space<vmem>>
    %dma_wait3A_445 = tpu.memref_squeeze %dma_wait3A_444 : memref<1x112xi32, #tpu.memory_space<vmem>> -> memref<112xi32, #tpu.memory_space<vmem>>
    %dma_wait3A_446 = arith.constant 0 : i32
    %dma_wait3A_447 = arith.constant 0 : i32
    %dma_wait3A_448 = tpu.memref_slice %arg2[%dma_wait3A_446, %dma_wait3A_447] : memref<10000x128xf32, #tpu.memory_space<hbm>> -> memref<10000x128xf32, #tpu.memory_space<hbm>>
    tpu.wait_indirect_dma semaphore(%arg20 : memref<!tpu.dma_semaphore, #tpu.memory_space<semaphore_mem>>) src(%dma_wait3A_448 : memref<10000x128xf32, #tpu.memory_space<hbm>>) dst(%arg13 : memref<112x128xf32, #tpu.memory_space<vmem>>)
    %dma_start3A_449 = arith.constant 5 : i32
    %dma_start3A_450 = arith.constant 0 : i32
    %dma_start3A_451 = tpu.memref_slice %arg10[%dma_start3A_449, %dma_start3A_450] : memref<6x112xi32, #tpu.memory_space<vmem>> -> memref<1x112xi32, #tpu.memory_space<vmem>>
    %dma_start3A_452 = tpu.memref_squeeze %dma_start3A_451 : memref<1x112xi32, #tpu.memory_space<vmem>> -> memref<112xi32, #tpu.memory_space<vmem>>
    %dma_start3A_453 = arith.constant 0 : i32
    %dma_start3A_454 = arith.constant 0 : i32
    %dma_start3A_455 = tpu.memref_slice %arg6[%dma_start3A_453, %dma_start3A_454] : memref<10240x128xf32, #tpu.memory_space<vmem_shared>> -> memref<10240x128xf32, #tpu.memory_space<vmem_shared>>
    tpu.enqueue_indirect_dma source(%arg13 : memref<112x128xf32, #tpu.memory_space<vmem>>) target(%dma_start3A_455 : memref<10240x128xf32, #tpu.memory_space<vmem_shared>>) offsets(%dma_start3A_452 : memref<112xi32, #tpu.memory_space<vmem>>) semaphore(%arg23 : memref<!tpu.dma_semaphore, #tpu.memory_space<semaphore_mem>>) {add = true}
    %dma_wait3A_456 = arith.constant 0 : i32
    %dma_wait3A_457 = arith.constant 0 : i32
    %dma_wait3A_458 = tpu.memref_slice %arg9[%dma_wait3A_456, %dma_wait3A_457] : memref<6x112xi32, #tpu.memory_space<vmem>> -> memref<1x112xi32, #tpu.memory_space<vmem>>
    %dma_wait3A_459 = tpu.memref_squeeze %dma_wait3A_458 : memref<1x112xi32, #tpu.memory_space<vmem>> -> memref<112xi32, #tpu.memory_space<vmem>>
    %dma_wait3A_460 = arith.constant 0 : i32
    %dma_wait3A_461 = arith.constant 0 : i32
    %dma_wait3A_462 = tpu.memref_slice %arg6[%dma_wait3A_460, %dma_wait3A_461] : memref<10240x128xf32, #tpu.memory_space<vmem_shared>> -> memref<10240x128xf32, #tpu.memory_space<vmem_shared>>
    tpu.wait_indirect_dma semaphore(%arg22 : memref<!tpu.dma_semaphore, #tpu.memory_space<semaphore_mem>>) src(%arg12 : memref<112x128xf32, #tpu.memory_space<vmem>>) dst(%dma_wait3A_462 : memref<10240x128xf32, #tpu.memory_space<vmem_shared>>)
    %dma_start3A_463 = arith.constant 1 : i32
    %dma_start3A_464 = arith.constant 0 : i32
    %dma_start3A_465 = tpu.memref_slice %arg7[%dma_start3A_463, %dma_start3A_464] : memref<6x112xi32, #tpu.memory_space<vmem>> -> memref<1x112xi32, #tpu.memory_space<vmem>>
    %dma_start3A_466 = tpu.memref_squeeze %dma_start3A_465 : memref<1x112xi32, #tpu.memory_space<vmem>> -> memref<112xi32, #tpu.memory_space<vmem>>
    %dma_start3A_467 = arith.constant 0 : i32
    %dma_start3A_468 = arith.constant 0 : i32
    %dma_start3A_469 = tpu.memref_slice %arg2[%dma_start3A_467, %dma_start3A_468] : memref<10000x128xf32, #tpu.memory_space<hbm>> -> memref<10000x128xf32, #tpu.memory_space<hbm>>
    tpu.enqueue_indirect_dma source(%dma_start3A_469 : memref<10000x128xf32, #tpu.memory_space<hbm>>) target(%arg12 : memref<112x128xf32, #tpu.memory_space<vmem>>) offsets(%dma_start3A_466 : memref<112xi32, #tpu.memory_space<vmem>>) semaphore(%arg19 : memref<!tpu.dma_semaphore, #tpu.memory_space<semaphore_mem>>)
    %scan3A_470 = arith.constant 0 : i32
    %scan3A_471 = arith.constant 1 : i32
    %scan3A_472 = arith.constant 6 : i32
    %scan3A_473 = arith.addi %scan3A_471, %scan3A_472 : i32
    %scan3A_474 = arith.constant 1 : i32
    scf.for %scan3A_638 = %scan3A_471 to %scan3A_473 step %scan3A_474  : i32 {
      %mul3A_639 = arith.constant 2 : i32
      %mul3A_640 = arith.muli %mul3A_639, %scan3A_638 : i32
      %add3A_641 = arith.constant 0 : i32
      %add3A_642 = arith.addi %mul3A_640, %add3A_641 : i32
      %dma_wait3A_643 = arith.constant 0 : i32
      %dma_wait3A_644 = arith.constant 0 : i32
      %dma_wait3A_645 = tpu.memref_slice %arg7[%dma_wait3A_643, %dma_wait3A_644] : memref<6x112xi32, #tpu.memory_space<vmem>> -> memref<1x112xi32, #tpu.memory_space<vmem>>
      %dma_wait3A_646 = tpu.memref_squeeze %dma_wait3A_645 : memref<1x112xi32, #tpu.memory_space<vmem>> -> memref<112xi32, #tpu.memory_space<vmem>>
      %dma_wait3A_647 = arith.constant 0 : i32
      %dma_wait3A_648 = arith.constant 0 : i32
      %dma_wait3A_649 = tpu.memref_slice %arg2[%dma_wait3A_647, %dma_wait3A_648] : memref<10000x128xf32, #tpu.memory_space<hbm>> -> memref<10000x128xf32, #tpu.memory_space<hbm>>
      tpu.wait_indirect_dma semaphore(%arg18 : memref<!tpu.dma_semaphore, #tpu.memory_space<semaphore_mem>>) src(%dma_wait3A_649 : memref<10000x128xf32, #tpu.memory_space<hbm>>) dst(%arg11 : memref<112x128xf32, #tpu.memory_space<vmem>>)
      %dma_start3A_650 = arith.constant 0 : i32
      %dma_start3A_651 = arith.constant 0 : i32
      %dma_start3A_652 = tpu.memref_slice %arg9[%dma_start3A_650, %dma_start3A_651] : memref<6x112xi32, #tpu.memory_space<vmem>> -> memref<1x112xi32, #tpu.memory_space<vmem>>
      %dma_start3A_653 = tpu.memref_squeeze %dma_start3A_652 : memref<1x112xi32, #tpu.memory_space<vmem>> -> memref<112xi32, #tpu.memory_space<vmem>>
      %dma_start3A_654 = arith.constant 0 : i32
      %dma_start3A_655 = arith.constant 0 : i32
      %dma_start3A_656 = tpu.memref_slice %arg6[%dma_start3A_654, %dma_start3A_655] : memref<10240x128xf32, #tpu.memory_space<vmem_shared>> -> memref<10240x128xf32, #tpu.memory_space<vmem_shared>>
      tpu.enqueue_indirect_dma source(%arg11 : memref<112x128xf32, #tpu.memory_space<vmem>>) target(%dma_start3A_656 : memref<10240x128xf32, #tpu.memory_space<vmem_shared>>) offsets(%dma_start3A_653 : memref<112xi32, #tpu.memory_space<vmem>>) semaphore(%arg21 : memref<!tpu.dma_semaphore, #tpu.memory_space<semaphore_mem>>) {add = true}
      %dma_wait3A_657 = arith.constant 0 : i32
      %dma_wait3A_658 = arith.constant 0 : i32
      %dma_wait3A_659 = tpu.memref_slice %arg9[%dma_wait3A_657, %dma_wait3A_658] : memref<6x112xi32, #tpu.memory_space<vmem>> -> memref<1x112xi32, #tpu.memory_space<vmem>>
      %dma_wait3A_660 = tpu.memref_squeeze %dma_wait3A_659 : memref<1x112xi32, #tpu.memory_space<vmem>> -> memref<112xi32, #tpu.memory_space<vmem>>
      %dma_wait3A_661 = arith.constant 0 : i32
      %dma_wait3A_662 = arith.constant 0 : i32
      %dma_wait3A_663 = tpu.memref_slice %arg6[%dma_wait3A_661, %dma_wait3A_662] : memref<10240x128xf32, #tpu.memory_space<vmem_shared>> -> memref<10240x128xf32, #tpu.memory_space<vmem_shared>>
      tpu.wait_indirect_dma semaphore(%arg23 : memref<!tpu.dma_semaphore, #tpu.memory_space<semaphore_mem>>) src(%arg13 : memref<112x128xf32, #tpu.memory_space<vmem>>) dst(%dma_wait3A_663 : memref<10240x128xf32, #tpu.memory_space<vmem_shared>>)
      %add3A_664 = arith.constant 1 : i32
      %add3A_665 = arith.addi %add3A_642, %add3A_664 : i32
      %dma_start3A_666 = arith.constant 0 : i32
      %dma_start3A_667 = arith.constant 0 : i32
      %dma_start3A_668 = tpu.memref_slice %arg3[%add3A, %add3A_665, %dma_start3A_666, %dma_start3A_667] : memref<32x15x6x112xi32, #tpu.memory_space<hbm>> -> memref<1x1x6x112xi32, #tpu.memory_space<hbm>>
      %dma_start3A_669 = tpu.memref_squeeze %dma_start3A_668 : memref<1x1x6x112xi32, #tpu.memory_space<hbm>> -> memref<6x112xi32, #tpu.memory_space<hbm>>
      %dma_start3A_670 = arith.constant 0 : i32
      %dma_start3A_671 = arith.constant 0 : i32
      %dma_start3A_672 = tpu.memref_slice %arg3[%add3A, %add3A_665, %dma_start3A_670, %dma_start3A_671] : memref<32x15x6x112xi32, #tpu.memory_space<hbm>> -> memref<1x1x6x112xi32, #tpu.memory_space<hbm>>
      %dma_start3A_673 = tpu.memref_squeeze %dma_start3A_672 : memref<1x1x6x112xi32, #tpu.memory_space<hbm>> -> memref<6x112xi32, #tpu.memory_space<hbm>>
      tpu.enqueue_dma source(%dma_start3A_673 : memref<6x112xi32, #tpu.memory_space<hbm>>) target(%arg8 : memref<6x112xi32, #tpu.memory_space<vmem>>) target_semaphore(%arg15 : memref<!tpu.dma_semaphore, #tpu.memory_space<semaphore_mem>>)
      %dma_start3A_674 = arith.constant 0 : i32
      %dma_start3A_675 = arith.constant 0 : i32
      %dma_start3A_676 = tpu.memref_slice %arg4[%add3A, %add3A_665, %dma_start3A_674, %dma_start3A_675] : memref<32x15x6x112xi32, #tpu.memory_space<hbm>> -> memref<1x1x6x112xi32, #tpu.memory_space<hbm>>
      %dma_start3A_677 = tpu.memref_squeeze %dma_start3A_676 : memref<1x1x6x112xi32, #tpu.memory_space<hbm>> -> memref<6x112xi32, #tpu.memory_space<hbm>>
      %dma_start3A_678 = arith.constant 0 : i32
      %dma_start3A_679 = arith.constant 0 : i32
      %dma_start3A_680 = tpu.memref_slice %arg4[%add3A, %add3A_665, %dma_start3A_678, %dma_start3A_679] : memref<32x15x6x112xi32, #tpu.memory_space<hbm>> -> memref<1x1x6x112xi32, #tpu.memory_space<hbm>>
      %dma_start3A_681 = tpu.memref_squeeze %dma_start3A_680 : memref<1x1x6x112xi32, #tpu.memory_space<hbm>> -> memref<6x112xi32, #tpu.memory_space<hbm>>
      tpu.enqueue_dma source(%dma_start3A_681 : memref<6x112xi32, #tpu.memory_space<hbm>>) target(%arg10 : memref<6x112xi32, #tpu.memory_space<vmem>>) target_semaphore(%arg17 : memref<!tpu.dma_semaphore, #tpu.memory_space<semaphore_mem>>)
      %dma_start3A_682 = arith.constant 2 : i32
      %dma_start3A_683 = arith.constant 0 : i32
      %dma_start3A_684 = tpu.memref_slice %arg7[%dma_start3A_682, %dma_start3A_683] : memref<6x112xi32, #tpu.memory_space<vmem>> -> memref<1x112xi32, #tpu.memory_space<vmem>>
      %dma_start3A_685 = tpu.memref_squeeze %dma_start3A_684 : memref<1x112xi32, #tpu.memory_space<vmem>> -> memref<112xi32, #tpu.memory_space<vmem>>
      %dma_start3A_686 = arith.constant 0 : i32
      %dma_start3A_687 = arith.constant 0 : i32
      %dma_start3A_688 = tpu.memref_slice %arg2[%dma_start3A_686, %dma_start3A_687] : memref<10000x128xf32, #tpu.memory_space<hbm>> -> memref<10000x128xf32, #tpu.memory_space<hbm>>
      tpu.enqueue_indirect_dma source(%dma_start3A_688 : memref<10000x128xf32, #tpu.memory_space<hbm>>) target(%arg13 : memref<112x128xf32, #tpu.memory_space<vmem>>) offsets(%dma_start3A_685 : memref<112xi32, #tpu.memory_space<vmem>>) semaphore(%arg20 : memref<!tpu.dma_semaphore, #tpu.memory_space<semaphore_mem>>)
      %dma_wait3A_689 = arith.constant 0 : i32
      %dma_wait3A_690 = arith.constant 0 : i32
      %dma_wait3A_691 = tpu.memref_slice %arg7[%dma_wait3A_689, %dma_wait3A_690] : memref<6x112xi32, #tpu.memory_space<vmem>> -> memref<1x112xi32, #tpu.memory_space<vmem>>
      %dma_wait3A_692 = tpu.memref_squeeze %dma_wait3A_691 : memref<1x112xi32, #tpu.memory_space<vmem>> -> memref<112xi32, #tpu.memory_space<vmem>>
      %dma_wait3A_693 = arith.constant 0 : i32
      %dma_wait3A_694 = arith.constant 0 : i32
      %dma_wait3A_695 = tpu.memref_slice %arg2[%dma_wait3A_693, %dma_wait3A_694] : memref<10000x128xf32, #tpu.memory_space<hbm>> -> memref<10000x128xf32, #tpu.memory_space<hbm>>
      tpu.wait_indirect_dma semaphore(%arg19 : memref<!tpu.dma_semaphore, #tpu.memory_space<semaphore_mem>>) src(%dma_wait3A_695 : memref<10000x128xf32, #tpu.memory_space<hbm>>) dst(%arg12 : memref<112x128xf32, #tpu.memory_space<vmem>>)
      %dma_start3A_696 = arith.constant 1 : i32
      %dma_start3A_697 = arith.constant 0 : i32
      %dma_start3A_698 = tpu.memref_slice %arg9[%dma_start3A_696, %dma_start3A_697] : memref<6x112xi32, #tpu.memory_space<vmem>> -> memref<1x112xi32, #tpu.memory_space<vmem>>
      %dma_start3A_699 = tpu.memref_squeeze %dma_start3A_698 : memref<1x112xi32, #tpu.memory_space<vmem>> -> memref<112xi32, #tpu.memory_space<vmem>>
      %dma_start3A_700 = arith.constant 0 : i32
      %dma_start3A_701 = arith.constant 0 : i32
      %dma_start3A_702 = tpu.memref_slice %arg6[%dma_start3A_700, %dma_start3A_701] : memref<10240x128xf32, #tpu.memory_space<vmem_shared>> -> memref<10240x128xf32, #tpu.memory_space<vmem_shared>>
      tpu.enqueue_indirect_dma source(%arg12 : memref<112x128xf32, #tpu.memory_space<vmem>>) target(%dma_start3A_702 : memref<10240x128xf32, #tpu.memory_space<vmem_shared>>) offsets(%dma_start3A_699 : memref<112xi32, #tpu.memory_space<vmem>>) semaphore(%arg22 : memref<!tpu.dma_semaphore, #tpu.memory_space<semaphore_mem>>) {add = true}
      %dma_wait3A_703 = arith.constant 0 : i32
      %dma_wait3A_704 = arith.constant 0 : i32
      %dma_wait3A_705 = tpu.memref_slice %arg9[%dma_wait3A_703, %dma_wait3A_704] : memref<6x112xi32, #tpu.memory_space<vmem>> -> memref<1x112xi32, #tpu.memory_space<vmem>>
      %dma_wait3A_706 = tpu.memref_squeeze %dma_wait3A_705 : memref<1x112xi32, #tpu.memory_space<vmem>> -> memref<112xi32, #tpu.memory_space<vmem>>
      %dma_wait3A_707 = arith.constant 0 : i32
      %dma_wait3A_708 = arith.constant 0 : i32
      %dma_wait3A_709 = tpu.memref_slice %arg6[%dma_wait3A_707, %dma_wait3A_708] : memref<10240x128xf32, #tpu.memory_space<vmem_shared>> -> memref<10240x128xf32, #tpu.memory_space<vmem_shared>>
      tpu.wait_indirect_dma semaphore(%arg21 : memref<!tpu.dma_semaphore, #tpu.memory_space<semaphore_mem>>) src(%arg11 : memref<112x128xf32, #tpu.memory_space<vmem>>) dst(%dma_wait3A_709 : memref<10240x128xf32, #tpu.memory_space<vmem_shared>>)
      %dma_start3A_710 = arith.constant 3 : i32
      %dma_start3A_711 = arith.constant 0 : i32
      %dma_start3A_712 = tpu.memref_slice %arg7[%dma_start3A_710, %dma_start3A_711] : memref<6x112xi32, #tpu.memory_space<vmem>> -> memref<1x112xi32, #tpu.memory_space<vmem>>
      %dma_start3A_713 = tpu.memref_squeeze %dma_start3A_712 : memref<1x112xi32, #tpu.memory_space<vmem>> -> memref<112xi32, #tpu.memory_space<vmem>>
      %dma_start3A_714 = arith.constant 0 : i32
      %dma_start3A_715 = arith.constant 0 : i32
      %dma_start3A_716 = tpu.memref_slice %arg2[%dma_start3A_714, %dma_start3A_715] : memref<10000x128xf32, #tpu.memory_space<hbm>> -> memref<10000x128xf32, #tpu.memory_space<hbm>>
      tpu.enqueue_indirect_dma source(%dma_start3A_716 : memref<10000x128xf32, #tpu.memory_space<hbm>>) target(%arg11 : memref<112x128xf32, #tpu.memory_space<vmem>>) offsets(%dma_start3A_713 : memref<112xi32, #tpu.memory_space<vmem>>) semaphore(%arg18 : memref<!tpu.dma_semaphore, #tpu.memory_space<semaphore_mem>>)
      %dma_wait3A_717 = arith.constant 0 : i32
      %dma_wait3A_718 = arith.constant 0 : i32
      %dma_wait3A_719 = tpu.memref_slice %arg7[%dma_wait3A_717, %dma_wait3A_718] : memref<6x112xi32, #tpu.memory_space<vmem>> -> memref<1x112xi32, #tpu.memory_space<vmem>>
      %dma_wait3A_720 = tpu.memref_squeeze %dma_wait3A_719 : memref<1x112xi32, #tpu.memory_space<vmem>> -> memref<112xi32, #tpu.memory_space<vmem>>
      %dma_wait3A_721 = arith.constant 0 : i32
      %dma_wait3A_722 = arith.constant 0 : i32
      %dma_wait3A_723 = tpu.memref_slice %arg2[%dma_wait3A_721, %dma_wait3A_722] : memref<10000x128xf32, #tpu.memory_space<hbm>> -> memref<10000x128xf32, #tpu.memory_space<hbm>>
      tpu.wait_indirect_dma semaphore(%arg20 : memref<!tpu.dma_semaphore, #tpu.memory_space<semaphore_mem>>) src(%dma_wait3A_723 : memref<10000x128xf32, #tpu.memory_space<hbm>>) dst(%arg13 : memref<112x128xf32, #tpu.memory_space<vmem>>)
      %dma_start3A_724 = arith.constant 2 : i32
      %dma_start3A_725 = arith.constant 0 : i32
      %dma_start3A_726 = tpu.memref_slice %arg9[%dma_start3A_724, %dma_start3A_725] : memref<6x112xi32, #tpu.memory_space<vmem>> -> memref<1x112xi32, #tpu.memory_space<vmem>>
      %dma_start3A_727 = tpu.memref_squeeze %dma_start3A_726 : memref<1x112xi32, #tpu.memory_space<vmem>> -> memref<112xi32, #tpu.memory_space<vmem>>
      %dma_start3A_728 = arith.constant 0 : i32
      %dma_start3A_729 = arith.constant 0 : i32
      %dma_start3A_730 = tpu.memref_slice %arg6[%dma_start3A_728, %dma_start3A_729] : memref<10240x128xf32, #tpu.memory_space<vmem_shared>> -> memref<10240x128xf32, #tpu.memory_space<vmem_shared>>
      tpu.enqueue_indirect_dma source(%arg13 : memref<112x128xf32, #tpu.memory_space<vmem>>) target(%dma_start3A_730 : memref<10240x128xf32, #tpu.memory_space<vmem_shared>>) offsets(%dma_start3A_727 : memref<112xi32, #tpu.memory_space<vmem>>) semaphore(%arg23 : memref<!tpu.dma_semaphore, #tpu.memory_space<semaphore_mem>>) {add = true}
      %dma_wait3A_731 = arith.constant 0 : i32
      %dma_wait3A_732 = arith.constant 0 : i32
      %dma_wait3A_733 = tpu.memref_slice %arg9[%dma_wait3A_731, %dma_wait3A_732] : memref<6x112xi32, #tpu.memory_space<vmem>> -> memref<1x112xi32, #tpu.memory_space<vmem>>
      %dma_wait3A_734 = tpu.memref_squeeze %dma_wait3A_733 : memref<1x112xi32, #tpu.memory_space<vmem>> -> memref<112xi32, #tpu.memory_space<vmem>>
      %dma_wait3A_735 = arith.constant 0 : i32
      %dma_wait3A_736 = arith.constant 0 : i32
      %dma_wait3A_737 = tpu.memref_slice %arg6[%dma_wait3A_735, %dma_wait3A_736] : memref<10240x128xf32, #tpu.memory_space<vmem_shared>> -> memref<10240x128xf32, #tpu.memory_space<vmem_shared>>
      tpu.wait_indirect_dma semaphore(%arg22 : memref<!tpu.dma_semaphore, #tpu.memory_space<semaphore_mem>>) src(%arg12 : memref<112x128xf32, #tpu.memory_space<vmem>>) dst(%dma_wait3A_737 : memref<10240x128xf32, #tpu.memory_space<vmem_shared>>)
      %dma_start3A_738 = arith.constant 4 : i32
      %dma_start3A_739 = arith.constant 0 : i32
      %dma_start3A_740 = tpu.memref_slice %arg7[%dma_start3A_738, %dma_start3A_739] : memref<6x112xi32, #tpu.memory_space<vmem>> -> memref<1x112xi32, #tpu.memory_space<vmem>>
      %dma_start3A_741 = tpu.memref_squeeze %dma_start3A_740 : memref<1x112xi32, #tpu.memory_space<vmem>> -> memref<112xi32, #tpu.memory_space<vmem>>
      %dma_start3A_742 = arith.constant 0 : i32
      %dma_start3A_743 = arith.constant 0 : i32
      %dma_start3A_744 = tpu.memref_slice %arg2[%dma_start3A_742, %dma_start3A_743] : memref<10000x128xf32, #tpu.memory_space<hbm>> -> memref<10000x128xf32, #tpu.memory_space<hbm>>
      tpu.enqueue_indirect_dma source(%dma_start3A_744 : memref<10000x128xf32, #tpu.memory_space<hbm>>) target(%arg12 : memref<112x128xf32, #tpu.memory_space<vmem>>) offsets(%dma_start3A_741 : memref<112xi32, #tpu.memory_space<vmem>>) semaphore(%arg19 : memref<!tpu.dma_semaphore, #tpu.memory_space<semaphore_mem>>)
      %dma_wait3A_745 = arith.constant 0 : i32
      %dma_wait3A_746 = arith.constant 0 : i32
      %dma_wait3A_747 = tpu.memref_slice %arg7[%dma_wait3A_745, %dma_wait3A_746] : memref<6x112xi32, #tpu.memory_space<vmem>> -> memref<1x112xi32, #tpu.memory_space<vmem>>
      %dma_wait3A_748 = tpu.memref_squeeze %dma_wait3A_747 : memref<1x112xi32, #tpu.memory_space<vmem>> -> memref<112xi32, #tpu.memory_space<vmem>>
      %dma_wait3A_749 = arith.constant 0 : i32
      %dma_wait3A_750 = arith.constant 0 : i32
      %dma_wait3A_751 = tpu.memref_slice %arg2[%dma_wait3A_749, %dma_wait3A_750] : memref<10000x128xf32, #tpu.memory_space<hbm>> -> memref<10000x128xf32, #tpu.memory_space<hbm>>
      tpu.wait_indirect_dma semaphore(%arg18 : memref<!tpu.dma_semaphore, #tpu.memory_space<semaphore_mem>>) src(%dma_wait3A_751 : memref<10000x128xf32, #tpu.memory_space<hbm>>) dst(%arg11 : memref<112x128xf32, #tpu.memory_space<vmem>>)
      %dma_start3A_752 = arith.constant 3 : i32
      %dma_start3A_753 = arith.constant 0 : i32
      %dma_start3A_754 = tpu.memref_slice %arg9[%dma_start3A_752, %dma_start3A_753] : memref<6x112xi32, #tpu.memory_space<vmem>> -> memref<1x112xi32, #tpu.memory_space<vmem>>
      %dma_start3A_755 = tpu.memref_squeeze %dma_start3A_754 : memref<1x112xi32, #tpu.memory_space<vmem>> -> memref<112xi32, #tpu.memory_space<vmem>>
      %dma_start3A_756 = arith.constant 0 : i32
      %dma_start3A_757 = arith.constant 0 : i32
      %dma_start3A_758 = tpu.memref_slice %arg6[%dma_start3A_756, %dma_start3A_757] : memref<10240x128xf32, #tpu.memory_space<vmem_shared>> -> memref<10240x128xf32, #tpu.memory_space<vmem_shared>>
      tpu.enqueue_indirect_dma source(%arg11 : memref<112x128xf32, #tpu.memory_space<vmem>>) target(%dma_start3A_758 : memref<10240x128xf32, #tpu.memory_space<vmem_shared>>) offsets(%dma_start3A_755 : memref<112xi32, #tpu.memory_space<vmem>>) semaphore(%arg21 : memref<!tpu.dma_semaphore, #tpu.memory_space<semaphore_mem>>) {add = true}
      %dma_wait3A_759 = arith.constant 0 : i32
      %dma_wait3A_760 = arith.constant 0 : i32
      %dma_wait3A_761 = tpu.memref_slice %arg9[%dma_wait3A_759, %dma_wait3A_760] : memref<6x112xi32, #tpu.memory_space<vmem>> -> memref<1x112xi32, #tpu.memory_space<vmem>>
      %dma_wait3A_762 = tpu.memref_squeeze %dma_wait3A_761 : memref<1x112xi32, #tpu.memory_space<vmem>> -> memref<112xi32, #tpu.memory_space<vmem>>
      %dma_wait3A_763 = arith.constant 0 : i32
      %dma_wait3A_764 = arith.constant 0 : i32
      %dma_wait3A_765 = tpu.memref_slice %arg6[%dma_wait3A_763, %dma_wait3A_764] : memref<10240x128xf32, #tpu.memory_space<vmem_shared>> -> memref<10240x128xf32, #tpu.memory_space<vmem_shared>>
      tpu.wait_indirect_dma semaphore(%arg23 : memref<!tpu.dma_semaphore, #tpu.memory_space<semaphore_mem>>) src(%arg13 : memref<112x128xf32, #tpu.memory_space<vmem>>) dst(%dma_wait3A_765 : memref<10240x128xf32, #tpu.memory_space<vmem_shared>>)
      %dma_start3A_766 = arith.constant 5 : i32
      %dma_start3A_767 = arith.constant 0 : i32
      %dma_start3A_768 = tpu.memref_slice %arg7[%dma_start3A_766, %dma_start3A_767] : memref<6x112xi32, #tpu.memory_space<vmem>> -> memref<1x112xi32, #tpu.memory_space<vmem>>
      %dma_start3A_769 = tpu.memref_squeeze %dma_start3A_768 : memref<1x112xi32, #tpu.memory_space<vmem>> -> memref<112xi32, #tpu.memory_space<vmem>>
      %dma_start3A_770 = arith.constant 0 : i32
      %dma_start3A_771 = arith.constant 0 : i32
      %dma_start3A_772 = tpu.memref_slice %arg2[%dma_start3A_770, %dma_start3A_771] : memref<10000x128xf32, #tpu.memory_space<hbm>> -> memref<10000x128xf32, #tpu.memory_space<hbm>>
      tpu.enqueue_indirect_dma source(%dma_start3A_772 : memref<10000x128xf32, #tpu.memory_space<hbm>>) target(%arg13 : memref<112x128xf32, #tpu.memory_space<vmem>>) offsets(%dma_start3A_769 : memref<112xi32, #tpu.memory_space<vmem>>) semaphore(%arg20 : memref<!tpu.dma_semaphore, #tpu.memory_space<semaphore_mem>>)
      %dma_wait3A_773 = arith.constant 0 : i32
      %dma_wait3A_774 = arith.constant 0 : i32
      %dma_wait3A_775 = tpu.memref_slice %arg7[%dma_wait3A_773, %dma_wait3A_774] : memref<6x112xi32, #tpu.memory_space<vmem>> -> memref<1x112xi32, #tpu.memory_space<vmem>>
      %dma_wait3A_776 = tpu.memref_squeeze %dma_wait3A_775 : memref<1x112xi32, #tpu.memory_space<vmem>> -> memref<112xi32, #tpu.memory_space<vmem>>
      %dma_wait3A_777 = arith.constant 0 : i32
      %dma_wait3A_778 = arith.constant 0 : i32
      %dma_wait3A_779 = tpu.memref_slice %arg2[%dma_wait3A_777, %dma_wait3A_778] : memref<10000x128xf32, #tpu.memory_space<hbm>> -> memref<10000x128xf32, #tpu.memory_space<hbm>>
      tpu.wait_indirect_dma semaphore(%arg19 : memref<!tpu.dma_semaphore, #tpu.memory_space<semaphore_mem>>) src(%dma_wait3A_779 : memref<10000x128xf32, #tpu.memory_space<hbm>>) dst(%arg12 : memref<112x128xf32, #tpu.memory_space<vmem>>)
      %dma_start3A_780 = arith.constant 4 : i32
      %dma_start3A_781 = arith.constant 0 : i32
      %dma_start3A_782 = tpu.memref_slice %arg9[%dma_start3A_780, %dma_start3A_781] : memref<6x112xi32, #tpu.memory_space<vmem>> -> memref<1x112xi32, #tpu.memory_space<vmem>>
      %dma_start3A_783 = tpu.memref_squeeze %dma_start3A_782 : memref<1x112xi32, #tpu.memory_space<vmem>> -> memref<112xi32, #tpu.memory_space<vmem>>
      %dma_start3A_784 = arith.constant 0 : i32
      %dma_start3A_785 = arith.constant 0 : i32
      %dma_start3A_786 = tpu.memref_slice %arg6[%dma_start3A_784, %dma_start3A_785] : memref<10240x128xf32, #tpu.memory_space<vmem_shared>> -> memref<10240x128xf32, #tpu.memory_space<vmem_shared>>
      tpu.enqueue_indirect_dma source(%arg12 : memref<112x128xf32, #tpu.memory_space<vmem>>) target(%dma_start3A_786 : memref<10240x128xf32, #tpu.memory_space<vmem_shared>>) offsets(%dma_start3A_783 : memref<112xi32, #tpu.memory_space<vmem>>) semaphore(%arg22 : memref<!tpu.dma_semaphore, #tpu.memory_space<semaphore_mem>>) {add = true}
      %dma_wait3A_787 = arith.constant 0 : i32
      %dma_wait3A_788 = arith.constant 0 : i32
      %dma_wait3A_789 = tpu.memref_slice %arg9[%dma_wait3A_787, %dma_wait3A_788] : memref<6x112xi32, #tpu.memory_space<vmem>> -> memref<1x112xi32, #tpu.memory_space<vmem>>
      %dma_wait3A_790 = tpu.memref_squeeze %dma_wait3A_789 : memref<1x112xi32, #tpu.memory_space<vmem>> -> memref<112xi32, #tpu.memory_space<vmem>>
      %dma_wait3A_791 = arith.constant 0 : i32
      %dma_wait3A_792 = arith.constant 0 : i32
      %dma_wait3A_793 = tpu.memref_slice %arg6[%dma_wait3A_791, %dma_wait3A_792] : memref<10240x128xf32, #tpu.memory_space<vmem_shared>> -> memref<10240x128xf32, #tpu.memory_space<vmem_shared>>
      tpu.wait_indirect_dma semaphore(%arg21 : memref<!tpu.dma_semaphore, #tpu.memory_space<semaphore_mem>>) src(%arg11 : memref<112x128xf32, #tpu.memory_space<vmem>>) dst(%dma_wait3A_793 : memref<10240x128xf32, #tpu.memory_space<vmem_shared>>)
      %dma_wait3A_794 = arith.constant 0 : i32
      %dma_wait3A_795 = arith.constant 0 : i32
      %dma_wait3A_796 = arith.constant 0 : i32
      %dma_wait3A_797 = tpu.memref_slice %arg3[%add3A, %dma_wait3A_794, %dma_wait3A_795, %dma_wait3A_796] : memref<32x15x6x112xi32, #tpu.memory_space<hbm>> -> memref<1x1x6x112xi32, #tpu.memory_space<hbm>>
      %dma_wait3A_798 = tpu.memref_squeeze %dma_wait3A_797 : memref<1x1x6x112xi32, #tpu.memory_space<hbm>> -> memref<6x112xi32, #tpu.memory_space<hbm>>
      %dma_wait3A_799 = arith.constant 0 : i32
      %dma_wait3A_800 = arith.constant 0 : i32
      %dma_wait3A_801 = tpu.memref_slice %arg3[%add3A, %dma_wait3A_794, %dma_wait3A_799, %dma_wait3A_800] : memref<32x15x6x112xi32, #tpu.memory_space<hbm>> -> memref<1x1x6x112xi32, #tpu.memory_space<hbm>>
      %dma_wait3A_802 = tpu.memref_squeeze %dma_wait3A_801 : memref<1x1x6x112xi32, #tpu.memory_space<hbm>> -> memref<6x112xi32, #tpu.memory_space<hbm>>
      tpu.wait_dma2 semaphore(%arg15 : memref<!tpu.dma_semaphore, #tpu.memory_space<semaphore_mem>>) src(%dma_wait3A_802 : memref<6x112xi32, #tpu.memory_space<hbm>>) dst(%arg8 : memref<6x112xi32, #tpu.memory_space<vmem>>)
      %dma_wait3A_803 = arith.constant 0 : i32
      %dma_wait3A_804 = arith.constant 0 : i32
      %dma_wait3A_805 = arith.constant 0 : i32
      %dma_wait3A_806 = tpu.memref_slice %arg4[%add3A, %dma_wait3A_803, %dma_wait3A_804, %dma_wait3A_805] : memref<32x15x6x112xi32, #tpu.memory_space<hbm>> -> memref<1x1x6x112xi32, #tpu.memory_space<hbm>>
      %dma_wait3A_807 = tpu.memref_squeeze %dma_wait3A_806 : memref<1x1x6x112xi32, #tpu.memory_space<hbm>> -> memref<6x112xi32, #tpu.memory_space<hbm>>
      %dma_wait3A_808 = arith.constant 0 : i32
      %dma_wait3A_809 = arith.constant 0 : i32
      %dma_wait3A_810 = tpu.memref_slice %arg4[%add3A, %dma_wait3A_803, %dma_wait3A_808, %dma_wait3A_809] : memref<32x15x6x112xi32, #tpu.memory_space<hbm>> -> memref<1x1x6x112xi32, #tpu.memory_space<hbm>>
      %dma_wait3A_811 = tpu.memref_squeeze %dma_wait3A_810 : memref<1x1x6x112xi32, #tpu.memory_space<hbm>> -> memref<6x112xi32, #tpu.memory_space<hbm>>
      tpu.wait_dma2 semaphore(%arg17 : memref<!tpu.dma_semaphore, #tpu.memory_space<semaphore_mem>>) src(%dma_wait3A_811 : memref<6x112xi32, #tpu.memory_space<hbm>>) dst(%arg10 : memref<6x112xi32, #tpu.memory_space<vmem>>)
      %dma_start3A_812 = arith.constant 0 : i32
      %dma_start3A_813 = arith.constant 0 : i32
      %dma_start3A_814 = tpu.memref_slice %arg8[%dma_start3A_812, %dma_start3A_813] : memref<6x112xi32, #tpu.memory_space<vmem>> -> memref<1x112xi32, #tpu.memory_space<vmem>>
      %dma_start3A_815 = tpu.memref_squeeze %dma_start3A_814 : memref<1x112xi32, #tpu.memory_space<vmem>> -> memref<112xi32, #tpu.memory_space<vmem>>
      %dma_start3A_816 = arith.constant 0 : i32
      %dma_start3A_817 = arith.constant 0 : i32
      %dma_start3A_818 = tpu.memref_slice %arg2[%dma_start3A_816, %dma_start3A_817] : memref<10000x128xf32, #tpu.memory_space<hbm>> -> memref<10000x128xf32, #tpu.memory_space<hbm>>
      tpu.enqueue_indirect_dma source(%dma_start3A_818 : memref<10000x128xf32, #tpu.memory_space<hbm>>) target(%arg11 : memref<112x128xf32, #tpu.memory_space<vmem>>) offsets(%dma_start3A_815 : memref<112xi32, #tpu.memory_space<vmem>>) semaphore(%arg18 : memref<!tpu.dma_semaphore, #tpu.memory_space<semaphore_mem>>)
      %dma_wait3A_819 = arith.constant 0 : i32
      %dma_wait3A_820 = arith.constant 0 : i32
      %dma_wait3A_821 = tpu.memref_slice %arg7[%dma_wait3A_819, %dma_wait3A_820] : memref<6x112xi32, #tpu.memory_space<vmem>> -> memref<1x112xi32, #tpu.memory_space<vmem>>
      %dma_wait3A_822 = tpu.memref_squeeze %dma_wait3A_821 : memref<1x112xi32, #tpu.memory_space<vmem>> -> memref<112xi32, #tpu.memory_space<vmem>>
      %dma_wait3A_823 = arith.constant 0 : i32
      %dma_wait3A_824 = arith.constant 0 : i32
      %dma_wait3A_825 = tpu.memref_slice %arg2[%dma_wait3A_823, %dma_wait3A_824] : memref<10000x128xf32, #tpu.memory_space<hbm>> -> memref<10000x128xf32, #tpu.memory_space<hbm>>
      tpu.wait_indirect_dma semaphore(%arg20 : memref<!tpu.dma_semaphore, #tpu.memory_space<semaphore_mem>>) src(%dma_wait3A_825 : memref<10000x128xf32, #tpu.memory_space<hbm>>) dst(%arg13 : memref<112x128xf32, #tpu.memory_space<vmem>>)
      %dma_start3A_826 = arith.constant 5 : i32
      %dma_start3A_827 = arith.constant 0 : i32
      %dma_start3A_828 = tpu.memref_slice %arg9[%dma_start3A_826, %dma_start3A_827] : memref<6x112xi32, #tpu.memory_space<vmem>> -> memref<1x112xi32, #tpu.memory_space<vmem>>
      %dma_start3A_829 = tpu.memref_squeeze %dma_start3A_828 : memref<1x112xi32, #tpu.memory_space<vmem>> -> memref<112xi32, #tpu.memory_space<vmem>>
      %dma_start3A_830 = arith.constant 0 : i32
      %dma_start3A_831 = arith.constant 0 : i32
      %dma_start3A_832 = tpu.memref_slice %arg6[%dma_start3A_830, %dma_start3A_831] : memref<10240x128xf32, #tpu.memory_space<vmem_shared>> -> memref<10240x128xf32, #tpu.memory_space<vmem_shared>>
      tpu.enqueue_indirect_dma source(%arg13 : memref<112x128xf32, #tpu.memory_space<vmem>>) target(%dma_start3A_832 : memref<10240x128xf32, #tpu.memory_space<vmem_shared>>) offsets(%dma_start3A_829 : memref<112xi32, #tpu.memory_space<vmem>>) semaphore(%arg23 : memref<!tpu.dma_semaphore, #tpu.memory_space<semaphore_mem>>) {add = true}
      %dma_wait3A_833 = arith.constant 0 : i32
      %dma_wait3A_834 = arith.constant 0 : i32
      %dma_wait3A_835 = tpu.memref_slice %arg9[%dma_wait3A_833, %dma_wait3A_834] : memref<6x112xi32, #tpu.memory_space<vmem>> -> memref<1x112xi32, #tpu.memory_space<vmem>>
      %dma_wait3A_836 = tpu.memref_squeeze %dma_wait3A_835 : memref<1x112xi32, #tpu.memory_space<vmem>> -> memref<112xi32, #tpu.memory_space<vmem>>
      %dma_wait3A_837 = arith.constant 0 : i32
      %dma_wait3A_838 = arith.constant 0 : i32
      %dma_wait3A_839 = tpu.memref_slice %arg6[%dma_wait3A_837, %dma_wait3A_838] : memref<10240x128xf32, #tpu.memory_space<vmem_shared>> -> memref<10240x128xf32, #tpu.memory_space<vmem_shared>>
      tpu.wait_indirect_dma semaphore(%arg22 : memref<!tpu.dma_semaphore, #tpu.memory_space<semaphore_mem>>) src(%arg12 : memref<112x128xf32, #tpu.memory_space<vmem>>) dst(%dma_wait3A_839 : memref<10240x128xf32, #tpu.memory_space<vmem_shared>>)
      %dma_start3A_840 = arith.constant 1 : i32
      %dma_start3A_841 = arith.constant 0 : i32
      %dma_start3A_842 = tpu.memref_slice %arg8[%dma_start3A_840, %dma_start3A_841] : memref<6x112xi32, #tpu.memory_space<vmem>> -> memref<1x112xi32, #tpu.memory_space<vmem>>
      %dma_start3A_843 = tpu.memref_squeeze %dma_start3A_842 : memref<1x112xi32, #tpu.memory_space<vmem>> -> memref<112xi32, #tpu.memory_space<vmem>>
      %dma_start3A_844 = arith.constant 0 : i32
      %dma_start3A_845 = arith.constant 0 : i32
      %dma_start3A_846 = tpu.memref_slice %arg2[%dma_start3A_844, %dma_start3A_845] : memref<10000x128xf32, #tpu.memory_space<hbm>> -> memref<10000x128xf32, #tpu.memory_space<hbm>>
      tpu.enqueue_indirect_dma source(%dma_start3A_846 : memref<10000x128xf32, #tpu.memory_space<hbm>>) target(%arg12 : memref<112x128xf32, #tpu.memory_space<vmem>>) offsets(%dma_start3A_843 : memref<112xi32, #tpu.memory_space<vmem>>) semaphore(%arg19 : memref<!tpu.dma_semaphore, #tpu.memory_space<semaphore_mem>>)
      %mul3A_847 = arith.constant 2 : i32
      %mul3A_848 = arith.muli %mul3A_847, %scan3A_638 : i32
      %add3A_849 = arith.constant 1 : i32
      %add3A_850 = arith.addi %mul3A_848, %add3A_849 : i32
      %dma_wait3A_851 = arith.constant 0 : i32
      %dma_wait3A_852 = arith.constant 0 : i32
      %dma_wait3A_853 = tpu.memref_slice %arg7[%dma_wait3A_851, %dma_wait3A_852] : memref<6x112xi32, #tpu.memory_space<vmem>> -> memref<1x112xi32, #tpu.memory_space<vmem>>
      %dma_wait3A_854 = tpu.memref_squeeze %dma_wait3A_853 : memref<1x112xi32, #tpu.memory_space<vmem>> -> memref<112xi32, #tpu.memory_space<vmem>>
      %dma_wait3A_855 = arith.constant 0 : i32
      %dma_wait3A_856 = arith.constant 0 : i32
      %dma_wait3A_857 = tpu.memref_slice %arg2[%dma_wait3A_855, %dma_wait3A_856] : memref<10000x128xf32, #tpu.memory_space<hbm>> -> memref<10000x128xf32, #tpu.memory_space<hbm>>
      tpu.wait_indirect_dma semaphore(%arg18 : memref<!tpu.dma_semaphore, #tpu.memory_space<semaphore_mem>>) src(%dma_wait3A_857 : memref<10000x128xf32, #tpu.memory_space<hbm>>) dst(%arg11 : memref<112x128xf32, #tpu.memory_space<vmem>>)
      %dma_start3A_858 = arith.constant 0 : i32
      %dma_start3A_859 = arith.constant 0 : i32
      %dma_start3A_860 = tpu.memref_slice %arg10[%dma_start3A_858, %dma_start3A_859] : memref<6x112xi32, #tpu.memory_space<vmem>> -> memref<1x112xi32, #tpu.memory_space<vmem>>
      %dma_start3A_861 = tpu.memref_squeeze %dma_start3A_860 : memref<1x112xi32, #tpu.memory_space<vmem>> -> memref<112xi32, #tpu.memory_space<vmem>>
      %dma_start3A_862 = arith.constant 0 : i32
      %dma_start3A_863 = arith.constant 0 : i32
      %dma_start3A_864 = tpu.memref_slice %arg6[%dma_start3A_862, %dma_start3A_863] : memref<10240x128xf32, #tpu.memory_space<vmem_shared>> -> memref<10240x128xf32, #tpu.memory_space<vmem_shared>>
      tpu.enqueue_indirect_dma source(%arg11 : memref<112x128xf32, #tpu.memory_space<vmem>>) target(%dma_start3A_864 : memref<10240x128xf32, #tpu.memory_space<vmem_shared>>) offsets(%dma_start3A_861 : memref<112xi32, #tpu.memory_space<vmem>>) semaphore(%arg21 : memref<!tpu.dma_semaphore, #tpu.memory_space<semaphore_mem>>) {add = true}
      %dma_wait3A_865 = arith.constant 0 : i32
      %dma_wait3A_866 = arith.constant 0 : i32
      %dma_wait3A_867 = tpu.memref_slice %arg9[%dma_wait3A_865, %dma_wait3A_866] : memref<6x112xi32, #tpu.memory_space<vmem>> -> memref<1x112xi32, #tpu.memory_space<vmem>>
      %dma_wait3A_868 = tpu.memref_squeeze %dma_wait3A_867 : memref<1x112xi32, #tpu.memory_space<vmem>> -> memref<112xi32, #tpu.memory_space<vmem>>
      %dma_wait3A_869 = arith.constant 0 : i32
      %dma_wait3A_870 = arith.constant 0 : i32
      %dma_wait3A_871 = tpu.memref_slice %arg6[%dma_wait3A_869, %dma_wait3A_870] : memref<10240x128xf32, #tpu.memory_space<vmem_shared>> -> memref<10240x128xf32, #tpu.memory_space<vmem_shared>>
      tpu.wait_indirect_dma semaphore(%arg23 : memref<!tpu.dma_semaphore, #tpu.memory_space<semaphore_mem>>) src(%arg13 : memref<112x128xf32, #tpu.memory_space<vmem>>) dst(%dma_wait3A_871 : memref<10240x128xf32, #tpu.memory_space<vmem_shared>>)
      %add3A_872 = arith.constant 1 : i32
      %add3A_873 = arith.addi %add3A_850, %add3A_872 : i32
      %dma_start3A_874 = arith.constant 0 : i32
      %dma_start3A_875 = arith.constant 0 : i32
      %dma_start3A_876 = tpu.memref_slice %arg3[%add3A, %add3A_873, %dma_start3A_874, %dma_start3A_875] : memref<32x15x6x112xi32, #tpu.memory_space<hbm>> -> memref<1x1x6x112xi32, #tpu.memory_space<hbm>>
      %dma_start3A_877 = tpu.memref_squeeze %dma_start3A_876 : memref<1x1x6x112xi32, #tpu.memory_space<hbm>> -> memref<6x112xi32, #tpu.memory_space<hbm>>
      %dma_start3A_878 = arith.constant 0 : i32
      %dma_start3A_879 = arith.constant 0 : i32
      %dma_start3A_880 = tpu.memref_slice %arg3[%add3A, %add3A_873, %dma_start3A_878, %dma_start3A_879] : memref<32x15x6x112xi32, #tpu.memory_space<hbm>> -> memref<1x1x6x112xi32, #tpu.memory_space<hbm>>
      %dma_start3A_881 = tpu.memref_squeeze %dma_start3A_880 : memref<1x1x6x112xi32, #tpu.memory_space<hbm>> -> memref<6x112xi32, #tpu.memory_space<hbm>>
      tpu.enqueue_dma source(%dma_start3A_881 : memref<6x112xi32, #tpu.memory_space<hbm>>) target(%arg7 : memref<6x112xi32, #tpu.memory_space<vmem>>) target_semaphore(%arg14 : memref<!tpu.dma_semaphore, #tpu.memory_space<semaphore_mem>>)
      %dma_start3A_882 = arith.constant 0 : i32
      %dma_start3A_883 = arith.constant 0 : i32
      %dma_start3A_884 = tpu.memref_slice %arg4[%add3A, %add3A_873, %dma_start3A_882, %dma_start3A_883] : memref<32x15x6x112xi32, #tpu.memory_space<hbm>> -> memref<1x1x6x112xi32, #tpu.memory_space<hbm>>
      %dma_start3A_885 = tpu.memref_squeeze %dma_start3A_884 : memref<1x1x6x112xi32, #tpu.memory_space<hbm>> -> memref<6x112xi32, #tpu.memory_space<hbm>>
      %dma_start3A_886 = arith.constant 0 : i32
      %dma_start3A_887 = arith.constant 0 : i32
      %dma_start3A_888 = tpu.memref_slice %arg4[%add3A, %add3A_873, %dma_start3A_886, %dma_start3A_887] : memref<32x15x6x112xi32, #tpu.memory_space<hbm>> -> memref<1x1x6x112xi32, #tpu.memory_space<hbm>>
      %dma_start3A_889 = tpu.memref_squeeze %dma_start3A_888 : memref<1x1x6x112xi32, #tpu.memory_space<hbm>> -> memref<6x112xi32, #tpu.memory_space<hbm>>
      tpu.enqueue_dma source(%dma_start3A_889 : memref<6x112xi32, #tpu.memory_space<hbm>>) target(%arg9 : memref<6x112xi32, #tpu.memory_space<vmem>>) target_semaphore(%arg16 : memref<!tpu.dma_semaphore, #tpu.memory_space<semaphore_mem>>)
      %dma_start3A_890 = arith.constant 2 : i32
      %dma_start3A_891 = arith.constant 0 : i32
      %dma_start3A_892 = tpu.memref_slice %arg8[%dma_start3A_890, %dma_start3A_891] : memref<6x112xi32, #tpu.memory_space<vmem>> -> memref<1x112xi32, #tpu.memory_space<vmem>>
      %dma_start3A_893 = tpu.memref_squeeze %dma_start3A_892 : memref<1x112xi32, #tpu.memory_space<vmem>> -> memref<112xi32, #tpu.memory_space<vmem>>
      %dma_start3A_894 = arith.constant 0 : i32
      %dma_start3A_895 = arith.constant 0 : i32
      %dma_start3A_896 = tpu.memref_slice %arg2[%dma_start3A_894, %dma_start3A_895] : memref<10000x128xf32, #tpu.memory_space<hbm>> -> memref<10000x128xf32, #tpu.memory_space<hbm>>
      tpu.enqueue_indirect_dma source(%dma_start3A_896 : memref<10000x128xf32, #tpu.memory_space<hbm>>) target(%arg13 : memref<112x128xf32, #tpu.memory_space<vmem>>) offsets(%dma_start3A_893 : memref<112xi32, #tpu.memory_space<vmem>>) semaphore(%arg20 : memref<!tpu.dma_semaphore, #tpu.memory_space<semaphore_mem>>)
      %dma_wait3A_897 = arith.constant 0 : i32
      %dma_wait3A_898 = arith.constant 0 : i32
      %dma_wait3A_899 = tpu.memref_slice %arg7[%dma_wait3A_897, %dma_wait3A_898] : memref<6x112xi32, #tpu.memory_space<vmem>> -> memref<1x112xi32, #tpu.memory_space<vmem>>
      %dma_wait3A_900 = tpu.memref_squeeze %dma_wait3A_899 : memref<1x112xi32, #tpu.memory_space<vmem>> -> memref<112xi32, #tpu.memory_space<vmem>>
      %dma_wait3A_901 = arith.constant 0 : i32
      %dma_wait3A_902 = arith.constant 0 : i32
      %dma_wait3A_903 = tpu.memref_slice %arg2[%dma_wait3A_901, %dma_wait3A_902] : memref<10000x128xf32, #tpu.memory_space<hbm>> -> memref<10000x128xf32, #tpu.memory_space<hbm>>
      tpu.wait_indirect_dma semaphore(%arg19 : memref<!tpu.dma_semaphore, #tpu.memory_space<semaphore_mem>>) src(%dma_wait3A_903 : memref<10000x128xf32, #tpu.memory_space<hbm>>) dst(%arg12 : memref<112x128xf32, #tpu.memory_space<vmem>>)
      %dma_start3A_904 = arith.constant 1 : i32
      %dma_start3A_905 = arith.constant 0 : i32
      %dma_start3A_906 = tpu.memref_slice %arg10[%dma_start3A_904, %dma_start3A_905] : memref<6x112xi32, #tpu.memory_space<vmem>> -> memref<1x112xi32, #tpu.memory_space<vmem>>
      %dma_start3A_907 = tpu.memref_squeeze %dma_start3A_906 : memref<1x112xi32, #tpu.memory_space<vmem>> -> memref<112xi32, #tpu.memory_space<vmem>>
      %dma_start3A_908 = arith.constant 0 : i32
      %dma_start3A_909 = arith.constant 0 : i32
      %dma_start3A_910 = tpu.memref_slice %arg6[%dma_start3A_908, %dma_start3A_909] : memref<10240x128xf32, #tpu.memory_space<vmem_shared>> -> memref<10240x128xf32, #tpu.memory_space<vmem_shared>>
      tpu.enqueue_indirect_dma source(%arg12 : memref<112x128xf32, #tpu.memory_space<vmem>>) target(%dma_start3A_910 : memref<10240x128xf32, #tpu.memory_space<vmem_shared>>) offsets(%dma_start3A_907 : memref<112xi32, #tpu.memory_space<vmem>>) semaphore(%arg22 : memref<!tpu.dma_semaphore, #tpu.memory_space<semaphore_mem>>) {add = true}
      %dma_wait3A_911 = arith.constant 0 : i32
      %dma_wait3A_912 = arith.constant 0 : i32
      %dma_wait3A_913 = tpu.memref_slice %arg9[%dma_wait3A_911, %dma_wait3A_912] : memref<6x112xi32, #tpu.memory_space<vmem>> -> memref<1x112xi32, #tpu.memory_space<vmem>>
      %dma_wait3A_914 = tpu.memref_squeeze %dma_wait3A_913 : memref<1x112xi32, #tpu.memory_space<vmem>> -> memref<112xi32, #tpu.memory_space<vmem>>
      %dma_wait3A_915 = arith.constant 0 : i32
      %dma_wait3A_916 = arith.constant 0 : i32
      %dma_wait3A_917 = tpu.memref_slice %arg6[%dma_wait3A_915, %dma_wait3A_916] : memref<10240x128xf32, #tpu.memory_space<vmem_shared>> -> memref<10240x128xf32, #tpu.memory_space<vmem_shared>>
      tpu.wait_indirect_dma semaphore(%arg21 : memref<!tpu.dma_semaphore, #tpu.memory_space<semaphore_mem>>) src(%arg11 : memref<112x128xf32, #tpu.memory_space<vmem>>) dst(%dma_wait3A_917 : memref<10240x128xf32, #tpu.memory_space<vmem_shared>>)
      %dma_start3A_918 = arith.constant 3 : i32
      %dma_start3A_919 = arith.constant 0 : i32
      %dma_start3A_920 = tpu.memref_slice %arg8[%dma_start3A_918, %dma_start3A_919] : memref<6x112xi32, #tpu.memory_space<vmem>> -> memref<1x112xi32, #tpu.memory_space<vmem>>
      %dma_start3A_921 = tpu.memref_squeeze %dma_start3A_920 : memref<1x112xi32, #tpu.memory_space<vmem>> -> memref<112xi32, #tpu.memory_space<vmem>>
      %dma_start3A_922 = arith.constant 0 : i32
      %dma_start3A_923 = arith.constant 0 : i32
      %dma_start3A_924 = tpu.memref_slice %arg2[%dma_start3A_922, %dma_start3A_923] : memref<10000x128xf32, #tpu.memory_space<hbm>> -> memref<10000x128xf32, #tpu.memory_space<hbm>>
      tpu.enqueue_indirect_dma source(%dma_start3A_924 : memref<10000x128xf32, #tpu.memory_space<hbm>>) target(%arg11 : memref<112x128xf32, #tpu.memory_space<vmem>>) offsets(%dma_start3A_921 : memref<112xi32, #tpu.memory_space<vmem>>) semaphore(%arg18 : memref<!tpu.dma_semaphore, #tpu.memory_space<semaphore_mem>>)
      %dma_wait3A_925 = arith.constant 0 : i32
      %dma_wait3A_926 = arith.constant 0 : i32
      %dma_wait3A_927 = tpu.memref_slice %arg7[%dma_wait3A_925, %dma_wait3A_926] : memref<6x112xi32, #tpu.memory_space<vmem>> -> memref<1x112xi32, #tpu.memory_space<vmem>>
      %dma_wait3A_928 = tpu.memref_squeeze %dma_wait3A_927 : memref<1x112xi32, #tpu.memory_space<vmem>> -> memref<112xi32, #tpu.memory_space<vmem>>
      %dma_wait3A_929 = arith.constant 0 : i32
      %dma_wait3A_930 = arith.constant 0 : i32
      %dma_wait3A_931 = tpu.memref_slice %arg2[%dma_wait3A_929, %dma_wait3A_930] : memref<10000x128xf32, #tpu.memory_space<hbm>> -> memref<10000x128xf32, #tpu.memory_space<hbm>>
      tpu.wait_indirect_dma semaphore(%arg20 : memref<!tpu.dma_semaphore, #tpu.memory_space<semaphore_mem>>) src(%dma_wait3A_931 : memref<10000x128xf32, #tpu.memory_space<hbm>>) dst(%arg13 : memref<112x128xf32, #tpu.memory_space<vmem>>)
      %dma_start3A_932 = arith.constant 2 : i32
      %dma_start3A_933 = arith.constant 0 : i32
      %dma_start3A_934 = tpu.memref_slice %arg10[%dma_start3A_932, %dma_start3A_933] : memref<6x112xi32, #tpu.memory_space<vmem>> -> memref<1x112xi32, #tpu.memory_space<vmem>>
      %dma_start3A_935 = tpu.memref_squeeze %dma_start3A_934 : memref<1x112xi32, #tpu.memory_space<vmem>> -> memref<112xi32, #tpu.memory_space<vmem>>
      %dma_start3A_936 = arith.constant 0 : i32
      %dma_start3A_937 = arith.constant 0 : i32
      %dma_start3A_938 = tpu.memref_slice %arg6[%dma_start3A_936, %dma_start3A_937] : memref<10240x128xf32, #tpu.memory_space<vmem_shared>> -> memref<10240x128xf32, #tpu.memory_space<vmem_shared>>
      tpu.enqueue_indirect_dma source(%arg13 : memref<112x128xf32, #tpu.memory_space<vmem>>) target(%dma_start3A_938 : memref<10240x128xf32, #tpu.memory_space<vmem_shared>>) offsets(%dma_start3A_935 : memref<112xi32, #tpu.memory_space<vmem>>) semaphore(%arg23 : memref<!tpu.dma_semaphore, #tpu.memory_space<semaphore_mem>>) {add = true}
      %dma_wait3A_939 = arith.constant 0 : i32
      %dma_wait3A_940 = arith.constant 0 : i32
      %dma_wait3A_941 = tpu.memref_slice %arg9[%dma_wait3A_939, %dma_wait3A_940] : memref<6x112xi32, #tpu.memory_space<vmem>> -> memref<1x112xi32, #tpu.memory_space<vmem>>
      %dma_wait3A_942 = tpu.memref_squeeze %dma_wait3A_941 : memref<1x112xi32, #tpu.memory_space<vmem>> -> memref<112xi32, #tpu.memory_space<vmem>>
      %dma_wait3A_943 = arith.constant 0 : i32
      %dma_wait3A_944 = arith.constant 0 : i32
      %dma_wait3A_945 = tpu.memref_slice %arg6[%dma_wait3A_943, %dma_wait3A_944] : memref<10240x128xf32, #tpu.memory_space<vmem_shared>> -> memref<10240x128xf32, #tpu.memory_space<vmem_shared>>
      tpu.wait_indirect_dma semaphore(%arg22 : memref<!tpu.dma_semaphore, #tpu.memory_space<semaphore_mem>>) src(%arg12 : memref<112x128xf32, #tpu.memory_space<vmem>>) dst(%dma_wait3A_945 : memref<10240x128xf32, #tpu.memory_space<vmem_shared>>)
      %dma_start3A_946 = arith.constant 4 : i32
      %dma_start3A_947 = arith.constant 0 : i32
      %dma_start3A_948 = tpu.memref_slice %arg8[%dma_start3A_946, %dma_start3A_947] : memref<6x112xi32, #tpu.memory_space<vmem>> -> memref<1x112xi32, #tpu.memory_space<vmem>>
      %dma_start3A_949 = tpu.memref_squeeze %dma_start3A_948 : memref<1x112xi32, #tpu.memory_space<vmem>> -> memref<112xi32, #tpu.memory_space<vmem>>
      %dma_start3A_950 = arith.constant 0 : i32
      %dma_start3A_951 = arith.constant 0 : i32
      %dma_start3A_952 = tpu.memref_slice %arg2[%dma_start3A_950, %dma_start3A_951] : memref<10000x128xf32, #tpu.memory_space<hbm>> -> memref<10000x128xf32, #tpu.memory_space<hbm>>
      tpu.enqueue_indirect_dma source(%dma_start3A_952 : memref<10000x128xf32, #tpu.memory_space<hbm>>) target(%arg12 : memref<112x128xf32, #tpu.memory_space<vmem>>) offsets(%dma_start3A_949 : memref<112xi32, #tpu.memory_space<vmem>>) semaphore(%arg19 : memref<!tpu.dma_semaphore, #tpu.memory_space<semaphore_mem>>)
      %dma_wait3A_953 = arith.constant 0 : i32
      %dma_wait3A_954 = arith.constant 0 : i32
      %dma_wait3A_955 = tpu.memref_slice %arg7[%dma_wait3A_953, %dma_wait3A_954] : memref<6x112xi32, #tpu.memory_space<vmem>> -> memref<1x112xi32, #tpu.memory_space<vmem>>
      %dma_wait3A_956 = tpu.memref_squeeze %dma_wait3A_955 : memref<1x112xi32, #tpu.memory_space<vmem>> -> memref<112xi32, #tpu.memory_space<vmem>>
      %dma_wait3A_957 = arith.constant 0 : i32
      %dma_wait3A_958 = arith.constant 0 : i32
      %dma_wait3A_959 = tpu.memref_slice %arg2[%dma_wait3A_957, %dma_wait3A_958] : memref<10000x128xf32, #tpu.memory_space<hbm>> -> memref<10000x128xf32, #tpu.memory_space<hbm>>
      tpu.wait_indirect_dma semaphore(%arg18 : memref<!tpu.dma_semaphore, #tpu.memory_space<semaphore_mem>>) src(%dma_wait3A_959 : memref<10000x128xf32, #tpu.memory_space<hbm>>) dst(%arg11 : memref<112x128xf32, #tpu.memory_space<vmem>>)
      %dma_start3A_960 = arith.constant 3 : i32
      %dma_start3A_961 = arith.constant 0 : i32
      %dma_start3A_962 = tpu.memref_slice %arg10[%dma_start3A_960, %dma_start3A_961] : memref<6x112xi32, #tpu.memory_space<vmem>> -> memref<1x112xi32, #tpu.memory_space<vmem>>
      %dma_start3A_963 = tpu.memref_squeeze %dma_start3A_962 : memref<1x112xi32, #tpu.memory_space<vmem>> -> memref<112xi32, #tpu.memory_space<vmem>>
      %dma_start3A_964 = arith.constant 0 : i32
      %dma_start3A_965 = arith.constant 0 : i32
      %dma_start3A_966 = tpu.memref_slice %arg6[%dma_start3A_964, %dma_start3A_965] : memref<10240x128xf32, #tpu.memory_space<vmem_shared>> -> memref<10240x128xf32, #tpu.memory_space<vmem_shared>>
      tpu.enqueue_indirect_dma source(%arg11 : memref<112x128xf32, #tpu.memory_space<vmem>>) target(%dma_start3A_966 : memref<10240x128xf32, #tpu.memory_space<vmem_shared>>) offsets(%dma_start3A_963 : memref<112xi32, #tpu.memory_space<vmem>>) semaphore(%arg21 : memref<!tpu.dma_semaphore, #tpu.memory_space<semaphore_mem>>) {add = true}
      %dma_wait3A_967 = arith.constant 0 : i32
      %dma_wait3A_968 = arith.constant 0 : i32
      %dma_wait3A_969 = tpu.memref_slice %arg9[%dma_wait3A_967, %dma_wait3A_968] : memref<6x112xi32, #tpu.memory_space<vmem>> -> memref<1x112xi32, #tpu.memory_space<vmem>>
      %dma_wait3A_970 = tpu.memref_squeeze %dma_wait3A_969 : memref<1x112xi32, #tpu.memory_space<vmem>> -> memref<112xi32, #tpu.memory_space<vmem>>
      %dma_wait3A_971 = arith.constant 0 : i32
      %dma_wait3A_972 = arith.constant 0 : i32
      %dma_wait3A_973 = tpu.memref_slice %arg6[%dma_wait3A_971, %dma_wait3A_972] : memref<10240x128xf32, #tpu.memory_space<vmem_shared>> -> memref<10240x128xf32, #tpu.memory_space<vmem_shared>>
      tpu.wait_indirect_dma semaphore(%arg23 : memref<!tpu.dma_semaphore, #tpu.memory_space<semaphore_mem>>) src(%arg13 : memref<112x128xf32, #tpu.memory_space<vmem>>) dst(%dma_wait3A_973 : memref<10240x128xf32, #tpu.memory_space<vmem_shared>>)
      %dma_start3A_974 = arith.constant 5 : i32
      %dma_start3A_975 = arith.constant 0 : i32
      %dma_start3A_976 = tpu.memref_slice %arg8[%dma_start3A_974, %dma_start3A_975] : memref<6x112xi32, #tpu.memory_space<vmem>> -> memref<1x112xi32, #tpu.memory_space<vmem>>
      %dma_start3A_977 = tpu.memref_squeeze %dma_start3A_976 : memref<1x112xi32, #tpu.memory_space<vmem>> -> memref<112xi32, #tpu.memory_space<vmem>>
      %dma_start3A_978 = arith.constant 0 : i32
      %dma_start3A_979 = arith.constant 0 : i32
      %dma_start3A_980 = tpu.memref_slice %arg2[%dma_start3A_978, %dma_start3A_979] : memref<10000x128xf32, #tpu.memory_space<hbm>> -> memref<10000x128xf32, #tpu.memory_space<hbm>>
      tpu.enqueue_indirect_dma source(%dma_start3A_980 : memref<10000x128xf32, #tpu.memory_space<hbm>>) target(%arg13 : memref<112x128xf32, #tpu.memory_space<vmem>>) offsets(%dma_start3A_977 : memref<112xi32, #tpu.memory_space<vmem>>) semaphore(%arg20 : memref<!tpu.dma_semaphore, #tpu.memory_space<semaphore_mem>>)
      %dma_wait3A_981 = arith.constant 0 : i32
      %dma_wait3A_982 = arith.constant 0 : i32
      %dma_wait3A_983 = tpu.memref_slice %arg7[%dma_wait3A_981, %dma_wait3A_982] : memref<6x112xi32, #tpu.memory_space<vmem>> -> memref<1x112xi32, #tpu.memory_space<vmem>>
      %dma_wait3A_984 = tpu.memref_squeeze %dma_wait3A_983 : memref<1x112xi32, #tpu.memory_space<vmem>> -> memref<112xi32, #tpu.memory_space<vmem>>
      %dma_wait3A_985 = arith.constant 0 : i32
      %dma_wait3A_986 = arith.constant 0 : i32
      %dma_wait3A_987 = tpu.memref_slice %arg2[%dma_wait3A_985, %dma_wait3A_986] : memref<10000x128xf32, #tpu.memory_space<hbm>> -> memref<10000x128xf32, #tpu.memory_space<hbm>>
      tpu.wait_indirect_dma semaphore(%arg19 : memref<!tpu.dma_semaphore, #tpu.memory_space<semaphore_mem>>) src(%dma_wait3A_987 : memref<10000x128xf32, #tpu.memory_space<hbm>>) dst(%arg12 : memref<112x128xf32, #tpu.memory_space<vmem>>)
      %dma_start3A_988 = arith.constant 4 : i32
      %dma_start3A_989 = arith.constant 0 : i32
      %dma_start3A_990 = tpu.memref_slice %arg10[%dma_start3A_988, %dma_start3A_989] : memref<6x112xi32, #tpu.memory_space<vmem>> -> memref<1x112xi32, #tpu.memory_space<vmem>>
      %dma_start3A_991 = tpu.memref_squeeze %dma_start3A_990 : memref<1x112xi32, #tpu.memory_space<vmem>> -> memref<112xi32, #tpu.memory_space<vmem>>
      %dma_start3A_992 = arith.constant 0 : i32
      %dma_start3A_993 = arith.constant 0 : i32
      %dma_start3A_994 = tpu.memref_slice %arg6[%dma_start3A_992, %dma_start3A_993] : memref<10240x128xf32, #tpu.memory_space<vmem_shared>> -> memref<10240x128xf32, #tpu.memory_space<vmem_shared>>
      tpu.enqueue_indirect_dma source(%arg12 : memref<112x128xf32, #tpu.memory_space<vmem>>) target(%dma_start3A_994 : memref<10240x128xf32, #tpu.memory_space<vmem_shared>>) offsets(%dma_start3A_991 : memref<112xi32, #tpu.memory_space<vmem>>) semaphore(%arg22 : memref<!tpu.dma_semaphore, #tpu.memory_space<semaphore_mem>>) {add = true}
      %dma_wait3A_995 = arith.constant 0 : i32
      %dma_wait3A_996 = arith.constant 0 : i32
      %dma_wait3A_997 = tpu.memref_slice %arg9[%dma_wait3A_995, %dma_wait3A_996] : memref<6x112xi32, #tpu.memory_space<vmem>> -> memref<1x112xi32, #tpu.memory_space<vmem>>
      %dma_wait3A_998 = tpu.memref_squeeze %dma_wait3A_997 : memref<1x112xi32, #tpu.memory_space<vmem>> -> memref<112xi32, #tpu.memory_space<vmem>>
      %dma_wait3A_999 = arith.constant 0 : i32
      %dma_wait3A_1000 = arith.constant 0 : i32
      %dma_wait3A_1001 = tpu.memref_slice %arg6[%dma_wait3A_999, %dma_wait3A_1000] : memref<10240x128xf32, #tpu.memory_space<vmem_shared>> -> memref<10240x128xf32, #tpu.memory_space<vmem_shared>>
      tpu.wait_indirect_dma semaphore(%arg21 : memref<!tpu.dma_semaphore, #tpu.memory_space<semaphore_mem>>) src(%arg11 : memref<112x128xf32, #tpu.memory_space<vmem>>) dst(%dma_wait3A_1001 : memref<10240x128xf32, #tpu.memory_space<vmem_shared>>)
      %dma_wait3A_1002 = arith.constant 0 : i32
      %dma_wait3A_1003 = arith.constant 0 : i32
      %dma_wait3A_1004 = arith.constant 0 : i32
      %dma_wait3A_1005 = tpu.memref_slice %arg3[%add3A, %dma_wait3A_1002, %dma_wait3A_1003, %dma_wait3A_1004] : memref<32x15x6x112xi32, #tpu.memory_space<hbm>> -> memref<1x1x6x112xi32, #tpu.memory_space<hbm>>
      %dma_wait3A_1006 = tpu.memref_squeeze %dma_wait3A_1005 : memref<1x1x6x112xi32, #tpu.memory_space<hbm>> -> memref<6x112xi32, #tpu.memory_space<hbm>>
      %dma_wait3A_1007 = arith.constant 0 : i32
      %dma_wait3A_1008 = arith.constant 0 : i32
      %dma_wait3A_1009 = tpu.memref_slice %arg3[%add3A, %dma_wait3A_1002, %dma_wait3A_1007, %dma_wait3A_1008] : memref<32x15x6x112xi32, #tpu.memory_space<hbm>> -> memref<1x1x6x112xi32, #tpu.memory_space<hbm>>
      %dma_wait3A_1010 = tpu.memref_squeeze %dma_wait3A_1009 : memref<1x1x6x112xi32, #tpu.memory_space<hbm>> -> memref<6x112xi32, #tpu.memory_space<hbm>>
      tpu.wait_dma2 semaphore(%arg14 : memref<!tpu.dma_semaphore, #tpu.memory_space<semaphore_mem>>) src(%dma_wait3A_1010 : memref<6x112xi32, #tpu.memory_space<hbm>>) dst(%arg7 : memref<6x112xi32, #tpu.memory_space<vmem>>)
      %dma_wait3A_1011 = arith.constant 0 : i32
      %dma_wait3A_1012 = arith.constant 0 : i32
      %dma_wait3A_1013 = arith.constant 0 : i32
      %dma_wait3A_1014 = tpu.memref_slice %arg4[%add3A, %dma_wait3A_1011, %dma_wait3A_1012, %dma_wait3A_1013] : memref<32x15x6x112xi32, #tpu.memory_space<hbm>> -> memref<1x1x6x112xi32, #tpu.memory_space<hbm>>
      %dma_wait3A_1015 = tpu.memref_squeeze %dma_wait3A_1014 : memref<1x1x6x112xi32, #tpu.memory_space<hbm>> -> memref<6x112xi32, #tpu.memory_space<hbm>>
      %dma_wait3A_1016 = arith.constant 0 : i32
      %dma_wait3A_1017 = arith.constant 0 : i32
      %dma_wait3A_1018 = tpu.memref_slice %arg4[%add3A, %dma_wait3A_1011, %dma_wait3A_1016, %dma_wait3A_1017] : memref<32x15x6x112xi32, #tpu.memory_space<hbm>> -> memref<1x1x6x112xi32, #tpu.memory_space<hbm>>
      %dma_wait3A_1019 = tpu.memref_squeeze %dma_wait3A_1018 : memref<1x1x6x112xi32, #tpu.memory_space<hbm>> -> memref<6x112xi32, #tpu.memory_space<hbm>>
      tpu.wait_dma2 semaphore(%arg16 : memref<!tpu.dma_semaphore, #tpu.memory_space<semaphore_mem>>) src(%dma_wait3A_1019 : memref<6x112xi32, #tpu.memory_space<hbm>>) dst(%arg9 : memref<6x112xi32, #tpu.memory_space<vmem>>)
      %dma_start3A_1020 = arith.constant 0 : i32
      %dma_start3A_1021 = arith.constant 0 : i32
      %dma_start3A_1022 = tpu.memref_slice %arg7[%dma_start3A_1020, %dma_start3A_1021] : memref<6x112xi32, #tpu.memory_space<vmem>> -> memref<1x112xi32, #tpu.memory_space<vmem>>
      %dma_start3A_1023 = tpu.memref_squeeze %dma_start3A_1022 : memref<1x112xi32, #tpu.memory_space<vmem>> -> memref<112xi32, #tpu.memory_space<vmem>>
      %dma_start3A_1024 = arith.constant 0 : i32
      %dma_start3A_1025 = arith.constant 0 : i32
      %dma_start3A_1026 = tpu.memref_slice %arg2[%dma_start3A_1024, %dma_start3A_1025] : memref<10000x128xf32, #tpu.memory_space<hbm>> -> memref<10000x128xf32, #tpu.memory_space<hbm>>
      tpu.enqueue_indirect_dma source(%dma_start3A_1026 : memref<10000x128xf32, #tpu.memory_space<hbm>>) target(%arg11 : memref<112x128xf32, #tpu.memory_space<vmem>>) offsets(%dma_start3A_1023 : memref<112xi32, #tpu.memory_space<vmem>>) semaphore(%arg18 : memref<!tpu.dma_semaphore, #tpu.memory_space<semaphore_mem>>)
      %dma_wait3A_1027 = arith.constant 0 : i32
      %dma_wait3A_1028 = arith.constant 0 : i32
      %dma_wait3A_1029 = tpu.memref_slice %arg7[%dma_wait3A_1027, %dma_wait3A_1028] : memref<6x112xi32, #tpu.memory_space<vmem>> -> memref<1x112xi32, #tpu.memory_space<vmem>>
      %dma_wait3A_1030 = tpu.memref_squeeze %dma_wait3A_1029 : memref<1x112xi32, #tpu.memory_space<vmem>> -> memref<112xi32, #tpu.memory_space<vmem>>
      %dma_wait3A_1031 = arith.constant 0 : i32
      %dma_wait3A_1032 = arith.constant 0 : i32
      %dma_wait3A_1033 = tpu.memref_slice %arg2[%dma_wait3A_1031, %dma_wait3A_1032] : memref<10000x128xf32, #tpu.memory_space<hbm>> -> memref<10000x128xf32, #tpu.memory_space<hbm>>
      tpu.wait_indirect_dma semaphore(%arg20 : memref<!tpu.dma_semaphore, #tpu.memory_space<semaphore_mem>>) src(%dma_wait3A_1033 : memref<10000x128xf32, #tpu.memory_space<hbm>>) dst(%arg13 : memref<112x128xf32, #tpu.memory_space<vmem>>)
      %dma_start3A_1034 = arith.constant 5 : i32
      %dma_start3A_1035 = arith.constant 0 : i32
      %dma_start3A_1036 = tpu.memref_slice %arg10[%dma_start3A_1034, %dma_start3A_1035] : memref<6x112xi32, #tpu.memory_space<vmem>> -> memref<1x112xi32, #tpu.memory_space<vmem>>
      %dma_start3A_1037 = tpu.memref_squeeze %dma_start3A_1036 : memref<1x112xi32, #tpu.memory_space<vmem>> -> memref<112xi32, #tpu.memory_space<vmem>>
      %dma_start3A_1038 = arith.constant 0 : i32
      %dma_start3A_1039 = arith.constant 0 : i32
      %dma_start3A_1040 = tpu.memref_slice %arg6[%dma_start3A_1038, %dma_start3A_1039] : memref<10240x128xf32, #tpu.memory_space<vmem_shared>> -> memref<10240x128xf32, #tpu.memory_space<vmem_shared>>
      tpu.enqueue_indirect_dma source(%arg13 : memref<112x128xf32, #tpu.memory_space<vmem>>) target(%dma_start3A_1040 : memref<10240x128xf32, #tpu.memory_space<vmem_shared>>) offsets(%dma_start3A_1037 : memref<112xi32, #tpu.memory_space<vmem>>) semaphore(%arg23 : memref<!tpu.dma_semaphore, #tpu.memory_space<semaphore_mem>>) {add = true}
      %dma_wait3A_1041 = arith.constant 0 : i32
      %dma_wait3A_1042 = arith.constant 0 : i32
      %dma_wait3A_1043 = tpu.memref_slice %arg9[%dma_wait3A_1041, %dma_wait3A_1042] : memref<6x112xi32, #tpu.memory_space<vmem>> -> memref<1x112xi32, #tpu.memory_space<vmem>>
      %dma_wait3A_1044 = tpu.memref_squeeze %dma_wait3A_1043 : memref<1x112xi32, #tpu.memory_space<vmem>> -> memref<112xi32, #tpu.memory_space<vmem>>
      %dma_wait3A_1045 = arith.constant 0 : i32
      %dma_wait3A_1046 = arith.constant 0 : i32
      %dma_wait3A_1047 = tpu.memref_slice %arg6[%dma_wait3A_1045, %dma_wait3A_1046] : memref<10240x128xf32, #tpu.memory_space<vmem_shared>> -> memref<10240x128xf32, #tpu.memory_space<vmem_shared>>
      tpu.wait_indirect_dma semaphore(%arg22 : memref<!tpu.dma_semaphore, #tpu.memory_space<semaphore_mem>>) src(%arg12 : memref<112x128xf32, #tpu.memory_space<vmem>>) dst(%dma_wait3A_1047 : memref<10240x128xf32, #tpu.memory_space<vmem_shared>>)
      %dma_start3A_1048 = arith.constant 1 : i32
      %dma_start3A_1049 = arith.constant 0 : i32
      %dma_start3A_1050 = tpu.memref_slice %arg7[%dma_start3A_1048, %dma_start3A_1049] : memref<6x112xi32, #tpu.memory_space<vmem>> -> memref<1x112xi32, #tpu.memory_space<vmem>>
      %dma_start3A_1051 = tpu.memref_squeeze %dma_start3A_1050 : memref<1x112xi32, #tpu.memory_space<vmem>> -> memref<112xi32, #tpu.memory_space<vmem>>
      %dma_start3A_1052 = arith.constant 0 : i32
      %dma_start3A_1053 = arith.constant 0 : i32
      %dma_start3A_1054 = tpu.memref_slice %arg2[%dma_start3A_1052, %dma_start3A_1053] : memref<10000x128xf32, #tpu.memory_space<hbm>> -> memref<10000x128xf32, #tpu.memory_space<hbm>>
      tpu.enqueue_indirect_dma source(%dma_start3A_1054 : memref<10000x128xf32, #tpu.memory_space<hbm>>) target(%arg12 : memref<112x128xf32, #tpu.memory_space<vmem>>) offsets(%dma_start3A_1051 : memref<112xi32, #tpu.memory_space<vmem>>) semaphore(%arg19 : memref<!tpu.dma_semaphore, #tpu.memory_space<semaphore_mem>>)
    }
    %scan3A_475 = arith.constant 6 : i32
    %dma_wait3A_476 = arith.constant 0 : i32
    %dma_wait3A_477 = arith.constant 0 : i32
    %dma_wait3A_478 = tpu.memref_slice %arg7[%dma_wait3A_476, %dma_wait3A_477] : memref<6x112xi32, #tpu.memory_space<vmem>> -> memref<1x112xi32, #tpu.memory_space<vmem>>
    %dma_wait3A_479 = tpu.memref_squeeze %dma_wait3A_478 : memref<1x112xi32, #tpu.memory_space<vmem>> -> memref<112xi32, #tpu.memory_space<vmem>>
    %dma_wait3A_480 = arith.constant 0 : i32
    %dma_wait3A_481 = arith.constant 0 : i32
    %dma_wait3A_482 = tpu.memref_slice %arg2[%dma_wait3A_480, %dma_wait3A_481] : memref<10000x128xf32, #tpu.memory_space<hbm>> -> memref<10000x128xf32, #tpu.memory_space<hbm>>
    tpu.wait_indirect_dma semaphore(%arg18 : memref<!tpu.dma_semaphore, #tpu.memory_space<semaphore_mem>>) src(%dma_wait3A_482 : memref<10000x128xf32, #tpu.memory_space<hbm>>) dst(%arg11 : memref<112x128xf32, #tpu.memory_space<vmem>>)
    %dma_start3A_483 = arith.constant 0 : i32
    %dma_start3A_484 = arith.constant 0 : i32
    %dma_start3A_485 = tpu.memref_slice %arg9[%dma_start3A_483, %dma_start3A_484] : memref<6x112xi32, #tpu.memory_space<vmem>> -> memref<1x112xi32, #tpu.memory_space<vmem>>
    %dma_start3A_486 = tpu.memref_squeeze %dma_start3A_485 : memref<1x112xi32, #tpu.memory_space<vmem>> -> memref<112xi32, #tpu.memory_space<vmem>>
    %dma_start3A_487 = arith.constant 0 : i32
    %dma_start3A_488 = arith.constant 0 : i32
    %dma_start3A_489 = tpu.memref_slice %arg6[%dma_start3A_487, %dma_start3A_488] : memref<10240x128xf32, #tpu.memory_space<vmem_shared>> -> memref<10240x128xf32, #tpu.memory_space<vmem_shared>>
    tpu.enqueue_indirect_dma source(%arg11 : memref<112x128xf32, #tpu.memory_space<vmem>>) target(%dma_start3A_489 : memref<10240x128xf32, #tpu.memory_space<vmem_shared>>) offsets(%dma_start3A_486 : memref<112xi32, #tpu.memory_space<vmem>>) semaphore(%arg21 : memref<!tpu.dma_semaphore, #tpu.memory_space<semaphore_mem>>) {add = true}
    %dma_wait3A_490 = arith.constant 0 : i32
    %dma_wait3A_491 = arith.constant 0 : i32
    %dma_wait3A_492 = tpu.memref_slice %arg9[%dma_wait3A_490, %dma_wait3A_491] : memref<6x112xi32, #tpu.memory_space<vmem>> -> memref<1x112xi32, #tpu.memory_space<vmem>>
    %dma_wait3A_493 = tpu.memref_squeeze %dma_wait3A_492 : memref<1x112xi32, #tpu.memory_space<vmem>> -> memref<112xi32, #tpu.memory_space<vmem>>
    %dma_wait3A_494 = arith.constant 0 : i32
    %dma_wait3A_495 = arith.constant 0 : i32
    %dma_wait3A_496 = tpu.memref_slice %arg6[%dma_wait3A_494, %dma_wait3A_495] : memref<10240x128xf32, #tpu.memory_space<vmem_shared>> -> memref<10240x128xf32, #tpu.memory_space<vmem_shared>>
    tpu.wait_indirect_dma semaphore(%arg23 : memref<!tpu.dma_semaphore, #tpu.memory_space<semaphore_mem>>) src(%arg13 : memref<112x128xf32, #tpu.memory_space<vmem>>) dst(%dma_wait3A_496 : memref<10240x128xf32, #tpu.memory_space<vmem_shared>>)
    %dma_start3A_497 = arith.constant 2 : i32
    %dma_start3A_498 = arith.constant 0 : i32
    %dma_start3A_499 = tpu.memref_slice %arg7[%dma_start3A_497, %dma_start3A_498] : memref<6x112xi32, #tpu.memory_space<vmem>> -> memref<1x112xi32, #tpu.memory_space<vmem>>
    %dma_start3A_500 = tpu.memref_squeeze %dma_start3A_499 : memref<1x112xi32, #tpu.memory_space<vmem>> -> memref<112xi32, #tpu.memory_space<vmem>>
    %dma_start3A_501 = arith.constant 0 : i32
    %dma_start3A_502 = arith.constant 0 : i32
    %dma_start3A_503 = tpu.memref_slice %arg2[%dma_start3A_501, %dma_start3A_502] : memref<10000x128xf32, #tpu.memory_space<hbm>> -> memref<10000x128xf32, #tpu.memory_space<hbm>>
    tpu.enqueue_indirect_dma source(%dma_start3A_503 : memref<10000x128xf32, #tpu.memory_space<hbm>>) target(%arg13 : memref<112x128xf32, #tpu.memory_space<vmem>>) offsets(%dma_start3A_500 : memref<112xi32, #tpu.memory_space<vmem>>) semaphore(%arg20 : memref<!tpu.dma_semaphore, #tpu.memory_space<semaphore_mem>>)
    %dma_wait3A_504 = arith.constant 0 : i32
    %dma_wait3A_505 = arith.constant 0 : i32
    %dma_wait3A_506 = tpu.memref_slice %arg7[%dma_wait3A_504, %dma_wait3A_505] : memref<6x112xi32, #tpu.memory_space<vmem>> -> memref<1x112xi32, #tpu.memory_space<vmem>>
    %dma_wait3A_507 = tpu.memref_squeeze %dma_wait3A_506 : memref<1x112xi32, #tpu.memory_space<vmem>> -> memref<112xi32, #tpu.memory_space<vmem>>
    %dma_wait3A_508 = arith.constant 0 : i32
    %dma_wait3A_509 = arith.constant 0 : i32
    %dma_wait3A_510 = tpu.memref_slice %arg2[%dma_wait3A_508, %dma_wait3A_509] : memref<10000x128xf32, #tpu.memory_space<hbm>> -> memref<10000x128xf32, #tpu.memory_space<hbm>>
    tpu.wait_indirect_dma semaphore(%arg19 : memref<!tpu.dma_semaphore, #tpu.memory_space<semaphore_mem>>) src(%dma_wait3A_510 : memref<10000x128xf32, #tpu.memory_space<hbm>>) dst(%arg12 : memref<112x128xf32, #tpu.memory_space<vmem>>)
    %dma_start3A_511 = arith.constant 1 : i32
    %dma_start3A_512 = arith.constant 0 : i32
    %dma_start3A_513 = tpu.memref_slice %arg9[%dma_start3A_511, %dma_start3A_512] : memref<6x112xi32, #tpu.memory_space<vmem>> -> memref<1x112xi32, #tpu.memory_space<vmem>>
    %dma_start3A_514 = tpu.memref_squeeze %dma_start3A_513 : memref<1x112xi32, #tpu.memory_space<vmem>> -> memref<112xi32, #tpu.memory_space<vmem>>
    %dma_start3A_515 = arith.constant 0 : i32
    %dma_start3A_516 = arith.constant 0 : i32
    %dma_start3A_517 = tpu.memref_slice %arg6[%dma_start3A_515, %dma_start3A_516] : memref<10240x128xf32, #tpu.memory_space<vmem_shared>> -> memref<10240x128xf32, #tpu.memory_space<vmem_shared>>
    tpu.enqueue_indirect_dma source(%arg12 : memref<112x128xf32, #tpu.memory_space<vmem>>) target(%dma_start3A_517 : memref<10240x128xf32, #tpu.memory_space<vmem_shared>>) offsets(%dma_start3A_514 : memref<112xi32, #tpu.memory_space<vmem>>) semaphore(%arg22 : memref<!tpu.dma_semaphore, #tpu.memory_space<semaphore_mem>>) {add = true}
    %dma_wait3A_518 = arith.constant 0 : i32
    %dma_wait3A_519 = arith.constant 0 : i32
    %dma_wait3A_520 = tpu.memref_slice %arg9[%dma_wait3A_518, %dma_wait3A_519] : memref<6x112xi32, #tpu.memory_space<vmem>> -> memref<1x112xi32, #tpu.memory_space<vmem>>
    %dma_wait3A_521 = tpu.memref_squeeze %dma_wait3A_520 : memref<1x112xi32, #tpu.memory_space<vmem>> -> memref<112xi32, #tpu.memory_space<vmem>>
    %dma_wait3A_522 = arith.constant 0 : i32
    %dma_wait3A_523 = arith.constant 0 : i32
    %dma_wait3A_524 = tpu.memref_slice %arg6[%dma_wait3A_522, %dma_wait3A_523] : memref<10240x128xf32, #tpu.memory_space<vmem_shared>> -> memref<10240x128xf32, #tpu.memory_space<vmem_shared>>
    tpu.wait_indirect_dma semaphore(%arg21 : memref<!tpu.dma_semaphore, #tpu.memory_space<semaphore_mem>>) src(%arg11 : memref<112x128xf32, #tpu.memory_space<vmem>>) dst(%dma_wait3A_524 : memref<10240x128xf32, #tpu.memory_space<vmem_shared>>)
    %dma_start3A_525 = arith.constant 3 : i32
    %dma_start3A_526 = arith.constant 0 : i32
    %dma_start3A_527 = tpu.memref_slice %arg7[%dma_start3A_525, %dma_start3A_526] : memref<6x112xi32, #tpu.memory_space<vmem>> -> memref<1x112xi32, #tpu.memory_space<vmem>>
    %dma_start3A_528 = tpu.memref_squeeze %dma_start3A_527 : memref<1x112xi32, #tpu.memory_space<vmem>> -> memref<112xi32, #tpu.memory_space<vmem>>
    %dma_start3A_529 = arith.constant 0 : i32
    %dma_start3A_530 = arith.constant 0 : i32
    %dma_start3A_531 = tpu.memref_slice %arg2[%dma_start3A_529, %dma_start3A_530] : memref<10000x128xf32, #tpu.memory_space<hbm>> -> memref<10000x128xf32, #tpu.memory_space<hbm>>
    tpu.enqueue_indirect_dma source(%dma_start3A_531 : memref<10000x128xf32, #tpu.memory_space<hbm>>) target(%arg11 : memref<112x128xf32, #tpu.memory_space<vmem>>) offsets(%dma_start3A_528 : memref<112xi32, #tpu.memory_space<vmem>>) semaphore(%arg18 : memref<!tpu.dma_semaphore, #tpu.memory_space<semaphore_mem>>)
    %dma_wait3A_532 = arith.constant 0 : i32
    %dma_wait3A_533 = arith.constant 0 : i32
    %dma_wait3A_534 = tpu.memref_slice %arg7[%dma_wait3A_532, %dma_wait3A_533] : memref<6x112xi32, #tpu.memory_space<vmem>> -> memref<1x112xi32, #tpu.memory_space<vmem>>
    %dma_wait3A_535 = tpu.memref_squeeze %dma_wait3A_534 : memref<1x112xi32, #tpu.memory_space<vmem>> -> memref<112xi32, #tpu.memory_space<vmem>>
    %dma_wait3A_536 = arith.constant 0 : i32
    %dma_wait3A_537 = arith.constant 0 : i32
    %dma_wait3A_538 = tpu.memref_slice %arg2[%dma_wait3A_536, %dma_wait3A_537] : memref<10000x128xf32, #tpu.memory_space<hbm>> -> memref<10000x128xf32, #tpu.memory_space<hbm>>
    tpu.wait_indirect_dma semaphore(%arg20 : memref<!tpu.dma_semaphore, #tpu.memory_space<semaphore_mem>>) src(%dma_wait3A_538 : memref<10000x128xf32, #tpu.memory_space<hbm>>) dst(%arg13 : memref<112x128xf32, #tpu.memory_space<vmem>>)
    %dma_start3A_539 = arith.constant 2 : i32
    %dma_start3A_540 = arith.constant 0 : i32
    %dma_start3A_541 = tpu.memref_slice %arg9[%dma_start3A_539, %dma_start3A_540] : memref<6x112xi32, #tpu.memory_space<vmem>> -> memref<1x112xi32, #tpu.memory_space<vmem>>
    %dma_start3A_542 = tpu.memref_squeeze %dma_start3A_541 : memref<1x112xi32, #tpu.memory_space<vmem>> -> memref<112xi32, #tpu.memory_space<vmem>>
    %dma_start3A_543 = arith.constant 0 : i32
    %dma_start3A_544 = arith.constant 0 : i32
    %dma_start3A_545 = tpu.memref_slice %arg6[%dma_start3A_543, %dma_start3A_544] : memref<10240x128xf32, #tpu.memory_space<vmem_shared>> -> memref<10240x128xf32, #tpu.memory_space<vmem_shared>>
    tpu.enqueue_indirect_dma source(%arg13 : memref<112x128xf32, #tpu.memory_space<vmem>>) target(%dma_start3A_545 : memref<10240x128xf32, #tpu.memory_space<vmem_shared>>) offsets(%dma_start3A_542 : memref<112xi32, #tpu.memory_space<vmem>>) semaphore(%arg23 : memref<!tpu.dma_semaphore, #tpu.memory_space<semaphore_mem>>) {add = true}
    %dma_wait3A_546 = arith.constant 0 : i32
    %dma_wait3A_547 = arith.constant 0 : i32
    %dma_wait3A_548 = tpu.memref_slice %arg9[%dma_wait3A_546, %dma_wait3A_547] : memref<6x112xi32, #tpu.memory_space<vmem>> -> memref<1x112xi32, #tpu.memory_space<vmem>>
    %dma_wait3A_549 = tpu.memref_squeeze %dma_wait3A_548 : memref<1x112xi32, #tpu.memory_space<vmem>> -> memref<112xi32, #tpu.memory_space<vmem>>
    %dma_wait3A_550 = arith.constant 0 : i32
    %dma_wait3A_551 = arith.constant 0 : i32
    %dma_wait3A_552 = tpu.memref_slice %arg6[%dma_wait3A_550, %dma_wait3A_551] : memref<10240x128xf32, #tpu.memory_space<vmem_shared>> -> memref<10240x128xf32, #tpu.memory_space<vmem_shared>>
    tpu.wait_indirect_dma semaphore(%arg22 : memref<!tpu.dma_semaphore, #tpu.memory_space<semaphore_mem>>) src(%arg12 : memref<112x128xf32, #tpu.memory_space<vmem>>) dst(%dma_wait3A_552 : memref<10240x128xf32, #tpu.memory_space<vmem_shared>>)
    %dma_start3A_553 = arith.constant 4 : i32
    %dma_start3A_554 = arith.constant 0 : i32
    %dma_start3A_555 = tpu.memref_slice %arg7[%dma_start3A_553, %dma_start3A_554] : memref<6x112xi32, #tpu.memory_space<vmem>> -> memref<1x112xi32, #tpu.memory_space<vmem>>
    %dma_start3A_556 = tpu.memref_squeeze %dma_start3A_555 : memref<1x112xi32, #tpu.memory_space<vmem>> -> memref<112xi32, #tpu.memory_space<vmem>>
    %dma_start3A_557 = arith.constant 0 : i32
    %dma_start3A_558 = arith.constant 0 : i32
    %dma_start3A_559 = tpu.memref_slice %arg2[%dma_start3A_557, %dma_start3A_558] : memref<10000x128xf32, #tpu.memory_space<hbm>> -> memref<10000x128xf32, #tpu.memory_space<hbm>>
    tpu.enqueue_indirect_dma source(%dma_start3A_559 : memref<10000x128xf32, #tpu.memory_space<hbm>>) target(%arg12 : memref<112x128xf32, #tpu.memory_space<vmem>>) offsets(%dma_start3A_556 : memref<112xi32, #tpu.memory_space<vmem>>) semaphore(%arg19 : memref<!tpu.dma_semaphore, #tpu.memory_space<semaphore_mem>>)
    %dma_wait3A_560 = arith.constant 0 : i32
    %dma_wait3A_561 = arith.constant 0 : i32
    %dma_wait3A_562 = tpu.memref_slice %arg7[%dma_wait3A_560, %dma_wait3A_561] : memref<6x112xi32, #tpu.memory_space<vmem>> -> memref<1x112xi32, #tpu.memory_space<vmem>>
    %dma_wait3A_563 = tpu.memref_squeeze %dma_wait3A_562 : memref<1x112xi32, #tpu.memory_space<vmem>> -> memref<112xi32, #tpu.memory_space<vmem>>
    %dma_wait3A_564 = arith.constant 0 : i32
    %dma_wait3A_565 = arith.constant 0 : i32
    %dma_wait3A_566 = tpu.memref_slice %arg2[%dma_wait3A_564, %dma_wait3A_565] : memref<10000x128xf32, #tpu.memory_space<hbm>> -> memref<10000x128xf32, #tpu.memory_space<hbm>>
    tpu.wait_indirect_dma semaphore(%arg18 : memref<!tpu.dma_semaphore, #tpu.memory_space<semaphore_mem>>) src(%dma_wait3A_566 : memref<10000x128xf32, #tpu.memory_space<hbm>>) dst(%arg11 : memref<112x128xf32, #tpu.memory_space<vmem>>)
    %dma_start3A_567 = arith.constant 3 : i32
    %dma_start3A_568 = arith.constant 0 : i32
    %dma_start3A_569 = tpu.memref_slice %arg9[%dma_start3A_567, %dma_start3A_568] : memref<6x112xi32, #tpu.memory_space<vmem>> -> memref<1x112xi32, #tpu.memory_space<vmem>>
    %dma_start3A_570 = tpu.memref_squeeze %dma_start3A_569 : memref<1x112xi32, #tpu.memory_space<vmem>> -> memref<112xi32, #tpu.memory_space<vmem>>
    %dma_start3A_571 = arith.constant 0 : i32
    %dma_start3A_572 = arith.constant 0 : i32
    %dma_start3A_573 = tpu.memref_slice %arg6[%dma_start3A_571, %dma_start3A_572] : memref<10240x128xf32, #tpu.memory_space<vmem_shared>> -> memref<10240x128xf32, #tpu.memory_space<vmem_shared>>
    tpu.enqueue_indirect_dma source(%arg11 : memref<112x128xf32, #tpu.memory_space<vmem>>) target(%dma_start3A_573 : memref<10240x128xf32, #tpu.memory_space<vmem_shared>>) offsets(%dma_start3A_570 : memref<112xi32, #tpu.memory_space<vmem>>) semaphore(%arg21 : memref<!tpu.dma_semaphore, #tpu.memory_space<semaphore_mem>>) {add = true}
    %dma_wait3A_574 = arith.constant 0 : i32
    %dma_wait3A_575 = arith.constant 0 : i32
    %dma_wait3A_576 = tpu.memref_slice %arg9[%dma_wait3A_574, %dma_wait3A_575] : memref<6x112xi32, #tpu.memory_space<vmem>> -> memref<1x112xi32, #tpu.memory_space<vmem>>
    %dma_wait3A_577 = tpu.memref_squeeze %dma_wait3A_576 : memref<1x112xi32, #tpu.memory_space<vmem>> -> memref<112xi32, #tpu.memory_space<vmem>>
    %dma_wait3A_578 = arith.constant 0 : i32
    %dma_wait3A_579 = arith.constant 0 : i32
    %dma_wait3A_580 = tpu.memref_slice %arg6[%dma_wait3A_578, %dma_wait3A_579] : memref<10240x128xf32, #tpu.memory_space<vmem_shared>> -> memref<10240x128xf32, #tpu.memory_space<vmem_shared>>
    tpu.wait_indirect_dma semaphore(%arg23 : memref<!tpu.dma_semaphore, #tpu.memory_space<semaphore_mem>>) src(%arg13 : memref<112x128xf32, #tpu.memory_space<vmem>>) dst(%dma_wait3A_580 : memref<10240x128xf32, #tpu.memory_space<vmem_shared>>)
    %dma_start3A_581 = arith.constant 5 : i32
    %dma_start3A_582 = arith.constant 0 : i32
    %dma_start3A_583 = tpu.memref_slice %arg7[%dma_start3A_581, %dma_start3A_582] : memref<6x112xi32, #tpu.memory_space<vmem>> -> memref<1x112xi32, #tpu.memory_space<vmem>>
    %dma_start3A_584 = tpu.memref_squeeze %dma_start3A_583 : memref<1x112xi32, #tpu.memory_space<vmem>> -> memref<112xi32, #tpu.memory_space<vmem>>
    %dma_start3A_585 = arith.constant 0 : i32
    %dma_start3A_586 = arith.constant 0 : i32
    %dma_start3A_587 = tpu.memref_slice %arg2[%dma_start3A_585, %dma_start3A_586] : memref<10000x128xf32, #tpu.memory_space<hbm>> -> memref<10000x128xf32, #tpu.memory_space<hbm>>
    tpu.enqueue_indirect_dma source(%dma_start3A_587 : memref<10000x128xf32, #tpu.memory_space<hbm>>) target(%arg13 : memref<112x128xf32, #tpu.memory_space<vmem>>) offsets(%dma_start3A_584 : memref<112xi32, #tpu.memory_space<vmem>>) semaphore(%arg20 : memref<!tpu.dma_semaphore, #tpu.memory_space<semaphore_mem>>)
    %dma_wait3A_588 = arith.constant 0 : i32
    %dma_wait3A_589 = arith.constant 0 : i32
    %dma_wait3A_590 = tpu.memref_slice %arg7[%dma_wait3A_588, %dma_wait3A_589] : memref<6x112xi32, #tpu.memory_space<vmem>> -> memref<1x112xi32, #tpu.memory_space<vmem>>
    %dma_wait3A_591 = tpu.memref_squeeze %dma_wait3A_590 : memref<1x112xi32, #tpu.memory_space<vmem>> -> memref<112xi32, #tpu.memory_space<vmem>>
    %dma_wait3A_592 = arith.constant 0 : i32
    %dma_wait3A_593 = arith.constant 0 : i32
    %dma_wait3A_594 = tpu.memref_slice %arg2[%dma_wait3A_592, %dma_wait3A_593] : memref<10000x128xf32, #tpu.memory_space<hbm>> -> memref<10000x128xf32, #tpu.memory_space<hbm>>
    tpu.wait_indirect_dma semaphore(%arg19 : memref<!tpu.dma_semaphore, #tpu.memory_space<semaphore_mem>>) src(%dma_wait3A_594 : memref<10000x128xf32, #tpu.memory_space<hbm>>) dst(%arg12 : memref<112x128xf32, #tpu.memory_space<vmem>>)
    %dma_start3A_595 = arith.constant 4 : i32
    %dma_start3A_596 = arith.constant 0 : i32
    %dma_start3A_597 = tpu.memref_slice %arg9[%dma_start3A_595, %dma_start3A_596] : memref<6x112xi32, #tpu.memory_space<vmem>> -> memref<1x112xi32, #tpu.memory_space<vmem>>
    %dma_start3A_598 = tpu.memref_squeeze %dma_start3A_597 : memref<1x112xi32, #tpu.memory_space<vmem>> -> memref<112xi32, #tpu.memory_space<vmem>>
    %dma_start3A_599 = arith.constant 0 : i32
    %dma_start3A_600 = arith.constant 0 : i32
    %dma_start3A_601 = tpu.memref_slice %arg6[%dma_start3A_599, %dma_start3A_600] : memref<10240x128xf32, #tpu.memory_space<vmem_shared>> -> memref<10240x128xf32, #tpu.memory_space<vmem_shared>>
    tpu.enqueue_indirect_dma source(%arg12 : memref<112x128xf32, #tpu.memory_space<vmem>>) target(%dma_start3A_601 : memref<10240x128xf32, #tpu.memory_space<vmem_shared>>) offsets(%dma_start3A_598 : memref<112xi32, #tpu.memory_space<vmem>>) semaphore(%arg22 : memref<!tpu.dma_semaphore, #tpu.memory_space<semaphore_mem>>) {add = true}
    %dma_wait3A_602 = arith.constant 0 : i32
    %dma_wait3A_603 = arith.constant 0 : i32
    %dma_wait3A_604 = tpu.memref_slice %arg9[%dma_wait3A_602, %dma_wait3A_603] : memref<6x112xi32, #tpu.memory_space<vmem>> -> memref<1x112xi32, #tpu.memory_space<vmem>>
    %dma_wait3A_605 = tpu.memref_squeeze %dma_wait3A_604 : memref<1x112xi32, #tpu.memory_space<vmem>> -> memref<112xi32, #tpu.memory_space<vmem>>
    %dma_wait3A_606 = arith.constant 0 : i32
    %dma_wait3A_607 = arith.constant 0 : i32
    %dma_wait3A_608 = tpu.memref_slice %arg6[%dma_wait3A_606, %dma_wait3A_607] : memref<10240x128xf32, #tpu.memory_space<vmem_shared>> -> memref<10240x128xf32, #tpu.memory_space<vmem_shared>>
    tpu.wait_indirect_dma semaphore(%arg21 : memref<!tpu.dma_semaphore, #tpu.memory_space<semaphore_mem>>) src(%arg11 : memref<112x128xf32, #tpu.memory_space<vmem>>) dst(%dma_wait3A_608 : memref<10240x128xf32, #tpu.memory_space<vmem_shared>>)
    %dma_wait3A_609 = arith.constant 0 : i32
    %dma_wait3A_610 = arith.constant 0 : i32
    %dma_wait3A_611 = tpu.memref_slice %arg7[%dma_wait3A_609, %dma_wait3A_610] : memref<6x112xi32, #tpu.memory_space<vmem>> -> memref<1x112xi32, #tpu.memory_space<vmem>>
    %dma_wait3A_612 = tpu.memref_squeeze %dma_wait3A_611 : memref<1x112xi32, #tpu.memory_space<vmem>> -> memref<112xi32, #tpu.memory_space<vmem>>
    %dma_wait3A_613 = arith.constant 0 : i32
    %dma_wait3A_614 = arith.constant 0 : i32
    %dma_wait3A_615 = tpu.memref_slice %arg2[%dma_wait3A_613, %dma_wait3A_614] : memref<10000x128xf32, #tpu.memory_space<hbm>> -> memref<10000x128xf32, #tpu.memory_space<hbm>>
    tpu.wait_indirect_dma semaphore(%arg20 : memref<!tpu.dma_semaphore, #tpu.memory_space<semaphore_mem>>) src(%dma_wait3A_615 : memref<10000x128xf32, #tpu.memory_space<hbm>>) dst(%arg13 : memref<112x128xf32, #tpu.memory_space<vmem>>)
    %dma_start3A_616 = arith.constant 5 : i32
    %dma_start3A_617 = arith.constant 0 : i32
    %dma_start3A_618 = tpu.memref_slice %arg9[%dma_start3A_616, %dma_start3A_617] : memref<6x112xi32, #tpu.memory_space<vmem>> -> memref<1x112xi32, #tpu.memory_space<vmem>>
    %dma_start3A_619 = tpu.memref_squeeze %dma_start3A_618 : memref<1x112xi32, #tpu.memory_space<vmem>> -> memref<112xi32, #tpu.memory_space<vmem>>
    %dma_start3A_620 = arith.constant 0 : i32
    %dma_start3A_621 = arith.constant 0 : i32
    %dma_start3A_622 = tpu.memref_slice %arg6[%dma_start3A_620, %dma_start3A_621] : memref<10240x128xf32, #tpu.memory_space<vmem_shared>> -> memref<10240x128xf32, #tpu.memory_space<vmem_shared>>
    tpu.enqueue_indirect_dma source(%arg13 : memref<112x128xf32, #tpu.memory_space<vmem>>) target(%dma_start3A_622 : memref<10240x128xf32, #tpu.memory_space<vmem_shared>>) offsets(%dma_start3A_619 : memref<112xi32, #tpu.memory_space<vmem>>) semaphore(%arg23 : memref<!tpu.dma_semaphore, #tpu.memory_space<semaphore_mem>>) {add = true}
    %dma_wait3A_623 = arith.constant 0 : i32
    %dma_wait3A_624 = arith.constant 0 : i32
    %dma_wait3A_625 = tpu.memref_slice %arg9[%dma_wait3A_623, %dma_wait3A_624] : memref<6x112xi32, #tpu.memory_space<vmem>> -> memref<1x112xi32, #tpu.memory_space<vmem>>
    %dma_wait3A_626 = tpu.memref_squeeze %dma_wait3A_625 : memref<1x112xi32, #tpu.memory_space<vmem>> -> memref<112xi32, #tpu.memory_space<vmem>>
    %dma_wait3A_627 = arith.constant 0 : i32
    %dma_wait3A_628 = arith.constant 0 : i32
    %dma_wait3A_629 = tpu.memref_slice %arg6[%dma_wait3A_627, %dma_wait3A_628] : memref<10240x128xf32, #tpu.memory_space<vmem_shared>> -> memref<10240x128xf32, #tpu.memory_space<vmem_shared>>
    tpu.wait_indirect_dma semaphore(%arg22 : memref<!tpu.dma_semaphore, #tpu.memory_space<semaphore_mem>>) src(%arg12 : memref<112x128xf32, #tpu.memory_space<vmem>>) dst(%dma_wait3A_629 : memref<10240x128xf32, #tpu.memory_space<vmem_shared>>)
    %dma_wait3A_630 = arith.constant 0 : i32
    %dma_wait3A_631 = arith.constant 0 : i32
    %dma_wait3A_632 = tpu.memref_slice %arg9[%dma_wait3A_630, %dma_wait3A_631] : memref<6x112xi32, #tpu.memory_space<vmem>> -> memref<1x112xi32, #tpu.memory_space<vmem>>
    %dma_wait3A_633 = tpu.memref_squeeze %dma_wait3A_632 : memref<1x112xi32, #tpu.memory_space<vmem>> -> memref<112xi32, #tpu.memory_space<vmem>>
    %dma_wait3A_634 = arith.constant 0 : i32
    %dma_wait3A_635 = arith.constant 0 : i32
    %dma_wait3A_636 = tpu.memref_slice %arg6[%dma_wait3A_634, %dma_wait3A_635] : memref<10240x128xf32, #tpu.memory_space<vmem_shared>> -> memref<10240x128xf32, #tpu.memory_space<vmem_shared>>
    tpu.wait_indirect_dma semaphore(%arg23 : memref<!tpu.dma_semaphore, #tpu.memory_space<semaphore_mem>>) src(%arg13 : memref<112x128xf32, #tpu.memory_space<vmem>>) dst(%dma_wait3A_636 : memref<10240x128xf32, #tpu.memory_space<vmem_shared>>)
    %barrier3A_637 = arith.constant 0 : index
    tpu.barrier barrier_id(%barrier3A_637)
    "tpu.region"() ({
      %run_scoped3A = tpu.sem_alloc : memref<!tpu.dma_semaphore, #tpu.memory_space<semaphore_mem>>
      %dma_start3A_638 = arith.constant 0 : i32
      %dma_start3A_639 = tpu.memref_slice %arg5[%arg0, %mul3A_2, %dma_start3A_638] : memref<2x10240x128xf32, #tpu.memory_space<hbm>> -> memref<1x640x128xf32, #tpu.memory_space<hbm>>
      %dma_start3A_640 = tpu.memref_squeeze %dma_start3A_639 : memref<1x640x128xf32, #tpu.memory_space<hbm>> -> memref<640x128xf32, #tpu.memory_space<hbm>>
      %dma_start3A_641 = arith.constant 0 : i32
      %dma_start3A_642 = tpu.memref_slice %arg6[%mul3A_2, %dma_start3A_641] : memref<10240x128xf32, #tpu.memory_space<vmem_shared>> -> memref<640x128xf32, #tpu.memory_space<vmem_shared>>
      tpu.enqueue_dma source(%dma_start3A_642 : memref<640x128xf32, #tpu.memory_space<vmem_shared>>) target(%dma_start3A_640 : memref<640x128xf32, #tpu.memory_space<hbm>>) target_semaphore(%run_scoped3A : memref<!tpu.dma_semaphore, #tpu.memory_space<semaphore_mem>>)
      %dma_wait3A_643 = arith.constant 0 : i32
      %dma_wait3A_644 = tpu.memref_slice %arg5[%arg0, %mul3A_2, %dma_wait3A_643] : memref<2x10240x128xf32, #tpu.memory_space<hbm>> -> memref<1x640x128xf32, #tpu.memory_space<hbm>>
      %dma_wait3A_645 = tpu.memref_squeeze %dma_wait3A_644 : memref<1x640x128xf32, #tpu.memory_space<hbm>> -> memref<640x128xf32, #tpu.memory_space<hbm>>
      %dma_wait3A_646 = arith.constant 0 : i32
      %dma_wait3A_647 = tpu.memref_slice %arg6[%mul3A_2, %dma_wait3A_646] : memref<10240x128xf32, #tpu.memory_space<vmem_shared>> -> memref<640x128xf32, #tpu.memory_space<vmem_shared>>
      tpu.wait_dma2 semaphore(%run_scoped3A : memref<!tpu.dma_semaphore, #tpu.memory_space<semaphore_mem>>) src(%dma_wait3A_647 : memref<640x128xf32, #tpu.memory_space<vmem_shared>>) dst(%dma_wait3A_645 : memref<640x128xf32, #tpu.memory_space<hbm>>)
      tpu.yield
    }) : () -> ()
    return
  }
}

#map = affine_map<(d0, d1) -> (0, 0)>
#map1 = affine_map<(d0, d1) -> (0, 0, 0, 0)>
#map2 = affine_map<(d0, d1) -> (0, 0, 0)>
module attributes {stable_mosaic.version = 14 : i64} {
  func.func @k(%arg0: i32, %arg1: i32, %arg2: memref<10000x128xf32, #tpu.memory_space<hbm>>, %arg3: memref<32x15x6x112xi32, #tpu.memory_space<hbm>>, %arg4: memref<32x15x6x112xi32, #tpu.memory_space<hbm>>, %arg5: memref<2x10240x128xf32, #tpu.memory_space<hbm>>, %arg6: memref<10240x128xf32, #tpu.memory_space<vmem_shared>>, %arg7: memref<6x112xi32, #tpu.memory_space<vmem>>, %arg8: memref<6x112xi32, #tpu.memory_space<vmem>>, %arg9: memref<6x112xi32, #tpu.memory_space<vmem>>, %arg10: memref<6x112xi32, #tpu.memory_space<vmem>>, %arg11: memref<112x128xf32, #tpu.memory_space<vmem>>, %arg12: memref<112x128xf32, #tpu.memory_space<vmem>>, %arg13: memref<112x128xf32, #tpu.memory_space<vmem>>, %arg14: memref<!tpu.dma_semaphore, #tpu.memory_space<semaphore_mem>>, %arg15: memref<!tpu.dma_semaphore, #tpu.memory_space<semaphore_mem>>, %arg16: memref<!tpu.dma_semaphore, #tpu.memory_space<semaphore_mem>>, %arg17: memref<!tpu.dma_semaphore, #tpu.memory_space<semaphore_mem>>, %arg18: memref<!tpu.dma_semaphore, #tpu.memory_space<semaphore_mem>>, %arg19: memref<!tpu.dma_semaphore, #tpu.memory_space<semaphore_mem>>, %arg20: memref<!tpu.dma_semaphore, #tpu.memory_space<semaphore_mem>>, %arg21: memref<!tpu.dma_semaphore, #tpu.memory_space<semaphore_mem>>, %arg22: memref<!tpu.dma_semaphore, #tpu.memory_space<semaphore_mem>>, %arg23: memref<!tpu.dma_semaphore, #tpu.memory_space<semaphore_mem>>) attributes {dimension_semantics = [#tpu.dimension_semantics<core_parallel>, #tpu.dimension_semantics<subcore_parallel>], iteration_bounds = array<i64: 2, 16>, scalar_prefetch = 0 : i64, scratch_operands = 18 : i64, tpu.core_type = #tpu.core_type<sc_vector_subcore>, window_params = [{transform_indices = #map}, {transform_indices = #map1}, {transform_indices = #map1}, {transform_indices = #map2}]} {
    %mul3A = arith.constant 16 : i32
    %mul3A_0 = arith.muli %arg0, %mul3A : i32
    %add3A = arith.addi %mul3A_0, %arg1 : i32
    %mul3A_1 = arith.constant 640 : i32
    %mul3A_2 = arith.muli %arg1, %mul3A_1 : i32
    %dma_start3A = arith.constant 0 : i32
    %dma_start3A_3 = arith.constant 0 : i32
    %dma_start3A_4 = arith.constant 0 : i32
    %dma_start3A_5 = tpu.memref_slice %arg3[%add3A, %dma_start3A, %dma_start3A_3, %dma_start3A_4] : memref<32x15x6x112xi32, #tpu.memory_space<hbm>> -> memref<1x1x6x112xi32, #tpu.memory_space<hbm>>
    %dma_start3A_6 = tpu.memref_squeeze %dma_start3A_5 : memref<1x1x6x112xi32, #tpu.memory_space<hbm>> -> memref<6x112xi32, #tpu.memory_space<hbm>>
    %dma_start3A_7 = arith.constant 0 : i32
    %dma_start3A_8 = arith.constant 0 : i32
    %dma_start3A_9 = tpu.memref_slice %arg3[%add3A, %dma_start3A, %dma_start3A_7, %dma_start3A_8] : memref<32x15x6x112xi32, #tpu.memory_space<hbm>> -> memref<1x1x6x112xi32, #tpu.memory_space<hbm>>
    %dma_start3A_10 = tpu.memref_squeeze %dma_start3A_9 : memref<1x1x6x112xi32, #tpu.memory_space<hbm>> -> memref<6x112xi32, #tpu.memory_space<hbm>>
    tpu.enqueue_dma source(%dma_start3A_10 : memref<6x112xi32, #tpu.memory_space<hbm>>) target(%arg7 : memref<6x112xi32, #tpu.memory_space<vmem>>) target_semaphore(%arg14 : memref<!tpu.dma_semaphore, #tpu.memory_space<semaphore_mem>>)
    %dma_start3A_11 = arith.constant 0 : i32
    %dma_start3A_12 = arith.constant 0 : i32
    %dma_start3A_13 = arith.constant 0 : i32
    %dma_start3A_14 = tpu.memref_slice %arg4[%add3A, %dma_start3A_11, %dma_start3A_12, %dma_start3A_13] : memref<32x15x6x112xi32, #tpu.memory_space<hbm>> -> memref<1x1x6x112xi32, #tpu.memory_space<hbm>>
    %dma_start3A_15 = tpu.memref_squeeze %dma_start3A_14 : memref<1x1x6x112xi32, #tpu.memory_space<hbm>> -> memref<6x112xi32, #tpu.memory_space<hbm>>
    %dma_start3A_16 = arith.constant 0 : i32
    %dma_start3A_17 = arith.constant 0 : i32
    %dma_start3A_18 = tpu.memref_slice %arg4[%add3A, %dma_start3A_11, %dma_start3A_16, %dma_start3A_17] : memref<32x15x6x112xi32, #tpu.memory_space<hbm>> -> memref<1x1x6x112xi32, #tpu.memory_space<hbm>>
    %dma_start3A_19 = tpu.memref_squeeze %dma_start3A_18 : memref<1x1x6x112xi32, #tpu.memory_space<hbm>> -> memref<6x112xi32, #tpu.memory_space<hbm>>
    tpu.enqueue_dma source(%dma_start3A_19 : memref<6x112xi32, #tpu.memory_space<hbm>>) target(%arg9 : memref<6x112xi32, #tpu.memory_space<vmem>>) target_semaphore(%arg16 : memref<!tpu.dma_semaphore, #tpu.memory_space<semaphore_mem>>)
    %broadcast_in_dim3A = arith.constant 0.000000e+00 : f32
    %broadcast_in_dim3A_20 = vector.broadcast %broadcast_in_dim3A : f32 to vector<16xf32>
    %scan3A = arith.constant 0 : i32
    %scan3A_21 = arith.constant 0 : i32
    %scan3A_22 = arith.constant 896 : i32
    %scan3A_23 = arith.addi %scan3A_21, %scan3A_22 : i32
    %scan3A_24 = arith.constant 1 : i32
    scf.for %scan3A_638 = %scan3A_21 to %scan3A_23 step %scan3A_24  : i32 {
      %jit3A = arith.constant 8 : i32
      %div3A = arith.divsi %scan3A_638, %jit3A : i32
      %sign3A = arith.constant 0 : i32
      %sign3A_639 = arith.cmpi sgt, %scan3A_638, %sign3A : i32
      %sign3A_640 = arith.extui %sign3A_639 : i1 to i32
      %sign3A_641 = arith.constant 0 : i32
      %sign3A_642 = arith.cmpi slt, %scan3A_638, %sign3A_641 : i32
      %sign3A_643 = arith.extui %sign3A_642 : i1 to i32
      %sign3A_644 = arith.subi %sign3A_640, %sign3A_643 : i32
      %sign3A_645 = arith.constant 0 : i32
      %sign3A_646 = arith.cmpi sgt, %jit3A, %sign3A_645 : i32
      %sign3A_647 = arith.extui %sign3A_646 : i1 to i32
      %sign3A_648 = arith.constant 0 : i32
      %sign3A_649 = arith.cmpi slt, %jit3A, %sign3A_648 : i32
      %sign3A_650 = arith.extui %sign3A_649 : i1 to i32
      %sign3A_651 = arith.subi %sign3A_647, %sign3A_650 : i32
      %ne3A = arith.cmpi ne, %sign3A_644, %sign3A_651 : i32
      %rem3A = arith.remsi %scan3A_638, %jit3A : i32
      %ne3A_652 = arith.constant 0 : i32
      %ne3A_653 = arith.cmpi ne, %rem3A, %ne3A_652 : i32
      %and3A = arith.andi %ne3A, %ne3A_653 : i1
      %sub3A = arith.constant 1 : i32
      %sub3A_654 = arith.subi %div3A, %sub3A : i32
      %select_n3A = arith.select %and3A, %sub3A_654, %div3A : i32
      %jit3A_655 = arith.constant 8 : i32
      %eq3A = arith.constant 0 : i32
      %eq3A_656 = arith.cmpi eq, %jit3A_655, %eq3A : i32
      %jit3A_657 = arith.constant 1 : i32
      %select_n3A_658 = arith.select %eq3A_656, %jit3A_657, %jit3A_655 : i32
      %rem3A_659 = arith.remsi %scan3A_638, %select_n3A_658 : i32
      %ne3A_660 = arith.constant 0 : i32
      %ne3A_661 = arith.cmpi ne, %rem3A_659, %ne3A_660 : i32
      %lt3A = arith.constant 0 : i32
      %lt3A_662 = arith.cmpi slt, %rem3A_659, %lt3A : i32
      %lt3A_663 = arith.constant 0 : i32
      %lt3A_664 = arith.cmpi slt, %select_n3A_658, %lt3A_663 : i32
      %ne3A_665 = arith.xori %lt3A_662, %lt3A_664 : i1
      %and3A_666 = arith.andi %ne3A_665, %ne3A_661 : i1
      %add3A_667 = arith.addi %rem3A_659, %select_n3A_658 : i32
      %select_n3A_668 = arith.select %and3A_666, %add3A_667, %rem3A_659 : i32
      %mul3A_669 = arith.constant 16 : i32
      %mul3A_670 = arith.muli %select_n3A_668, %mul3A_669 : i32
      %swap3A = arith.index_cast %select_n3A : i32 to index
      %swap3A_671 = arith.index_cast %mul3A_670 : i32 to index
      %swap3A_672 = tpu.vector_load %arg11[%swap3A, %swap3A_671] {strides = array<i32>} : memref<112x128xf32, #tpu.memory_space<vmem>>, vector<1x16xf32>,
      %swap3A_673 = vector.shape_cast %swap3A_672 : vector<1x16xf32> to vector<16xf32>
      %swap3A_674 = vector.shape_cast %broadcast_in_dim3A_20 : vector<16xf32> to vector<1x16xf32>
      tpu.vector_store %arg11[%swap3A, %swap3A_671], %swap3A_674 {strides = array<i32>} : memref<112x128xf32, #tpu.memory_space<vmem>>, vector<1x16xf32>,
    }
    %scan3A_25 = arith.constant 896 : i32
    %add3A_26 = arith.constant 0 : i32
    %add3A_27 = arith.addi %mul3A_2, %add3A_26 : i32
    "tpu.region"() ({
      %run_scoped3A = tpu.sem_alloc : memref<!tpu.dma_semaphore, #tpu.memory_space<semaphore_mem>>
      %dma_start3A_638 = arith.constant 0 : i32
      %dma_start3A_639 = tpu.memref_slice %arg6[%add3A_27, %dma_start3A_638] : memref<10240x128xf32, #tpu.memory_space<vmem_shared>> -> memref<112x128xf32, #tpu.memory_space<vmem_shared>>
      %dma_start3A_640 = arith.constant 0 : i32
      %dma_start3A_641 = tpu.memref_slice %arg6[%add3A_27, %dma_start3A_640] : memref<10240x128xf32, #tpu.memory_space<vmem_shared>> -> memref<112x128xf32, #tpu.memory_space<vmem_shared>>
      tpu.enqueue_dma source(%arg11 : memref<112x128xf32, #tpu.memory_space<vmem>>) target(%dma_start3A_641 : memref<112x128xf32, #tpu.memory_space<vmem_shared>>) target_semaphore(%run_scoped3A : memref<!tpu.dma_semaphore, #tpu.memory_space<semaphore_mem>>)
      %dma_wait3A_642 = arith.constant 0 : i32
      %dma_wait3A_643 = tpu.memref_slice %arg6[%add3A_27, %dma_wait3A_642] : memref<10240x128xf32, #tpu.memory_space<vmem_shared>> -> memref<112x128xf32, #tpu.memory_space<vmem_shared>>
      %dma_wait3A_644 = arith.constant 0 : i32
      %dma_wait3A_645 = tpu.memref_slice %arg6[%add3A_27, %dma_wait3A_644] : memref<10240x128xf32, #tpu.memory_space<vmem_shared>> -> memref<112x128xf32, #tpu.memory_space<vmem_shared>>
      tpu.wait_dma2 semaphore(%run_scoped3A : memref<!tpu.dma_semaphore, #tpu.memory_space<semaphore_mem>>) src(%arg11 : memref<112x128xf32, #tpu.memory_space<vmem>>) dst(%dma_wait3A_645 : memref<112x128xf32, #tpu.memory_space<vmem_shared>>)
      tpu.yield
    }) : () -> ()
    %add3A_28 = arith.constant 112 : i32
    %add3A_29 = arith.addi %mul3A_2, %add3A_28 : i32
    "tpu.region"() ({
      %run_scoped3A = tpu.sem_alloc : memref<!tpu.dma_semaphore, #tpu.memory_space<semaphore_mem>>
      %dma_start3A_638 = arith.constant 0 : i32
      %dma_start3A_639 = tpu.memref_slice %arg6[%add3A_29, %dma_start3A_638] : memref<10240x128xf32, #tpu.memory_space<vmem_shared>> -> memref<112x128xf32, #tpu.memory_space<vmem_shared>>
      %dma_start3A_640 = arith.constant 0 : i32
      %dma_start3A_641 = tpu.memref_slice %arg6[%add3A_29, %dma_start3A_640] : memref<10240x128xf32, #tpu.memory_space<vmem_shared>> -> memref<112x128xf32, #tpu.memory_space<vmem_shared>>
      tpu.enqueue_dma source(%arg11 : memref<112x128xf32, #tpu.memory_space<vmem>>) target(%dma_start3A_641 : memref<112x128xf32, #tpu.memory_space<vmem_shared>>) target_semaphore(%run_scoped3A : memref<!tpu.dma_semaphore, #tpu.memory_space<semaphore_mem>>)
      %dma_wait3A_642 = arith.constant 0 : i32
      %dma_wait3A_643 = tpu.memref_slice %arg6[%add3A_29, %dma_wait3A_642] : memref<10240x128xf32, #tpu.memory_space<vmem_shared>> -> memref<112x128xf32, #tpu.memory_space<vmem_shared>>
      %dma_wait3A_644 = arith.constant 0 : i32
      %dma_wait3A_645 = tpu.memref_slice %arg6[%add3A_29, %dma_wait3A_644] : memref<10240x128xf32, #tpu.memory_space<vmem_shared>> -> memref<112x128xf32, #tpu.memory_space<vmem_shared>>
      tpu.wait_dma2 semaphore(%run_scoped3A : memref<!tpu.dma_semaphore, #tpu.memory_space<semaphore_mem>>) src(%arg11 : memref<112x128xf32, #tpu.memory_space<vmem>>) dst(%dma_wait3A_645 : memref<112x128xf32, #tpu.memory_space<vmem_shared>>)
      tpu.yield
    }) : () -> ()
    %add3A_30 = arith.constant 224 : i32
    %add3A_31 = arith.addi %mul3A_2, %add3A_30 : i32
    "tpu.region"() ({
      %run_scoped3A = tpu.sem_alloc : memref<!tpu.dma_semaphore, #tpu.memory_space<semaphore_mem>>
      %dma_start3A_638 = arith.constant 0 : i32
      %dma_start3A_639 = tpu.memref_slice %arg6[%add3A_31, %dma_start3A_638] : memref<10240x128xf32, #tpu.memory_space<vmem_shared>> -> memref<112x128xf32, #tpu.memory_space<vmem_shared>>
      %dma_start3A_640 = arith.constant 0 : i32
      %dma_start3A_641 = tpu.memref_slice %arg6[%add3A_31, %dma_start3A_640] : memref<10240x128xf32, #tpu.memory_space<vmem_shared>> -> memref<112x128xf32, #tpu.memory_space<vmem_shared>>
      tpu.enqueue_dma source(%arg11 : memref<112x128xf32, #tpu.memory_space<vmem>>) target(%dma_start3A_641 : memref<112x128xf32, #tpu.memory_space<vmem_shared>>) target_semaphore(%run_scoped3A : memref<!tpu.dma_semaphore, #tpu.memory_space<semaphore_mem>>)
      %dma_wait3A_642 = arith.constant 0 : i32
      %dma_wait3A_643 = tpu.memref_slice %arg6[%add3A_31, %dma_wait3A_642] : memref<10240x128xf32, #tpu.memory_space<vmem_shared>> -> memref<112x128xf32, #tpu.memory_space<vmem_shared>>
      %dma_wait3A_644 = arith.constant 0 : i32
      %dma_wait3A_645 = tpu.memref_slice %arg6[%add3A_31, %dma_wait3A_644] : memref<10240x128xf32, #tpu.memory_space<vmem_shared>> -> memref<112x128xf32, #tpu.memory_space<vmem_shared>>
      tpu.wait_dma2 semaphore(%run_scoped3A : memref<!tpu.dma_semaphore, #tpu.memory_space<semaphore_mem>>) src(%arg11 : memref<112x128xf32, #tpu.memory_space<vmem>>) dst(%dma_wait3A_645 : memref<112x128xf32, #tpu.memory_space<vmem_shared>>)
      tpu.yield
    }) : () -> ()
    %add3A_32 = arith.constant 336 : i32
    %add3A_33 = arith.addi %mul3A_2, %add3A_32 : i32
    "tpu.region"() ({
      %run_scoped3A = tpu.sem_alloc : memref<!tpu.dma_semaphore, #tpu.memory_space<semaphore_mem>>
      %dma_start3A_638 = arith.constant 0 : i32
      %dma_start3A_639 = tpu.memref_slice %arg6[%add3A_33, %dma_start3A_638] : memref<10240x128xf32, #tpu.memory_space<vmem_shared>> -> memref<112x128xf32, #tpu.memory_space<vmem_shared>>
      %dma_start3A_640 = arith.constant 0 : i32
      %dma_start3A_641 = tpu.memref_slice %arg6[%add3A_33, %dma_start3A_640] : memref<10240x128xf32, #tpu.memory_space<vmem_shared>> -> memref<112x128xf32, #tpu.memory_space<vmem_shared>>
      tpu.enqueue_dma source(%arg11 : memref<112x128xf32, #tpu.memory_space<vmem>>) target(%dma_start3A_641 : memref<112x128xf32, #tpu.memory_space<vmem_shared>>) target_semaphore(%run_scoped3A : memref<!tpu.dma_semaphore, #tpu.memory_space<semaphore_mem>>)
      %dma_wait3A_642 = arith.constant 0 : i32
      %dma_wait3A_643 = tpu.memref_slice %arg6[%add3A_33, %dma_wait3A_642] : memref<10240x128xf32, #tpu.memory_space<vmem_shared>> -> memref<112x128xf32, #tpu.memory_space<vmem_shared>>
      %dma_wait3A_644 = arith.constant 0 : i32
      %dma_wait3A_645 = tpu.memref_slice %arg6[%add3A_33, %dma_wait3A_644] : memref<10240x128xf32, #tpu.memory_space<vmem_shared>> -> memref<112x128xf32, #tpu.memory_space<vmem_shared>>
      tpu.wait_dma2 semaphore(%run_scoped3A : memref<!tpu.dma_semaphore, #tpu.memory_space<semaphore_mem>>) src(%arg11 : memref<112x128xf32, #tpu.memory_space<vmem>>) dst(%dma_wait3A_645 : memref<112x128xf32, #tpu.memory_space<vmem_shared>>)
      tpu.yield
    }) : () -> ()
    %add3A_34 = arith.constant 448 : i32
    %add3A_35 = arith.addi %mul3A_2, %add3A_34 : i32
    "tpu.region"() ({
      %run_scoped3A = tpu.sem_alloc : memref<!tpu.dma_semaphore, #tpu.memory_space<semaphore_mem>>
      %dma_start3A_638 = arith.constant 0 : i32
      %dma_start3A_639 = tpu.memref_slice %arg6[%add3A_35, %dma_start3A_638] : memref<10240x128xf32, #tpu.memory_space<vmem_shared>> -> memref<112x128xf32, #tpu.memory_space<vmem_shared>>
      %dma_start3A_640 = arith.constant 0 : i32
      %dma_start3A_641 = tpu.memref_slice %arg6[%add3A_35, %dma_start3A_640] : memref<10240x128xf32, #tpu.memory_space<vmem_shared>> -> memref<112x128xf32, #tpu.memory_space<vmem_shared>>
      tpu.enqueue_dma source(%arg11 : memref<112x128xf32, #tpu.memory_space<vmem>>) target(%dma_start3A_641 : memref<112x128xf32, #tpu.memory_space<vmem_shared>>) target_semaphore(%run_scoped3A : memref<!tpu.dma_semaphore, #tpu.memory_space<semaphore_mem>>)
      %dma_wait3A_642 = arith.constant 0 : i32
      %dma_wait3A_643 = tpu.memref_slice %arg6[%add3A_35, %dma_wait3A_642] : memref<10240x128xf32, #tpu.memory_space<vmem_shared>> -> memref<112x128xf32, #tpu.memory_space<vmem_shared>>
      %dma_wait3A_644 = arith.constant 0 : i32
      %dma_wait3A_645 = tpu.memref_slice %arg6[%add3A_35, %dma_wait3A_644] : memref<10240x128xf32, #tpu.memory_space<vmem_shared>> -> memref<112x128xf32, #tpu.memory_space<vmem_shared>>
      tpu.wait_dma2 semaphore(%run_scoped3A : memref<!tpu.dma_semaphore, #tpu.memory_space<semaphore_mem>>) src(%arg11 : memref<112x128xf32, #tpu.memory_space<vmem>>) dst(%dma_wait3A_645 : memref<112x128xf32, #tpu.memory_space<vmem_shared>>)
      tpu.yield
    }) : () -> ()
    %add3A_36 = arith.constant 560 : i32
    %add3A_37 = arith.addi %mul3A_2, %add3A_36 : i32
    "tpu.region"() ({
      %run_scoped3A = tpu.sem_alloc : memref<!tpu.dma_semaphore, #tpu.memory_space<semaphore_mem>>
      %dma_start3A_638 = arith.constant 0 : i32
      %dma_start3A_639 = arith.constant 0 : i32
      %dma_start3A_640 = tpu.memref_slice %arg11[%dma_start3A_638, %dma_start3A_639] : memref<112x128xf32, #tpu.memory_space<vmem>> -> memref<80x128xf32, #tpu.memory_space<vmem>>
      %dma_start3A_641 = arith.constant 0 : i32
      %dma_start3A_642 = tpu.memref_slice %arg6[%add3A_37, %dma_start3A_641] : memref<10240x128xf32, #tpu.memory_space<vmem_shared>> -> memref<80x128xf32, #tpu.memory_space<vmem_shared>>
      %dma_start3A_643 = arith.constant 0 : i32
      %dma_start3A_644 = tpu.memref_slice %arg6[%add3A_37, %dma_start3A_643] : memref<10240x128xf32, #tpu.memory_space<vmem_shared>> -> memref<80x128xf32, #tpu.memory_space<vmem_shared>>
      %dma_start3A_645 = arith.constant 0 : i32
      %dma_start3A_646 = arith.constant 0 : i32
      %dma_start3A_647 = tpu.memref_slice %arg11[%dma_start3A_645, %dma_start3A_646] : memref<112x128xf32, #tpu.memory_space<vmem>> -> memref<80x128xf32, #tpu.memory_space<vmem>>
      tpu.enqueue_dma source(%dma_start3A_647 : memref<80x128xf32, #tpu.memory_space<vmem>>) target(%dma_start3A_644 : memref<80x128xf32, #tpu.memory_space<vmem_shared>>) target_semaphore(%run_scoped3A : memref<!tpu.dma_semaphore, #tpu.memory_space<semaphore_mem>>)
      %dma_wait3A_648 = arith.constant 0 : i32
      %dma_wait3A_649 = arith.constant 0 : i32
      %dma_wait3A_650 = tpu.memref_slice %arg11[%dma_wait3A_648, %dma_wait3A_649] : memref<112x128xf32, #tpu.memory_space<vmem>> -> memref<80x128xf32, #tpu.memory_space<vmem>>
      %dma_wait3A_651 = arith.constant 0 : i32
      %dma_wait3A_652 = tpu.memref_slice %arg6[%add3A_37, %dma_wait3A_651] : memref<10240x128xf32, #tpu.memory_space<vmem_shared>> -> memref<80x128xf32, #tpu.memory_space<vmem_shared>>
      %dma_wait3A_653 = arith.constant 0 : i32
      %dma_wait3A_654 = tpu.memref_slice %arg6[%add3A_37, %dma_wait3A_653] : memref<10240x128xf32, #tpu.memory_space<vmem_shared>> -> memref<80x128xf32, #tpu.memory_space<vmem_shared>>
      %dma_wait3A_655 = arith.constant 0 : i32
      %dma_wait3A_656 = arith.constant 0 : i32
      %dma_wait3A_657 = tpu.memref_slice %arg11[%dma_wait3A_655, %dma_wait3A_656] : memref<112x128xf32, #tpu.memory_space<vmem>> -> memref<80x128xf32, #tpu.memory_space<vmem>>
      tpu.wait_dma2 semaphore(%run_scoped3A : memref<!tpu.dma_semaphore, #tpu.memory_space<semaphore_mem>>) src(%dma_wait3A_657 : memref<80x128xf32, #tpu.memory_space<vmem>>) dst(%dma_wait3A_654 : memref<80x128xf32, #tpu.memory_space<vmem_shared>>)
      tpu.yield
    }) : () -> ()
    %barrier3A = arith.constant 0 : index
    tpu.barrier barrier_id(%barrier3A)
    %dma_wait3A = arith.constant 0 : i32
    %dma_wait3A_38 = arith.constant 0 : i32
    %dma_wait3A_39 = arith.constant 0 : i32
    %dma_wait3A_40 = tpu.memref_slice %arg3[%add3A, %dma_wait3A, %dma_wait3A_38, %dma_wait3A_39] : memref<32x15x6x112xi32, #tpu.memory_space<hbm>> -> memref<1x1x6x112xi32, #tpu.memory_space<hbm>>
    %dma_wait3A_41 = tpu.memref_squeeze %dma_wait3A_40 : memref<1x1x6x112xi32, #tpu.memory_space<hbm>> -> memref<6x112xi32, #tpu.memory_space<hbm>>
    %dma_wait3A_42 = arith.constant 0 : i32
    %dma_wait3A_43 = arith.constant 0 : i32
    %dma_wait3A_44 = tpu.memref_slice %arg3[%add3A, %dma_wait3A, %dma_wait3A_42, %dma_wait3A_43] : memref<32x15x6x112xi32, #tpu.memory_space<hbm>> -> memref<1x1x6x112xi32, #tpu.memory_space<hbm>>
    %dma_wait3A_45 = tpu.memref_squeeze %dma_wait3A_44 : memref<1x1x6x112xi32, #tpu.memory_space<hbm>> -> memref<6x112xi32, #tpu.memory_space<hbm>>
    tpu.wait_dma2 semaphore(%arg14 : memref<!tpu.dma_semaphore, #tpu.memory_space<semaphore_mem>>) src(%dma_wait3A_45 : memref<6x112xi32, #tpu.memory_space<hbm>>) dst(%arg7 : memref<6x112xi32, #tpu.memory_space<vmem>>)
    %dma_wait3A_46 = arith.constant 0 : i32
    %dma_wait3A_47 = arith.constant 0 : i32
    %dma_wait3A_48 = arith.constant 0 : i32
    %dma_wait3A_49 = tpu.memref_slice %arg4[%add3A, %dma_wait3A_46, %dma_wait3A_47, %dma_wait3A_48] : memref<32x15x6x112xi32, #tpu.memory_space<hbm>> -> memref<1x1x6x112xi32, #tpu.memory_space<hbm>>
    %dma_wait3A_50 = tpu.memref_squeeze %dma_wait3A_49 : memref<1x1x6x112xi32, #tpu.memory_space<hbm>> -> memref<6x112xi32, #tpu.memory_space<hbm>>
    %dma_wait3A_51 = arith.constant 0 : i32
    %dma_wait3A_52 = arith.constant 0 : i32
    %dma_wait3A_53 = tpu.memref_slice %arg4[%add3A, %dma_wait3A_46, %dma_wait3A_51, %dma_wait3A_52] : memref<32x15x6x112xi32, #tpu.memory_space<hbm>> -> memref<1x1x6x112xi32, #tpu.memory_space<hbm>>
    %dma_wait3A_54 = tpu.memref_squeeze %dma_wait3A_53 : memref<1x1x6x112xi32, #tpu.memory_space<hbm>> -> memref<6x112xi32, #tpu.memory_space<hbm>>
    tpu.wait_dma2 semaphore(%arg16 : memref<!tpu.dma_semaphore, #tpu.memory_space<semaphore_mem>>) src(%dma_wait3A_54 : memref<6x112xi32, #tpu.memory_space<hbm>>) dst(%arg9 : memref<6x112xi32, #tpu.memory_space<vmem>>)
    %dma_start3A_55 = arith.constant 0 : i32
    %dma_start3A_56 = arith.constant 0 : i32
    %dma_start3A_57 = tpu.memref_slice %arg7[%dma_start3A_55, %dma_start3A_56] : memref<6x112xi32, #tpu.memory_space<vmem>> -> memref<1x112xi32, #tpu.memory_space<vmem>>
    %dma_start3A_58 = tpu.memref_squeeze %dma_start3A_57 : memref<1x112xi32, #tpu.memory_space<vmem>> -> memref<112xi32, #tpu.memory_space<vmem>>
    %dma_start3A_59 = arith.constant 0 : i32
    %dma_start3A_60 = arith.constant 0 : i32
    %dma_start3A_61 = tpu.memref_slice %arg2[%dma_start3A_59, %dma_start3A_60] : memref<10000x128xf32, #tpu.memory_space<hbm>> -> memref<10000x128xf32, #tpu.memory_space<hbm>>
    tpu.enqueue_indirect_dma source(%dma_start3A_61 : memref<10000x128xf32, #tpu.memory_space<hbm>>) target(%arg11 : memref<112x128xf32, #tpu.memory_space<vmem>>) offsets(%dma_start3A_58 : memref<112xi32, #tpu.memory_space<vmem>>) semaphore(%arg18 : memref<!tpu.dma_semaphore, #tpu.memory_space<semaphore_mem>>)
    %dma_start3A_62 = arith.constant 1 : i32
    %dma_start3A_63 = arith.constant 0 : i32
    %dma_start3A_64 = tpu.memref_slice %arg7[%dma_start3A_62, %dma_start3A_63] : memref<6x112xi32, #tpu.memory_space<vmem>> -> memref<1x112xi32, #tpu.memory_space<vmem>>
    %dma_start3A_65 = tpu.memref_squeeze %dma_start3A_64 : memref<1x112xi32, #tpu.memory_space<vmem>> -> memref<112xi32, #tpu.memory_space<vmem>>
    %dma_start3A_66 = arith.constant 0 : i32
    %dma_start3A_67 = arith.constant 0 : i32
    %dma_start3A_68 = tpu.memref_slice %arg2[%dma_start3A_66, %dma_start3A_67] : memref<10000x128xf32, #tpu.memory_space<hbm>> -> memref<10000x128xf32, #tpu.memory_space<hbm>>
    tpu.enqueue_indirect_dma source(%dma_start3A_68 : memref<10000x128xf32, #tpu.memory_space<hbm>>) target(%arg12 : memref<112x128xf32, #tpu.memory_space<vmem>>) offsets(%dma_start3A_65 : memref<112xi32, #tpu.memory_space<vmem>>) semaphore(%arg19 : memref<!tpu.dma_semaphore, #tpu.memory_space<semaphore_mem>>)
    %dma_wait3A_69 = arith.constant 0 : i32
    %dma_wait3A_70 = arith.constant 0 : i32
    %dma_wait3A_71 = tpu.memref_slice %arg7[%dma_wait3A_69, %dma_wait3A_70] : memref<6x112xi32, #tpu.memory_space<vmem>> -> memref<1x112xi32, #tpu.memory_space<vmem>>
    %dma_wait3A_72 = tpu.memref_squeeze %dma_wait3A_71 : memref<1x112xi32, #tpu.memory_space<vmem>> -> memref<112xi32, #tpu.memory_space<vmem>>
    %dma_wait3A_73 = arith.constant 0 : i32
    %dma_wait3A_74 = arith.constant 0 : i32
    %dma_wait3A_75 = tpu.memref_slice %arg2[%dma_wait3A_73, %dma_wait3A_74] : memref<10000x128xf32, #tpu.memory_space<hbm>> -> memref<10000x128xf32, #tpu.memory_space<hbm>>
    tpu.wait_indirect_dma semaphore(%arg18 : memref<!tpu.dma_semaphore, #tpu.memory_space<semaphore_mem>>) src(%dma_wait3A_75 : memref<10000x128xf32, #tpu.memory_space<hbm>>) dst(%arg11 : memref<112x128xf32, #tpu.memory_space<vmem>>)
    %dma_start3A_76 = arith.constant 0 : i32
    %dma_start3A_77 = arith.constant 0 : i32
    %dma_start3A_78 = tpu.memref_slice %arg9[%dma_start3A_76, %dma_start3A_77] : memref<6x112xi32, #tpu.memory_space<vmem>> -> memref<1x112xi32, #tpu.memory_space<vmem>>
    %dma_start3A_79 = tpu.memref_squeeze %dma_start3A_78 : memref<1x112xi32, #tpu.memory_space<vmem>> -> memref<112xi32, #tpu.memory_space<vmem>>
    %dma_start3A_80 = arith.constant 0 : i32
    %dma_start3A_81 = arith.constant 0 : i32
    %dma_start3A_82 = tpu.memref_slice %arg6[%dma_start3A_80, %dma_start3A_81] : memref<10240x128xf32, #tpu.memory_space<vmem_shared>> -> memref<10240x128xf32, #tpu.memory_space<vmem_shared>>
    tpu.enqueue_indirect_dma source(%arg11 : memref<112x128xf32, #tpu.memory_space<vmem>>) target(%dma_start3A_82 : memref<10240x128xf32, #tpu.memory_space<vmem_shared>>) offsets(%dma_start3A_79 : memref<112xi32, #tpu.memory_space<vmem>>) semaphore(%arg21 : memref<!tpu.dma_semaphore, #tpu.memory_space<semaphore_mem>>) {add = true}
    %dma_start3A_83 = arith.constant 1 : i32
    %dma_start3A_84 = arith.constant 0 : i32
    %dma_start3A_85 = arith.constant 0 : i32
    %dma_start3A_86 = tpu.memref_slice %arg3[%add3A, %dma_start3A_83, %dma_start3A_84, %dma_start3A_85] : memref<32x15x6x112xi32, #tpu.memory_space<hbm>> -> memref<1x1x6x112xi32, #tpu.memory_space<hbm>>
    %dma_start3A_87 = tpu.memref_squeeze %dma_start3A_86 : memref<1x1x6x112xi32, #tpu.memory_space<hbm>> -> memref<6x112xi32, #tpu.memory_space<hbm>>
    %dma_start3A_88 = arith.constant 0 : i32
    %dma_start3A_89 = arith.constant 0 : i32
    %dma_start3A_90 = tpu.memref_slice %arg3[%add3A, %dma_start3A_83, %dma_start3A_88, %dma_start3A_89] : memref<32x15x6x112xi32, #tpu.memory_space<hbm>> -> memref<1x1x6x112xi32, #tpu.memory_space<hbm>>
    %dma_start3A_91 = tpu.memref_squeeze %dma_start3A_90 : memref<1x1x6x112xi32, #tpu.memory_space<hbm>> -> memref<6x112xi32, #tpu.memory_space<hbm>>
    tpu.enqueue_dma source(%dma_start3A_91 : memref<6x112xi32, #tpu.memory_space<hbm>>) target(%arg8 : memref<6x112xi32, #tpu.memory_space<vmem>>) target_semaphore(%arg15 : memref<!tpu.dma_semaphore, #tpu.memory_space<semaphore_mem>>)
    %dma_start3A_92 = arith.constant 1 : i32
    %dma_start3A_93 = arith.constant 0 : i32
    %dma_start3A_94 = arith.constant 0 : i32
    %dma_start3A_95 = tpu.memref_slice %arg4[%add3A, %dma_start3A_92, %dma_start3A_93, %dma_start3A_94] : memref<32x15x6x112xi32, #tpu.memory_space<hbm>> -> memref<1x1x6x112xi32, #tpu.memory_space<hbm>>
    %dma_start3A_96 = tpu.memref_squeeze %dma_start3A_95 : memref<1x1x6x112xi32, #tpu.memory_space<hbm>> -> memref<6x112xi32, #tpu.memory_space<hbm>>
    %dma_start3A_97 = arith.constant 0 : i32
    %dma_start3A_98 = arith.constant 0 : i32
    %dma_start3A_99 = tpu.memref_slice %arg4[%add3A, %dma_start3A_92, %dma_start3A_97, %dma_start3A_98] : memref<32x15x6x112xi32, #tpu.memory_space<hbm>> -> memref<1x1x6x112xi32, #tpu.memory_space<hbm>>
    %dma_start3A_100 = tpu.memref_squeeze %dma_start3A_99 : memref<1x1x6x112xi32, #tpu.memory_space<hbm>> -> memref<6x112xi32, #tpu.memory_space<hbm>>
    tpu.enqueue_dma source(%dma_start3A_100 : memref<6x112xi32, #tpu.memory_space<hbm>>) target(%arg10 : memref<6x112xi32, #tpu.memory_space<vmem>>) target_semaphore(%arg17 : memref<!tpu.dma_semaphore, #tpu.memory_space<semaphore_mem>>)
    %dma_start3A_101 = arith.constant 2 : i32
    %dma_start3A_102 = arith.constant 0 : i32
    %dma_start3A_103 = tpu.memref_slice %arg7[%dma_start3A_101, %dma_start3A_102] : memref<6x112xi32, #tpu.memory_space<vmem>> -> memref<1x112xi32, #tpu.memory_space<vmem>>
    %dma_start3A_104 = tpu.memref_squeeze %dma_start3A_103 : memref<1x112xi32, #tpu.memory_space<vmem>> -> memref<112xi32, #tpu.memory_space<vmem>>
    %dma_start3A_105 = arith.constant 0 : i32
    %dma_start3A_106 = arith.constant 0 : i32
    %dma_start3A_107 = tpu.memref_slice %arg2[%dma_start3A_105, %dma_start3A_106] : memref<10000x128xf32, #tpu.memory_space<hbm>> -> memref<10000x128xf32, #tpu.memory_space<hbm>>
    tpu.enqueue_indirect_dma source(%dma_start3A_107 : memref<10000x128xf32, #tpu.memory_space<hbm>>) target(%arg13 : memref<112x128xf32, #tpu.memory_space<vmem>>) offsets(%dma_start3A_104 : memref<112xi32, #tpu.memory_space<vmem>>) semaphore(%arg20 : memref<!tpu.dma_semaphore, #tpu.memory_space<semaphore_mem>>)
    %dma_wait3A_108 = arith.constant 0 : i32
    %dma_wait3A_109 = arith.constant 0 : i32
    %dma_wait3A_110 = tpu.memref_slice %arg7[%dma_wait3A_108, %dma_wait3A_109] : memref<6x112xi32, #tpu.memory_space<vmem>> -> memref<1x112xi32, #tpu.memory_space<vmem>>
    %dma_wait3A_111 = tpu.memref_squeeze %dma_wait3A_110 : memref<1x112xi32, #tpu.memory_space<vmem>> -> memref<112xi32, #tpu.memory_space<vmem>>
    %dma_wait3A_112 = arith.constant 0 : i32
    %dma_wait3A_113 = arith.constant 0 : i32
    %dma_wait3A_114 = tpu.memref_slice %arg2[%dma_wait3A_112, %dma_wait3A_113] : memref<10000x128xf32, #tpu.memory_space<hbm>> -> memref<10000x128xf32, #tpu.memory_space<hbm>>
    tpu.wait_indirect_dma semaphore(%arg19 : memref<!tpu.dma_semaphore, #tpu.memory_space<semaphore_mem>>) src(%dma_wait3A_114 : memref<10000x128xf32, #tpu.memory_space<hbm>>) dst(%arg12 : memref<112x128xf32, #tpu.memory_space<vmem>>)
    %dma_start3A_115 = arith.constant 1 : i32
    %dma_start3A_116 = arith.constant 0 : i32
    %dma_start3A_117 = tpu.memref_slice %arg9[%dma_start3A_115, %dma_start3A_116] : memref<6x112xi32, #tpu.memory_space<vmem>> -> memref<1x112xi32, #tpu.memory_space<vmem>>
    %dma_start3A_118 = tpu.memref_squeeze %dma_start3A_117 : memref<1x112xi32, #tpu.memory_space<vmem>> -> memref<112xi32, #tpu.memory_space<vmem>>
    %dma_start3A_119 = arith.constant 0 : i32
    %dma_start3A_120 = arith.constant 0 : i32
    %dma_start3A_121 = tpu.memref_slice %arg6[%dma_start3A_119, %dma_start3A_120] : memref<10240x128xf32, #tpu.memory_space<vmem_shared>> -> memref<10240x128xf32, #tpu.memory_space<vmem_shared>>
    tpu.enqueue_indirect_dma source(%arg12 : memref<112x128xf32, #tpu.memory_space<vmem>>) target(%dma_start3A_121 : memref<10240x128xf32, #tpu.memory_space<vmem_shared>>) offsets(%dma_start3A_118 : memref<112xi32, #tpu.memory_space<vmem>>) semaphore(%arg22 : memref<!tpu.dma_semaphore, #tpu.memory_space<semaphore_mem>>) {add = true}
    %dma_wait3A_122 = arith.constant 0 : i32
    %dma_wait3A_123 = arith.constant 0 : i32
    %dma_wait3A_124 = tpu.memref_slice %arg9[%dma_wait3A_122, %dma_wait3A_123] : memref<6x112xi32, #tpu.memory_space<vmem>> -> memref<1x112xi32, #tpu.memory_space<vmem>>
    %dma_wait3A_125 = tpu.memref_squeeze %dma_wait3A_124 : memref<1x112xi32, #tpu.memory_space<vmem>> -> memref<112xi32, #tpu.memory_space<vmem>>
    %dma_wait3A_126 = arith.constant 0 : i32
    %dma_wait3A_127 = arith.constant 0 : i32
    %dma_wait3A_128 = tpu.memref_slice %arg6[%dma_wait3A_126, %dma_wait3A_127] : memref<10240x128xf32, #tpu.memory_space<vmem_shared>> -> memref<10240x128xf32, #tpu.memory_space<vmem_shared>>
    tpu.wait_indirect_dma semaphore(%arg21 : memref<!tpu.dma_semaphore, #tpu.memory_space<semaphore_mem>>) src(%arg11 : memref<112x128xf32, #tpu.memory_space<vmem>>) dst(%dma_wait3A_128 : memref<10240x128xf32, #tpu.memory_space<vmem_shared>>)
    %dma_start3A_129 = arith.constant 3 : i32
    %dma_start3A_130 = arith.constant 0 : i32
    %dma_start3A_131 = tpu.memref_slice %arg7[%dma_start3A_129, %dma_start3A_130] : memref<6x112xi32, #tpu.memory_space<vmem>> -> memref<1x112xi32, #tpu.memory_space<vmem>>
    %dma_start3A_132 = tpu.memref_squeeze %dma_start3A_131 : memref<1x112xi32, #tpu.memory_space<vmem>> -> memref<112xi32, #tpu.memory_space<vmem>>
    %dma_start3A_133 = arith.constant 0 : i32
    %dma_start3A_134 = arith.constant 0 : i32
    %dma_start3A_135 = tpu.memref_slice %arg2[%dma_start3A_133, %dma_start3A_134] : memref<10000x128xf32, #tpu.memory_space<hbm>> -> memref<10000x128xf32, #tpu.memory_space<hbm>>
    tpu.enqueue_indirect_dma source(%dma_start3A_135 : memref<10000x128xf32, #tpu.memory_space<hbm>>) target(%arg11 : memref<112x128xf32, #tpu.memory_space<vmem>>) offsets(%dma_start3A_132 : memref<112xi32, #tpu.memory_space<vmem>>) semaphore(%arg18 : memref<!tpu.dma_semaphore, #tpu.memory_space<semaphore_mem>>)
    %dma_wait3A_136 = arith.constant 0 : i32
    %dma_wait3A_137 = arith.constant 0 : i32
    %dma_wait3A_138 = tpu.memref_slice %arg7[%dma_wait3A_136, %dma_wait3A_137] : memref<6x112xi32, #tpu.memory_space<vmem>> -> memref<1x112xi32, #tpu.memory_space<vmem>>
    %dma_wait3A_139 = tpu.memref_squeeze %dma_wait3A_138 : memref<1x112xi32, #tpu.memory_space<vmem>> -> memref<112xi32, #tpu.memory_space<vmem>>
    %dma_wait3A_140 = arith.constant 0 : i32
    %dma_wait3A_141 = arith.constant 0 : i32
    %dma_wait3A_142 = tpu.memref_slice %arg2[%dma_wait3A_140, %dma_wait3A_141] : memref<10000x128xf32, #tpu.memory_space<hbm>> -> memref<10000x128xf32, #tpu.memory_space<hbm>>
    tpu.wait_indirect_dma semaphore(%arg20 : memref<!tpu.dma_semaphore, #tpu.memory_space<semaphore_mem>>) src(%dma_wait3A_142 : memref<10000x128xf32, #tpu.memory_space<hbm>>) dst(%arg13 : memref<112x128xf32, #tpu.memory_space<vmem>>)
    %dma_start3A_143 = arith.constant 2 : i32
    %dma_start3A_144 = arith.constant 0 : i32
    %dma_start3A_145 = tpu.memref_slice %arg9[%dma_start3A_143, %dma_start3A_144] : memref<6x112xi32, #tpu.memory_space<vmem>> -> memref<1x112xi32, #tpu.memory_space<vmem>>
    %dma_start3A_146 = tpu.memref_squeeze %dma_start3A_145 : memref<1x112xi32, #tpu.memory_space<vmem>> -> memref<112xi32, #tpu.memory_space<vmem>>
    %dma_start3A_147 = arith.constant 0 : i32
    %dma_start3A_148 = arith.constant 0 : i32
    %dma_start3A_149 = tpu.memref_slice %arg6[%dma_start3A_147, %dma_start3A_148] : memref<10240x128xf32, #tpu.memory_space<vmem_shared>> -> memref<10240x128xf32, #tpu.memory_space<vmem_shared>>
    tpu.enqueue_indirect_dma source(%arg13 : memref<112x128xf32, #tpu.memory_space<vmem>>) target(%dma_start3A_149 : memref<10240x128xf32, #tpu.memory_space<vmem_shared>>) offsets(%dma_start3A_146 : memref<112xi32, #tpu.memory_space<vmem>>) semaphore(%arg23 : memref<!tpu.dma_semaphore, #tpu.memory_space<semaphore_mem>>) {add = true}
    %dma_wait3A_150 = arith.constant 0 : i32
    %dma_wait3A_151 = arith.constant 0 : i32
    %dma_wait3A_152 = tpu.memref_slice %arg9[%dma_wait3A_150, %dma_wait3A_151] : memref<6x112xi32, #tpu.memory_space<vmem>> -> memref<1x112xi32, #tpu.memory_space<vmem>>
    %dma_wait3A_153 = tpu.memref_squeeze %dma_wait3A_152 : memref<1x112xi32, #tpu.memory_space<vmem>> -> memref<112xi32, #tpu.memory_space<vmem>>
    %dma_wait3A_154 = arith.constant 0 : i32
    %dma_wait3A_155 = arith.constant 0 : i32
    %dma_wait3A_156 = tpu.memref_slice %arg6[%dma_wait3A_154, %dma_wait3A_155] : memref<10240x128xf32, #tpu.memory_space<vmem_shared>> -> memref<10240x128xf32, #tpu.memory_space<vmem_shared>>
    tpu.wait_indirect_dma semaphore(%arg22 : memref<!tpu.dma_semaphore, #tpu.memory_space<semaphore_mem>>) src(%arg12 : memref<112x128xf32, #tpu.memory_space<vmem>>) dst(%dma_wait3A_156 : memref<10240x128xf32, #tpu.memory_space<vmem_shared>>)
    %dma_start3A_157 = arith.constant 4 : i32
    %dma_start3A_158 = arith.constant 0 : i32
    %dma_start3A_159 = tpu.memref_slice %arg7[%dma_start3A_157, %dma_start3A_158] : memref<6x112xi32, #tpu.memory_space<vmem>> -> memref<1x112xi32, #tpu.memory_space<vmem>>
    %dma_start3A_160 = tpu.memref_squeeze %dma_start3A_159 : memref<1x112xi32, #tpu.memory_space<vmem>> -> memref<112xi32, #tpu.memory_space<vmem>>
    %dma_start3A_161 = arith.constant 0 : i32
    %dma_start3A_162 = arith.constant 0 : i32
    %dma_start3A_163 = tpu.memref_slice %arg2[%dma_start3A_161, %dma_start3A_162] : memref<10000x128xf32, #tpu.memory_space<hbm>> -> memref<10000x128xf32, #tpu.memory_space<hbm>>
    tpu.enqueue_indirect_dma source(%dma_start3A_163 : memref<10000x128xf32, #tpu.memory_space<hbm>>) target(%arg12 : memref<112x128xf32, #tpu.memory_space<vmem>>) offsets(%dma_start3A_160 : memref<112xi32, #tpu.memory_space<vmem>>) semaphore(%arg19 : memref<!tpu.dma_semaphore, #tpu.memory_space<semaphore_mem>>)
    %dma_wait3A_164 = arith.constant 0 : i32
    %dma_wait3A_165 = arith.constant 0 : i32
    %dma_wait3A_166 = tpu.memref_slice %arg7[%dma_wait3A_164, %dma_wait3A_165] : memref<6x112xi32, #tpu.memory_space<vmem>> -> memref<1x112xi32, #tpu.memory_space<vmem>>
    %dma_wait3A_167 = tpu.memref_squeeze %dma_wait3A_166 : memref<1x112xi32, #tpu.memory_space<vmem>> -> memref<112xi32, #tpu.memory_space<vmem>>
    %dma_wait3A_168 = arith.constant 0 : i32
    %dma_wait3A_169 = arith.constant 0 : i32
    %dma_wait3A_170 = tpu.memref_slice %arg2[%dma_wait3A_168, %dma_wait3A_169] : memref<10000x128xf32, #tpu.memory_space<hbm>> -> memref<10000x128xf32, #tpu.memory_space<hbm>>
    tpu.wait_indirect_dma semaphore(%arg18 : memref<!tpu.dma_semaphore, #tpu.memory_space<semaphore_mem>>) src(%dma_wait3A_170 : memref<10000x128xf32, #tpu.memory_space<hbm>>) dst(%arg11 : memref<112x128xf32, #tpu.memory_space<vmem>>)
    %dma_start3A_171 = arith.constant 3 : i32
    %dma_start3A_172 = arith.constant 0 : i32
    %dma_start3A_173 = tpu.memref_slice %arg9[%dma_start3A_171, %dma_start3A_172] : memref<6x112xi32, #tpu.memory_space<vmem>> -> memref<1x112xi32, #tpu.memory_space<vmem>>
    %dma_start3A_174 = tpu.memref_squeeze %dma_start3A_173 : memref<1x112xi32, #tpu.memory_space<vmem>> -> memref<112xi32, #tpu.memory_space<vmem>>
    %dma_start3A_175 = arith.constant 0 : i32
    %dma_start3A_176 = arith.constant 0 : i32
    %dma_start3A_177 = tpu.memref_slice %arg6[%dma_start3A_175, %dma_start3A_176] : memref<10240x128xf32, #tpu.memory_space<vmem_shared>> -> memref<10240x128xf32, #tpu.memory_space<vmem_shared>>
    tpu.enqueue_indirect_dma source(%arg11 : memref<112x128xf32, #tpu.memory_space<vmem>>) target(%dma_start3A_177 : memref<10240x128xf32, #tpu.memory_space<vmem_shared>>) offsets(%dma_start3A_174 : memref<112xi32, #tpu.memory_space<vmem>>) semaphore(%arg21 : memref<!tpu.dma_semaphore, #tpu.memory_space<semaphore_mem>>) {add = true}
    %dma_wait3A_178 = arith.constant 0 : i32
    %dma_wait3A_179 = arith.constant 0 : i32
    %dma_wait3A_180 = tpu.memref_slice %arg9[%dma_wait3A_178, %dma_wait3A_179] : memref<6x112xi32, #tpu.memory_space<vmem>> -> memref<1x112xi32, #tpu.memory_space<vmem>>
    %dma_wait3A_181 = tpu.memref_squeeze %dma_wait3A_180 : memref<1x112xi32, #tpu.memory_space<vmem>> -> memref<112xi32, #tpu.memory_space<vmem>>
    %dma_wait3A_182 = arith.constant 0 : i32
    %dma_wait3A_183 = arith.constant 0 : i32
    %dma_wait3A_184 = tpu.memref_slice %arg6[%dma_wait3A_182, %dma_wait3A_183] : memref<10240x128xf32, #tpu.memory_space<vmem_shared>> -> memref<10240x128xf32, #tpu.memory_space<vmem_shared>>
    tpu.wait_indirect_dma semaphore(%arg23 : memref<!tpu.dma_semaphore, #tpu.memory_space<semaphore_mem>>) src(%arg13 : memref<112x128xf32, #tpu.memory_space<vmem>>) dst(%dma_wait3A_184 : memref<10240x128xf32, #tpu.memory_space<vmem_shared>>)
    %dma_start3A_185 = arith.constant 5 : i32
    %dma_start3A_186 = arith.constant 0 : i32
    %dma_start3A_187 = tpu.memref_slice %arg7[%dma_start3A_185, %dma_start3A_186] : memref<6x112xi32, #tpu.memory_space<vmem>> -> memref<1x112xi32, #tpu.memory_space<vmem>>
    %dma_start3A_188 = tpu.memref_squeeze %dma_start3A_187 : memref<1x112xi32, #tpu.memory_space<vmem>> -> memref<112xi32, #tpu.memory_space<vmem>>
    %dma_start3A_189 = arith.constant 0 : i32
    %dma_start3A_190 = arith.constant 0 : i32
    %dma_start3A_191 = tpu.memref_slice %arg2[%dma_start3A_189, %dma_start3A_190] : memref<10000x128xf32, #tpu.memory_space<hbm>> -> memref<10000x128xf32, #tpu.memory_space<hbm>>
    tpu.enqueue_indirect_dma source(%dma_start3A_191 : memref<10000x128xf32, #tpu.memory_space<hbm>>) target(%arg13 : memref<112x128xf32, #tpu.memory_space<vmem>>) offsets(%dma_start3A_188 : memref<112xi32, #tpu.memory_space<vmem>>) semaphore(%arg20 : memref<!tpu.dma_semaphore, #tpu.memory_space<semaphore_mem>>)
    %dma_wait3A_192 = arith.constant 0 : i32
    %dma_wait3A_193 = arith.constant 0 : i32
    %dma_wait3A_194 = tpu.memref_slice %arg7[%dma_wait3A_192, %dma_wait3A_193] : memref<6x112xi32, #tpu.memory_space<vmem>> -> memref<1x112xi32, #tpu.memory_space<vmem>>
    %dma_wait3A_195 = tpu.memref_squeeze %dma_wait3A_194 : memref<1x112xi32, #tpu.memory_space<vmem>> -> memref<112xi32, #tpu.memory_space<vmem>>
    %dma_wait3A_196 = arith.constant 0 : i32
    %dma_wait3A_197 = arith.constant 0 : i32
    %dma_wait3A_198 = tpu.memref_slice %arg2[%dma_wait3A_196, %dma_wait3A_197] : memref<10000x128xf32, #tpu.memory_space<hbm>> -> memref<10000x128xf32, #tpu.memory_space<hbm>>
    tpu.wait_indirect_dma semaphore(%arg19 : memref<!tpu.dma_semaphore, #tpu.memory_space<semaphore_mem>>) src(%dma_wait3A_198 : memref<10000x128xf32, #tpu.memory_space<hbm>>) dst(%arg12 : memref<112x128xf32, #tpu.memory_space<vmem>>)
    %dma_start3A_199 = arith.constant 4 : i32
    %dma_start3A_200 = arith.constant 0 : i32
    %dma_start3A_201 = tpu.memref_slice %arg9[%dma_start3A_199, %dma_start3A_200] : memref<6x112xi32, #tpu.memory_space<vmem>> -> memref<1x112xi32, #tpu.memory_space<vmem>>
    %dma_start3A_202 = tpu.memref_squeeze %dma_start3A_201 : memref<1x112xi32, #tpu.memory_space<vmem>> -> memref<112xi32, #tpu.memory_space<vmem>>
    %dma_start3A_203 = arith.constant 0 : i32
    %dma_start3A_204 = arith.constant 0 : i32
    %dma_start3A_205 = tpu.memref_slice %arg6[%dma_start3A_203, %dma_start3A_204] : memref<10240x128xf32, #tpu.memory_space<vmem_shared>> -> memref<10240x128xf32, #tpu.memory_space<vmem_shared>>
    tpu.enqueue_indirect_dma source(%arg12 : memref<112x128xf32, #tpu.memory_space<vmem>>) target(%dma_start3A_205 : memref<10240x128xf32, #tpu.memory_space<vmem_shared>>) offsets(%dma_start3A_202 : memref<112xi32, #tpu.memory_space<vmem>>) semaphore(%arg22 : memref<!tpu.dma_semaphore, #tpu.memory_space<semaphore_mem>>) {add = true}
    %dma_wait3A_206 = arith.constant 0 : i32
    %dma_wait3A_207 = arith.constant 0 : i32
    %dma_wait3A_208 = tpu.memref_slice %arg9[%dma_wait3A_206, %dma_wait3A_207] : memref<6x112xi32, #tpu.memory_space<vmem>> -> memref<1x112xi32, #tpu.memory_space<vmem>>
    %dma_wait3A_209 = tpu.memref_squeeze %dma_wait3A_208 : memref<1x112xi32, #tpu.memory_space<vmem>> -> memref<112xi32, #tpu.memory_space<vmem>>
    %dma_wait3A_210 = arith.constant 0 : i32
    %dma_wait3A_211 = arith.constant 0 : i32
    %dma_wait3A_212 = tpu.memref_slice %arg6[%dma_wait3A_210, %dma_wait3A_211] : memref<10240x128xf32, #tpu.memory_space<vmem_shared>> -> memref<10240x128xf32, #tpu.memory_space<vmem_shared>>
    tpu.wait_indirect_dma semaphore(%arg21 : memref<!tpu.dma_semaphore, #tpu.memory_space<semaphore_mem>>) src(%arg11 : memref<112x128xf32, #tpu.memory_space<vmem>>) dst(%dma_wait3A_212 : memref<10240x128xf32, #tpu.memory_space<vmem_shared>>)
    %dma_wait3A_213 = arith.constant 0 : i32
    %dma_wait3A_214 = arith.constant 0 : i32
    %dma_wait3A_215 = arith.constant 0 : i32
    %dma_wait3A_216 = tpu.memref_slice %arg3[%add3A, %dma_wait3A_213, %dma_wait3A_214, %dma_wait3A_215] : memref<32x15x6x112xi32, #tpu.memory_space<hbm>> -> memref<1x1x6x112xi32, #tpu.memory_space<hbm>>
    %dma_wait3A_217 = tpu.memref_squeeze %dma_wait3A_216 : memref<1x1x6x112xi32, #tpu.memory_space<hbm>> -> memref<6x112xi32, #tpu.memory_space<hbm>>
    %dma_wait3A_218 = arith.constant 0 : i32
    %dma_wait3A_219 = arith.constant 0 : i32
    %dma_wait3A_220 = tpu.memref_slice %arg3[%add3A, %dma_wait3A_213, %dma_wait3A_218, %dma_wait3A_219] : memref<32x15x6x112xi32, #tpu.memory_space<hbm>> -> memref<1x1x6x112xi32, #tpu.memory_space<hbm>>
    %dma_wait3A_221 = tpu.memref_squeeze %dma_wait3A_220 : memref<1x1x6x112xi32, #tpu.memory_space<hbm>> -> memref<6x112xi32, #tpu.memory_space<hbm>>
    tpu.wait_dma2 semaphore(%arg15 : memref<!tpu.dma_semaphore, #tpu.memory_space<semaphore_mem>>) src(%dma_wait3A_221 : memref<6x112xi32, #tpu.memory_space<hbm>>) dst(%arg8 : memref<6x112xi32, #tpu.memory_space<vmem>>)
    %dma_wait3A_222 = arith.constant 0 : i32
    %dma_wait3A_223 = arith.constant 0 : i32
    %dma_wait3A_224 = arith.constant 0 : i32
    %dma_wait3A_225 = tpu.memref_slice %arg4[%add3A, %dma_wait3A_222, %dma_wait3A_223, %dma_wait3A_224] : memref<32x15x6x112xi32, #tpu.memory_space<hbm>> -> memref<1x1x6x112xi32, #tpu.memory_space<hbm>>
    %dma_wait3A_226 = tpu.memref_squeeze %dma_wait3A_225 : memref<1x1x6x112xi32, #tpu.memory_space<hbm>> -> memref<6x112xi32, #tpu.memory_space<hbm>>
    %dma_wait3A_227 = arith.constant 0 : i32
    %dma_wait3A_228 = arith.constant 0 : i32
    %dma_wait3A_229 = tpu.memref_slice %arg4[%add3A, %dma_wait3A_222, %dma_wait3A_227, %dma_wait3A_228] : memref<32x15x6x112xi32, #tpu.memory_space<hbm>> -> memref<1x1x6x112xi32, #tpu.memory_space<hbm>>
    %dma_wait3A_230 = tpu.memref_squeeze %dma_wait3A_229 : memref<1x1x6x112xi32, #tpu.memory_space<hbm>> -> memref<6x112xi32, #tpu.memory_space<hbm>>
    tpu.wait_dma2 semaphore(%arg17 : memref<!tpu.dma_semaphore, #tpu.memory_space<semaphore_mem>>) src(%dma_wait3A_230 : memref<6x112xi32, #tpu.memory_space<hbm>>) dst(%arg10 : memref<6x112xi32, #tpu.memory_space<vmem>>)
    %dma_start3A_231 = arith.constant 0 : i32
    %dma_start3A_232 = arith.constant 0 : i32
    %dma_start3A_233 = tpu.memref_slice %arg8[%dma_start3A_231, %dma_start3A_232] : memref<6x112xi32, #tpu.memory_space<vmem>> -> memref<1x112xi32, #tpu.memory_space<vmem>>
    %dma_start3A_234 = tpu.memref_squeeze %dma_start3A_233 : memref<1x112xi32, #tpu.memory_space<vmem>> -> memref<112xi32, #tpu.memory_space<vmem>>
    %dma_start3A_235 = arith.constant 0 : i32
    %dma_start3A_236 = arith.constant 0 : i32
    %dma_start3A_237 = tpu.memref_slice %arg2[%dma_start3A_235, %dma_start3A_236] : memref<10000x128xf32, #tpu.memory_space<hbm>> -> memref<10000x128xf32, #tpu.memory_space<hbm>>
    tpu.enqueue_indirect_dma source(%dma_start3A_237 : memref<10000x128xf32, #tpu.memory_space<hbm>>) target(%arg11 : memref<112x128xf32, #tpu.memory_space<vmem>>) offsets(%dma_start3A_234 : memref<112xi32, #tpu.memory_space<vmem>>) semaphore(%arg18 : memref<!tpu.dma_semaphore, #tpu.memory_space<semaphore_mem>>)
    %dma_wait3A_238 = arith.constant 0 : i32
    %dma_wait3A_239 = arith.constant 0 : i32
    %dma_wait3A_240 = tpu.memref_slice %arg7[%dma_wait3A_238, %dma_wait3A_239] : memref<6x112xi32, #tpu.memory_space<vmem>> -> memref<1x112xi32, #tpu.memory_space<vmem>>
    %dma_wait3A_241 = tpu.memref_squeeze %dma_wait3A_240 : memref<1x112xi32, #tpu.memory_space<vmem>> -> memref<112xi32, #tpu.memory_space<vmem>>
    %dma_wait3A_242 = arith.constant 0 : i32
    %dma_wait3A_243 = arith.constant 0 : i32
    %dma_wait3A_244 = tpu.memref_slice %arg2[%dma_wait3A_242, %dma_wait3A_243] : memref<10000x128xf32, #tpu.memory_space<hbm>> -> memref<10000x128xf32, #tpu.memory_space<hbm>>
    tpu.wait_indirect_dma semaphore(%arg20 : memref<!tpu.dma_semaphore, #tpu.memory_space<semaphore_mem>>) src(%dma_wait3A_244 : memref<10000x128xf32, #tpu.memory_space<hbm>>) dst(%arg13 : memref<112x128xf32, #tpu.memory_space<vmem>>)
    %dma_start3A_245 = arith.constant 5 : i32
    %dma_start3A_246 = arith.constant 0 : i32
    %dma_start3A_247 = tpu.memref_slice %arg9[%dma_start3A_245, %dma_start3A_246] : memref<6x112xi32, #tpu.memory_space<vmem>> -> memref<1x112xi32, #tpu.memory_space<vmem>>
    %dma_start3A_248 = tpu.memref_squeeze %dma_start3A_247 : memref<1x112xi32, #tpu.memory_space<vmem>> -> memref<112xi32, #tpu.memory_space<vmem>>
    %dma_start3A_249 = arith.constant 0 : i32
    %dma_start3A_250 = arith.constant 0 : i32
    %dma_start3A_251 = tpu.memref_slice %arg6[%dma_start3A_249, %dma_start3A_250] : memref<10240x128xf32, #tpu.memory_space<vmem_shared>> -> memref<10240x128xf32, #tpu.memory_space<vmem_shared>>
    tpu.enqueue_indirect_dma source(%arg13 : memref<112x128xf32, #tpu.memory_space<vmem>>) target(%dma_start3A_251 : memref<10240x128xf32, #tpu.memory_space<vmem_shared>>) offsets(%dma_start3A_248 : memref<112xi32, #tpu.memory_space<vmem>>) semaphore(%arg23 : memref<!tpu.dma_semaphore, #tpu.memory_space<semaphore_mem>>) {add = true}
    %dma_wait3A_252 = arith.constant 0 : i32
    %dma_wait3A_253 = arith.constant 0 : i32
    %dma_wait3A_254 = tpu.memref_slice %arg9[%dma_wait3A_252, %dma_wait3A_253] : memref<6x112xi32, #tpu.memory_space<vmem>> -> memref<1x112xi32, #tpu.memory_space<vmem>>
    %dma_wait3A_255 = tpu.memref_squeeze %dma_wait3A_254 : memref<1x112xi32, #tpu.memory_space<vmem>> -> memref<112xi32, #tpu.memory_space<vmem>>
    %dma_wait3A_256 = arith.constant 0 : i32
    %dma_wait3A_257 = arith.constant 0 : i32
    %dma_wait3A_258 = tpu.memref_slice %arg6[%dma_wait3A_256, %dma_wait3A_257] : memref<10240x128xf32, #tpu.memory_space<vmem_shared>> -> memref<10240x128xf32, #tpu.memory_space<vmem_shared>>
    tpu.wait_indirect_dma semaphore(%arg22 : memref<!tpu.dma_semaphore, #tpu.memory_space<semaphore_mem>>) src(%arg12 : memref<112x128xf32, #tpu.memory_space<vmem>>) dst(%dma_wait3A_258 : memref<10240x128xf32, #tpu.memory_space<vmem_shared>>)
    %dma_start3A_259 = arith.constant 1 : i32
    %dma_start3A_260 = arith.constant 0 : i32
    %dma_start3A_261 = tpu.memref_slice %arg8[%dma_start3A_259, %dma_start3A_260] : memref<6x112xi32, #tpu.memory_space<vmem>> -> memref<1x112xi32, #tpu.memory_space<vmem>>
    %dma_start3A_262 = tpu.memref_squeeze %dma_start3A_261 : memref<1x112xi32, #tpu.memory_space<vmem>> -> memref<112xi32, #tpu.memory_space<vmem>>
    %dma_start3A_263 = arith.constant 0 : i32
    %dma_start3A_264 = arith.constant 0 : i32
    %dma_start3A_265 = tpu.memref_slice %arg2[%dma_start3A_263, %dma_start3A_264] : memref<10000x128xf32, #tpu.memory_space<hbm>> -> memref<10000x128xf32, #tpu.memory_space<hbm>>
    tpu.enqueue_indirect_dma source(%dma_start3A_265 : memref<10000x128xf32, #tpu.memory_space<hbm>>) target(%arg12 : memref<112x128xf32, #tpu.memory_space<vmem>>) offsets(%dma_start3A_262 : memref<112xi32, #tpu.memory_space<vmem>>) semaphore(%arg19 : memref<!tpu.dma_semaphore, #tpu.memory_space<semaphore_mem>>)
    %dma_wait3A_266 = arith.constant 0 : i32
    %dma_wait3A_267 = arith.constant 0 : i32
    %dma_wait3A_268 = tpu.memref_slice %arg7[%dma_wait3A_266, %dma_wait3A_267] : memref<6x112xi32, #tpu.memory_space<vmem>> -> memref<1x112xi32, #tpu.memory_space<vmem>>
    %dma_wait3A_269 = tpu.memref_squeeze %dma_wait3A_268 : memref<1x112xi32, #tpu.memory_space<vmem>> -> memref<112xi32, #tpu.memory_space<vmem>>
    %dma_wait3A_270 = arith.constant 0 : i32
    %dma_wait3A_271 = arith.constant 0 : i32
    %dma_wait3A_272 = tpu.memref_slice %arg2[%dma_wait3A_270, %dma_wait3A_271] : memref<10000x128xf32, #tpu.memory_space<hbm>> -> memref<10000x128xf32, #tpu.memory_space<hbm>>
    tpu.wait_indirect_dma semaphore(%arg18 : memref<!tpu.dma_semaphore, #tpu.memory_space<semaphore_mem>>) src(%dma_wait3A_272 : memref<10000x128xf32, #tpu.memory_space<hbm>>) dst(%arg11 : memref<112x128xf32, #tpu.memory_space<vmem>>)
    %dma_start3A_273 = arith.constant 0 : i32
    %dma_start3A_274 = arith.constant 0 : i32
    %dma_start3A_275 = tpu.memref_slice %arg10[%dma_start3A_273, %dma_start3A_274] : memref<6x112xi32, #tpu.memory_space<vmem>> -> memref<1x112xi32, #tpu.memory_space<vmem>>
    %dma_start3A_276 = tpu.memref_squeeze %dma_start3A_275 : memref<1x112xi32, #tpu.memory_space<vmem>> -> memref<112xi32, #tpu.memory_space<vmem>>
    %dma_start3A_277 = arith.constant 0 : i32
    %dma_start3A_278 = arith.constant 0 : i32
    %dma_start3A_279 = tpu.memref_slice %arg6[%dma_start3A_277, %dma_start3A_278] : memref<10240x128xf32, #tpu.memory_space<vmem_shared>> -> memref<10240x128xf32, #tpu.memory_space<vmem_shared>>
    tpu.enqueue_indirect_dma source(%arg11 : memref<112x128xf32, #tpu.memory_space<vmem>>) target(%dma_start3A_279 : memref<10240x128xf32, #tpu.memory_space<vmem_shared>>) offsets(%dma_start3A_276 : memref<112xi32, #tpu.memory_space<vmem>>) semaphore(%arg21 : memref<!tpu.dma_semaphore, #tpu.memory_space<semaphore_mem>>) {add = true}
    %dma_wait3A_280 = arith.constant 0 : i32
    %dma_wait3A_281 = arith.constant 0 : i32
    %dma_wait3A_282 = tpu.memref_slice %arg9[%dma_wait3A_280, %dma_wait3A_281] : memref<6x112xi32, #tpu.memory_space<vmem>> -> memref<1x112xi32, #tpu.memory_space<vmem>>
    %dma_wait3A_283 = tpu.memref_squeeze %dma_wait3A_282 : memref<1x112xi32, #tpu.memory_space<vmem>> -> memref<112xi32, #tpu.memory_space<vmem>>
    %dma_wait3A_284 = arith.constant 0 : i32
    %dma_wait3A_285 = arith.constant 0 : i32
    %dma_wait3A_286 = tpu.memref_slice %arg6[%dma_wait3A_284, %dma_wait3A_285] : memref<10240x128xf32, #tpu.memory_space<vmem_shared>> -> memref<10240x128xf32, #tpu.memory_space<vmem_shared>>
    tpu.wait_indirect_dma semaphore(%arg23 : memref<!tpu.dma_semaphore, #tpu.memory_space<semaphore_mem>>) src(%arg13 : memref<112x128xf32, #tpu.memory_space<vmem>>) dst(%dma_wait3A_286 : memref<10240x128xf32, #tpu.memory_space<vmem_shared>>)
    %dma_start3A_287 = arith.constant 2 : i32
    %dma_start3A_288 = arith.constant 0 : i32
    %dma_start3A_289 = arith.constant 0 : i32
    %dma_start3A_290 = tpu.memref_slice %arg3[%add3A, %dma_start3A_287, %dma_start3A_288, %dma_start3A_289] : memref<32x15x6x112xi32, #tpu.memory_space<hbm>> -> memref<1x1x6x112xi32, #tpu.memory_space<hbm>>
    %dma_start3A_291 = tpu.memref_squeeze %dma_start3A_290 : memref<1x1x6x112xi32, #tpu.memory_space<hbm>> -> memref<6x112xi32, #tpu.memory_space<hbm>>
    %dma_start3A_292 = arith.constant 0 : i32
    %dma_start3A_293 = arith.constant 0 : i32
    %dma_start3A_294 = tpu.memref_slice %arg3[%add3A, %dma_start3A_287, %dma_start3A_292, %dma_start3A_293] : memref<32x15x6x112xi32, #tpu.memory_space<hbm>> -> memref<1x1x6x112xi32, #tpu.memory_space<hbm>>
    %dma_start3A_295 = tpu.memref_squeeze %dma_start3A_294 : memref<1x1x6x112xi32, #tpu.memory_space<hbm>> -> memref<6x112xi32, #tpu.memory_space<hbm>>
    tpu.enqueue_dma source(%dma_start3A_295 : memref<6x112xi32, #tpu.memory_space<hbm>>) target(%arg7 : memref<6x112xi32, #tpu.memory_space<vmem>>) target_semaphore(%arg14 : memref<!tpu.dma_semaphore, #tpu.memory_space<semaphore_mem>>)
    %dma_start3A_296 = arith.constant 2 : i32
    %dma_start3A_297 = arith.constant 0 : i32
    %dma_start3A_298 = arith.constant 0 : i32
    %dma_start3A_299 = tpu.memref_slice %arg4[%add3A, %dma_start3A_296, %dma_start3A_297, %dma_start3A_298] : memref<32x15x6x112xi32, #tpu.memory_space<hbm>> -> memref<1x1x6x112xi32, #tpu.memory_space<hbm>>
    %dma_start3A_300 = tpu.memref_squeeze %dma_start3A_299 : memref<1x1x6x112xi32, #tpu.memory_space<hbm>> -> memref<6x112xi32, #tpu.memory_space<hbm>>
    %dma_start3A_301 = arith.constant 0 : i32
    %dma_start3A_302 = arith.constant 0 : i32
    %dma_start3A_303 = tpu.memref_slice %arg4[%add3A, %dma_start3A_296, %dma_start3A_301, %dma_start3A_302] : memref<32x15x6x112xi32, #tpu.memory_space<hbm>> -> memref<1x1x6x112xi32, #tpu.memory_space<hbm>>
    %dma_start3A_304 = tpu.memref_squeeze %dma_start3A_303 : memref<1x1x6x112xi32, #tpu.memory_space<hbm>> -> memref<6x112xi32, #tpu.memory_space<hbm>>
    tpu.enqueue_dma source(%dma_start3A_304 : memref<6x112xi32, #tpu.memory_space<hbm>>) target(%arg9 : memref<6x112xi32, #tpu.memory_space<vmem>>) target_semaphore(%arg16 : memref<!tpu.dma_semaphore, #tpu.memory_space<semaphore_mem>>)
    %dma_start3A_305 = arith.constant 2 : i32
    %dma_start3A_306 = arith.constant 0 : i32
    %dma_start3A_307 = tpu.memref_slice %arg8[%dma_start3A_305, %dma_start3A_306] : memref<6x112xi32, #tpu.memory_space<vmem>> -> memref<1x112xi32, #tpu.memory_space<vmem>>
    %dma_start3A_308 = tpu.memref_squeeze %dma_start3A_307 : memref<1x112xi32, #tpu.memory_space<vmem>> -> memref<112xi32, #tpu.memory_space<vmem>>
    %dma_start3A_309 = arith.constant 0 : i32
    %dma_start3A_310 = arith.constant 0 : i32
    %dma_start3A_311 = tpu.memref_slice %arg2[%dma_start3A_309, %dma_start3A_310] : memref<10000x128xf32, #tpu.memory_space<hbm>> -> memref<10000x128xf32, #tpu.memory_space<hbm>>
    tpu.enqueue_indirect_dma source(%dma_start3A_311 : memref<10000x128xf32, #tpu.memory_space<hbm>>) target(%arg13 : memref<112x128xf32, #tpu.memory_space<vmem>>) offsets(%dma_start3A_308 : memref<112xi32, #tpu.memory_space<vmem>>) semaphore(%arg20 : memref<!tpu.dma_semaphore, #tpu.memory_space<semaphore_mem>>)
    %dma_wait3A_312 = arith.constant 0 : i32
    %dma_wait3A_313 = arith.constant 0 : i32
    %dma_wait3A_314 = tpu.memref_slice %arg7[%dma_wait3A_312, %dma_wait3A_313] : memref<6x112xi32, #tpu.memory_space<vmem>> -> memref<1x112xi32, #tpu.memory_space<vmem>>
    %dma_wait3A_315 = tpu.memref_squeeze %dma_wait3A_314 : memref<1x112xi32, #tpu.memory_space<vmem>> -> memref<112xi32, #tpu.memory_space<vmem>>
    %dma_wait3A_316 = arith.constant 0 : i32
    %dma_wait3A_317 = arith.constant 0 : i32
    %dma_wait3A_318 = tpu.memref_slice %arg2[%dma_wait3A_316, %dma_wait3A_317] : memref<10000x128xf32, #tpu.memory_space<hbm>> -> memref<10000x128xf32, #tpu.memory_space<hbm>>
    tpu.wait_indirect_dma semaphore(%arg19 : memref<!tpu.dma_semaphore, #tpu.memory_space<semaphore_mem>>) src(%dma_wait3A_318 : memref<10000x128xf32, #tpu.memory_space<hbm>>) dst(%arg12 : memref<112x128xf32, #tpu.memory_space<vmem>>)
    %dma_start3A_319 = arith.constant 1 : i32
    %dma_start3A_320 = arith.constant 0 : i32
    %dma_start3A_321 = tpu.memref_slice %arg10[%dma_start3A_319, %dma_start3A_320] : memref<6x112xi32, #tpu.memory_space<vmem>> -> memref<1x112xi32, #tpu.memory_space<vmem>>
    %dma_start3A_322 = tpu.memref_squeeze %dma_start3A_321 : memref<1x112xi32, #tpu.memory_space<vmem>> -> memref<112xi32, #tpu.memory_space<vmem>>
    %dma_start3A_323 = arith.constant 0 : i32
    %dma_start3A_324 = arith.constant 0 : i32
    %dma_start3A_325 = tpu.memref_slice %arg6[%dma_start3A_323, %dma_start3A_324] : memref<10240x128xf32, #tpu.memory_space<vmem_shared>> -> memref<10240x128xf32, #tpu.memory_space<vmem_shared>>
    tpu.enqueue_indirect_dma source(%arg12 : memref<112x128xf32, #tpu.memory_space<vmem>>) target(%dma_start3A_325 : memref<10240x128xf32, #tpu.memory_space<vmem_shared>>) offsets(%dma_start3A_322 : memref<112xi32, #tpu.memory_space<vmem>>) semaphore(%arg22 : memref<!tpu.dma_semaphore, #tpu.memory_space<semaphore_mem>>) {add = true}
    %dma_wait3A_326 = arith.constant 0 : i32
    %dma_wait3A_327 = arith.constant 0 : i32
    %dma_wait3A_328 = tpu.memref_slice %arg9[%dma_wait3A_326, %dma_wait3A_327] : memref<6x112xi32, #tpu.memory_space<vmem>> -> memref<1x112xi32, #tpu.memory_space<vmem>>
    %dma_wait3A_329 = tpu.memref_squeeze %dma_wait3A_328 : memref<1x112xi32, #tpu.memory_space<vmem>> -> memref<112xi32, #tpu.memory_space<vmem>>
    %dma_wait3A_330 = arith.constant 0 : i32
    %dma_wait3A_331 = arith.constant 0 : i32
    %dma_wait3A_332 = tpu.memref_slice %arg6[%dma_wait3A_330, %dma_wait3A_331] : memref<10240x128xf32, #tpu.memory_space<vmem_shared>> -> memref<10240x128xf32, #tpu.memory_space<vmem_shared>>
    tpu.wait_indirect_dma semaphore(%arg21 : memref<!tpu.dma_semaphore, #tpu.memory_space<semaphore_mem>>) src(%arg11 : memref<112x128xf32, #tpu.memory_space<vmem>>) dst(%dma_wait3A_332 : memref<10240x128xf32, #tpu.memory_space<vmem_shared>>)
    %dma_start3A_333 = arith.constant 3 : i32
    %dma_start3A_334 = arith.constant 0 : i32
    %dma_start3A_335 = tpu.memref_slice %arg8[%dma_start3A_333, %dma_start3A_334] : memref<6x112xi32, #tpu.memory_space<vmem>> -> memref<1x112xi32, #tpu.memory_space<vmem>>
    %dma_start3A_336 = tpu.memref_squeeze %dma_start3A_335 : memref<1x112xi32, #tpu.memory_space<vmem>> -> memref<112xi32, #tpu.memory_space<vmem>>
    %dma_start3A_337 = arith.constant 0 : i32
    %dma_start3A_338 = arith.constant 0 : i32
    %dma_start3A_339 = tpu.memref_slice %arg2[%dma_start3A_337, %dma_start3A_338] : memref<10000x128xf32, #tpu.memory_space<hbm>> -> memref<10000x128xf32, #tpu.memory_space<hbm>>
    tpu.enqueue_indirect_dma source(%dma_start3A_339 : memref<10000x128xf32, #tpu.memory_space<hbm>>) target(%arg11 : memref<112x128xf32, #tpu.memory_space<vmem>>) offsets(%dma_start3A_336 : memref<112xi32, #tpu.memory_space<vmem>>) semaphore(%arg18 : memref<!tpu.dma_semaphore, #tpu.memory_space<semaphore_mem>>)
    %dma_wait3A_340 = arith.constant 0 : i32
    %dma_wait3A_341 = arith.constant 0 : i32
    %dma_wait3A_342 = tpu.memref_slice %arg7[%dma_wait3A_340, %dma_wait3A_341] : memref<6x112xi32, #tpu.memory_space<vmem>> -> memref<1x112xi32, #tpu.memory_space<vmem>>
    %dma_wait3A_343 = tpu.memref_squeeze %dma_wait3A_342 : memref<1x112xi32, #tpu.memory_space<vmem>> -> memref<112xi32, #tpu.memory_space<vmem>>
    %dma_wait3A_344 = arith.constant 0 : i32
    %dma_wait3A_345 = arith.constant 0 : i32
    %dma_wait3A_346 = tpu.memref_slice %arg2[%dma_wait3A_344, %dma_wait3A_345] : memref<10000x128xf32, #tpu.memory_space<hbm>> -> memref<10000x128xf32, #tpu.memory_space<hbm>>
    tpu.wait_indirect_dma semaphore(%arg20 : memref<!tpu.dma_semaphore, #tpu.memory_space<semaphore_mem>>) src(%dma_wait3A_346 : memref<10000x128xf32, #tpu.memory_space<hbm>>) dst(%arg13 : memref<112x128xf32, #tpu.memory_space<vmem>>)
    %dma_start3A_347 = arith.constant 2 : i32
    %dma_start3A_348 = arith.constant 0 : i32
    %dma_start3A_349 = tpu.memref_slice %arg10[%dma_start3A_347, %dma_start3A_348] : memref<6x112xi32, #tpu.memory_space<vmem>> -> memref<1x112xi32, #tpu.memory_space<vmem>>
    %dma_start3A_350 = tpu.memref_squeeze %dma_start3A_349 : memref<1x112xi32, #tpu.memory_space<vmem>> -> memref<112xi32, #tpu.memory_space<vmem>>
    %dma_start3A_351 = arith.constant 0 : i32
    %dma_start3A_352 = arith.constant 0 : i32
    %dma_start3A_353 = tpu.memref_slice %arg6[%dma_start3A_351, %dma_start3A_352] : memref<10240x128xf32, #tpu.memory_space<vmem_shared>> -> memref<10240x128xf32, #tpu.memory_space<vmem_shared>>
    tpu.enqueue_indirect_dma source(%arg13 : memref<112x128xf32, #tpu.memory_space<vmem>>) target(%dma_start3A_353 : memref<10240x128xf32, #tpu.memory_space<vmem_shared>>) offsets(%dma_start3A_350 : memref<112xi32, #tpu.memory_space<vmem>>) semaphore(%arg23 : memref<!tpu.dma_semaphore, #tpu.memory_space<semaphore_mem>>) {add = true}
    %dma_wait3A_354 = arith.constant 0 : i32
    %dma_wait3A_355 = arith.constant 0 : i32
    %dma_wait3A_356 = tpu.memref_slice %arg9[%dma_wait3A_354, %dma_wait3A_355] : memref<6x112xi32, #tpu.memory_space<vmem>> -> memref<1x112xi32, #tpu.memory_space<vmem>>
    %dma_wait3A_357 = tpu.memref_squeeze %dma_wait3A_356 : memref<1x112xi32, #tpu.memory_space<vmem>> -> memref<112xi32, #tpu.memory_space<vmem>>
    %dma_wait3A_358 = arith.constant 0 : i32
    %dma_wait3A_359 = arith.constant 0 : i32
    %dma_wait3A_360 = tpu.memref_slice %arg6[%dma_wait3A_358, %dma_wait3A_359] : memref<10240x128xf32, #tpu.memory_space<vmem_shared>> -> memref<10240x128xf32, #tpu.memory_space<vmem_shared>>
    tpu.wait_indirect_dma semaphore(%arg22 : memref<!tpu.dma_semaphore, #tpu.memory_space<semaphore_mem>>) src(%arg12 : memref<112x128xf32, #tpu.memory_space<vmem>>) dst(%dma_wait3A_360 : memref<10240x128xf32, #tpu.memory_space<vmem_shared>>)
    %dma_start3A_361 = arith.constant 4 : i32
    %dma_start3A_362 = arith.constant 0 : i32
    %dma_start3A_363 = tpu.memref_slice %arg8[%dma_start3A_361, %dma_start3A_362] : memref<6x112xi32, #tpu.memory_space<vmem>> -> memref<1x112xi32, #tpu.memory_space<vmem>>
    %dma_start3A_364 = tpu.memref_squeeze %dma_start3A_363 : memref<1x112xi32, #tpu.memory_space<vmem>> -> memref<112xi32, #tpu.memory_space<vmem>>
    %dma_start3A_365 = arith.constant 0 : i32
    %dma_start3A_366 = arith.constant 0 : i32
    %dma_start3A_367 = tpu.memref_slice %arg2[%dma_start3A_365, %dma_start3A_366] : memref<10000x128xf32, #tpu.memory_space<hbm>> -> memref<10000x128xf32, #tpu.memory_space<hbm>>
    tpu.enqueue_indirect_dma source(%dma_start3A_367 : memref<10000x128xf32, #tpu.memory_space<hbm>>) target(%arg12 : memref<112x128xf32, #tpu.memory_space<vmem>>) offsets(%dma_start3A_364 : memref<112xi32, #tpu.memory_space<vmem>>) semaphore(%arg19 : memref<!tpu.dma_semaphore, #tpu.memory_space<semaphore_mem>>)
    %dma_wait3A_368 = arith.constant 0 : i32
    %dma_wait3A_369 = arith.constant 0 : i32
    %dma_wait3A_370 = tpu.memref_slice %arg7[%dma_wait3A_368, %dma_wait3A_369] : memref<6x112xi32, #tpu.memory_space<vmem>> -> memref<1x112xi32, #tpu.memory_space<vmem>>
    %dma_wait3A_371 = tpu.memref_squeeze %dma_wait3A_370 : memref<1x112xi32, #tpu.memory_space<vmem>> -> memref<112xi32, #tpu.memory_space<vmem>>
    %dma_wait3A_372 = arith.constant 0 : i32
    %dma_wait3A_373 = arith.constant 0 : i32
    %dma_wait3A_374 = tpu.memref_slice %arg2[%dma_wait3A_372, %dma_wait3A_373] : memref<10000x128xf32, #tpu.memory_space<hbm>> -> memref<10000x128xf32, #tpu.memory_space<hbm>>
    tpu.wait_indirect_dma semaphore(%arg18 : memref<!tpu.dma_semaphore, #tpu.memory_space<semaphore_mem>>) src(%dma_wait3A_374 : memref<10000x128xf32, #tpu.memory_space<hbm>>) dst(%arg11 : memref<112x128xf32, #tpu.memory_space<vmem>>)
    %dma_start3A_375 = arith.constant 3 : i32
    %dma_start3A_376 = arith.constant 0 : i32
    %dma_start3A_377 = tpu.memref_slice %arg10[%dma_start3A_375, %dma_start3A_376] : memref<6x112xi32, #tpu.memory_space<vmem>> -> memref<1x112xi32, #tpu.memory_space<vmem>>
    %dma_start3A_378 = tpu.memref_squeeze %dma_start3A_377 : memref<1x112xi32, #tpu.memory_space<vmem>> -> memref<112xi32, #tpu.memory_space<vmem>>
    %dma_start3A_379 = arith.constant 0 : i32
    %dma_start3A_380 = arith.constant 0 : i32
    %dma_start3A_381 = tpu.memref_slice %arg6[%dma_start3A_379, %dma_start3A_380] : memref<10240x128xf32, #tpu.memory_space<vmem_shared>> -> memref<10240x128xf32, #tpu.memory_space<vmem_shared>>
    tpu.enqueue_indirect_dma source(%arg11 : memref<112x128xf32, #tpu.memory_space<vmem>>) target(%dma_start3A_381 : memref<10240x128xf32, #tpu.memory_space<vmem_shared>>) offsets(%dma_start3A_378 : memref<112xi32, #tpu.memory_space<vmem>>) semaphore(%arg21 : memref<!tpu.dma_semaphore, #tpu.memory_space<semaphore_mem>>) {add = true}
    %dma_wait3A_382 = arith.constant 0 : i32
    %dma_wait3A_383 = arith.constant 0 : i32
    %dma_wait3A_384 = tpu.memref_slice %arg9[%dma_wait3A_382, %dma_wait3A_383] : memref<6x112xi32, #tpu.memory_space<vmem>> -> memref<1x112xi32, #tpu.memory_space<vmem>>
    %dma_wait3A_385 = tpu.memref_squeeze %dma_wait3A_384 : memref<1x112xi32, #tpu.memory_space<vmem>> -> memref<112xi32, #tpu.memory_space<vmem>>
    %dma_wait3A_386 = arith.constant 0 : i32
    %dma_wait3A_387 = arith.constant 0 : i32
    %dma_wait3A_388 = tpu.memref_slice %arg6[%dma_wait3A_386, %dma_wait3A_387] : memref<10240x128xf32, #tpu.memory_space<vmem_shared>> -> memref<10240x128xf32, #tpu.memory_space<vmem_shared>>
    tpu.wait_indirect_dma semaphore(%arg23 : memref<!tpu.dma_semaphore, #tpu.memory_space<semaphore_mem>>) src(%arg13 : memref<112x128xf32, #tpu.memory_space<vmem>>) dst(%dma_wait3A_388 : memref<10240x128xf32, #tpu.memory_space<vmem_shared>>)
    %dma_start3A_389 = arith.constant 5 : i32
    %dma_start3A_390 = arith.constant 0 : i32
    %dma_start3A_391 = tpu.memref_slice %arg8[%dma_start3A_389, %dma_start3A_390] : memref<6x112xi32, #tpu.memory_space<vmem>> -> memref<1x112xi32, #tpu.memory_space<vmem>>
    %dma_start3A_392 = tpu.memref_squeeze %dma_start3A_391 : memref<1x112xi32, #tpu.memory_space<vmem>> -> memref<112xi32, #tpu.memory_space<vmem>>
    %dma_start3A_393 = arith.constant 0 : i32
    %dma_start3A_394 = arith.constant 0 : i32
    %dma_start3A_395 = tpu.memref_slice %arg2[%dma_start3A_393, %dma_start3A_394] : memref<10000x128xf32, #tpu.memory_space<hbm>> -> memref<10000x128xf32, #tpu.memory_space<hbm>>
    tpu.enqueue_indirect_dma source(%dma_start3A_395 : memref<10000x128xf32, #tpu.memory_space<hbm>>) target(%arg13 : memref<112x128xf32, #tpu.memory_space<vmem>>) offsets(%dma_start3A_392 : memref<112xi32, #tpu.memory_space<vmem>>) semaphore(%arg20 : memref<!tpu.dma_semaphore, #tpu.memory_space<semaphore_mem>>)
    %dma_wait3A_396 = arith.constant 0 : i32
    %dma_wait3A_397 = arith.constant 0 : i32
    %dma_wait3A_398 = tpu.memref_slice %arg7[%dma_wait3A_396, %dma_wait3A_397] : memref<6x112xi32, #tpu.memory_space<vmem>> -> memref<1x112xi32, #tpu.memory_space<vmem>>
    %dma_wait3A_399 = tpu.memref_squeeze %dma_wait3A_398 : memref<1x112xi32, #tpu.memory_space<vmem>> -> memref<112xi32, #tpu.memory_space<vmem>>
    %dma_wait3A_400 = arith.constant 0 : i32
    %dma_wait3A_401 = arith.constant 0 : i32
    %dma_wait3A_402 = tpu.memref_slice %arg2[%dma_wait3A_400, %dma_wait3A_401] : memref<10000x128xf32, #tpu.memory_space<hbm>> -> memref<10000x128xf32, #tpu.memory_space<hbm>>
    tpu.wait_indirect_dma semaphore(%arg19 : memref<!tpu.dma_semaphore, #tpu.memory_space<semaphore_mem>>) src(%dma_wait3A_402 : memref<10000x128xf32, #tpu.memory_space<hbm>>) dst(%arg12 : memref<112x128xf32, #tpu.memory_space<vmem>>)
    %dma_start3A_403 = arith.constant 4 : i32
    %dma_start3A_404 = arith.constant 0 : i32
    %dma_start3A_405 = tpu.memref_slice %arg10[%dma_start3A_403, %dma_start3A_404] : memref<6x112xi32, #tpu.memory_space<vmem>> -> memref<1x112xi32, #tpu.memory_space<vmem>>
    %dma_start3A_406 = tpu.memref_squeeze %dma_start3A_405 : memref<1x112xi32, #tpu.memory_space<vmem>> -> memref<112xi32, #tpu.memory_space<vmem>>
    %dma_start3A_407 = arith.constant 0 : i32
    %dma_start3A_408 = arith.constant 0 : i32
    %dma_start3A_409 = tpu.memref_slice %arg6[%dma_start3A_407, %dma_start3A_408] : memref<10240x128xf32, #tpu.memory_space<vmem_shared>> -> memref<10240x128xf32, #tpu.memory_space<vmem_shared>>
    tpu.enqueue_indirect_dma source(%arg12 : memref<112x128xf32, #tpu.memory_space<vmem>>) target(%dma_start3A_409 : memref<10240x128xf32, #tpu.memory_space<vmem_shared>>) offsets(%dma_start3A_406 : memref<112xi32, #tpu.memory_space<vmem>>) semaphore(%arg22 : memref<!tpu.dma_semaphore, #tpu.memory_space<semaphore_mem>>) {add = true}
    %dma_wait3A_410 = arith.constant 0 : i32
    %dma_wait3A_411 = arith.constant 0 : i32
    %dma_wait3A_412 = tpu.memref_slice %arg9[%dma_wait3A_410, %dma_wait3A_411] : memref<6x112xi32, #tpu.memory_space<vmem>> -> memref<1x112xi32, #tpu.memory_space<vmem>>
    %dma_wait3A_413 = tpu.memref_squeeze %dma_wait3A_412 : memref<1x112xi32, #tpu.memory_space<vmem>> -> memref<112xi32, #tpu.memory_space<vmem>>
    %dma_wait3A_414 = arith.constant 0 : i32
    %dma_wait3A_415 = arith.constant 0 : i32
    %dma_wait3A_416 = tpu.memref_slice %arg6[%dma_wait3A_414, %dma_wait3A_415] : memref<10240x128xf32, #tpu.memory_space<vmem_shared>> -> memref<10240x128xf32, #tpu.memory_space<vmem_shared>>
    tpu.wait_indirect_dma semaphore(%arg21 : memref<!tpu.dma_semaphore, #tpu.memory_space<semaphore_mem>>) src(%arg11 : memref<112x128xf32, #tpu.memory_space<vmem>>) dst(%dma_wait3A_416 : memref<10240x128xf32, #tpu.memory_space<vmem_shared>>)
    %dma_wait3A_417 = arith.constant 0 : i32
    %dma_wait3A_418 = arith.constant 0 : i32
    %dma_wait3A_419 = arith.constant 0 : i32
    %dma_wait3A_420 = tpu.memref_slice %arg3[%add3A, %dma_wait3A_417, %dma_wait3A_418, %dma_wait3A_419] : memref<32x15x6x112xi32, #tpu.memory_space<hbm>> -> memref<1x1x6x112xi32, #tpu.memory_space<hbm>>
    %dma_wait3A_421 = tpu.memref_squeeze %dma_wait3A_420 : memref<1x1x6x112xi32, #tpu.memory_space<hbm>> -> memref<6x112xi32, #tpu.memory_space<hbm>>
    %dma_wait3A_422 = arith.constant 0 : i32
    %dma_wait3A_423 = arith.constant 0 : i32
    %dma_wait3A_424 = tpu.memref_slice %arg3[%add3A, %dma_wait3A_417, %dma_wait3A_422, %dma_wait3A_423] : memref<32x15x6x112xi32, #tpu.memory_space<hbm>> -> memref<1x1x6x112xi32, #tpu.memory_space<hbm>>
    %dma_wait3A_425 = tpu.memref_squeeze %dma_wait3A_424 : memref<1x1x6x112xi32, #tpu.memory_space<hbm>> -> memref<6x112xi32, #tpu.memory_space<hbm>>
    tpu.wait_dma2 semaphore(%arg14 : memref<!tpu.dma_semaphore, #tpu.memory_space<semaphore_mem>>) src(%dma_wait3A_425 : memref<6x112xi32, #tpu.memory_space<hbm>>) dst(%arg7 : memref<6x112xi32, #tpu.memory_space<vmem>>)
    %dma_wait3A_426 = arith.constant 0 : i32
    %dma_wait3A_427 = arith.constant 0 : i32
    %dma_wait3A_428 = arith.constant 0 : i32
    %dma_wait3A_429 = tpu.memref_slice %arg4[%add3A, %dma_wait3A_426, %dma_wait3A_427, %dma_wait3A_428] : memref<32x15x6x112xi32, #tpu.memory_space<hbm>> -> memref<1x1x6x112xi32, #tpu.memory_space<hbm>>
    %dma_wait3A_430 = tpu.memref_squeeze %dma_wait3A_429 : memref<1x1x6x112xi32, #tpu.memory_space<hbm>> -> memref<6x112xi32, #tpu.memory_space<hbm>>
    %dma_wait3A_431 = arith.constant 0 : i32
    %dma_wait3A_432 = arith.constant 0 : i32
    %dma_wait3A_433 = tpu.memref_slice %arg4[%add3A, %dma_wait3A_426, %dma_wait3A_431, %dma_wait3A_432] : memref<32x15x6x112xi32, #tpu.memory_space<hbm>> -> memref<1x1x6x112xi32, #tpu.memory_space<hbm>>
    %dma_wait3A_434 = tpu.memref_squeeze %dma_wait3A_433 : memref<1x1x6x112xi32, #tpu.memory_space<hbm>> -> memref<6x112xi32, #tpu.memory_space<hbm>>
    tpu.wait_dma2 semaphore(%arg16 : memref<!tpu.dma_semaphore, #tpu.memory_space<semaphore_mem>>) src(%dma_wait3A_434 : memref<6x112xi32, #tpu.memory_space<hbm>>) dst(%arg9 : memref<6x112xi32, #tpu.memory_space<vmem>>)
    %dma_start3A_435 = arith.constant 0 : i32
    %dma_start3A_436 = arith.constant 0 : i32
    %dma_start3A_437 = tpu.memref_slice %arg7[%dma_start3A_435, %dma_start3A_436] : memref<6x112xi32, #tpu.memory_space<vmem>> -> memref<1x112xi32, #tpu.memory_space<vmem>>
    %dma_start3A_438 = tpu.memref_squeeze %dma_start3A_437 : memref<1x112xi32, #tpu.memory_space<vmem>> -> memref<112xi32, #tpu.memory_space<vmem>>
    %dma_start3A_439 = arith.constant 0 : i32
    %dma_start3A_440 = arith.constant 0 : i32
    %dma_start3A_441 = tpu.memref_slice %arg2[%dma_start3A_439, %dma_start3A_440] : memref<10000x128xf32, #tpu.memory_space<hbm>> -> memref<10000x128xf32, #tpu.memory_space<hbm>>
    tpu.enqueue_indirect_dma source(%dma_start3A_441 : memref<10000x128xf32, #tpu.memory_space<hbm>>) target(%arg11 : memref<112x128xf32, #tpu.memory_space<vmem>>) offsets(%dma_start3A_438 : memref<112xi32, #tpu.memory_space<vmem>>) semaphore(%arg18 : memref<!tpu.dma_semaphore, #tpu.memory_space<semaphore_mem>>)
    %dma_wait3A_442 = arith.constant 0 : i32
    %dma_wait3A_443 = arith.constant 0 : i32
    %dma_wait3A_444 = tpu.memref_slice %arg7[%dma_wait3A_442, %dma_wait3A_443] : memref<6x112xi32, #tpu.memory_space<vmem>> -> memref<1x112xi32, #tpu.memory_space<vmem>>
    %dma_wait3A_445 = tpu.memref_squeeze %dma_wait3A_444 : memref<1x112xi32, #tpu.memory_space<vmem>> -> memref<112xi32, #tpu.memory_space<vmem>>
    %dma_wait3A_446 = arith.constant 0 : i32
    %dma_wait3A_447 = arith.constant 0 : i32
    %dma_wait3A_448 = tpu.memref_slice %arg2[%dma_wait3A_446, %dma_wait3A_447] : memref<10000x128xf32, #tpu.memory_space<hbm>> -> memref<10000x128xf32, #tpu.memory_space<hbm>>
    tpu.wait_indirect_dma semaphore(%arg20 : memref<!tpu.dma_semaphore, #tpu.memory_space<semaphore_mem>>) src(%dma_wait3A_448 : memref<10000x128xf32, #tpu.memory_space<hbm>>) dst(%arg13 : memref<112x128xf32, #tpu.memory_space<vmem>>)
    %dma_start3A_449 = arith.constant 5 : i32
    %dma_start3A_450 = arith.constant 0 : i32
    %dma_start3A_451 = tpu.memref_slice %arg10[%dma_start3A_449, %dma_start3A_450] : memref<6x112xi32, #tpu.memory_space<vmem>> -> memref<1x112xi32, #tpu.memory_space<vmem>>
    %dma_start3A_452 = tpu.memref_squeeze %dma_start3A_451 : memref<1x112xi32, #tpu.memory_space<vmem>> -> memref<112xi32, #tpu.memory_space<vmem>>
    %dma_start3A_453 = arith.constant 0 : i32
    %dma_start3A_454 = arith.constant 0 : i32
    %dma_start3A_455 = tpu.memref_slice %arg6[%dma_start3A_453, %dma_start3A_454] : memref<10240x128xf32, #tpu.memory_space<vmem_shared>> -> memref<10240x128xf32, #tpu.memory_space<vmem_shared>>
    tpu.enqueue_indirect_dma source(%arg13 : memref<112x128xf32, #tpu.memory_space<vmem>>) target(%dma_start3A_455 : memref<10240x128xf32, #tpu.memory_space<vmem_shared>>) offsets(%dma_start3A_452 : memref<112xi32, #tpu.memory_space<vmem>>) semaphore(%arg23 : memref<!tpu.dma_semaphore, #tpu.memory_space<semaphore_mem>>) {add = true}
    %dma_wait3A_456 = arith.constant 0 : i32
    %dma_wait3A_457 = arith.constant 0 : i32
    %dma_wait3A_458 = tpu.memref_slice %arg9[%dma_wait3A_456, %dma_wait3A_457] : memref<6x112xi32, #tpu.memory_space<vmem>> -> memref<1x112xi32, #tpu.memory_space<vmem>>
    %dma_wait3A_459 = tpu.memref_squeeze %dma_wait3A_458 : memref<1x112xi32, #tpu.memory_space<vmem>> -> memref<112xi32, #tpu.memory_space<vmem>>
    %dma_wait3A_460 = arith.constant 0 : i32
    %dma_wait3A_461 = arith.constant 0 : i32
    %dma_wait3A_462 = tpu.memref_slice %arg6[%dma_wait3A_460, %dma_wait3A_461] : memref<10240x128xf32, #tpu.memory_space<vmem_shared>> -> memref<10240x128xf32, #tpu.memory_space<vmem_shared>>
    tpu.wait_indirect_dma semaphore(%arg22 : memref<!tpu.dma_semaphore, #tpu.memory_space<semaphore_mem>>) src(%arg12 : memref<112x128xf32, #tpu.memory_space<vmem>>) dst(%dma_wait3A_462 : memref<10240x128xf32, #tpu.memory_space<vmem_shared>>)
    %dma_start3A_463 = arith.constant 1 : i32
    %dma_start3A_464 = arith.constant 0 : i32
    %dma_start3A_465 = tpu.memref_slice %arg7[%dma_start3A_463, %dma_start3A_464] : memref<6x112xi32, #tpu.memory_space<vmem>> -> memref<1x112xi32, #tpu.memory_space<vmem>>
    %dma_start3A_466 = tpu.memref_squeeze %dma_start3A_465 : memref<1x112xi32, #tpu.memory_space<vmem>> -> memref<112xi32, #tpu.memory_space<vmem>>
    %dma_start3A_467 = arith.constant 0 : i32
    %dma_start3A_468 = arith.constant 0 : i32
    %dma_start3A_469 = tpu.memref_slice %arg2[%dma_start3A_467, %dma_start3A_468] : memref<10000x128xf32, #tpu.memory_space<hbm>> -> memref<10000x128xf32, #tpu.memory_space<hbm>>
    tpu.enqueue_indirect_dma source(%dma_start3A_469 : memref<10000x128xf32, #tpu.memory_space<hbm>>) target(%arg12 : memref<112x128xf32, #tpu.memory_space<vmem>>) offsets(%dma_start3A_466 : memref<112xi32, #tpu.memory_space<vmem>>) semaphore(%arg19 : memref<!tpu.dma_semaphore, #tpu.memory_space<semaphore_mem>>)
    %scan3A_470 = arith.constant 0 : i32
    %scan3A_471 = arith.constant 1 : i32
    %scan3A_472 = arith.constant 6 : i32
    %scan3A_473 = arith.addi %scan3A_471, %scan3A_472 : i32
    %scan3A_474 = arith.constant 1 : i32
    scf.for %scan3A_638 = %scan3A_471 to %scan3A_473 step %scan3A_474  : i32 {
      %mul3A_639 = arith.constant 2 : i32
      %mul3A_640 = arith.muli %mul3A_639, %scan3A_638 : i32
      %add3A_641 = arith.constant 0 : i32
      %add3A_642 = arith.addi %mul3A_640, %add3A_641 : i32
      %dma_wait3A_643 = arith.constant 0 : i32
      %dma_wait3A_644 = arith.constant 0 : i32
      %dma_wait3A_645 = tpu.memref_slice %arg7[%dma_wait3A_643, %dma_wait3A_644] : memref<6x112xi32, #tpu.memory_space<vmem>> -> memref<1x112xi32, #tpu.memory_space<vmem>>
      %dma_wait3A_646 = tpu.memref_squeeze %dma_wait3A_645 : memref<1x112xi32, #tpu.memory_space<vmem>> -> memref<112xi32, #tpu.memory_space<vmem>>
      %dma_wait3A_647 = arith.constant 0 : i32
      %dma_wait3A_648 = arith.constant 0 : i32
      %dma_wait3A_649 = tpu.memref_slice %arg2[%dma_wait3A_647, %dma_wait3A_648] : memref<10000x128xf32, #tpu.memory_space<hbm>> -> memref<10000x128xf32, #tpu.memory_space<hbm>>
      tpu.wait_indirect_dma semaphore(%arg18 : memref<!tpu.dma_semaphore, #tpu.memory_space<semaphore_mem>>) src(%dma_wait3A_649 : memref<10000x128xf32, #tpu.memory_space<hbm>>) dst(%arg11 : memref<112x128xf32, #tpu.memory_space<vmem>>)
      %dma_start3A_650 = arith.constant 0 : i32
      %dma_start3A_651 = arith.constant 0 : i32
      %dma_start3A_652 = tpu.memref_slice %arg9[%dma_start3A_650, %dma_start3A_651] : memref<6x112xi32, #tpu.memory_space<vmem>> -> memref<1x112xi32, #tpu.memory_space<vmem>>
      %dma_start3A_653 = tpu.memref_squeeze %dma_start3A_652 : memref<1x112xi32, #tpu.memory_space<vmem>> -> memref<112xi32, #tpu.memory_space<vmem>>
      %dma_start3A_654 = arith.constant 0 : i32
      %dma_start3A_655 = arith.constant 0 : i32
      %dma_start3A_656 = tpu.memref_slice %arg6[%dma_start3A_654, %dma_start3A_655] : memref<10240x128xf32, #tpu.memory_space<vmem_shared>> -> memref<10240x128xf32, #tpu.memory_space<vmem_shared>>
      tpu.enqueue_indirect_dma source(%arg11 : memref<112x128xf32, #tpu.memory_space<vmem>>) target(%dma_start3A_656 : memref<10240x128xf32, #tpu.memory_space<vmem_shared>>) offsets(%dma_start3A_653 : memref<112xi32, #tpu.memory_space<vmem>>) semaphore(%arg21 : memref<!tpu.dma_semaphore, #tpu.memory_space<semaphore_mem>>) {add = true}
      %dma_wait3A_657 = arith.constant 0 : i32
      %dma_wait3A_658 = arith.constant 0 : i32
      %dma_wait3A_659 = tpu.memref_slice %arg9[%dma_wait3A_657, %dma_wait3A_658] : memref<6x112xi32, #tpu.memory_space<vmem>> -> memref<1x112xi32, #tpu.memory_space<vmem>>
      %dma_wait3A_660 = tpu.memref_squeeze %dma_wait3A_659 : memref<1x112xi32, #tpu.memory_space<vmem>> -> memref<112xi32, #tpu.memory_space<vmem>>
      %dma_wait3A_661 = arith.constant 0 : i32
      %dma_wait3A_662 = arith.constant 0 : i32
      %dma_wait3A_663 = tpu.memref_slice %arg6[%dma_wait3A_661, %dma_wait3A_662] : memref<10240x128xf32, #tpu.memory_space<vmem_shared>> -> memref<10240x128xf32, #tpu.memory_space<vmem_shared>>
      tpu.wait_indirect_dma semaphore(%arg23 : memref<!tpu.dma_semaphore, #tpu.memory_space<semaphore_mem>>) src(%arg13 : memref<112x128xf32, #tpu.memory_space<vmem>>) dst(%dma_wait3A_663 : memref<10240x128xf32, #tpu.memory_space<vmem_shared>>)
      %add3A_664 = arith.constant 1 : i32
      %add3A_665 = arith.addi %add3A_642, %add3A_664 : i32
      %dma_start3A_666 = arith.constant 0 : i32
      %dma_start3A_667 = arith.constant 0 : i32
      %dma_start3A_668 = tpu.memref_slice %arg3[%add3A, %add3A_665, %dma_start3A_666, %dma_start3A_667] : memref<32x15x6x112xi32, #tpu.memory_space<hbm>> -> memref<1x1x6x112xi32, #tpu.memory_space<hbm>>
      %dma_start3A_669 = tpu.memref_squeeze %dma_start3A_668 : memref<1x1x6x112xi32, #tpu.memory_space<hbm>> -> memref<6x112xi32, #tpu.memory_space<hbm>>
      %dma_start3A_670 = arith.constant 0 : i32
      %dma_start3A_671 = arith.constant 0 : i32
      %dma_start3A_672 = tpu.memref_slice %arg3[%add3A, %add3A_665, %dma_start3A_670, %dma_start3A_671] : memref<32x15x6x112xi32, #tpu.memory_space<hbm>> -> memref<1x1x6x112xi32, #tpu.memory_space<hbm>>
      %dma_start3A_673 = tpu.memref_squeeze %dma_start3A_672 : memref<1x1x6x112xi32, #tpu.memory_space<hbm>> -> memref<6x112xi32, #tpu.memory_space<hbm>>
      tpu.enqueue_dma source(%dma_start3A_673 : memref<6x112xi32, #tpu.memory_space<hbm>>) target(%arg8 : memref<6x112xi32, #tpu.memory_space<vmem>>) target_semaphore(%arg15 : memref<!tpu.dma_semaphore, #tpu.memory_space<semaphore_mem>>)
      %dma_start3A_674 = arith.constant 0 : i32
      %dma_start3A_675 = arith.constant 0 : i32
      %dma_start3A_676 = tpu.memref_slice %arg4[%add3A, %add3A_665, %dma_start3A_674, %dma_start3A_675] : memref<32x15x6x112xi32, #tpu.memory_space<hbm>> -> memref<1x1x6x112xi32, #tpu.memory_space<hbm>>
      %dma_start3A_677 = tpu.memref_squeeze %dma_start3A_676 : memref<1x1x6x112xi32, #tpu.memory_space<hbm>> -> memref<6x112xi32, #tpu.memory_space<hbm>>
      %dma_start3A_678 = arith.constant 0 : i32
      %dma_start3A_679 = arith.constant 0 : i32
      %dma_start3A_680 = tpu.memref_slice %arg4[%add3A, %add3A_665, %dma_start3A_678, %dma_start3A_679] : memref<32x15x6x112xi32, #tpu.memory_space<hbm>> -> memref<1x1x6x112xi32, #tpu.memory_space<hbm>>
      %dma_start3A_681 = tpu.memref_squeeze %dma_start3A_680 : memref<1x1x6x112xi32, #tpu.memory_space<hbm>> -> memref<6x112xi32, #tpu.memory_space<hbm>>
      tpu.enqueue_dma source(%dma_start3A_681 : memref<6x112xi32, #tpu.memory_space<hbm>>) target(%arg10 : memref<6x112xi32, #tpu.memory_space<vmem>>) target_semaphore(%arg17 : memref<!tpu.dma_semaphore, #tpu.memory_space<semaphore_mem>>)
      %dma_start3A_682 = arith.constant 2 : i32
      %dma_start3A_683 = arith.constant 0 : i32
      %dma_start3A_684 = tpu.memref_slice %arg7[%dma_start3A_682, %dma_start3A_683] : memref<6x112xi32, #tpu.memory_space<vmem>> -> memref<1x112xi32, #tpu.memory_space<vmem>>
      %dma_start3A_685 = tpu.memref_squeeze %dma_start3A_684 : memref<1x112xi32, #tpu.memory_space<vmem>> -> memref<112xi32, #tpu.memory_space<vmem>>
      %dma_start3A_686 = arith.constant 0 : i32
      %dma_start3A_687 = arith.constant 0 : i32
      %dma_start3A_688 = tpu.memref_slice %arg2[%dma_start3A_686, %dma_start3A_687] : memref<10000x128xf32, #tpu.memory_space<hbm>> -> memref<10000x128xf32, #tpu.memory_space<hbm>>
      tpu.enqueue_indirect_dma source(%dma_start3A_688 : memref<10000x128xf32, #tpu.memory_space<hbm>>) target(%arg13 : memref<112x128xf32, #tpu.memory_space<vmem>>) offsets(%dma_start3A_685 : memref<112xi32, #tpu.memory_space<vmem>>) semaphore(%arg20 : memref<!tpu.dma_semaphore, #tpu.memory_space<semaphore_mem>>)
      %dma_wait3A_689 = arith.constant 0 : i32
      %dma_wait3A_690 = arith.constant 0 : i32
      %dma_wait3A_691 = tpu.memref_slice %arg7[%dma_wait3A_689, %dma_wait3A_690] : memref<6x112xi32, #tpu.memory_space<vmem>> -> memref<1x112xi32, #tpu.memory_space<vmem>>
      %dma_wait3A_692 = tpu.memref_squeeze %dma_wait3A_691 : memref<1x112xi32, #tpu.memory_space<vmem>> -> memref<112xi32, #tpu.memory_space<vmem>>
      %dma_wait3A_693 = arith.constant 0 : i32
      %dma_wait3A_694 = arith.constant 0 : i32
      %dma_wait3A_695 = tpu.memref_slice %arg2[%dma_wait3A_693, %dma_wait3A_694] : memref<10000x128xf32, #tpu.memory_space<hbm>> -> memref<10000x128xf32, #tpu.memory_space<hbm>>
      tpu.wait_indirect_dma semaphore(%arg19 : memref<!tpu.dma_semaphore, #tpu.memory_space<semaphore_mem>>) src(%dma_wait3A_695 : memref<10000x128xf32, #tpu.memory_space<hbm>>) dst(%arg12 : memref<112x128xf32, #tpu.memory_space<vmem>>)
      %dma_start3A_696 = arith.constant 1 : i32
      %dma_start3A_697 = arith.constant 0 : i32
      %dma_start3A_698 = tpu.memref_slice %arg9[%dma_start3A_696, %dma_start3A_697] : memref<6x112xi32, #tpu.memory_space<vmem>> -> memref<1x112xi32, #tpu.memory_space<vmem>>
      %dma_start3A_699 = tpu.memref_squeeze %dma_start3A_698 : memref<1x112xi32, #tpu.memory_space<vmem>> -> memref<112xi32, #tpu.memory_space<vmem>>
      %dma_start3A_700 = arith.constant 0 : i32
      %dma_start3A_701 = arith.constant 0 : i32
      %dma_start3A_702 = tpu.memref_slice %arg6[%dma_start3A_700, %dma_start3A_701] : memref<10240x128xf32, #tpu.memory_space<vmem_shared>> -> memref<10240x128xf32, #tpu.memory_space<vmem_shared>>
      tpu.enqueue_indirect_dma source(%arg12 : memref<112x128xf32, #tpu.memory_space<vmem>>) target(%dma_start3A_702 : memref<10240x128xf32, #tpu.memory_space<vmem_shared>>) offsets(%dma_start3A_699 : memref<112xi32, #tpu.memory_space<vmem>>) semaphore(%arg22 : memref<!tpu.dma_semaphore, #tpu.memory_space<semaphore_mem>>) {add = true}
      %dma_wait3A_703 = arith.constant 0 : i32
      %dma_wait3A_704 = arith.constant 0 : i32
      %dma_wait3A_705 = tpu.memref_slice %arg9[%dma_wait3A_703, %dma_wait3A_704] : memref<6x112xi32, #tpu.memory_space<vmem>> -> memref<1x112xi32, #tpu.memory_space<vmem>>
      %dma_wait3A_706 = tpu.memref_squeeze %dma_wait3A_705 : memref<1x112xi32, #tpu.memory_space<vmem>> -> memref<112xi32, #tpu.memory_space<vmem>>
      %dma_wait3A_707 = arith.constant 0 : i32
      %dma_wait3A_708 = arith.constant 0 : i32
      %dma_wait3A_709 = tpu.memref_slice %arg6[%dma_wait3A_707, %dma_wait3A_708] : memref<10240x128xf32, #tpu.memory_space<vmem_shared>> -> memref<10240x128xf32, #tpu.memory_space<vmem_shared>>
      tpu.wait_indirect_dma semaphore(%arg21 : memref<!tpu.dma_semaphore, #tpu.memory_space<semaphore_mem>>) src(%arg11 : memref<112x128xf32, #tpu.memory_space<vmem>>) dst(%dma_wait3A_709 : memref<10240x128xf32, #tpu.memory_space<vmem_shared>>)
      %dma_start3A_710 = arith.constant 3 : i32
      %dma_start3A_711 = arith.constant 0 : i32
      %dma_start3A_712 = tpu.memref_slice %arg7[%dma_start3A_710, %dma_start3A_711] : memref<6x112xi32, #tpu.memory_space<vmem>> -> memref<1x112xi32, #tpu.memory_space<vmem>>
      %dma_start3A_713 = tpu.memref_squeeze %dma_start3A_712 : memref<1x112xi32, #tpu.memory_space<vmem>> -> memref<112xi32, #tpu.memory_space<vmem>>
      %dma_start3A_714 = arith.constant 0 : i32
      %dma_start3A_715 = arith.constant 0 : i32
      %dma_start3A_716 = tpu.memref_slice %arg2[%dma_start3A_714, %dma_start3A_715] : memref<10000x128xf32, #tpu.memory_space<hbm>> -> memref<10000x128xf32, #tpu.memory_space<hbm>>
      tpu.enqueue_indirect_dma source(%dma_start3A_716 : memref<10000x128xf32, #tpu.memory_space<hbm>>) target(%arg11 : memref<112x128xf32, #tpu.memory_space<vmem>>) offsets(%dma_start3A_713 : memref<112xi32, #tpu.memory_space<vmem>>) semaphore(%arg18 : memref<!tpu.dma_semaphore, #tpu.memory_space<semaphore_mem>>)
      %dma_wait3A_717 = arith.constant 0 : i32
      %dma_wait3A_718 = arith.constant 0 : i32
      %dma_wait3A_719 = tpu.memref_slice %arg7[%dma_wait3A_717, %dma_wait3A_718] : memref<6x112xi32, #tpu.memory_space<vmem>> -> memref<1x112xi32, #tpu.memory_space<vmem>>
      %dma_wait3A_720 = tpu.memref_squeeze %dma_wait3A_719 : memref<1x112xi32, #tpu.memory_space<vmem>> -> memref<112xi32, #tpu.memory_space<vmem>>
      %dma_wait3A_721 = arith.constant 0 : i32
      %dma_wait3A_722 = arith.constant 0 : i32
      %dma_wait3A_723 = tpu.memref_slice %arg2[%dma_wait3A_721, %dma_wait3A_722] : memref<10000x128xf32, #tpu.memory_space<hbm>> -> memref<10000x128xf32, #tpu.memory_space<hbm>>
      tpu.wait_indirect_dma semaphore(%arg20 : memref<!tpu.dma_semaphore, #tpu.memory_space<semaphore_mem>>) src(%dma_wait3A_723 : memref<10000x128xf32, #tpu.memory_space<hbm>>) dst(%arg13 : memref<112x128xf32, #tpu.memory_space<vmem>>)
      %dma_start3A_724 = arith.constant 2 : i32
      %dma_start3A_725 = arith.constant 0 : i32
      %dma_start3A_726 = tpu.memref_slice %arg9[%dma_start3A_724, %dma_start3A_725] : memref<6x112xi32, #tpu.memory_space<vmem>> -> memref<1x112xi32, #tpu.memory_space<vmem>>
      %dma_start3A_727 = tpu.memref_squeeze %dma_start3A_726 : memref<1x112xi32, #tpu.memory_space<vmem>> -> memref<112xi32, #tpu.memory_space<vmem>>
      %dma_start3A_728 = arith.constant 0 : i32
      %dma_start3A_729 = arith.constant 0 : i32
      %dma_start3A_730 = tpu.memref_slice %arg6[%dma_start3A_728, %dma_start3A_729] : memref<10240x128xf32, #tpu.memory_space<vmem_shared>> -> memref<10240x128xf32, #tpu.memory_space<vmem_shared>>
      tpu.enqueue_indirect_dma source(%arg13 : memref<112x128xf32, #tpu.memory_space<vmem>>) target(%dma_start3A_730 : memref<10240x128xf32, #tpu.memory_space<vmem_shared>>) offsets(%dma_start3A_727 : memref<112xi32, #tpu.memory_space<vmem>>) semaphore(%arg23 : memref<!tpu.dma_semaphore, #tpu.memory_space<semaphore_mem>>) {add = true}
      %dma_wait3A_731 = arith.constant 0 : i32
      %dma_wait3A_732 = arith.constant 0 : i32
      %dma_wait3A_733 = tpu.memref_slice %arg9[%dma_wait3A_731, %dma_wait3A_732] : memref<6x112xi32, #tpu.memory_space<vmem>> -> memref<1x112xi32, #tpu.memory_space<vmem>>
      %dma_wait3A_734 = tpu.memref_squeeze %dma_wait3A_733 : memref<1x112xi32, #tpu.memory_space<vmem>> -> memref<112xi32, #tpu.memory_space<vmem>>
      %dma_wait3A_735 = arith.constant 0 : i32
      %dma_wait3A_736 = arith.constant 0 : i32
      %dma_wait3A_737 = tpu.memref_slice %arg6[%dma_wait3A_735, %dma_wait3A_736] : memref<10240x128xf32, #tpu.memory_space<vmem_shared>> -> memref<10240x128xf32, #tpu.memory_space<vmem_shared>>
      tpu.wait_indirect_dma semaphore(%arg22 : memref<!tpu.dma_semaphore, #tpu.memory_space<semaphore_mem>>) src(%arg12 : memref<112x128xf32, #tpu.memory_space<vmem>>) dst(%dma_wait3A_737 : memref<10240x128xf32, #tpu.memory_space<vmem_shared>>)
      %dma_start3A_738 = arith.constant 4 : i32
      %dma_start3A_739 = arith.constant 0 : i32
      %dma_start3A_740 = tpu.memref_slice %arg7[%dma_start3A_738, %dma_start3A_739] : memref<6x112xi32, #tpu.memory_space<vmem>> -> memref<1x112xi32, #tpu.memory_space<vmem>>
      %dma_start3A_741 = tpu.memref_squeeze %dma_start3A_740 : memref<1x112xi32, #tpu.memory_space<vmem>> -> memref<112xi32, #tpu.memory_space<vmem>>
      %dma_start3A_742 = arith.constant 0 : i32
      %dma_start3A_743 = arith.constant 0 : i32
      %dma_start3A_744 = tpu.memref_slice %arg2[%dma_start3A_742, %dma_start3A_743] : memref<10000x128xf32, #tpu.memory_space<hbm>> -> memref<10000x128xf32, #tpu.memory_space<hbm>>
      tpu.enqueue_indirect_dma source(%dma_start3A_744 : memref<10000x128xf32, #tpu.memory_space<hbm>>) target(%arg12 : memref<112x128xf32, #tpu.memory_space<vmem>>) offsets(%dma_start3A_741 : memref<112xi32, #tpu.memory_space<vmem>>) semaphore(%arg19 : memref<!tpu.dma_semaphore, #tpu.memory_space<semaphore_mem>>)
      %dma_wait3A_745 = arith.constant 0 : i32
      %dma_wait3A_746 = arith.constant 0 : i32
      %dma_wait3A_747 = tpu.memref_slice %arg7[%dma_wait3A_745, %dma_wait3A_746] : memref<6x112xi32, #tpu.memory_space<vmem>> -> memref<1x112xi32, #tpu.memory_space<vmem>>
      %dma_wait3A_748 = tpu.memref_squeeze %dma_wait3A_747 : memref<1x112xi32, #tpu.memory_space<vmem>> -> memref<112xi32, #tpu.memory_space<vmem>>
      %dma_wait3A_749 = arith.constant 0 : i32
      %dma_wait3A_750 = arith.constant 0 : i32
      %dma_wait3A_751 = tpu.memref_slice %arg2[%dma_wait3A_749, %dma_wait3A_750] : memref<10000x128xf32, #tpu.memory_space<hbm>> -> memref<10000x128xf32, #tpu.memory_space<hbm>>
      tpu.wait_indirect_dma semaphore(%arg18 : memref<!tpu.dma_semaphore, #tpu.memory_space<semaphore_mem>>) src(%dma_wait3A_751 : memref<10000x128xf32, #tpu.memory_space<hbm>>) dst(%arg11 : memref<112x128xf32, #tpu.memory_space<vmem>>)
      %dma_start3A_752 = arith.constant 3 : i32
      %dma_start3A_753 = arith.constant 0 : i32
      %dma_start3A_754 = tpu.memref_slice %arg9[%dma_start3A_752, %dma_start3A_753] : memref<6x112xi32, #tpu.memory_space<vmem>> -> memref<1x112xi32, #tpu.memory_space<vmem>>
      %dma_start3A_755 = tpu.memref_squeeze %dma_start3A_754 : memref<1x112xi32, #tpu.memory_space<vmem>> -> memref<112xi32, #tpu.memory_space<vmem>>
      %dma_start3A_756 = arith.constant 0 : i32
      %dma_start3A_757 = arith.constant 0 : i32
      %dma_start3A_758 = tpu.memref_slice %arg6[%dma_start3A_756, %dma_start3A_757] : memref<10240x128xf32, #tpu.memory_space<vmem_shared>> -> memref<10240x128xf32, #tpu.memory_space<vmem_shared>>
      tpu.enqueue_indirect_dma source(%arg11 : memref<112x128xf32, #tpu.memory_space<vmem>>) target(%dma_start3A_758 : memref<10240x128xf32, #tpu.memory_space<vmem_shared>>) offsets(%dma_start3A_755 : memref<112xi32, #tpu.memory_space<vmem>>) semaphore(%arg21 : memref<!tpu.dma_semaphore, #tpu.memory_space<semaphore_mem>>) {add = true}
      %dma_wait3A_759 = arith.constant 0 : i32
      %dma_wait3A_760 = arith.constant 0 : i32
      %dma_wait3A_761 = tpu.memref_slice %arg9[%dma_wait3A_759, %dma_wait3A_760] : memref<6x112xi32, #tpu.memory_space<vmem>> -> memref<1x112xi32, #tpu.memory_space<vmem>>
      %dma_wait3A_762 = tpu.memref_squeeze %dma_wait3A_761 : memref<1x112xi32, #tpu.memory_space<vmem>> -> memref<112xi32, #tpu.memory_space<vmem>>
      %dma_wait3A_763 = arith.constant 0 : i32
      %dma_wait3A_764 = arith.constant 0 : i32
      %dma_wait3A_765 = tpu.memref_slice %arg6[%dma_wait3A_763, %dma_wait3A_764] : memref<10240x128xf32, #tpu.memory_space<vmem_shared>> -> memref<10240x128xf32, #tpu.memory_space<vmem_shared>>
      tpu.wait_indirect_dma semaphore(%arg23 : memref<!tpu.dma_semaphore, #tpu.memory_space<semaphore_mem>>) src(%arg13 : memref<112x128xf32, #tpu.memory_space<vmem>>) dst(%dma_wait3A_765 : memref<10240x128xf32, #tpu.memory_space<vmem_shared>>)
      %dma_start3A_766 = arith.constant 5 : i32
      %dma_start3A_767 = arith.constant 0 : i32
      %dma_start3A_768 = tpu.memref_slice %arg7[%dma_start3A_766, %dma_start3A_767] : memref<6x112xi32, #tpu.memory_space<vmem>> -> memref<1x112xi32, #tpu.memory_space<vmem>>
      %dma_start3A_769 = tpu.memref_squeeze %dma_start3A_768 : memref<1x112xi32, #tpu.memory_space<vmem>> -> memref<112xi32, #tpu.memory_space<vmem>>
      %dma_start3A_770 = arith.constant 0 : i32
      %dma_start3A_771 = arith.constant 0 : i32
      %dma_start3A_772 = tpu.memref_slice %arg2[%dma_start3A_770, %dma_start3A_771] : memref<10000x128xf32, #tpu.memory_space<hbm>> -> memref<10000x128xf32, #tpu.memory_space<hbm>>
      tpu.enqueue_indirect_dma source(%dma_start3A_772 : memref<10000x128xf32, #tpu.memory_space<hbm>>) target(%arg13 : memref<112x128xf32, #tpu.memory_space<vmem>>) offsets(%dma_start3A_769 : memref<112xi32, #tpu.memory_space<vmem>>) semaphore(%arg20 : memref<!tpu.dma_semaphore, #tpu.memory_space<semaphore_mem>>)
      %dma_wait3A_773 = arith.constant 0 : i32
      %dma_wait3A_774 = arith.constant 0 : i32
      %dma_wait3A_775 = tpu.memref_slice %arg7[%dma_wait3A_773, %dma_wait3A_774] : memref<6x112xi32, #tpu.memory_space<vmem>> -> memref<1x112xi32, #tpu.memory_space<vmem>>
      %dma_wait3A_776 = tpu.memref_squeeze %dma_wait3A_775 : memref<1x112xi32, #tpu.memory_space<vmem>> -> memref<112xi32, #tpu.memory_space<vmem>>
      %dma_wait3A_777 = arith.constant 0 : i32
      %dma_wait3A_778 = arith.constant 0 : i32
      %dma_wait3A_779 = tpu.memref_slice %arg2[%dma_wait3A_777, %dma_wait3A_778] : memref<10000x128xf32, #tpu.memory_space<hbm>> -> memref<10000x128xf32, #tpu.memory_space<hbm>>
      tpu.wait_indirect_dma semaphore(%arg19 : memref<!tpu.dma_semaphore, #tpu.memory_space<semaphore_mem>>) src(%dma_wait3A_779 : memref<10000x128xf32, #tpu.memory_space<hbm>>) dst(%arg12 : memref<112x128xf32, #tpu.memory_space<vmem>>)
      %dma_start3A_780 = arith.constant 4 : i32
      %dma_start3A_781 = arith.constant 0 : i32
      %dma_start3A_782 = tpu.memref_slice %arg9[%dma_start3A_780, %dma_start3A_781] : memref<6x112xi32, #tpu.memory_space<vmem>> -> memref<1x112xi32, #tpu.memory_space<vmem>>
      %dma_start3A_783 = tpu.memref_squeeze %dma_start3A_782 : memref<1x112xi32, #tpu.memory_space<vmem>> -> memref<112xi32, #tpu.memory_space<vmem>>
      %dma_start3A_784 = arith.constant 0 : i32
      %dma_start3A_785 = arith.constant 0 : i32
      %dma_start3A_786 = tpu.memref_slice %arg6[%dma_start3A_784, %dma_start3A_785] : memref<10240x128xf32, #tpu.memory_space<vmem_shared>> -> memref<10240x128xf32, #tpu.memory_space<vmem_shared>>
      tpu.enqueue_indirect_dma source(%arg12 : memref<112x128xf32, #tpu.memory_space<vmem>>) target(%dma_start3A_786 : memref<10240x128xf32, #tpu.memory_space<vmem_shared>>) offsets(%dma_start3A_783 : memref<112xi32, #tpu.memory_space<vmem>>) semaphore(%arg22 : memref<!tpu.dma_semaphore, #tpu.memory_space<semaphore_mem>>) {add = true}
      %dma_wait3A_787 = arith.constant 0 : i32
      %dma_wait3A_788 = arith.constant 0 : i32
      %dma_wait3A_789 = tpu.memref_slice %arg9[%dma_wait3A_787, %dma_wait3A_788] : memref<6x112xi32, #tpu.memory_space<vmem>> -> memref<1x112xi32, #tpu.memory_space<vmem>>
      %dma_wait3A_790 = tpu.memref_squeeze %dma_wait3A_789 : memref<1x112xi32, #tpu.memory_space<vmem>> -> memref<112xi32, #tpu.memory_space<vmem>>
      %dma_wait3A_791 = arith.constant 0 : i32
      %dma_wait3A_792 = arith.constant 0 : i32
      %dma_wait3A_793 = tpu.memref_slice %arg6[%dma_wait3A_791, %dma_wait3A_792] : memref<10240x128xf32, #tpu.memory_space<vmem_shared>> -> memref<10240x128xf32, #tpu.memory_space<vmem_shared>>
      tpu.wait_indirect_dma semaphore(%arg21 : memref<!tpu.dma_semaphore, #tpu.memory_space<semaphore_mem>>) src(%arg11 : memref<112x128xf32, #tpu.memory_space<vmem>>) dst(%dma_wait3A_793 : memref<10240x128xf32, #tpu.memory_space<vmem_shared>>)
      %dma_wait3A_794 = arith.constant 0 : i32
      %dma_wait3A_795 = arith.constant 0 : i32
      %dma_wait3A_796 = arith.constant 0 : i32
      %dma_wait3A_797 = tpu.memref_slice %arg3[%add3A, %dma_wait3A_794, %dma_wait3A_795, %dma_wait3A_796] : memref<32x15x6x112xi32, #tpu.memory_space<hbm>> -> memref<1x1x6x112xi32, #tpu.memory_space<hbm>>
      %dma_wait3A_798 = tpu.memref_squeeze %dma_wait3A_797 : memref<1x1x6x112xi32, #tpu.memory_space<hbm>> -> memref<6x112xi32, #tpu.memory_space<hbm>>
      %dma_wait3A_799 = arith.constant 0 : i32
      %dma_wait3A_800 = arith.constant 0 : i32
      %dma_wait3A_801 = tpu.memref_slice %arg3[%add3A, %dma_wait3A_794, %dma_wait3A_799, %dma_wait3A_800] : memref<32x15x6x112xi32, #tpu.memory_space<hbm>> -> memref<1x1x6x112xi32, #tpu.memory_space<hbm>>
      %dma_wait3A_802 = tpu.memref_squeeze %dma_wait3A_801 : memref<1x1x6x112xi32, #tpu.memory_space<hbm>> -> memref<6x112xi32, #tpu.memory_space<hbm>>
      tpu.wait_dma2 semaphore(%arg15 : memref<!tpu.dma_semaphore, #tpu.memory_space<semaphore_mem>>) src(%dma_wait3A_802 : memref<6x112xi32, #tpu.memory_space<hbm>>) dst(%arg8 : memref<6x112xi32, #tpu.memory_space<vmem>>)
      %dma_wait3A_803 = arith.constant 0 : i32
      %dma_wait3A_804 = arith.constant 0 : i32
      %dma_wait3A_805 = arith.constant 0 : i32
      %dma_wait3A_806 = tpu.memref_slice %arg4[%add3A, %dma_wait3A_803, %dma_wait3A_804, %dma_wait3A_805] : memref<32x15x6x112xi32, #tpu.memory_space<hbm>> -> memref<1x1x6x112xi32, #tpu.memory_space<hbm>>
      %dma_wait3A_807 = tpu.memref_squeeze %dma_wait3A_806 : memref<1x1x6x112xi32, #tpu.memory_space<hbm>> -> memref<6x112xi32, #tpu.memory_space<hbm>>
      %dma_wait3A_808 = arith.constant 0 : i32
      %dma_wait3A_809 = arith.constant 0 : i32
      %dma_wait3A_810 = tpu.memref_slice %arg4[%add3A, %dma_wait3A_803, %dma_wait3A_808, %dma_wait3A_809] : memref<32x15x6x112xi32, #tpu.memory_space<hbm>> -> memref<1x1x6x112xi32, #tpu.memory_space<hbm>>
      %dma_wait3A_811 = tpu.memref_squeeze %dma_wait3A_810 : memref<1x1x6x112xi32, #tpu.memory_space<hbm>> -> memref<6x112xi32, #tpu.memory_space<hbm>>
      tpu.wait_dma2 semaphore(%arg17 : memref<!tpu.dma_semaphore, #tpu.memory_space<semaphore_mem>>) src(%dma_wait3A_811 : memref<6x112xi32, #tpu.memory_space<hbm>>) dst(%arg10 : memref<6x112xi32, #tpu.memory_space<vmem>>)
      %dma_start3A_812 = arith.constant 0 : i32
      %dma_start3A_813 = arith.constant 0 : i32
      %dma_start3A_814 = tpu.memref_slice %arg8[%dma_start3A_812, %dma_start3A_813] : memref<6x112xi32, #tpu.memory_space<vmem>> -> memref<1x112xi32, #tpu.memory_space<vmem>>
      %dma_start3A_815 = tpu.memref_squeeze %dma_start3A_814 : memref<1x112xi32, #tpu.memory_space<vmem>> -> memref<112xi32, #tpu.memory_space<vmem>>
      %dma_start3A_816 = arith.constant 0 : i32
      %dma_start3A_817 = arith.constant 0 : i32
      %dma_start3A_818 = tpu.memref_slice %arg2[%dma_start3A_816, %dma_start3A_817] : memref<10000x128xf32, #tpu.memory_space<hbm>> -> memref<10000x128xf32, #tpu.memory_space<hbm>>
      tpu.enqueue_indirect_dma source(%dma_start3A_818 : memref<10000x128xf32, #tpu.memory_space<hbm>>) target(%arg11 : memref<112x128xf32, #tpu.memory_space<vmem>>) offsets(%dma_start3A_815 : memref<112xi32, #tpu.memory_space<vmem>>) semaphore(%arg18 : memref<!tpu.dma_semaphore, #tpu.memory_space<semaphore_mem>>)
      %dma_wait3A_819 = arith.constant 0 : i32
      %dma_wait3A_820 = arith.constant 0 : i32
      %dma_wait3A_821 = tpu.memref_slice %arg7[%dma_wait3A_819, %dma_wait3A_820] : memref<6x112xi32, #tpu.memory_space<vmem>> -> memref<1x112xi32, #tpu.memory_space<vmem>>
      %dma_wait3A_822 = tpu.memref_squeeze %dma_wait3A_821 : memref<1x112xi32, #tpu.memory_space<vmem>> -> memref<112xi32, #tpu.memory_space<vmem>>
      %dma_wait3A_823 = arith.constant 0 : i32
      %dma_wait3A_824 = arith.constant 0 : i32
      %dma_wait3A_825 = tpu.memref_slice %arg2[%dma_wait3A_823, %dma_wait3A_824] : memref<10000x128xf32, #tpu.memory_space<hbm>> -> memref<10000x128xf32, #tpu.memory_space<hbm>>
      tpu.wait_indirect_dma semaphore(%arg20 : memref<!tpu.dma_semaphore, #tpu.memory_space<semaphore_mem>>) src(%dma_wait3A_825 : memref<10000x128xf32, #tpu.memory_space<hbm>>) dst(%arg13 : memref<112x128xf32, #tpu.memory_space<vmem>>)
      %dma_start3A_826 = arith.constant 5 : i32
      %dma_start3A_827 = arith.constant 0 : i32
      %dma_start3A_828 = tpu.memref_slice %arg9[%dma_start3A_826, %dma_start3A_827] : memref<6x112xi32, #tpu.memory_space<vmem>> -> memref<1x112xi32, #tpu.memory_space<vmem>>
      %dma_start3A_829 = tpu.memref_squeeze %dma_start3A_828 : memref<1x112xi32, #tpu.memory_space<vmem>> -> memref<112xi32, #tpu.memory_space<vmem>>
      %dma_start3A_830 = arith.constant 0 : i32
      %dma_start3A_831 = arith.constant 0 : i32
      %dma_start3A_832 = tpu.memref_slice %arg6[%dma_start3A_830, %dma_start3A_831] : memref<10240x128xf32, #tpu.memory_space<vmem_shared>> -> memref<10240x128xf32, #tpu.memory_space<vmem_shared>>
      tpu.enqueue_indirect_dma source(%arg13 : memref<112x128xf32, #tpu.memory_space<vmem>>) target(%dma_start3A_832 : memref<10240x128xf32, #tpu.memory_space<vmem_shared>>) offsets(%dma_start3A_829 : memref<112xi32, #tpu.memory_space<vmem>>) semaphore(%arg23 : memref<!tpu.dma_semaphore, #tpu.memory_space<semaphore_mem>>) {add = true}
      %dma_wait3A_833 = arith.constant 0 : i32
      %dma_wait3A_834 = arith.constant 0 : i32
      %dma_wait3A_835 = tpu.memref_slice %arg9[%dma_wait3A_833, %dma_wait3A_834] : memref<6x112xi32, #tpu.memory_space<vmem>> -> memref<1x112xi32, #tpu.memory_space<vmem>>
      %dma_wait3A_836 = tpu.memref_squeeze %dma_wait3A_835 : memref<1x112xi32, #tpu.memory_space<vmem>> -> memref<112xi32, #tpu.memory_space<vmem>>
      %dma_wait3A_837 = arith.constant 0 : i32
      %dma_wait3A_838 = arith.constant 0 : i32
      %dma_wait3A_839 = tpu.memref_slice %arg6[%dma_wait3A_837, %dma_wait3A_838] : memref<10240x128xf32, #tpu.memory_space<vmem_shared>> -> memref<10240x128xf32, #tpu.memory_space<vmem_shared>>
      tpu.wait_indirect_dma semaphore(%arg22 : memref<!tpu.dma_semaphore, #tpu.memory_space<semaphore_mem>>) src(%arg12 : memref<112x128xf32, #tpu.memory_space<vmem>>) dst(%dma_wait3A_839 : memref<10240x128xf32, #tpu.memory_space<vmem_shared>>)
      %dma_start3A_840 = arith.constant 1 : i32
      %dma_start3A_841 = arith.constant 0 : i32
      %dma_start3A_842 = tpu.memref_slice %arg8[%dma_start3A_840, %dma_start3A_841] : memref<6x112xi32, #tpu.memory_space<vmem>> -> memref<1x112xi32, #tpu.memory_space<vmem>>
      %dma_start3A_843 = tpu.memref_squeeze %dma_start3A_842 : memref<1x112xi32, #tpu.memory_space<vmem>> -> memref<112xi32, #tpu.memory_space<vmem>>
      %dma_start3A_844 = arith.constant 0 : i32
      %dma_start3A_845 = arith.constant 0 : i32
      %dma_start3A_846 = tpu.memref_slice %arg2[%dma_start3A_844, %dma_start3A_845] : memref<10000x128xf32, #tpu.memory_space<hbm>> -> memref<10000x128xf32, #tpu.memory_space<hbm>>
      tpu.enqueue_indirect_dma source(%dma_start3A_846 : memref<10000x128xf32, #tpu.memory_space<hbm>>) target(%arg12 : memref<112x128xf32, #tpu.memory_space<vmem>>) offsets(%dma_start3A_843 : memref<112xi32, #tpu.memory_space<vmem>>) semaphore(%arg19 : memref<!tpu.dma_semaphore, #tpu.memory_space<semaphore_mem>>)
      %mul3A_847 = arith.constant 2 : i32
      %mul3A_848 = arith.muli %mul3A_847, %scan3A_638 : i32
      %add3A_849 = arith.constant 1 : i32
      %add3A_850 = arith.addi %mul3A_848, %add3A_849 : i32
      %dma_wait3A_851 = arith.constant 0 : i32
      %dma_wait3A_852 = arith.constant 0 : i32
      %dma_wait3A_853 = tpu.memref_slice %arg7[%dma_wait3A_851, %dma_wait3A_852] : memref<6x112xi32, #tpu.memory_space<vmem>> -> memref<1x112xi32, #tpu.memory_space<vmem>>
      %dma_wait3A_854 = tpu.memref_squeeze %dma_wait3A_853 : memref<1x112xi32, #tpu.memory_space<vmem>> -> memref<112xi32, #tpu.memory_space<vmem>>
      %dma_wait3A_855 = arith.constant 0 : i32
      %dma_wait3A_856 = arith.constant 0 : i32
      %dma_wait3A_857 = tpu.memref_slice %arg2[%dma_wait3A_855, %dma_wait3A_856] : memref<10000x128xf32, #tpu.memory_space<hbm>> -> memref<10000x128xf32, #tpu.memory_space<hbm>>
      tpu.wait_indirect_dma semaphore(%arg18 : memref<!tpu.dma_semaphore, #tpu.memory_space<semaphore_mem>>) src(%dma_wait3A_857 : memref<10000x128xf32, #tpu.memory_space<hbm>>) dst(%arg11 : memref<112x128xf32, #tpu.memory_space<vmem>>)
      %dma_start3A_858 = arith.constant 0 : i32
      %dma_start3A_859 = arith.constant 0 : i32
      %dma_start3A_860 = tpu.memref_slice %arg10[%dma_start3A_858, %dma_start3A_859] : memref<6x112xi32, #tpu.memory_space<vmem>> -> memref<1x112xi32, #tpu.memory_space<vmem>>
      %dma_start3A_861 = tpu.memref_squeeze %dma_start3A_860 : memref<1x112xi32, #tpu.memory_space<vmem>> -> memref<112xi32, #tpu.memory_space<vmem>>
      %dma_start3A_862 = arith.constant 0 : i32
      %dma_start3A_863 = arith.constant 0 : i32
      %dma_start3A_864 = tpu.memref_slice %arg6[%dma_start3A_862, %dma_start3A_863] : memref<10240x128xf32, #tpu.memory_space<vmem_shared>> -> memref<10240x128xf32, #tpu.memory_space<vmem_shared>>
      tpu.enqueue_indirect_dma source(%arg11 : memref<112x128xf32, #tpu.memory_space<vmem>>) target(%dma_start3A_864 : memref<10240x128xf32, #tpu.memory_space<vmem_shared>>) offsets(%dma_start3A_861 : memref<112xi32, #tpu.memory_space<vmem>>) semaphore(%arg21 : memref<!tpu.dma_semaphore, #tpu.memory_space<semaphore_mem>>) {add = true}
      %dma_wait3A_865 = arith.constant 0 : i32
      %dma_wait3A_866 = arith.constant 0 : i32
      %dma_wait3A_867 = tpu.memref_slice %arg9[%dma_wait3A_865, %dma_wait3A_866] : memref<6x112xi32, #tpu.memory_space<vmem>> -> memref<1x112xi32, #tpu.memory_space<vmem>>
      %dma_wait3A_868 = tpu.memref_squeeze %dma_wait3A_867 : memref<1x112xi32, #tpu.memory_space<vmem>> -> memref<112xi32, #tpu.memory_space<vmem>>
      %dma_wait3A_869 = arith.constant 0 : i32
      %dma_wait3A_870 = arith.constant 0 : i32
      %dma_wait3A_871 = tpu.memref_slice %arg6[%dma_wait3A_869, %dma_wait3A_870] : memref<10240x128xf32, #tpu.memory_space<vmem_shared>> -> memref<10240x128xf32, #tpu.memory_space<vmem_shared>>
      tpu.wait_indirect_dma semaphore(%arg23 : memref<!tpu.dma_semaphore, #tpu.memory_space<semaphore_mem>>) src(%arg13 : memref<112x128xf32, #tpu.memory_space<vmem>>) dst(%dma_wait3A_871 : memref<10240x128xf32, #tpu.memory_space<vmem_shared>>)
      %add3A_872 = arith.constant 1 : i32
      %add3A_873 = arith.addi %add3A_850, %add3A_872 : i32
      %dma_start3A_874 = arith.constant 0 : i32
      %dma_start3A_875 = arith.constant 0 : i32
      %dma_start3A_876 = tpu.memref_slice %arg3[%add3A, %add3A_873, %dma_start3A_874, %dma_start3A_875] : memref<32x15x6x112xi32, #tpu.memory_space<hbm>> -> memref<1x1x6x112xi32, #tpu.memory_space<hbm>>
      %dma_start3A_877 = tpu.memref_squeeze %dma_start3A_876 : memref<1x1x6x112xi32, #tpu.memory_space<hbm>> -> memref<6x112xi32, #tpu.memory_space<hbm>>
      %dma_start3A_878 = arith.constant 0 : i32
      %dma_start3A_879 = arith.constant 0 : i32
      %dma_start3A_880 = tpu.memref_slice %arg3[%add3A, %add3A_873, %dma_start3A_878, %dma_start3A_879] : memref<32x15x6x112xi32, #tpu.memory_space<hbm>> -> memref<1x1x6x112xi32, #tpu.memory_space<hbm>>
      %dma_start3A_881 = tpu.memref_squeeze %dma_start3A_880 : memref<1x1x6x112xi32, #tpu.memory_space<hbm>> -> memref<6x112xi32, #tpu.memory_space<hbm>>
      tpu.enqueue_dma source(%dma_start3A_881 : memref<6x112xi32, #tpu.memory_space<hbm>>) target(%arg7 : memref<6x112xi32, #tpu.memory_space<vmem>>) target_semaphore(%arg14 : memref<!tpu.dma_semaphore, #tpu.memory_space<semaphore_mem>>)
      %dma_start3A_882 = arith.constant 0 : i32
      %dma_start3A_883 = arith.constant 0 : i32
      %dma_start3A_884 = tpu.memref_slice %arg4[%add3A, %add3A_873, %dma_start3A_882, %dma_start3A_883] : memref<32x15x6x112xi32, #tpu.memory_space<hbm>> -> memref<1x1x6x112xi32, #tpu.memory_space<hbm>>
      %dma_start3A_885 = tpu.memref_squeeze %dma_start3A_884 : memref<1x1x6x112xi32, #tpu.memory_space<hbm>> -> memref<6x112xi32, #tpu.memory_space<hbm>>
      %dma_start3A_886 = arith.constant 0 : i32
      %dma_start3A_887 = arith.constant 0 : i32
      %dma_start3A_888 = tpu.memref_slice %arg4[%add3A, %add3A_873, %dma_start3A_886, %dma_start3A_887] : memref<32x15x6x112xi32, #tpu.memory_space<hbm>> -> memref<1x1x6x112xi32, #tpu.memory_space<hbm>>
      %dma_start3A_889 = tpu.memref_squeeze %dma_start3A_888 : memref<1x1x6x112xi32, #tpu.memory_space<hbm>> -> memref<6x112xi32, #tpu.memory_space<hbm>>
      tpu.enqueue_dma source(%dma_start3A_889 : memref<6x112xi32, #tpu.memory_space<hbm>>) target(%arg9 : memref<6x112xi32, #tpu.memory_space<vmem>>) target_semaphore(%arg16 : memref<!tpu.dma_semaphore, #tpu.memory_space<semaphore_mem>>)
      %dma_start3A_890 = arith.constant 2 : i32
      %dma_start3A_891 = arith.constant 0 : i32
      %dma_start3A_892 = tpu.memref_slice %arg8[%dma_start3A_890, %dma_start3A_891] : memref<6x112xi32, #tpu.memory_space<vmem>> -> memref<1x112xi32, #tpu.memory_space<vmem>>
      %dma_start3A_893 = tpu.memref_squeeze %dma_start3A_892 : memref<1x112xi32, #tpu.memory_space<vmem>> -> memref<112xi32, #tpu.memory_space<vmem>>
      %dma_start3A_894 = arith.constant 0 : i32
      %dma_start3A_895 = arith.constant 0 : i32
      %dma_start3A_896 = tpu.memref_slice %arg2[%dma_start3A_894, %dma_start3A_895] : memref<10000x128xf32, #tpu.memory_space<hbm>> -> memref<10000x128xf32, #tpu.memory_space<hbm>>
      tpu.enqueue_indirect_dma source(%dma_start3A_896 : memref<10000x128xf32, #tpu.memory_space<hbm>>) target(%arg13 : memref<112x128xf32, #tpu.memory_space<vmem>>) offsets(%dma_start3A_893 : memref<112xi32, #tpu.memory_space<vmem>>) semaphore(%arg20 : memref<!tpu.dma_semaphore, #tpu.memory_space<semaphore_mem>>)
      %dma_wait3A_897 = arith.constant 0 : i32
      %dma_wait3A_898 = arith.constant 0 : i32
      %dma_wait3A_899 = tpu.memref_slice %arg7[%dma_wait3A_897, %dma_wait3A_898] : memref<6x112xi32, #tpu.memory_space<vmem>> -> memref<1x112xi32, #tpu.memory_space<vmem>>
      %dma_wait3A_900 = tpu.memref_squeeze %dma_wait3A_899 : memref<1x112xi32, #tpu.memory_space<vmem>> -> memref<112xi32, #tpu.memory_space<vmem>>
      %dma_wait3A_901 = arith.constant 0 : i32
      %dma_wait3A_902 = arith.constant 0 : i32
      %dma_wait3A_903 = tpu.memref_slice %arg2[%dma_wait3A_901, %dma_wait3A_902] : memref<10000x128xf32, #tpu.memory_space<hbm>> -> memref<10000x128xf32, #tpu.memory_space<hbm>>
      tpu.wait_indirect_dma semaphore(%arg19 : memref<!tpu.dma_semaphore, #tpu.memory_space<semaphore_mem>>) src(%dma_wait3A_903 : memref<10000x128xf32, #tpu.memory_space<hbm>>) dst(%arg12 : memref<112x128xf32, #tpu.memory_space<vmem>>)
      %dma_start3A_904 = arith.constant 1 : i32
      %dma_start3A_905 = arith.constant 0 : i32
      %dma_start3A_906 = tpu.memref_slice %arg10[%dma_start3A_904, %dma_start3A_905] : memref<6x112xi32, #tpu.memory_space<vmem>> -> memref<1x112xi32, #tpu.memory_space<vmem>>
      %dma_start3A_907 = tpu.memref_squeeze %dma_start3A_906 : memref<1x112xi32, #tpu.memory_space<vmem>> -> memref<112xi32, #tpu.memory_space<vmem>>
      %dma_start3A_908 = arith.constant 0 : i32
      %dma_start3A_909 = arith.constant 0 : i32
      %dma_start3A_910 = tpu.memref_slice %arg6[%dma_start3A_908, %dma_start3A_909] : memref<10240x128xf32, #tpu.memory_space<vmem_shared>> -> memref<10240x128xf32, #tpu.memory_space<vmem_shared>>
      tpu.enqueue_indirect_dma source(%arg12 : memref<112x128xf32, #tpu.memory_space<vmem>>) target(%dma_start3A_910 : memref<10240x128xf32, #tpu.memory_space<vmem_shared>>) offsets(%dma_start3A_907 : memref<112xi32, #tpu.memory_space<vmem>>) semaphore(%arg22 : memref<!tpu.dma_semaphore, #tpu.memory_space<semaphore_mem>>) {add = true}
      %dma_wait3A_911 = arith.constant 0 : i32
      %dma_wait3A_912 = arith.constant 0 : i32
      %dma_wait3A_913 = tpu.memref_slice %arg9[%dma_wait3A_911, %dma_wait3A_912] : memref<6x112xi32, #tpu.memory_space<vmem>> -> memref<1x112xi32, #tpu.memory_space<vmem>>
      %dma_wait3A_914 = tpu.memref_squeeze %dma_wait3A_913 : memref<1x112xi32, #tpu.memory_space<vmem>> -> memref<112xi32, #tpu.memory_space<vmem>>
      %dma_wait3A_915 = arith.constant 0 : i32
      %dma_wait3A_916 = arith.constant 0 : i32
      %dma_wait3A_917 = tpu.memref_slice %arg6[%dma_wait3A_915, %dma_wait3A_916] : memref<10240x128xf32, #tpu.memory_space<vmem_shared>> -> memref<10240x128xf32, #tpu.memory_space<vmem_shared>>
      tpu.wait_indirect_dma semaphore(%arg21 : memref<!tpu.dma_semaphore, #tpu.memory_space<semaphore_mem>>) src(%arg11 : memref<112x128xf32, #tpu.memory_space<vmem>>) dst(%dma_wait3A_917 : memref<10240x128xf32, #tpu.memory_space<vmem_shared>>)
      %dma_start3A_918 = arith.constant 3 : i32
      %dma_start3A_919 = arith.constant 0 : i32
      %dma_start3A_920 = tpu.memref_slice %arg8[%dma_start3A_918, %dma_start3A_919] : memref<6x112xi32, #tpu.memory_space<vmem>> -> memref<1x112xi32, #tpu.memory_space<vmem>>
      %dma_start3A_921 = tpu.memref_squeeze %dma_start3A_920 : memref<1x112xi32, #tpu.memory_space<vmem>> -> memref<112xi32, #tpu.memory_space<vmem>>
      %dma_start3A_922 = arith.constant 0 : i32
      %dma_start3A_923 = arith.constant 0 : i32
      %dma_start3A_924 = tpu.memref_slice %arg2[%dma_start3A_922, %dma_start3A_923] : memref<10000x128xf32, #tpu.memory_space<hbm>> -> memref<10000x128xf32, #tpu.memory_space<hbm>>
      tpu.enqueue_indirect_dma source(%dma_start3A_924 : memref<10000x128xf32, #tpu.memory_space<hbm>>) target(%arg11 : memref<112x128xf32, #tpu.memory_space<vmem>>) offsets(%dma_start3A_921 : memref<112xi32, #tpu.memory_space<vmem>>) semaphore(%arg18 : memref<!tpu.dma_semaphore, #tpu.memory_space<semaphore_mem>>)
      %dma_wait3A_925 = arith.constant 0 : i32
      %dma_wait3A_926 = arith.constant 0 : i32
      %dma_wait3A_927 = tpu.memref_slice %arg7[%dma_wait3A_925, %dma_wait3A_926] : memref<6x112xi32, #tpu.memory_space<vmem>> -> memref<1x112xi32, #tpu.memory_space<vmem>>
      %dma_wait3A_928 = tpu.memref_squeeze %dma_wait3A_927 : memref<1x112xi32, #tpu.memory_space<vmem>> -> memref<112xi32, #tpu.memory_space<vmem>>
      %dma_wait3A_929 = arith.constant 0 : i32
      %dma_wait3A_930 = arith.constant 0 : i32
      %dma_wait3A_931 = tpu.memref_slice %arg2[%dma_wait3A_929, %dma_wait3A_930] : memref<10000x128xf32, #tpu.memory_space<hbm>> -> memref<10000x128xf32, #tpu.memory_space<hbm>>
      tpu.wait_indirect_dma semaphore(%arg20 : memref<!tpu.dma_semaphore, #tpu.memory_space<semaphore_mem>>) src(%dma_wait3A_931 : memref<10000x128xf32, #tpu.memory_space<hbm>>) dst(%arg13 : memref<112x128xf32, #tpu.memory_space<vmem>>)
      %dma_start3A_932 = arith.constant 2 : i32
      %dma_start3A_933 = arith.constant 0 : i32
      %dma_start3A_934 = tpu.memref_slice %arg10[%dma_start3A_932, %dma_start3A_933] : memref<6x112xi32, #tpu.memory_space<vmem>> -> memref<1x112xi32, #tpu.memory_space<vmem>>
      %dma_start3A_935 = tpu.memref_squeeze %dma_start3A_934 : memref<1x112xi32, #tpu.memory_space<vmem>> -> memref<112xi32, #tpu.memory_space<vmem>>
      %dma_start3A_936 = arith.constant 0 : i32
      %dma_start3A_937 = arith.constant 0 : i32
      %dma_start3A_938 = tpu.memref_slice %arg6[%dma_start3A_936, %dma_start3A_937] : memref<10240x128xf32, #tpu.memory_space<vmem_shared>> -> memref<10240x128xf32, #tpu.memory_space<vmem_shared>>
      tpu.enqueue_indirect_dma source(%arg13 : memref<112x128xf32, #tpu.memory_space<vmem>>) target(%dma_start3A_938 : memref<10240x128xf32, #tpu.memory_space<vmem_shared>>) offsets(%dma_start3A_935 : memref<112xi32, #tpu.memory_space<vmem>>) semaphore(%arg23 : memref<!tpu.dma_semaphore, #tpu.memory_space<semaphore_mem>>) {add = true}
      %dma_wait3A_939 = arith.constant 0 : i32
      %dma_wait3A_940 = arith.constant 0 : i32
      %dma_wait3A_941 = tpu.memref_slice %arg9[%dma_wait3A_939, %dma_wait3A_940] : memref<6x112xi32, #tpu.memory_space<vmem>> -> memref<1x112xi32, #tpu.memory_space<vmem>>
      %dma_wait3A_942 = tpu.memref_squeeze %dma_wait3A_941 : memref<1x112xi32, #tpu.memory_space<vmem>> -> memref<112xi32, #tpu.memory_space<vmem>>
      %dma_wait3A_943 = arith.constant 0 : i32
      %dma_wait3A_944 = arith.constant 0 : i32
      %dma_wait3A_945 = tpu.memref_slice %arg6[%dma_wait3A_943, %dma_wait3A_944] : memref<10240x128xf32, #tpu.memory_space<vmem_shared>> -> memref<10240x128xf32, #tpu.memory_space<vmem_shared>>
      tpu.wait_indirect_dma semaphore(%arg22 : memref<!tpu.dma_semaphore, #tpu.memory_space<semaphore_mem>>) src(%arg12 : memref<112x128xf32, #tpu.memory_space<vmem>>) dst(%dma_wait3A_945 : memref<10240x128xf32, #tpu.memory_space<vmem_shared>>)
      %dma_start3A_946 = arith.constant 4 : i32
      %dma_start3A_947 = arith.constant 0 : i32
      %dma_start3A_948 = tpu.memref_slice %arg8[%dma_start3A_946, %dma_start3A_947] : memref<6x112xi32, #tpu.memory_space<vmem>> -> memref<1x112xi32, #tpu.memory_space<vmem>>
      %dma_start3A_949 = tpu.memref_squeeze %dma_start3A_948 : memref<1x112xi32, #tpu.memory_space<vmem>> -> memref<112xi32, #tpu.memory_space<vmem>>
      %dma_start3A_950 = arith.constant 0 : i32
      %dma_start3A_951 = arith.constant 0 : i32
      %dma_start3A_952 = tpu.memref_slice %arg2[%dma_start3A_950, %dma_start3A_951] : memref<10000x128xf32, #tpu.memory_space<hbm>> -> memref<10000x128xf32, #tpu.memory_space<hbm>>
      tpu.enqueue_indirect_dma source(%dma_start3A_952 : memref<10000x128xf32, #tpu.memory_space<hbm>>) target(%arg12 : memref<112x128xf32, #tpu.memory_space<vmem>>) offsets(%dma_start3A_949 : memref<112xi32, #tpu.memory_space<vmem>>) semaphore(%arg19 : memref<!tpu.dma_semaphore, #tpu.memory_space<semaphore_mem>>)
      %dma_wait3A_953 = arith.constant 0 : i32
      %dma_wait3A_954 = arith.constant 0 : i32
      %dma_wait3A_955 = tpu.memref_slice %arg7[%dma_wait3A_953, %dma_wait3A_954] : memref<6x112xi32, #tpu.memory_space<vmem>> -> memref<1x112xi32, #tpu.memory_space<vmem>>
      %dma_wait3A_956 = tpu.memref_squeeze %dma_wait3A_955 : memref<1x112xi32, #tpu.memory_space<vmem>> -> memref<112xi32, #tpu.memory_space<vmem>>
      %dma_wait3A_957 = arith.constant 0 : i32
      %dma_wait3A_958 = arith.constant 0 : i32
      %dma_wait3A_959 = tpu.memref_slice %arg2[%dma_wait3A_957, %dma_wait3A_958] : memref<10000x128xf32, #tpu.memory_space<hbm>> -> memref<10000x128xf32, #tpu.memory_space<hbm>>
      tpu.wait_indirect_dma semaphore(%arg18 : memref<!tpu.dma_semaphore, #tpu.memory_space<semaphore_mem>>) src(%dma_wait3A_959 : memref<10000x128xf32, #tpu.memory_space<hbm>>) dst(%arg11 : memref<112x128xf32, #tpu.memory_space<vmem>>)
      %dma_start3A_960 = arith.constant 3 : i32
      %dma_start3A_961 = arith.constant 0 : i32
      %dma_start3A_962 = tpu.memref_slice %arg10[%dma_start3A_960, %dma_start3A_961] : memref<6x112xi32, #tpu.memory_space<vmem>> -> memref<1x112xi32, #tpu.memory_space<vmem>>
      %dma_start3A_963 = tpu.memref_squeeze %dma_start3A_962 : memref<1x112xi32, #tpu.memory_space<vmem>> -> memref<112xi32, #tpu.memory_space<vmem>>
      %dma_start3A_964 = arith.constant 0 : i32
      %dma_start3A_965 = arith.constant 0 : i32
      %dma_start3A_966 = tpu.memref_slice %arg6[%dma_start3A_964, %dma_start3A_965] : memref<10240x128xf32, #tpu.memory_space<vmem_shared>> -> memref<10240x128xf32, #tpu.memory_space<vmem_shared>>
      tpu.enqueue_indirect_dma source(%arg11 : memref<112x128xf32, #tpu.memory_space<vmem>>) target(%dma_start3A_966 : memref<10240x128xf32, #tpu.memory_space<vmem_shared>>) offsets(%dma_start3A_963 : memref<112xi32, #tpu.memory_space<vmem>>) semaphore(%arg21 : memref<!tpu.dma_semaphore, #tpu.memory_space<semaphore_mem>>) {add = true}
      %dma_wait3A_967 = arith.constant 0 : i32
      %dma_wait3A_968 = arith.constant 0 : i32
      %dma_wait3A_969 = tpu.memref_slice %arg9[%dma_wait3A_967, %dma_wait3A_968] : memref<6x112xi32, #tpu.memory_space<vmem>> -> memref<1x112xi32, #tpu.memory_space<vmem>>
      %dma_wait3A_970 = tpu.memref_squeeze %dma_wait3A_969 : memref<1x112xi32, #tpu.memory_space<vmem>> -> memref<112xi32, #tpu.memory_space<vmem>>
      %dma_wait3A_971 = arith.constant 0 : i32
      %dma_wait3A_972 = arith.constant 0 : i32
      %dma_wait3A_973 = tpu.memref_slice %arg6[%dma_wait3A_971, %dma_wait3A_972] : memref<10240x128xf32, #tpu.memory_space<vmem_shared>> -> memref<10240x128xf32, #tpu.memory_space<vmem_shared>>
      tpu.wait_indirect_dma semaphore(%arg23 : memref<!tpu.dma_semaphore, #tpu.memory_space<semaphore_mem>>) src(%arg13 : memref<112x128xf32, #tpu.memory_space<vmem>>) dst(%dma_wait3A_973 : memref<10240x128xf32, #tpu.memory_space<vmem_shared>>)
      %dma_start3A_974 = arith.constant 5 : i32
      %dma_start3A_975 = arith.constant 0 : i32
      %dma_start3A_976 = tpu.memref_slice %arg8[%dma_start3A_974, %dma_start3A_975] : memref<6x112xi32, #tpu.memory_space<vmem>> -> memref<1x112xi32, #tpu.memory_space<vmem>>
      %dma_start3A_977 = tpu.memref_squeeze %dma_start3A_976 : memref<1x112xi32, #tpu.memory_space<vmem>> -> memref<112xi32, #tpu.memory_space<vmem>>
      %dma_start3A_978 = arith.constant 0 : i32
      %dma_start3A_979 = arith.constant 0 : i32
      %dma_start3A_980 = tpu.memref_slice %arg2[%dma_start3A_978, %dma_start3A_979] : memref<10000x128xf32, #tpu.memory_space<hbm>> -> memref<10000x128xf32, #tpu.memory_space<hbm>>
      tpu.enqueue_indirect_dma source(%dma_start3A_980 : memref<10000x128xf32, #tpu.memory_space<hbm>>) target(%arg13 : memref<112x128xf32, #tpu.memory_space<vmem>>) offsets(%dma_start3A_977 : memref<112xi32, #tpu.memory_space<vmem>>) semaphore(%arg20 : memref<!tpu.dma_semaphore, #tpu.memory_space<semaphore_mem>>)
      %dma_wait3A_981 = arith.constant 0 : i32
      %dma_wait3A_982 = arith.constant 0 : i32
      %dma_wait3A_983 = tpu.memref_slice %arg7[%dma_wait3A_981, %dma_wait3A_982] : memref<6x112xi32, #tpu.memory_space<vmem>> -> memref<1x112xi32, #tpu.memory_space<vmem>>
      %dma_wait3A_984 = tpu.memref_squeeze %dma_wait3A_983 : memref<1x112xi32, #tpu.memory_space<vmem>> -> memref<112xi32, #tpu.memory_space<vmem>>
      %dma_wait3A_985 = arith.constant 0 : i32
      %dma_wait3A_986 = arith.constant 0 : i32
      %dma_wait3A_987 = tpu.memref_slice %arg2[%dma_wait3A_985, %dma_wait3A_986] : memref<10000x128xf32, #tpu.memory_space<hbm>> -> memref<10000x128xf32, #tpu.memory_space<hbm>>
      tpu.wait_indirect_dma semaphore(%arg19 : memref<!tpu.dma_semaphore, #tpu.memory_space<semaphore_mem>>) src(%dma_wait3A_987 : memref<10000x128xf32, #tpu.memory_space<hbm>>) dst(%arg12 : memref<112x128xf32, #tpu.memory_space<vmem>>)
      %dma_start3A_988 = arith.constant 4 : i32
      %dma_start3A_989 = arith.constant 0 : i32
      %dma_start3A_990 = tpu.memref_slice %arg10[%dma_start3A_988, %dma_start3A_989] : memref<6x112xi32, #tpu.memory_space<vmem>> -> memref<1x112xi32, #tpu.memory_space<vmem>>
      %dma_start3A_991 = tpu.memref_squeeze %dma_start3A_990 : memref<1x112xi32, #tpu.memory_space<vmem>> -> memref<112xi32, #tpu.memory_space<vmem>>
      %dma_start3A_992 = arith.constant 0 : i32
      %dma_start3A_993 = arith.constant 0 : i32
      %dma_start3A_994 = tpu.memref_slice %arg6[%dma_start3A_992, %dma_start3A_993] : memref<10240x128xf32, #tpu.memory_space<vmem_shared>> -> memref<10240x128xf32, #tpu.memory_space<vmem_shared>>
      tpu.enqueue_indirect_dma source(%arg12 : memref<112x128xf32, #tpu.memory_space<vmem>>) target(%dma_start3A_994 : memref<10240x128xf32, #tpu.memory_space<vmem_shared>>) offsets(%dma_start3A_991 : memref<112xi32, #tpu.memory_space<vmem>>) semaphore(%arg22 : memref<!tpu.dma_semaphore, #tpu.memory_space<semaphore_mem>>) {add = true}
      %dma_wait3A_995 = arith.constant 0 : i32
      %dma_wait3A_996 = arith.constant 0 : i32
      %dma_wait3A_997 = tpu.memref_slice %arg9[%dma_wait3A_995, %dma_wait3A_996] : memref<6x112xi32, #tpu.memory_space<vmem>> -> memref<1x112xi32, #tpu.memory_space<vmem>>
      %dma_wait3A_998 = tpu.memref_squeeze %dma_wait3A_997 : memref<1x112xi32, #tpu.memory_space<vmem>> -> memref<112xi32, #tpu.memory_space<vmem>>
      %dma_wait3A_999 = arith.constant 0 : i32
      %dma_wait3A_1000 = arith.constant 0 : i32
      %dma_wait3A_1001 = tpu.memref_slice %arg6[%dma_wait3A_999, %dma_wait3A_1000] : memref<10240x128xf32, #tpu.memory_space<vmem_shared>> -> memref<10240x128xf32, #tpu.memory_space<vmem_shared>>
      tpu.wait_indirect_dma semaphore(%arg21 : memref<!tpu.dma_semaphore, #tpu.memory_space<semaphore_mem>>) src(%arg11 : memref<112x128xf32, #tpu.memory_space<vmem>>) dst(%dma_wait3A_1001 : memref<10240x128xf32, #tpu.memory_space<vmem_shared>>)
      %dma_wait3A_1002 = arith.constant 0 : i32
      %dma_wait3A_1003 = arith.constant 0 : i32
      %dma_wait3A_1004 = arith.constant 0 : i32
      %dma_wait3A_1005 = tpu.memref_slice %arg3[%add3A, %dma_wait3A_1002, %dma_wait3A_1003, %dma_wait3A_1004] : memref<32x15x6x112xi32, #tpu.memory_space<hbm>> -> memref<1x1x6x112xi32, #tpu.memory_space<hbm>>
      %dma_wait3A_1006 = tpu.memref_squeeze %dma_wait3A_1005 : memref<1x1x6x112xi32, #tpu.memory_space<hbm>> -> memref<6x112xi32, #tpu.memory_space<hbm>>
      %dma_wait3A_1007 = arith.constant 0 : i32
      %dma_wait3A_1008 = arith.constant 0 : i32
      %dma_wait3A_1009 = tpu.memref_slice %arg3[%add3A, %dma_wait3A_1002, %dma_wait3A_1007, %dma_wait3A_1008] : memref<32x15x6x112xi32, #tpu.memory_space<hbm>> -> memref<1x1x6x112xi32, #tpu.memory_space<hbm>>
      %dma_wait3A_1010 = tpu.memref_squeeze %dma_wait3A_1009 : memref<1x1x6x112xi32, #tpu.memory_space<hbm>> -> memref<6x112xi32, #tpu.memory_space<hbm>>
      tpu.wait_dma2 semaphore(%arg14 : memref<!tpu.dma_semaphore, #tpu.memory_space<semaphore_mem>>) src(%dma_wait3A_1010 : memref<6x112xi32, #tpu.memory_space<hbm>>) dst(%arg7 : memref<6x112xi32, #tpu.memory_space<vmem>>)
      %dma_wait3A_1011 = arith.constant 0 : i32
      %dma_wait3A_1012 = arith.constant 0 : i32
      %dma_wait3A_1013 = arith.constant 0 : i32
      %dma_wait3A_1014 = tpu.memref_slice %arg4[%add3A, %dma_wait3A_1011, %dma_wait3A_1012, %dma_wait3A_1013] : memref<32x15x6x112xi32, #tpu.memory_space<hbm>> -> memref<1x1x6x112xi32, #tpu.memory_space<hbm>>
      %dma_wait3A_1015 = tpu.memref_squeeze %dma_wait3A_1014 : memref<1x1x6x112xi32, #tpu.memory_space<hbm>> -> memref<6x112xi32, #tpu.memory_space<hbm>>
      %dma_wait3A_1016 = arith.constant 0 : i32
      %dma_wait3A_1017 = arith.constant 0 : i32
      %dma_wait3A_1018 = tpu.memref_slice %arg4[%add3A, %dma_wait3A_1011, %dma_wait3A_1016, %dma_wait3A_1017] : memref<32x15x6x112xi32, #tpu.memory_space<hbm>> -> memref<1x1x6x112xi32, #tpu.memory_space<hbm>>
      %dma_wait3A_1019 = tpu.memref_squeeze %dma_wait3A_1018 : memref<1x1x6x112xi32, #tpu.memory_space<hbm>> -> memref<6x112xi32, #tpu.memory_space<hbm>>
      tpu.wait_dma2 semaphore(%arg16 : memref<!tpu.dma_semaphore, #tpu.memory_space<semaphore_mem>>) src(%dma_wait3A_1019 : memref<6x112xi32, #tpu.memory_space<hbm>>) dst(%arg9 : memref<6x112xi32, #tpu.memory_space<vmem>>)
      %dma_start3A_1020 = arith.constant 0 : i32
      %dma_start3A_1021 = arith.constant 0 : i32
      %dma_start3A_1022 = tpu.memref_slice %arg7[%dma_start3A_1020, %dma_start3A_1021] : memref<6x112xi32, #tpu.memory_space<vmem>> -> memref<1x112xi32, #tpu.memory_space<vmem>>
      %dma_start3A_1023 = tpu.memref_squeeze %dma_start3A_1022 : memref<1x112xi32, #tpu.memory_space<vmem>> -> memref<112xi32, #tpu.memory_space<vmem>>
      %dma_start3A_1024 = arith.constant 0 : i32
      %dma_start3A_1025 = arith.constant 0 : i32
      %dma_start3A_1026 = tpu.memref_slice %arg2[%dma_start3A_1024, %dma_start3A_1025] : memref<10000x128xf32, #tpu.memory_space<hbm>> -> memref<10000x128xf32, #tpu.memory_space<hbm>>
      tpu.enqueue_indirect_dma source(%dma_start3A_1026 : memref<10000x128xf32, #tpu.memory_space<hbm>>) target(%arg11 : memref<112x128xf32, #tpu.memory_space<vmem>>) offsets(%dma_start3A_1023 : memref<112xi32, #tpu.memory_space<vmem>>) semaphore(%arg18 : memref<!tpu.dma_semaphore, #tpu.memory_space<semaphore_mem>>)
      %dma_wait3A_1027 = arith.constant 0 : i32
      %dma_wait3A_1028 = arith.constant 0 : i32
      %dma_wait3A_1029 = tpu.memref_slice %arg7[%dma_wait3A_1027, %dma_wait3A_1028] : memref<6x112xi32, #tpu.memory_space<vmem>> -> memref<1x112xi32, #tpu.memory_space<vmem>>
      %dma_wait3A_1030 = tpu.memref_squeeze %dma_wait3A_1029 : memref<1x112xi32, #tpu.memory_space<vmem>> -> memref<112xi32, #tpu.memory_space<vmem>>
      %dma_wait3A_1031 = arith.constant 0 : i32
      %dma_wait3A_1032 = arith.constant 0 : i32
      %dma_wait3A_1033 = tpu.memref_slice %arg2[%dma_wait3A_1031, %dma_wait3A_1032] : memref<10000x128xf32, #tpu.memory_space<hbm>> -> memref<10000x128xf32, #tpu.memory_space<hbm>>
      tpu.wait_indirect_dma semaphore(%arg20 : memref<!tpu.dma_semaphore, #tpu.memory_space<semaphore_mem>>) src(%dma_wait3A_1033 : memref<10000x128xf32, #tpu.memory_space<hbm>>) dst(%arg13 : memref<112x128xf32, #tpu.memory_space<vmem>>)
      %dma_start3A_1034 = arith.constant 5 : i32
      %dma_start3A_1035 = arith.constant 0 : i32
      %dma_start3A_1036 = tpu.memref_slice %arg10[%dma_start3A_1034, %dma_start3A_1035] : memref<6x112xi32, #tpu.memory_space<vmem>> -> memref<1x112xi32, #tpu.memory_space<vmem>>
      %dma_start3A_1037 = tpu.memref_squeeze %dma_start3A_1036 : memref<1x112xi32, #tpu.memory_space<vmem>> -> memref<112xi32, #tpu.memory_space<vmem>>
      %dma_start3A_1038 = arith.constant 0 : i32
      %dma_start3A_1039 = arith.constant 0 : i32
      %dma_start3A_1040 = tpu.memref_slice %arg6[%dma_start3A_1038, %dma_start3A_1039] : memref<10240x128xf32, #tpu.memory_space<vmem_shared>> -> memref<10240x128xf32, #tpu.memory_space<vmem_shared>>
      tpu.enqueue_indirect_dma source(%arg13 : memref<112x128xf32, #tpu.memory_space<vmem>>) target(%dma_start3A_1040 : memref<10240x128xf32, #tpu.memory_space<vmem_shared>>) offsets(%dma_start3A_1037 : memref<112xi32, #tpu.memory_space<vmem>>) semaphore(%arg23 : memref<!tpu.dma_semaphore, #tpu.memory_space<semaphore_mem>>) {add = true}
      %dma_wait3A_1041 = arith.constant 0 : i32
      %dma_wait3A_1042 = arith.constant 0 : i32
      %dma_wait3A_1043 = tpu.memref_slice %arg9[%dma_wait3A_1041, %dma_wait3A_1042] : memref<6x112xi32, #tpu.memory_space<vmem>> -> memref<1x112xi32, #tpu.memory_space<vmem>>
      %dma_wait3A_1044 = tpu.memref_squeeze %dma_wait3A_1043 : memref<1x112xi32, #tpu.memory_space<vmem>> -> memref<112xi32, #tpu.memory_space<vmem>>
      %dma_wait3A_1045 = arith.constant 0 : i32
      %dma_wait3A_1046 = arith.constant 0 : i32
      %dma_wait3A_1047 = tpu.memref_slice %arg6[%dma_wait3A_1045, %dma_wait3A_1046] : memref<10240x128xf32, #tpu.memory_space<vmem_shared>> -> memref<10240x128xf32, #tpu.memory_space<vmem_shared>>
      tpu.wait_indirect_dma semaphore(%arg22 : memref<!tpu.dma_semaphore, #tpu.memory_space<semaphore_mem>>) src(%arg12 : memref<112x128xf32, #tpu.memory_space<vmem>>) dst(%dma_wait3A_1047 : memref<10240x128xf32, #tpu.memory_space<vmem_shared>>)
      %dma_start3A_1048 = arith.constant 1 : i32
      %dma_start3A_1049 = arith.constant 0 : i32
      %dma_start3A_1050 = tpu.memref_slice %arg7[%dma_start3A_1048, %dma_start3A_1049] : memref<6x112xi32, #tpu.memory_space<vmem>> -> memref<1x112xi32, #tpu.memory_space<vmem>>
      %dma_start3A_1051 = tpu.memref_squeeze %dma_start3A_1050 : memref<1x112xi32, #tpu.memory_space<vmem>> -> memref<112xi32, #tpu.memory_space<vmem>>
      %dma_start3A_1052 = arith.constant 0 : i32
      %dma_start3A_1053 = arith.constant 0 : i32
      %dma_start3A_1054 = tpu.memref_slice %arg2[%dma_start3A_1052, %dma_start3A_1053] : memref<10000x128xf32, #tpu.memory_space<hbm>> -> memref<10000x128xf32, #tpu.memory_space<hbm>>
      tpu.enqueue_indirect_dma source(%dma_start3A_1054 : memref<10000x128xf32, #tpu.memory_space<hbm>>) target(%arg12 : memref<112x128xf32, #tpu.memory_space<vmem>>) offsets(%dma_start3A_1051 : memref<112xi32, #tpu.memory_space<vmem>>) semaphore(%arg19 : memref<!tpu.dma_semaphore, #tpu.memory_space<semaphore_mem>>)
    }
    %scan3A_475 = arith.constant 6 : i32
    %dma_wait3A_476 = arith.constant 0 : i32
    %dma_wait3A_477 = arith.constant 0 : i32
    %dma_wait3A_478 = tpu.memref_slice %arg7[%dma_wait3A_476, %dma_wait3A_477] : memref<6x112xi32, #tpu.memory_space<vmem>> -> memref<1x112xi32, #tpu.memory_space<vmem>>
    %dma_wait3A_479 = tpu.memref_squeeze %dma_wait3A_478 : memref<1x112xi32, #tpu.memory_space<vmem>> -> memref<112xi32, #tpu.memory_space<vmem>>
    %dma_wait3A_480 = arith.constant 0 : i32
    %dma_wait3A_481 = arith.constant 0 : i32
    %dma_wait3A_482 = tpu.memref_slice %arg2[%dma_wait3A_480, %dma_wait3A_481] : memref<10000x128xf32, #tpu.memory_space<hbm>> -> memref<10000x128xf32, #tpu.memory_space<hbm>>
    tpu.wait_indirect_dma semaphore(%arg18 : memref<!tpu.dma_semaphore, #tpu.memory_space<semaphore_mem>>) src(%dma_wait3A_482 : memref<10000x128xf32, #tpu.memory_space<hbm>>) dst(%arg11 : memref<112x128xf32, #tpu.memory_space<vmem>>)
    %dma_start3A_483 = arith.constant 0 : i32
    %dma_start3A_484 = arith.constant 0 : i32
    %dma_start3A_485 = tpu.memref_slice %arg9[%dma_start3A_483, %dma_start3A_484] : memref<6x112xi32, #tpu.memory_space<vmem>> -> memref<1x112xi32, #tpu.memory_space<vmem>>
    %dma_start3A_486 = tpu.memref_squeeze %dma_start3A_485 : memref<1x112xi32, #tpu.memory_space<vmem>> -> memref<112xi32, #tpu.memory_space<vmem>>
    %dma_start3A_487 = arith.constant 0 : i32
    %dma_start3A_488 = arith.constant 0 : i32
    %dma_start3A_489 = tpu.memref_slice %arg6[%dma_start3A_487, %dma_start3A_488] : memref<10240x128xf32, #tpu.memory_space<vmem_shared>> -> memref<10240x128xf32, #tpu.memory_space<vmem_shared>>
    tpu.enqueue_indirect_dma source(%arg11 : memref<112x128xf32, #tpu.memory_space<vmem>>) target(%dma_start3A_489 : memref<10240x128xf32, #tpu.memory_space<vmem_shared>>) offsets(%dma_start3A_486 : memref<112xi32, #tpu.memory_space<vmem>>) semaphore(%arg21 : memref<!tpu.dma_semaphore, #tpu.memory_space<semaphore_mem>>) {add = true}
    %dma_wait3A_490 = arith.constant 0 : i32
    %dma_wait3A_491 = arith.constant 0 : i32
    %dma_wait3A_492 = tpu.memref_slice %arg9[%dma_wait3A_490, %dma_wait3A_491] : memref<6x112xi32, #tpu.memory_space<vmem>> -> memref<1x112xi32, #tpu.memory_space<vmem>>
    %dma_wait3A_493 = tpu.memref_squeeze %dma_wait3A_492 : memref<1x112xi32, #tpu.memory_space<vmem>> -> memref<112xi32, #tpu.memory_space<vmem>>
    %dma_wait3A_494 = arith.constant 0 : i32
    %dma_wait3A_495 = arith.constant 0 : i32
    %dma_wait3A_496 = tpu.memref_slice %arg6[%dma_wait3A_494, %dma_wait3A_495] : memref<10240x128xf32, #tpu.memory_space<vmem_shared>> -> memref<10240x128xf32, #tpu.memory_space<vmem_shared>>
    tpu.wait_indirect_dma semaphore(%arg23 : memref<!tpu.dma_semaphore, #tpu.memory_space<semaphore_mem>>) src(%arg13 : memref<112x128xf32, #tpu.memory_space<vmem>>) dst(%dma_wait3A_496 : memref<10240x128xf32, #tpu.memory_space<vmem_shared>>)
    %dma_start3A_497 = arith.constant 2 : i32
    %dma_start3A_498 = arith.constant 0 : i32
    %dma_start3A_499 = tpu.memref_slice %arg7[%dma_start3A_497, %dma_start3A_498] : memref<6x112xi32, #tpu.memory_space<vmem>> -> memref<1x112xi32, #tpu.memory_space<vmem>>
    %dma_start3A_500 = tpu.memref_squeeze %dma_start3A_499 : memref<1x112xi32, #tpu.memory_space<vmem>> -> memref<112xi32, #tpu.memory_space<vmem>>
    %dma_start3A_501 = arith.constant 0 : i32
    %dma_start3A_502 = arith.constant 0 : i32
    %dma_start3A_503 = tpu.memref_slice %arg2[%dma_start3A_501, %dma_start3A_502] : memref<10000x128xf32, #tpu.memory_space<hbm>> -> memref<10000x128xf32, #tpu.memory_space<hbm>>
    tpu.enqueue_indirect_dma source(%dma_start3A_503 : memref<10000x128xf32, #tpu.memory_space<hbm>>) target(%arg13 : memref<112x128xf32, #tpu.memory_space<vmem>>) offsets(%dma_start3A_500 : memref<112xi32, #tpu.memory_space<vmem>>) semaphore(%arg20 : memref<!tpu.dma_semaphore, #tpu.memory_space<semaphore_mem>>)
    %dma_wait3A_504 = arith.constant 0 : i32
    %dma_wait3A_505 = arith.constant 0 : i32
    %dma_wait3A_506 = tpu.memref_slice %arg7[%dma_wait3A_504, %dma_wait3A_505] : memref<6x112xi32, #tpu.memory_space<vmem>> -> memref<1x112xi32, #tpu.memory_space<vmem>>
    %dma_wait3A_507 = tpu.memref_squeeze %dma_wait3A_506 : memref<1x112xi32, #tpu.memory_space<vmem>> -> memref<112xi32, #tpu.memory_space<vmem>>
    %dma_wait3A_508 = arith.constant 0 : i32
    %dma_wait3A_509 = arith.constant 0 : i32
    %dma_wait3A_510 = tpu.memref_slice %arg2[%dma_wait3A_508, %dma_wait3A_509] : memref<10000x128xf32, #tpu.memory_space<hbm>> -> memref<10000x128xf32, #tpu.memory_space<hbm>>
    tpu.wait_indirect_dma semaphore(%arg19 : memref<!tpu.dma_semaphore, #tpu.memory_space<semaphore_mem>>) src(%dma_wait3A_510 : memref<10000x128xf32, #tpu.memory_space<hbm>>) dst(%arg12 : memref<112x128xf32, #tpu.memory_space<vmem>>)
    %dma_start3A_511 = arith.constant 1 : i32
    %dma_start3A_512 = arith.constant 0 : i32
    %dma_start3A_513 = tpu.memref_slice %arg9[%dma_start3A_511, %dma_start3A_512] : memref<6x112xi32, #tpu.memory_space<vmem>> -> memref<1x112xi32, #tpu.memory_space<vmem>>
    %dma_start3A_514 = tpu.memref_squeeze %dma_start3A_513 : memref<1x112xi32, #tpu.memory_space<vmem>> -> memref<112xi32, #tpu.memory_space<vmem>>
    %dma_start3A_515 = arith.constant 0 : i32
    %dma_start3A_516 = arith.constant 0 : i32
    %dma_start3A_517 = tpu.memref_slice %arg6[%dma_start3A_515, %dma_start3A_516] : memref<10240x128xf32, #tpu.memory_space<vmem_shared>> -> memref<10240x128xf32, #tpu.memory_space<vmem_shared>>
    tpu.enqueue_indirect_dma source(%arg12 : memref<112x128xf32, #tpu.memory_space<vmem>>) target(%dma_start3A_517 : memref<10240x128xf32, #tpu.memory_space<vmem_shared>>) offsets(%dma_start3A_514 : memref<112xi32, #tpu.memory_space<vmem>>) semaphore(%arg22 : memref<!tpu.dma_semaphore, #tpu.memory_space<semaphore_mem>>) {add = true}
    %dma_wait3A_518 = arith.constant 0 : i32
    %dma_wait3A_519 = arith.constant 0 : i32
    %dma_wait3A_520 = tpu.memref_slice %arg9[%dma_wait3A_518, %dma_wait3A_519] : memref<6x112xi32, #tpu.memory_space<vmem>> -> memref<1x112xi32, #tpu.memory_space<vmem>>
    %dma_wait3A_521 = tpu.memref_squeeze %dma_wait3A_520 : memref<1x112xi32, #tpu.memory_space<vmem>> -> memref<112xi32, #tpu.memory_space<vmem>>
    %dma_wait3A_522 = arith.constant 0 : i32
    %dma_wait3A_523 = arith.constant 0 : i32
    %dma_wait3A_524 = tpu.memref_slice %arg6[%dma_wait3A_522, %dma_wait3A_523] : memref<10240x128xf32, #tpu.memory_space<vmem_shared>> -> memref<10240x128xf32, #tpu.memory_space<vmem_shared>>
    tpu.wait_indirect_dma semaphore(%arg21 : memref<!tpu.dma_semaphore, #tpu.memory_space<semaphore_mem>>) src(%arg11 : memref<112x128xf32, #tpu.memory_space<vmem>>) dst(%dma_wait3A_524 : memref<10240x128xf32, #tpu.memory_space<vmem_shared>>)
    %dma_start3A_525 = arith.constant 3 : i32
    %dma_start3A_526 = arith.constant 0 : i32
    %dma_start3A_527 = tpu.memref_slice %arg7[%dma_start3A_525, %dma_start3A_526] : memref<6x112xi32, #tpu.memory_space<vmem>> -> memref<1x112xi32, #tpu.memory_space<vmem>>
    %dma_start3A_528 = tpu.memref_squeeze %dma_start3A_527 : memref<1x112xi32, #tpu.memory_space<vmem>> -> memref<112xi32, #tpu.memory_space<vmem>>
    %dma_start3A_529 = arith.constant 0 : i32
    %dma_start3A_530 = arith.constant 0 : i32
    %dma_start3A_531 = tpu.memref_slice %arg2[%dma_start3A_529, %dma_start3A_530] : memref<10000x128xf32, #tpu.memory_space<hbm>> -> memref<10000x128xf32, #tpu.memory_space<hbm>>
    tpu.enqueue_indirect_dma source(%dma_start3A_531 : memref<10000x128xf32, #tpu.memory_space<hbm>>) target(%arg11 : memref<112x128xf32, #tpu.memory_space<vmem>>) offsets(%dma_start3A_528 : memref<112xi32, #tpu.memory_space<vmem>>) semaphore(%arg18 : memref<!tpu.dma_semaphore, #tpu.memory_space<semaphore_mem>>)
    %dma_wait3A_532 = arith.constant 0 : i32
    %dma_wait3A_533 = arith.constant 0 : i32
    %dma_wait3A_534 = tpu.memref_slice %arg7[%dma_wait3A_532, %dma_wait3A_533] : memref<6x112xi32, #tpu.memory_space<vmem>> -> memref<1x112xi32, #tpu.memory_space<vmem>>
    %dma_wait3A_535 = tpu.memref_squeeze %dma_wait3A_534 : memref<1x112xi32, #tpu.memory_space<vmem>> -> memref<112xi32, #tpu.memory_space<vmem>>
    %dma_wait3A_536 = arith.constant 0 : i32
    %dma_wait3A_537 = arith.constant 0 : i32
    %dma_wait3A_538 = tpu.memref_slice %arg2[%dma_wait3A_536, %dma_wait3A_537] : memref<10000x128xf32, #tpu.memory_space<hbm>> -> memref<10000x128xf32, #tpu.memory_space<hbm>>
    tpu.wait_indirect_dma semaphore(%arg20 : memref<!tpu.dma_semaphore, #tpu.memory_space<semaphore_mem>>) src(%dma_wait3A_538 : memref<10000x128xf32, #tpu.memory_space<hbm>>) dst(%arg13 : memref<112x128xf32, #tpu.memory_space<vmem>>)
    %dma_start3A_539 = arith.constant 2 : i32
    %dma_start3A_540 = arith.constant 0 : i32
    %dma_start3A_541 = tpu.memref_slice %arg9[%dma_start3A_539, %dma_start3A_540] : memref<6x112xi32, #tpu.memory_space<vmem>> -> memref<1x112xi32, #tpu.memory_space<vmem>>
    %dma_start3A_542 = tpu.memref_squeeze %dma_start3A_541 : memref<1x112xi32, #tpu.memory_space<vmem>> -> memref<112xi32, #tpu.memory_space<vmem>>
    %dma_start3A_543 = arith.constant 0 : i32
    %dma_start3A_544 = arith.constant 0 : i32
    %dma_start3A_545 = tpu.memref_slice %arg6[%dma_start3A_543, %dma_start3A_544] : memref<10240x128xf32, #tpu.memory_space<vmem_shared>> -> memref<10240x128xf32, #tpu.memory_space<vmem_shared>>
    tpu.enqueue_indirect_dma source(%arg13 : memref<112x128xf32, #tpu.memory_space<vmem>>) target(%dma_start3A_545 : memref<10240x128xf32, #tpu.memory_space<vmem_shared>>) offsets(%dma_start3A_542 : memref<112xi32, #tpu.memory_space<vmem>>) semaphore(%arg23 : memref<!tpu.dma_semaphore, #tpu.memory_space<semaphore_mem>>) {add = true}
    %dma_wait3A_546 = arith.constant 0 : i32
    %dma_wait3A_547 = arith.constant 0 : i32
    %dma_wait3A_548 = tpu.memref_slice %arg9[%dma_wait3A_546, %dma_wait3A_547] : memref<6x112xi32, #tpu.memory_space<vmem>> -> memref<1x112xi32, #tpu.memory_space<vmem>>
    %dma_wait3A_549 = tpu.memref_squeeze %dma_wait3A_548 : memref<1x112xi32, #tpu.memory_space<vmem>> -> memref<112xi32, #tpu.memory_space<vmem>>
    %dma_wait3A_550 = arith.constant 0 : i32
    %dma_wait3A_551 = arith.constant 0 : i32
    %dma_wait3A_552 = tpu.memref_slice %arg6[%dma_wait3A_550, %dma_wait3A_551] : memref<10240x128xf32, #tpu.memory_space<vmem_shared>> -> memref<10240x128xf32, #tpu.memory_space<vmem_shared>>
    tpu.wait_indirect_dma semaphore(%arg22 : memref<!tpu.dma_semaphore, #tpu.memory_space<semaphore_mem>>) src(%arg12 : memref<112x128xf32, #tpu.memory_space<vmem>>) dst(%dma_wait3A_552 : memref<10240x128xf32, #tpu.memory_space<vmem_shared>>)
    %dma_start3A_553 = arith.constant 4 : i32
    %dma_start3A_554 = arith.constant 0 : i32
    %dma_start3A_555 = tpu.memref_slice %arg7[%dma_start3A_553, %dma_start3A_554] : memref<6x112xi32, #tpu.memory_space<vmem>> -> memref<1x112xi32, #tpu.memory_space<vmem>>
    %dma_start3A_556 = tpu.memref_squeeze %dma_start3A_555 : memref<1x112xi32, #tpu.memory_space<vmem>> -> memref<112xi32, #tpu.memory_space<vmem>>
    %dma_start3A_557 = arith.constant 0 : i32
    %dma_start3A_558 = arith.constant 0 : i32
    %dma_start3A_559 = tpu.memref_slice %arg2[%dma_start3A_557, %dma_start3A_558] : memref<10000x128xf32, #tpu.memory_space<hbm>> -> memref<10000x128xf32, #tpu.memory_space<hbm>>
    tpu.enqueue_indirect_dma source(%dma_start3A_559 : memref<10000x128xf32, #tpu.memory_space<hbm>>) target(%arg12 : memref<112x128xf32, #tpu.memory_space<vmem>>) offsets(%dma_start3A_556 : memref<112xi32, #tpu.memory_space<vmem>>) semaphore(%arg19 : memref<!tpu.dma_semaphore, #tpu.memory_space<semaphore_mem>>)
    %dma_wait3A_560 = arith.constant 0 : i32
    %dma_wait3A_561 = arith.constant 0 : i32
    %dma_wait3A_562 = tpu.memref_slice %arg7[%dma_wait3A_560, %dma_wait3A_561] : memref<6x112xi32, #tpu.memory_space<vmem>> -> memref<1x112xi32, #tpu.memory_space<vmem>>
    %dma_wait3A_563 = tpu.memref_squeeze %dma_wait3A_562 : memref<1x112xi32, #tpu.memory_space<vmem>> -> memref<112xi32, #tpu.memory_space<vmem>>
    %dma_wait3A_564 = arith.constant 0 : i32
    %dma_wait3A_565 = arith.constant 0 : i32
    %dma_wait3A_566 = tpu.memref_slice %arg2[%dma_wait3A_564, %dma_wait3A_565] : memref<10000x128xf32, #tpu.memory_space<hbm>> -> memref<10000x128xf32, #tpu.memory_space<hbm>>
    tpu.wait_indirect_dma semaphore(%arg18 : memref<!tpu.dma_semaphore, #tpu.memory_space<semaphore_mem>>) src(%dma_wait3A_566 : memref<10000x128xf32, #tpu.memory_space<hbm>>) dst(%arg11 : memref<112x128xf32, #tpu.memory_space<vmem>>)
    %dma_start3A_567 = arith.constant 3 : i32
    %dma_start3A_568 = arith.constant 0 : i32
    %dma_start3A_569 = tpu.memref_slice %arg9[%dma_start3A_567, %dma_start3A_568] : memref<6x112xi32, #tpu.memory_space<vmem>> -> memref<1x112xi32, #tpu.memory_space<vmem>>
    %dma_start3A_570 = tpu.memref_squeeze %dma_start3A_569 : memref<1x112xi32, #tpu.memory_space<vmem>> -> memref<112xi32, #tpu.memory_space<vmem>>
    %dma_start3A_571 = arith.constant 0 : i32
    %dma_start3A_572 = arith.constant 0 : i32
    %dma_start3A_573 = tpu.memref_slice %arg6[%dma_start3A_571, %dma_start3A_572] : memref<10240x128xf32, #tpu.memory_space<vmem_shared>> -> memref<10240x128xf32, #tpu.memory_space<vmem_shared>>
    tpu.enqueue_indirect_dma source(%arg11 : memref<112x128xf32, #tpu.memory_space<vmem>>) target(%dma_start3A_573 : memref<10240x128xf32, #tpu.memory_space<vmem_shared>>) offsets(%dma_start3A_570 : memref<112xi32, #tpu.memory_space<vmem>>) semaphore(%arg21 : memref<!tpu.dma_semaphore, #tpu.memory_space<semaphore_mem>>) {add = true}
    %dma_wait3A_574 = arith.constant 0 : i32
    %dma_wait3A_575 = arith.constant 0 : i32
    %dma_wait3A_576 = tpu.memref_slice %arg9[%dma_wait3A_574, %dma_wait3A_575] : memref<6x112xi32, #tpu.memory_space<vmem>> -> memref<1x112xi32, #tpu.memory_space<vmem>>
    %dma_wait3A_577 = tpu.memref_squeeze %dma_wait3A_576 : memref<1x112xi32, #tpu.memory_space<vmem>> -> memref<112xi32, #tpu.memory_space<vmem>>
    %dma_wait3A_578 = arith.constant 0 : i32
    %dma_wait3A_579 = arith.constant 0 : i32
    %dma_wait3A_580 = tpu.memref_slice %arg6[%dma_wait3A_578, %dma_wait3A_579] : memref<10240x128xf32, #tpu.memory_space<vmem_shared>> -> memref<10240x128xf32, #tpu.memory_space<vmem_shared>>
    tpu.wait_indirect_dma semaphore(%arg23 : memref<!tpu.dma_semaphore, #tpu.memory_space<semaphore_mem>>) src(%arg13 : memref<112x128xf32, #tpu.memory_space<vmem>>) dst(%dma_wait3A_580 : memref<10240x128xf32, #tpu.memory_space<vmem_shared>>)
    %dma_start3A_581 = arith.constant 5 : i32
    %dma_start3A_582 = arith.constant 0 : i32
    %dma_start3A_583 = tpu.memref_slice %arg7[%dma_start3A_581, %dma_start3A_582] : memref<6x112xi32, #tpu.memory_space<vmem>> -> memref<1x112xi32, #tpu.memory_space<vmem>>
    %dma_start3A_584 = tpu.memref_squeeze %dma_start3A_583 : memref<1x112xi32, #tpu.memory_space<vmem>> -> memref<112xi32, #tpu.memory_space<vmem>>
    %dma_start3A_585 = arith.constant 0 : i32
    %dma_start3A_586 = arith.constant 0 : i32
    %dma_start3A_587 = tpu.memref_slice %arg2[%dma_start3A_585, %dma_start3A_586] : memref<10000x128xf32, #tpu.memory_space<hbm>> -> memref<10000x128xf32, #tpu.memory_space<hbm>>
    tpu.enqueue_indirect_dma source(%dma_start3A_587 : memref<10000x128xf32, #tpu.memory_space<hbm>>) target(%arg13 : memref<112x128xf32, #tpu.memory_space<vmem>>) offsets(%dma_start3A_584 : memref<112xi32, #tpu.memory_space<vmem>>) semaphore(%arg20 : memref<!tpu.dma_semaphore, #tpu.memory_space<semaphore_mem>>)
    %dma_wait3A_588 = arith.constant 0 : i32
    %dma_wait3A_589 = arith.constant 0 : i32
    %dma_wait3A_590 = tpu.memref_slice %arg7[%dma_wait3A_588, %dma_wait3A_589] : memref<6x112xi32, #tpu.memory_space<vmem>> -> memref<1x112xi32, #tpu.memory_space<vmem>>
    %dma_wait3A_591 = tpu.memref_squeeze %dma_wait3A_590 : memref<1x112xi32, #tpu.memory_space<vmem>> -> memref<112xi32, #tpu.memory_space<vmem>>
    %dma_wait3A_592 = arith.constant 0 : i32
    %dma_wait3A_593 = arith.constant 0 : i32
    %dma_wait3A_594 = tpu.memref_slice %arg2[%dma_wait3A_592, %dma_wait3A_593] : memref<10000x128xf32, #tpu.memory_space<hbm>> -> memref<10000x128xf32, #tpu.memory_space<hbm>>
    tpu.wait_indirect_dma semaphore(%arg19 : memref<!tpu.dma_semaphore, #tpu.memory_space<semaphore_mem>>) src(%dma_wait3A_594 : memref<10000x128xf32, #tpu.memory_space<hbm>>) dst(%arg12 : memref<112x128xf32, #tpu.memory_space<vmem>>)
    %dma_start3A_595 = arith.constant 4 : i32
    %dma_start3A_596 = arith.constant 0 : i32
    %dma_start3A_597 = tpu.memref_slice %arg9[%dma_start3A_595, %dma_start3A_596] : memref<6x112xi32, #tpu.memory_space<vmem>> -> memref<1x112xi32, #tpu.memory_space<vmem>>
    %dma_start3A_598 = tpu.memref_squeeze %dma_start3A_597 : memref<1x112xi32, #tpu.memory_space<vmem>> -> memref<112xi32, #tpu.memory_space<vmem>>
    %dma_start3A_599 = arith.constant 0 : i32
    %dma_start3A_600 = arith.constant 0 : i32
    %dma_start3A_601 = tpu.memref_slice %arg6[%dma_start3A_599, %dma_start3A_600] : memref<10240x128xf32, #tpu.memory_space<vmem_shared>> -> memref<10240x128xf32, #tpu.memory_space<vmem_shared>>
    tpu.enqueue_indirect_dma source(%arg12 : memref<112x128xf32, #tpu.memory_space<vmem>>) target(%dma_start3A_601 : memref<10240x128xf32, #tpu.memory_space<vmem_shared>>) offsets(%dma_start3A_598 : memref<112xi32, #tpu.memory_space<vmem>>) semaphore(%arg22 : memref<!tpu.dma_semaphore, #tpu.memory_space<semaphore_mem>>) {add = true}
    %dma_wait3A_602 = arith.constant 0 : i32
    %dma_wait3A_603 = arith.constant 0 : i32
    %dma_wait3A_604 = tpu.memref_slice %arg9[%dma_wait3A_602, %dma_wait3A_603] : memref<6x112xi32, #tpu.memory_space<vmem>> -> memref<1x112xi32, #tpu.memory_space<vmem>>
    %dma_wait3A_605 = tpu.memref_squeeze %dma_wait3A_604 : memref<1x112xi32, #tpu.memory_space<vmem>> -> memref<112xi32, #tpu.memory_space<vmem>>
    %dma_wait3A_606 = arith.constant 0 : i32
    %dma_wait3A_607 = arith.constant 0 : i32
    %dma_wait3A_608 = tpu.memref_slice %arg6[%dma_wait3A_606, %dma_wait3A_607] : memref<10240x128xf32, #tpu.memory_space<vmem_shared>> -> memref<10240x128xf32, #tpu.memory_space<vmem_shared>>
    tpu.wait_indirect_dma semaphore(%arg21 : memref<!tpu.dma_semaphore, #tpu.memory_space<semaphore_mem>>) src(%arg11 : memref<112x128xf32, #tpu.memory_space<vmem>>) dst(%dma_wait3A_608 : memref<10240x128xf32, #tpu.memory_space<vmem_shared>>)
    %dma_wait3A_609 = arith.constant 0 : i32
    %dma_wait3A_610 = arith.constant 0 : i32
    %dma_wait3A_611 = tpu.memref_slice %arg7[%dma_wait3A_609, %dma_wait3A_610] : memref<6x112xi32, #tpu.memory_space<vmem>> -> memref<1x112xi32, #tpu.memory_space<vmem>>
    %dma_wait3A_612 = tpu.memref_squeeze %dma_wait3A_611 : memref<1x112xi32, #tpu.memory_space<vmem>> -> memref<112xi32, #tpu.memory_space<vmem>>
    %dma_wait3A_613 = arith.constant 0 : i32
    %dma_wait3A_614 = arith.constant 0 : i32
    %dma_wait3A_615 = tpu.memref_slice %arg2[%dma_wait3A_613, %dma_wait3A_614] : memref<10000x128xf32, #tpu.memory_space<hbm>> -> memref<10000x128xf32, #tpu.memory_space<hbm>>
    tpu.wait_indirect_dma semaphore(%arg20 : memref<!tpu.dma_semaphore, #tpu.memory_space<semaphore_mem>>) src(%dma_wait3A_615 : memref<10000x128xf32, #tpu.memory_space<hbm>>) dst(%arg13 : memref<112x128xf32, #tpu.memory_space<vmem>>)
    %dma_start3A_616 = arith.constant 5 : i32
    %dma_start3A_617 = arith.constant 0 : i32
    %dma_start3A_618 = tpu.memref_slice %arg9[%dma_start3A_616, %dma_start3A_617] : memref<6x112xi32, #tpu.memory_space<vmem>> -> memref<1x112xi32, #tpu.memory_space<vmem>>
    %dma_start3A_619 = tpu.memref_squeeze %dma_start3A_618 : memref<1x112xi32, #tpu.memory_space<vmem>> -> memref<112xi32, #tpu.memory_space<vmem>>
    %dma_start3A_620 = arith.constant 0 : i32
    %dma_start3A_621 = arith.constant 0 : i32
    %dma_start3A_622 = tpu.memref_slice %arg6[%dma_start3A_620, %dma_start3A_621] : memref<10240x128xf32, #tpu.memory_space<vmem_shared>> -> memref<10240x128xf32, #tpu.memory_space<vmem_shared>>
    tpu.enqueue_indirect_dma source(%arg13 : memref<112x128xf32, #tpu.memory_space<vmem>>) target(%dma_start3A_622 : memref<10240x128xf32, #tpu.memory_space<vmem_shared>>) offsets(%dma_start3A_619 : memref<112xi32, #tpu.memory_space<vmem>>) semaphore(%arg23 : memref<!tpu.dma_semaphore, #tpu.memory_space<semaphore_mem>>) {add = true}
    %dma_wait3A_623 = arith.constant 0 : i32
    %dma_wait3A_624 = arith.constant 0 : i32
    %dma_wait3A_625 = tpu.memref_slice %arg9[%dma_wait3A_623, %dma_wait3A_624] : memref<6x112xi32, #tpu.memory_space<vmem>> -> memref<1x112xi32, #tpu.memory_space<vmem>>
    %dma_wait3A_626 = tpu.memref_squeeze %dma_wait3A_625 : memref<1x112xi32, #tpu.memory_space<vmem>> -> memref<112xi32, #tpu.memory_space<vmem>>
    %dma_wait3A_627 = arith.constant 0 : i32
    %dma_wait3A_628 = arith.constant 0 : i32
    %dma_wait3A_629 = tpu.memref_slice %arg6[%dma_wait3A_627, %dma_wait3A_628] : memref<10240x128xf32, #tpu.memory_space<vmem_shared>> -> memref<10240x128xf32, #tpu.memory_space<vmem_shared>>
    tpu.wait_indirect_dma semaphore(%arg22 : memref<!tpu.dma_semaphore, #tpu.memory_space<semaphore_mem>>) src(%arg12 : memref<112x128xf32, #tpu.memory_space<vmem>>) dst(%dma_wait3A_629 : memref<10240x128xf32, #tpu.memory_space<vmem_shared>>)
    %dma_wait3A_630 = arith.constant 0 : i32
    %dma_wait3A_631 = arith.constant 0 : i32
    %dma_wait3A_632 = tpu.memref_slice %arg9[%dma_wait3A_630, %dma_wait3A_631] : memref<6x112xi32, #tpu.memory_space<vmem>> -> memref<1x112xi32, #tpu.memory_space<vmem>>
    %dma_wait3A_633 = tpu.memref_squeeze %dma_wait3A_632 : memref<1x112xi32, #tpu.memory_space<vmem>> -> memref<112xi32, #tpu.memory_space<vmem>>
    %dma_wait3A_634 = arith.constant 0 : i32
    %dma_wait3A_635 = arith.constant 0 : i32
    %dma_wait3A_636 = tpu.memref_slice %arg6[%dma_wait3A_634, %dma_wait3A_635] : memref<10240x128xf32, #tpu.memory_space<vmem_shared>> -> memref<10240x128xf32, #tpu.memory_space<vmem_shared>>
    tpu.wait_indirect_dma semaphore(%arg23 : memref<!tpu.dma_semaphore, #tpu.memory_space<semaphore_mem>>) src(%arg13 : memref<112x128xf32, #tpu.memory_space<vmem>>) dst(%dma_wait3A_636 : memref<10240x128xf32, #tpu.memory_space<vmem_shared>>)
    %barrier3A_637 = arith.constant 0 : index
    tpu.barrier barrier_id(%barrier3A_637)
    "tpu.region"() ({
      %run_scoped3A = tpu.sem_alloc : memref<!tpu.dma_semaphore, #tpu.memory_space<semaphore_mem>>
      %dma_start3A_638 = arith.constant 0 : i32
      %dma_start3A_639 = tpu.memref_slice %arg5[%arg0, %mul3A_2, %dma_start3A_638] : memref<2x10240x128xf32, #tpu.memory_space<hbm>> -> memref<1x640x128xf32, #tpu.memory_space<hbm>>
      %dma_start3A_640 = tpu.memref_squeeze %dma_start3A_639 : memref<1x640x128xf32, #tpu.memory_space<hbm>> -> memref<640x128xf32, #tpu.memory_space<hbm>>
      %dma_start3A_641 = arith.constant 0 : i32
      %dma_start3A_642 = tpu.memref_slice %arg6[%mul3A_2, %dma_start3A_641] : memref<10240x128xf32, #tpu.memory_space<vmem_shared>> -> memref<640x128xf32, #tpu.memory_space<vmem_shared>>
      tpu.enqueue_dma source(%dma_start3A_642 : memref<640x128xf32, #tpu.memory_space<vmem_shared>>) target(%dma_start3A_640 : memref<640x128xf32, #tpu.memory_space<hbm>>) target_semaphore(%run_scoped3A : memref<!tpu.dma_semaphore, #tpu.memory_space<semaphore_mem>>)
      %dma_wait3A_643 = arith.constant 0 : i32
      %dma_wait3A_644 = tpu.memref_slice %arg5[%arg0, %mul3A_2, %dma_wait3A_643] : memref<2x10240x128xf32, #tpu.memory_space<hbm>> -> memref<1x640x128xf32, #tpu.memory_space<hbm>>
      %dma_wait3A_645 = tpu.memref_squeeze %dma_wait3A_644 : memref<1x640x128xf32, #tpu.memory_space<hbm>> -> memref<640x128xf32, #tpu.memory_space<hbm>>
      %dma_wait3A_646 = arith.constant 0 : i32
      %dma_wait3A_647 = tpu.memref_slice %arg6[%mul3A_2, %dma_wait3A_646] : memref<10240x128xf32, #tpu.memory_space<vmem_shared>> -> memref<640x128xf32, #tpu.memory_space<vmem_shared>>
      tpu.wait_dma2 semaphore(%run_scoped3A : memref<!tpu.dma_semaphore, #tpu.memory_space<semaphore_mem>>) src(%dma_wait3A_647 : memref<640x128xf32, #tpu.memory_space<vmem_shared>>) dst(%dma_wait3A_645 : memref<640x128xf32, #tpu.memory_space<hbm>>)
      tpu.yield
    }) : () -> ()
    return
  }
}

module attributes {stable_mosaic.version = 14 : i64} {
  func.func @body(%arg0: i32, %arg1: memref<5000x128xf32, #tpu.memory_space<vmem>>, %arg2: memref<128x128xf32, #tpu.memory_space<vmem>>, %arg3: memref<5000x128xf32, #tpu.memory_space<vmem>>) attributes {dimension_semantics = [#tpu.dimension_semantics<arbitrary>], iteration_bounds = array<i64: 2>, scalar_prefetch = 0 : i64, scratch_operands = 0 : i64, tpu.core_type = #tpu.core_type<tc>, window_params = [{transform_indices = @transform_0, window_bounds = array<i64: 5000, 128>}, {pipeline_mode = #tpu.pipeline_mode<synchronous>, transform_indices = @transform_1, window_bounds = array<i64: 128, 128>}, {transform_indices = @transform_2, window_bounds = array<i64: 5000, 128>}]} {
    %get3A = arith.constant 0 : index
    %get3A_0 = arith.constant 0 : index
    %get3A_1 = vector.load %arg1[%get3A, %get3A_0] : memref<5000x128xf32, #tpu.memory_space<vmem>>, vector<5000x128xf32>
    %get3A_2 = arith.constant 0 : index
    %get3A_3 = arith.constant 0 : index
    %get3A_4 = vector.load %arg2[%get3A_2, %get3A_3] : memref<128x128xf32, #tpu.memory_space<vmem>>, vector<128x128xf32>
    %dot_general3A = arith.constant dense<0.000000e+00> : vector<5000x128xf32>
    %dot_general3A_5 = tpu.matmul %get3A_1, %get3A_4, %dot_general3A {dimension_numbers = #tpu.dot_dimension_numbers<[1], [0], [0], [1], [0, 0, 1, 1], [], []>, transpose_lhs_hint = false} : vector<5000x128xf32>, vector<128x128xf32>, vector<5000x128xf32> -> vector<5000x128xf32>
    %swap3A = arith.constant 0 : index
    %swap3A_6 = arith.constant 0 : index
    %swap3A_7 = vector.load %arg3[%swap3A, %swap3A_6] : memref<5000x128xf32, #tpu.memory_space<vmem>>, vector<5000x128xf32>
    tpu.vector_store %arg3[%swap3A, %swap3A_6], %dot_general3A_5 {strides = array<i32>} : memref<5000x128xf32, #tpu.memory_space<vmem>>, vector<5000x128xf32>,
    return
  }
  func.func @transform_0(%arg0: i32) -> (i32, i32) {
    %c0_i32 = arith.constant 0 : i32
    %c0_i32_0 = arith.constant 0 : i32
    return %arg0, %c0_i32 : i32, i32
  }
  func.func @transform_1(%arg0: i32) -> (i32, i32) {
    %c0_i32 = arith.constant 0 : i32
    %c0_i32_0 = arith.constant 0 : i32
    %c0_i32_1 = arith.constant 0 : i32
    return %c0_i32, %c0_i32_0 : i32, i32
  }
  func.func @transform_2(%arg0: i32) -> (i32, i32) {
    %c0_i32 = arith.constant 0 : i32
    %c0_i32_0 = arith.constant 0 : i32
    return %arg0, %c0_i32 : i32, i32
  }
}

module attributes {stable_mosaic.version = 14 : i64} {
  func.func @body(%arg0: i32, %arg1: memref<5000x128xf32, #tpu.memory_space<vmem>>, %arg2: memref<5000x128xf32, #tpu.memory_space<vmem>>, %arg3: memref<2x5000x128xf32, #tpu.memory_space<vmem>>, %arg4: memref<128x128xf32, #tpu.memory_space<vmem>>, %arg5: memref<256x128xf32, #tpu.memory_space<vmem>>, %arg6: memref<256x128xf32, #tpu.memory_space<vmem>>, %arg7: memref<1x128xf32, #tpu.memory_space<vmem>>, %arg8: memref<1x128xf32, #tpu.memory_space<vmem>>, %arg9: memref<5000x128xf32, #tpu.memory_space<vmem>>, %arg10: memref<5000x128xf32, #tpu.memory_space<vmem>>) attributes {dimension_semantics = [#tpu.dimension_semantics<arbitrary>], iteration_bounds = array<i64: 2>, scalar_prefetch = 0 : i64, scratch_operands = 0 : i64, tpu.core_type = #tpu.core_type<tc>, window_params = [{transform_indices = @transform_0, window_bounds = array<i64: 5000, 128>}, {transform_indices = @transform_1, window_bounds = array<i64: 5000, 128>}, {transform_indices = @transform_2, window_bounds = array<i64: 2, 5000, 128>}, {pipeline_mode = #tpu.pipeline_mode<synchronous>, transform_indices = @transform_3, window_bounds = array<i64: 128, 128>}, {pipeline_mode = #tpu.pipeline_mode<synchronous>, transform_indices = @transform_4, window_bounds = array<i64: 256, 128>}, {pipeline_mode = #tpu.pipeline_mode<synchronous>, transform_indices = @transform_5, window_bounds = array<i64: 256, 128>}, {pipeline_mode = #tpu.pipeline_mode<synchronous>, transform_indices = @transform_6, window_bounds = array<i64: 1, 128>}, {pipeline_mode = #tpu.pipeline_mode<synchronous>, transform_indices = @transform_7, window_bounds = array<i64: 1, 128>}, {transform_indices = @transform_8, window_bounds = array<i64: 5000, 128>}, {transform_indices = @transform_9, window_bounds = array<i64: 5000, 128>}]} {
    %get3A = arith.constant 0 : index
    %get3A_0 = arith.constant 0 : index
    %get3A_1 = vector.load %arg1[%get3A, %get3A_0] : memref<5000x128xf32, #tpu.memory_space<vmem>>, vector<5000x128xf32>
    %get3A_2 = arith.constant 0 : index
    %get3A_3 = arith.constant 0 : index
    %get3A_4 = vector.load %arg4[%get3A_2, %get3A_3] : memref<128x128xf32, #tpu.memory_space<vmem>>, vector<128x128xf32>
    %dot_general3A = arith.constant dense<0.000000e+00> : vector<5000x128xf32>
    %dot_general3A_5 = tpu.matmul %get3A_1, %get3A_4, %dot_general3A {dimension_numbers = #tpu.dot_dimension_numbers<[1], [0], [0], [1], [0, 0, 1, 1], [], []>, transpose_lhs_hint = false} : vector<5000x128xf32>, vector<128x128xf32>, vector<5000x128xf32> -> vector<5000x128xf32>
    %get3A_6 = arith.constant 0 : index
    %get3A_7 = arith.constant 0 : index
    %get3A_8 = arith.constant 0 : index
    %get3A_9 = vector.load %arg3[%get3A_6, %get3A_7, %get3A_8] : memref<2x5000x128xf32, #tpu.memory_space<vmem>>, vector<1x5000x128xf32>
    %get3A_10 = vector.shape_cast %get3A_9 : vector<1x5000x128xf32> to vector<5000x128xf32>
    %add3A = arith.addf %dot_general3A_5, %get3A_10 : vector<5000x128xf32>
    %get3A_11 = arith.constant 1 : index
    %get3A_12 = arith.constant 0 : index
    %get3A_13 = arith.constant 0 : index
    %get3A_14 = vector.load %arg3[%get3A_11, %get3A_12, %get3A_13] : memref<2x5000x128xf32, #tpu.memory_space<vmem>>, vector<1x5000x128xf32>
    %get3A_15 = vector.shape_cast %get3A_14 : vector<1x5000x128xf32> to vector<5000x128xf32>
    %add3A_16 = arith.addf %add3A, %get3A_15 : vector<5000x128xf32>
    %get3A_17 = arith.constant 0 : index
    %get3A_18 = arith.constant 0 : index
    %get3A_19 = vector.load %arg7[%get3A_17, %get3A_18] : memref<1x128xf32, #tpu.memory_space<vmem>>, vector<1x128xf32>
    %add3A_20 = vector.broadcast %get3A_19 : vector<1x128xf32> to vector<5000x128xf32>
    %add3A_21 = arith.addf %add3A_16, %add3A_20 : vector<5000x128xf32>
    %get3A_22 = arith.constant 0 : index
    %get3A_23 = arith.constant 0 : index
    %get3A_24 = vector.load %arg2[%get3A_22, %get3A_23] : memref<5000x128xf32, #tpu.memory_space<vmem>>, vector<5000x128xf32>
    %get3A_25 = arith.constant 0 : index
    %get3A_26 = arith.constant 0 : index
    %get3A_27 = vector.load %arg5[%get3A_25, %get3A_26] : memref<256x128xf32, #tpu.memory_space<vmem>>, vector<128x128xf32>
    %dot_general3A_28 = arith.constant dense<0.000000e+00> : vector<5000x128xf32>
    %dot_general3A_29 = tpu.matmul %add3A_21, %get3A_27, %dot_general3A_28 {dimension_numbers = #tpu.dot_dimension_numbers<[1], [0], [0], [1], [0, 0, 1, 1], [], []>, transpose_lhs_hint = false} : vector<5000x128xf32>, vector<128x128xf32>, vector<5000x128xf32> -> vector<5000x128xf32>
    %get3A_30 = arith.constant 128 : index
    %get3A_31 = arith.constant 0 : index
    %get3A_32 = vector.load %arg5[%get3A_30, %get3A_31] : memref<256x128xf32, #tpu.memory_space<vmem>>, vector<128x128xf32>
    %dot_general3A_33 = arith.constant dense<0.000000e+00> : vector<5000x128xf32>
    %dot_general3A_34 = tpu.matmul %get3A_24, %get3A_32, %dot_general3A_33 {dimension_numbers = #tpu.dot_dimension_numbers<[1], [0], [0], [1], [0, 0, 1, 1], [], []>, transpose_lhs_hint = false} : vector<5000x128xf32>, vector<128x128xf32>, vector<5000x128xf32> -> vector<5000x128xf32>
    %add3A_35 = arith.addf %dot_general3A_29, %dot_general3A_34 : vector<5000x128xf32>
    %swap3A = arith.constant 0 : index
    %swap3A_36 = arith.constant 0 : index
    %swap3A_37 = vector.load %arg9[%swap3A, %swap3A_36] : memref<5000x128xf32, #tpu.memory_space<vmem>>, vector<5000x128xf32>
    tpu.vector_store %arg9[%swap3A, %swap3A_36], %add3A_35 {strides = array<i32>} : memref<5000x128xf32, #tpu.memory_space<vmem>>, vector<5000x128xf32>,
    %get3A_38 = arith.constant 0 : index
    %get3A_39 = arith.constant 0 : index
    %get3A_40 = vector.load %arg6[%get3A_38, %get3A_39] : memref<256x128xf32, #tpu.memory_space<vmem>>, vector<128x128xf32>
    %dot_general3A_41 = arith.constant dense<0.000000e+00> : vector<5000x128xf32>
    %dot_general3A_42 = tpu.matmul %add3A_21, %get3A_40, %dot_general3A_41 {dimension_numbers = #tpu.dot_dimension_numbers<[1], [0], [0], [1], [0, 0, 1, 1], [], []>, transpose_lhs_hint = false} : vector<5000x128xf32>, vector<128x128xf32>, vector<5000x128xf32> -> vector<5000x128xf32>
    %get3A_43 = arith.constant 128 : index
    %get3A_44 = arith.constant 0 : index
    %get3A_45 = vector.load %arg6[%get3A_43, %get3A_44] : memref<256x128xf32, #tpu.memory_space<vmem>>, vector<128x128xf32>
    %dot_general3A_46 = arith.constant dense<0.000000e+00> : vector<5000x128xf32>
    %dot_general3A_47 = tpu.matmul %get3A_24, %get3A_45, %dot_general3A_46 {dimension_numbers = #tpu.dot_dimension_numbers<[1], [0], [0], [1], [0, 0, 1, 1], [], []>, transpose_lhs_hint = false} : vector<5000x128xf32>, vector<128x128xf32>, vector<5000x128xf32> -> vector<5000x128xf32>
    %add3A_48 = arith.addf %dot_general3A_42, %dot_general3A_47 : vector<5000x128xf32>
    %get3A_49 = arith.constant 0 : index
    %get3A_50 = arith.constant 0 : index
    %get3A_51 = vector.load %arg8[%get3A_49, %get3A_50] : memref<1x128xf32, #tpu.memory_space<vmem>>, vector<1x128xf32>
    %add3A_52 = vector.broadcast %get3A_51 : vector<1x128xf32> to vector<5000x128xf32>
    %add3A_53 = arith.addf %add3A_48, %add3A_52 : vector<5000x128xf32>
    %swap3A_54 = arith.constant 0 : index
    %swap3A_55 = arith.constant 0 : index
    %swap3A_56 = vector.load %arg10[%swap3A_54, %swap3A_55] : memref<5000x128xf32, #tpu.memory_space<vmem>>, vector<5000x128xf32>
    tpu.vector_store %arg10[%swap3A_54, %swap3A_55], %add3A_53 {strides = array<i32>} : memref<5000x128xf32, #tpu.memory_space<vmem>>, vector<5000x128xf32>,
    return
  }
  func.func @transform_0(%arg0: i32) -> (i32, i32) {
    %c0_i32 = arith.constant 0 : i32
    %c0_i32_0 = arith.constant 0 : i32
    return %arg0, %c0_i32 : i32, i32
  }
  func.func @transform_1(%arg0: i32) -> (i32, i32) {
    %c0_i32 = arith.constant 0 : i32
    %c0_i32_0 = arith.constant 0 : i32
    return %arg0, %c0_i32 : i32, i32
  }
  func.func @transform_2(%arg0: i32) -> (i32, i32, i32) {
    %c0_i32 = arith.constant 0 : i32
    %c0_i32_0 = arith.constant 0 : i32
    %c0_i32_1 = arith.constant 0 : i32
    return %c0_i32, %arg0, %c0_i32_0 : i32, i32, i32
  }
  func.func @transform_3(%arg0: i32) -> (i32, i32) {
    %c0_i32 = arith.constant 0 : i32
    %c0_i32_0 = arith.constant 0 : i32
    %c0_i32_1 = arith.constant 0 : i32
    return %c0_i32, %c0_i32_0 : i32, i32
  }
  func.func @transform_4(%arg0: i32) -> (i32, i32) {
    %c0_i32 = arith.constant 0 : i32
    %c0_i32_0 = arith.constant 0 : i32
    %c0_i32_1 = arith.constant 0 : i32
    return %c0_i32, %c0_i32_0 : i32, i32
  }
  func.func @transform_5(%arg0: i32) -> (i32, i32) {
    %c0_i32 = arith.constant 0 : i32
    %c0_i32_0 = arith.constant 0 : i32
    %c0_i32_1 = arith.constant 0 : i32
    return %c0_i32, %c0_i32_0 : i32, i32
  }
  func.func @transform_6(%arg0: i32) -> (i32, i32) {
    %c0_i32 = arith.constant 0 : i32
    %c0_i32_0 = arith.constant 0 : i32
    %c0_i32_1 = arith.constant 0 : i32
    return %c0_i32, %c0_i32_0 : i32, i32
  }
  func.func @transform_7(%arg0: i32) -> (i32, i32) {
    %c0_i32 = arith.constant 0 : i32
    %c0_i32_0 = arith.constant 0 : i32
    %c0_i32_1 = arith.constant 0 : i32
    return %c0_i32, %c0_i32_0 : i32, i32
  }
  func.func @transform_8(%arg0: i32) -> (i32, i32) {
    %c0_i32 = arith.constant 0 : i32
    %c0_i32_0 = arith.constant 0 : i32
    return %arg0, %c0_i32 : i32, i32
  }
  func.func @transform_9(%arg0: i32) -> (i32, i32) {
    %c0_i32 = arith.constant 0 : i32
    %c0_i32_0 = arith.constant 0 : i32
    return %arg0, %c0_i32 : i32, i32
  }
}

module attributes {stable_mosaic.version = 14 : i64} {
  func.func @body(%arg0: i32, %arg1: memref<5000x128xf32, #tpu.memory_space<vmem>>, %arg2: memref<2x5000x128xf32, #tpu.memory_space<vmem>>, %arg3: memref<5000x128xf32, #tpu.memory_space<vmem>>) attributes {dimension_semantics = [#tpu.dimension_semantics<arbitrary>], iteration_bounds = array<i64: 2>, scalar_prefetch = 0 : i64, scratch_operands = 0 : i64, tpu.core_type = #tpu.core_type<tc>, window_params = [{transform_indices = @transform_0, window_bounds = array<i64: 5000, 128>}, {transform_indices = @transform_1, window_bounds = array<i64: 2, 5000, 128>}, {transform_indices = @transform_2, window_bounds = array<i64: 5000, 128>}]} {
    %get3A = arith.constant 0 : index
    %get3A_0 = arith.constant 0 : index
    %get3A_1 = vector.load %arg1[%get3A, %get3A_0] : memref<5000x128xf32, #tpu.memory_space<vmem>>, vector<5000x128xf32>
    %get3A_2 = arith.constant 0 : index
    %get3A_3 = arith.constant 0 : index
    %get3A_4 = arith.constant 0 : index
    %get3A_5 = vector.load %arg2[%get3A_2, %get3A_3, %get3A_4] : memref<2x5000x128xf32, #tpu.memory_space<vmem>>, vector<1x5000x128xf32>
    %get3A_6 = vector.shape_cast %get3A_5 : vector<1x5000x128xf32> to vector<5000x128xf32>
    %add3A = arith.addf %get3A_1, %get3A_6 : vector<5000x128xf32>
    %get3A_7 = arith.constant 1 : index
    %get3A_8 = arith.constant 0 : index
    %get3A_9 = arith.constant 0 : index
    %get3A_10 = vector.load %arg2[%get3A_7, %get3A_8, %get3A_9] : memref<2x5000x128xf32, #tpu.memory_space<vmem>>, vector<1x5000x128xf32>
    %get3A_11 = vector.shape_cast %get3A_10 : vector<1x5000x128xf32> to vector<5000x128xf32>
    %add3A_12 = arith.addf %add3A, %get3A_11 : vector<5000x128xf32>
    %max3A = arith.constant 0.000000e+00 : f32
    %max3A_13 = vector.broadcast %max3A : f32 to vector<5000x128xf32>
    %max3A_14 = arith.maximumf %add3A_12, %max3A_13 : vector<5000x128xf32>
    %swap3A = arith.constant 0 : index
    %swap3A_15 = arith.constant 0 : index
    %swap3A_16 = vector.load %arg3[%swap3A, %swap3A_15] : memref<5000x128xf32, #tpu.memory_space<vmem>>, vector<5000x128xf32>
    tpu.vector_store %arg3[%swap3A, %swap3A_15], %max3A_14 {strides = array<i32>} : memref<5000x128xf32, #tpu.memory_space<vmem>>, vector<5000x128xf32>,
    return
  }
  func.func @transform_0(%arg0: i32) -> (i32, i32) {
    %c0_i32 = arith.constant 0 : i32
    %c0_i32_0 = arith.constant 0 : i32
    return %arg0, %c0_i32 : i32, i32
  }
  func.func @transform_1(%arg0: i32) -> (i32, i32, i32) {
    %c0_i32 = arith.constant 0 : i32
    %c0_i32_0 = arith.constant 0 : i32
    %c0_i32_1 = arith.constant 0 : i32
    return %c0_i32, %arg0, %c0_i32_0 : i32, i32, i32
  }
  func.func @transform_2(%arg0: i32) -> (i32, i32) {
    %c0_i32 = arith.constant 0 : i32
    %c0_i32_0 = arith.constant 0 : i32
    return %arg0, %c0_i32 : i32, i32
  }
}

</mosaic_0001>

<sc_bundles>
// kernel: kernel.10.cloned.1.call-start
scs
__scs_entry_jumppad:
0x0: {  	(pc) =	sbr.rel $0x88, $3  }
0x1: {  	(tag) =	ssettag $0x0;
	lr =	simm.s32 $0x1  }
0x2: {  	[smem:$0x3F98] =	sst lr;
	_ =	strace $0xD0000000  }
0x3: {  	_ = 	snop  }
0x4: {  	_ = 	snop  }
0x5: {  	_ = 	snop  }
0x6: {  	_ = 	snop  }
0x7: {  	_ = 	snop  }
__scs_overlays_trampoline_lowered:
0x8: {  	[smem:$0x3FA7] =	sst s0  }
0x9: {  	[smem:$0x3FA8] =	sst s1  }
0xa: {  	[smem:$0x3FA9] =	sst s2  }
0xb: {  	[smem:$0x3FAA] =	sst s3  }
0xc: {  	[smem:$0x3FAB] =	sst s4  }
0xd: {  	[smem:$0x3FAC] =	sst s5  }
0xe: {  	[smem:$0x3FAD] =	sst s6  }
0xf: {  	[smem:$0x3FAE] =	sst s7  }
0x10: {  	[smem:$0x3FAF] =	sst s8  }
0x11: {  	[smem:$0x3FB0] =	sst s9;
	s0 =	simm.s32 @!p0 $0x0  }
0x12: {  	s1 =	sld [smem:$0x3F96];
	s0 =	simm.s32 @p0 $0x1  }
0x13: {  	[smem:$0x3FB1] =	sst s0;
	s0 =	simm.s32 @!p1 $0x0  }
0x14: {  	s2 =	sld [smem:$0x3F95];
	s0 =	simm.s32 @p1 $0x1  }
0x15: {  	[smem:$0x3FB2] =	sst s0;
	s0 =	simm.s32 @!p2 $0x0  }
0x16: {  	s3 =	sld [smem:$0x3FDB];
	s0 =	simm.s32 @p2 $0x1  }
0x17: {  	s4 =	simm.s32 $0x1BF5;
	[smem:$0x3FB4] =	sst s0  }
0x18: {  	s0 =	sld [smem:$0x3F97];
	_ =	swait.ge [sflag:s4], $0x0  }
0x19: {  	s7 =	sld [smem:$0x3F98]  }
0x1a: {  	s8 =	sadd.s32 $0xFFFFE003, lr  }
0x1b: {  	s9 =	sadd.s32 $0xFFFFFEF7, lr;
	s5 =	simm.s32 $0xFFFFFFFF;
	p2 =	slt.u32 s8, $0xFFFFF086  }
0x1c: {  	p1 =	slt.u32 s9, $0xF7A;
	s5 =	simm.s32 @!p2 $0x0  }
0x1d: {  	s5 =	simm.s32 @p1 $0x1;
	p0 =	seq.s32 s7, s2  }
0x1e: {  	s7 =	smul.u32 @!p0 $0xF7A, s2;
	p2 =	seq.s32 @!p0 s5, $0x0  }
0x1f: {  	s9 =	smul.u32 $0xF7A, s1;
	s8 =	simm.s32 @!p0 $0x1BF5;
	p2 =	por !p2, p0  }
0x20: {  	[sflag:s8] =	ssyncset.s32 @!p0 $0xFFFFF086;
	s6 =	sadd.s32 @!p0 s3, s7;
	s7 =	simm.s32 @!p0 $0x108  }
0x21: {  	s3 =	sadd.s32 s3, s9;
	s6 =	sadd.s32 @!p0 $0x88, s6;
	s7 =	simm.s32 @p2 $0x1082  }
0x22: {  	[simem:s7], [sflag:s8] =	dma.local @!p0 [hbm:s6], $0xF7A  }
0x23: {  	s9 =	sor.u32 $0xD0000000, s2;
	s6 =	simm.s32 $0x108;
	_ =	swait.ge @!p0 [sflag:s8], $0x0  }
0x24: {  	s3 =	sadd.s32 $0x88, s3;
	s6 =	simm.s32 @!p1 $0x1082;
	[sflag:s4] =	ssyncset.s32 $0xFFFFF086  }
0x25: {  	[simem:s6], [sflag:s4] =	dma.local [hbm:s3], $0xF7A  }
0x26: {  	[smem:$0x3F98] =	sst s1;
	(tag) =	ssettag s2;
	_ =	strace s9  }
0x27: {  	s1 =	sld [smem:$0x3FA8]  }
0x28: {  	s2 =	sld [smem:$0x3FA9]  }
0x29: {  	s4 =	sld [smem:$0x3FAB]  }
0x2a: {  	p0 =	seq.s32 s5, $0x0;
	s5 =	sld [smem:$0x3FAC]  }
0x2b: {  	s6 =	sld [smem:$0x3FAD]  }
0x2c: {  	s7 =	sld [smem:$0x3FAE]  }
0x2d: {  	s3 =	simm.s32 $0x108;
	s8 =	sld [smem:$0x3FAF]  }
0x2e: {  	s3 =	simm.s32 @!p0 $0x1082;
	s9 =	sld [smem:$0x3FB0]  }
0x2f: {  	lr =	sadd.s32 s0, s3;
	s0 =	sld [smem:$0x3FA7]  }
0x30: {  	s3 =	sld [smem:$0x3FAA]  }
0x31: {  	[smem:$0x3FB3] =	sst s10  }
0x32: {  	s10 =	sld [smem:$0x3FB1];
	_ =	sdelay $0x3  }
0x33: {  	p0 =	seq.s32 s10, $0x1;
	s10 =	sld [smem:$0x3FB3];
	_ =	sdelay $0x3  }
0x34: {  	[smem:$0x3FB3] =	sst s10  }
0x35: {  	s10 =	sld [smem:$0x3FB2];
	_ =	sdelay $0x3  }
0x36: {  	p1 =	seq.s32 s10, $0x1;
	s10 =	sld [smem:$0x3FB3];
	_ =	sdelay $0x3  }
0x37: {  	[smem:$0x3FB3] =	sst s10  }
0x38: {  	s10 =	sld [smem:$0x3FB4]  }
0x39: {  	_ = 	snop;
	(pc) =	sbr.ind lr, $3  }
0x3a: {  	_ = 	snop  }
0x3b: {  	_ = 	snop  }
0x3c: {  	p2 =	seq.s32 s10, $0x1;
	s10 =	sld [smem:$0x3FB3]  }
0x3d: {  	_ =	shalt  }
0x3e: {  	_ =	shalt  }
0x3f: {  	_ =	shalt  }
0x40: {  	_ =	shalt  }
0x41: {  	_ =	shalt  }
0x42: {  	_ =	shalt  }
0x43: {  	_ =	shalt  }
0x44: {  	_ =	shalt  }
0x45: {  	_ =	shalt  }
0x46: {  	_ =	shalt  }
0x47: {  	_ =	shalt  }
0x48: {  	_ =	shalt  }
0x49: {  	_ =	shalt  }
0x4a: {  	_ =	shalt  }
0x4b: {  	_ =	shalt  }
0x4c: {  	_ =	shalt  }
0x4d: {  	_ =	shalt  }
0x4e: {  	_ =	shalt  }
0x4f: {  	_ =	shalt  }
0x50: {  	_ =	shalt  }
0x51: {  	_ =	shalt  }
0x52: {  	_ =	shalt  }
0x53: {  	_ =	shalt  }
0x54: {  	_ =	shalt  }
0x55: {  	_ =	shalt  }
0x56: {  	_ =	shalt  }
0x57: {  	_ =	shalt  }
0x58: {  	_ =	shalt  }
0x59: {  	_ =	shalt  }
0x5a: {  	_ =	shalt  }
0x5b: {  	_ =	shalt  }
0x5c: {  	_ =	shalt  }
0x5d: {  	_ =	shalt  }
0x5e: {  	_ =	shalt  }
0x5f: {  	_ =	shalt  }
0x60: {  	_ =	shalt  }
0x61: {  	_ =	shalt  }
0x62: {  	_ =	shalt  }
0x63: {  	_ =	shalt  }
0x64: {  	_ =	shalt  }
0x65: {  	_ =	shalt  }
0x66: {  	_ =	shalt  }
0x67: {  	_ =	shalt  }
0x68: {  	_ =	shalt  }
0x69: {  	_ =	shalt  }
0x6a: {  	_ =	shalt  }
0x6b: {  	_ =	shalt  }
0x6c: {  	_ =	shalt  }
0x6d: {  	_ =	shalt  }
0x6e: {  	_ =	shalt  }
0x6f: {  	_ =	shalt  }
0x70: {  	_ =	shalt  }
0x71: {  	_ =	shalt  }
0x72: {  	_ =	shalt  }
0x73: {  	_ =	shalt  }
0x74: {  	_ =	shalt  }
0x75: {  	_ =	shalt  }
0x76: {  	_ =	shalt  }
0x77: {  	_ =	shalt  }
0x78: {  	_ =	shalt  }
0x79: {  	_ =	shalt  }
0x7a: {  	_ =	shalt  }
0x7b: {  	_ =	shalt  }
0x7c: {  	_ =	shalt  }
0x7d: {  	_ =	shalt  }
0x7e: {  	_ =	shalt  }
0x7f: {  	_ =	shalt  }
0x80: {  	_ =	shalt  }
0x81: {  	_ =	shalt  }
0x82: {  	_ =	shalt  }
0x83: {  	_ =	shalt  }
0x84: {  	_ =	shalt  }
0x85: {  	_ =	shalt  }
0x86: {  	_ =	shalt  }
0x87: {  	_ =	shalt  }
.Lfunc_end0:
.L_simem_size_0:
called_computation.1_lowered:
.L_overlay_start_0:
0x88: {  	s2 =	sld [smem:$0x3FD9]  }
0x89: {  	s3 =	sld [smem:$0x3FFE];
	_ =	sdelay $0x1  }
0x8a: {  	s1 =	srdreg.scid  }
0x8b: {  	s0 =	sand.u32 $0x1, s1  }
0x8c: {  	s17 =	sshll.u32 s0, $0xA;
	s2 =	sadd.s32 s3, s2  }
0x8d: {  	s2 =	sadd.s32 s2, s17  }
0x8e: {  	[smem:$0x3FBF] =	sst s2  }
0x8f: {  	_ = 	snop  }
0x90: {  	s2 =	sld [smem:$0x3FD0];
	(tm) =	ssettm $0x1  }
0x91: {  	s18 =	sld [smem:$0x3FFB];
	_ =	sdelay $0x3  }
0x92: {  	_ =	strace s18  }
0x93: {  	s3 =	sld [smem:$0x3FFC];
	_ =	sdelay $0x3  }
0x94: {  	_ =	strace s3  }
0x95: {  	s3 =	sld [smem:$0x3FFD];
	_ =	sdelay $0x3  }
0x96: {  	_ =	strace s3  }
0x97: {  	_ =	strace $0x8FFFFFFF  }
0x98: {  	s19 =	sld [smem:$0x3FDB];
	_ =	sdelay $0x1  }
0x99: {  	s4 =	simm.s32 $_scs_section_size  }
0x9a: {  	s5 =	simm.s32 $_size__tile_overlayer_lowered;
	s6 =	simm.s32 $_tile_overlayer_lowered  }
0x9b: {  	s22 =	simm.s32 $0x1BFF;
	s21 =	sshll.u32 s6, $0x1;
	s3 =	sadd.s32 s4, s19  }
0x9c: {  	s7 =	simm.s32 $0x0;
	s20 =	sshll.u32 s5, $0x1;
	s5 =	sadd.s32 s21, s3  }
0x9d: {  	[timem:s7], [sflag:s22] =	dma.local [hbm:s5], s20  }
0x9e: {  	_ =	swait.ge [sflag:s22], s20  }
0x9f: {  	s4 =	ssub.s32 $0x0, s20;
	[sflag:s22] =	ssyncset.done $0x0  }
0xa0: {  	[sflag:s22] =	ssyncadd.s32 s4;
	_ =	sdelay $0x1  }
0xa1: {  	s23 =	simm.s32 $0x1B8B  }
0xa2: {  	_ =	swait.ge [sflag:s23], $0x1  }
0xa3: {  	[sflag:s23] =	ssyncset.done $0x0  }
0xa4: {  	s25 =	simm.s32 $0x1B8E;
	s24 =	sld [smem:$0x3FFE];
	[sflag:s23] =	ssyncadd.s32 $0xFFFFFFFF  }
0xa5: {  	s26 =	simm.s32 $execute0_lowered;
	[smem:$0x3FD2] =	sst s25  }
0xa6: {  	s5 =	sshll.u32 s26, $0x1;
	_ =	strace $0x80000049;
	[dreg:$0x1] =	wrdreg $0xFFFFFFFF  }
0xa7: {  	s28 =	simm.s32 $_size_execute0_lowered;
	s3 =	sadd.s32 s3, s5;
	[dreg:$0x0] =	wrdreg $0x0  }
0xa8: {  	s5 =	sshll.u32 s28, $0x1;
	[dreg:$0x2] =	wrdreg s3  }
0xa9: {  	[dreg:$0x3] =	wrdreg s5  }
0xaa: {  	[dreg:$0x4] =	wrdreg $0xC0  }
0xab: {  	_ =	task [dreg:s7], $0x5FFFF  }
0xac: {  	[dreg:$0x1] =	wrdreg $0xFFFFFFFF  }
0xad: {  	[dreg:$0x0] =	wrdreg $0x60  }
0xae: {  	[dreg:$0x2] =	wrdreg s2  }
0xaf: {  	[dreg:$0x3] =	wrdreg s24  }
0xb0: {  	[dreg:$0x4] =	wrdreg $0x0  }
0xb1: {  	[dreg:$0x5] =	wrdreg $0x9  }
0xb2: {  	_ =	task.clear_ibuf [dreg:s7], $0x6FFFF;
	_ =	strace $0x90000049  }
0xb3: {  	s29 =	simm.s32 $0x9;
	_ =	strace $0x8000004B  }
0xb4: {  	_ =	swait.ge [sflag:s29], $0x1  }
0xb5: {  	[sflag:s29] =	ssyncadd.s32 $0xFFFFFFFF  }
0xb6: {  	_ =	strace $0x9000004B  }
0xb7: {  	_ =	sfence  }
0xb8: {  	s30 =	sld [smem:$0x0];
	_ =	sdelay $0x2  }
0xb9: {  	s31 =	sshll.u32 s1, $0xD;
	s1 =	sshrl.u32 s1, $0x2  }
0xba: {  	s3 =	sand.u32 $0x4000, s31;
	s1 =	sadd.s32 s1, s30  }
0xbb: {  	s0 =	sor.u32 s3, s0;
	s1 =	sshll.u32 s1, $0x11  }
0xbc: {  	s0 =	sor.u32 s1, s0  }
0xbd: {  	s0 =	sadd.s32 $0x8F2B, s0  }
0xbe: {  	[sflag:s0] =	ssyncadd.remote.s32 $0x1  }
0xbf: {  	_ =	sfence.sel $0xFFFF  }
0xc0: {  	[dreg:$0x0] =	wrdreg $0xFFFFFFFF;
	(pc) =	sbr.abs _section_cstart, $3  }
0xc1: {  	[dreg:$0x1] =	wrdreg $0xFFFFFFFF  }
0xc2: {  	_ =	task.clear_ibuf [dreg:s7], $0x2FFFF;
	_ =	strace $0x9FFFFFFF  }
0xc3: {  	(tm) =	ssettm $0x7FFFFFFF  }
tec
execute0_lowered:
.L_overlay_start_1:
0x0: {  	(tag) =	ssettag $0x1  }
0x1: {  	s1 =	rddreg [dreg:$0x0]  }
0x2: {  	s0 =	rddreg [dreg:$0x1]  }
0x3: {  	s2 =	rddreg [dreg:$0x2];
	s4 =	simm.s32 $0x0;
	s12 =	stileid.u32  }
0x4: {  	s3 =	srdreg.scid;
	s28 =	simm.s32 $0x18800;
	s6 =	smul.u32 $0x14000, s12  }
0x5: {  	s29 =	simm.s32 $0x5;
	[smem:$0x7FF] =	sst s4;
	s11 =	smul.u32 $0x50000, s12  }
0x6: {  	s3 =	sand.u32 $0x1, s3;
	s8 =	sadd.s32 $0x2600, s0;
	s15 =	smul.u32 $0x3C00, s12  }
0x7: {  	s9 =	sadd.s32 $0x11600, s0;
	s5 =	smul.u32 $0x140000, s3;
	_ =	strace $0x8000004A  }
0x8: {  	s7 =	sshll.u32 s3, $0x4;
	s30 =	ssub.s32 $0x2, s3;
	s3 =	smul.u32 $0x3C000, s3  }
0x9: {  	s7 =	sor.u32 s12, s7;
	s10 =	sshrl.u32 s30, $0x1;
	s13 =	sshrl.u32 s11, $0x2  }
0xa: {  	s12 =	simm.s32 $0x9;
	s5 =	sadd.s32 s6, s5;
	s7 =	smul.u32 $0x3C00, s7  }
0xb: {  	s11 =	sadd.s32 s13, s2;
	s3 =	sadd.s32 s15, s3;
	s13 =	simm.s32 $0x14800  }
0xc: {  	s15 =	simm.s32 $0xA;
	s5 =	sshrl.u32 s5, $0x3;
	s16 =	sadd.s32 $0x3800, s11  }
0xd: {  	s17 =	sadd.s32 $0x7000, s11;
	s18 =	sadd.s32 $0xA800, s11;
	[dreg:$0xa] =	wrdreg s11  }
0xe: {  	s19 =	sadd.s32 $0xE000, s11;
	s21 =	sadd.s32 $0x11800, s11;
	[dreg:$0xb] =	wrdreg s16  }
0xf: {  	s23 =	sadd.s32 $0x1000, s3;
	s3 =	sadd.s32 $0xC00, s3;
	[dreg:$0xc] =	wrdreg s17  }
0x10: {  	s11 =	simm.s32 $0x14000;
	s0 =	sadd.s32 s5, s0;
	[dreg:$0xd] =	wrdreg s18  }
0x11: {  	s5 =	ssub.s32 s30, s10;
	s31 =	sshrl.u32 s7, $0x3;
	[dreg:$0xe] =	wrdreg s19  }
0x12: {  	[dreg:$0xf] =	wrdreg s21;
	s3 =	sshrl.u32 s3, $0x3;
	s21 =	simm.s32 $0x15000  }
0x13: {  	s16 =	simm.s32 $0x14C00;
	s18 =	simm.s32 $0x2;
	s7 =	sadd.s32 s8, s31  }
0x14: {  	s14 =	sadd.s32 s9, s31;
	s20 =	sadd.s32 $0x80, s31;
	[dreg:$0x8] =	wrdreg s7  }
0x15: {  	s6 =	sadd.s32 $0x100, s31;
	s0 =	sadd.s32 $0x20600, s0;
	[dreg:$0x9] =	wrdreg s14  }
0x16: {  	s26 =	sadd.s32 s3, s9;
	s30 =	sadd.s32 s3, s8;
	[dreg:$0x14] =	wrdreg s0  }
0x17: {  	s31 =	smax.u32 s5, $0x1;
	s3 =	simm.s32 $0x1C000;
	[dreg:$0x6] =	wrdreg s26  }
0x18: {  	s5 =	simm.s32 $0x6;
	s22 =	sadd.s32 s8, s20;
	[dreg:$0x15] =	wrdreg s31  }
0x19: {  	s10 =	sadd.s32 s9, s20;
	s7 =	sshrl.u32 s23, $0x3;
	[dreg:$0x7] =	wrdreg s30  }
0x1a: {  	s24 =	sadd.s32 s8, s6;
	s6 =	sadd.s32 s9, s6;
	[dreg:$0x10] =	wrdreg s22  }
0x1b: {  	s23 =	simm.s32 $0x1;
	s14 =	simm.s32 $0x14400;
	[dreg:$0x11] =	wrdreg s10  }
0x1c: {  	[dreg:$0x12] =	wrdreg s24;
	s25 =	sadd.s32 s7, s9;
	s7 =	sadd.s32 s7, s8  }
0x1d: {  	[dreg:$0x13] =	wrdreg s6;
	s24 =	simm.s32 $0x3;
	s8 =	simm.s32 $0x8  }
0x1e: {  	s10 =	simm.s32 $0x7;
	s9 =	simm.s32 $0x0;
	[dreg:$0x4] =	wrdreg s25  }
0x1f: {  	v0 =	vimm.f32 $0.0e+00;
	[dreg:$0x5] =	wrdreg s7;
	s25 =	simm.s32 $0x70;
	s7 =	simm.s32 $0x4  }
.LBB2_1:
0x20: {  	[dreg:$0x16] =	wrdreg s9  }
0x21: {  	s0 =	rddreg [dreg:$0x8];
	s31 =	sand.u32 $0xFE00, s4  }
0x22: {  	[tilespmem:s11], [sflag:$0x1] =	stream.linear.gather [hbm4b:s0+s4], $0x300, $0x38;
	[tilespmem:$0x1F800] =	vst v63  }
0x23: {  	s30 =	rddreg [dreg:$0x9];
	s6 =	sand.u32 $0x70, s4;
	s26 =	sshrl.u32 s31, $0x2  }
0x24: {  	s0 =	simm.s32 $0x40;
	s6 =	sor.u32 s6, s26;
	s26 =	simm.s32 $0x0  }
0x25: {  	[tilespmem:s13], [sflag:$0x3] =	stream.linear.gather [hbm4b:s30+s4], $0x300, $0x38;
	[tilespmem:$0x1F800] =	vst v63  }
.LBB2_2:
0x26: {  	p0 =	sne.s32 s0, $0xDFC0  }
0x27: {  	[tilespmem:s6+$0x15000] =	vst v0;
	s26 =	sadd.s32 $0x10, s26;
	s6 =	smov.u32 s0;
	s0 =	sadd.s32 $0x40, s0  }
.Ltmp0:
0x28: {  	(pc) =	sbr.rel @p0 .LBB2_2-.Ltmp0, $4  }
0x29: {  	_ = 	snop  }
0x2a: {  	s6 =	sand.u32 $0xFE00, s6  }
0x2b: {  	s9 =	sand.u32 $0x70, s26;
	s6 =	sshrl.u32 s6, $0x2  }
0x2c: {  	s6 =	sor.u32 s9, s6  }
0x2d: {  	[tilespmem:s6+$0x15000] =	vst v0;
	s0 =	rddreg [dreg:$0xa];
	s22 =	simm.s32 $0xB  }
0x2e: {  	[spmem:s0] =	stream.linear.scatter [tilespmem:s21], [sflag:$0xB], $0x3800, $0x38;
	[tilespmem:$0x1F800] =	vst v63  }
0x2f: {  	_ =	swait.ge [sflag:s22], $0x3800  }
0x30: {  	[sflag:s22] =	ssyncset.done $0x0  }
0x31: {  	s26 =	rddreg [dreg:$0xb];
	[sflag:s22] =	ssyncadd.s32 $0xFFFFC800  }
0x32: {  	[spmem:s26] =	stream.linear.scatter [tilespmem:s21], [sflag:$0xB], $0x3800, $0x38;
	[tilespmem:$0x1F800] =	vst v63  }
0x33: {  	_ =	swait.ge [sflag:s22], $0x3800  }
0x34: {  	[sflag:s22] =	ssyncset.done $0x0  }
0x35: {  	s9 =	rddreg [dreg:$0xc];
	[sflag:s22] =	ssyncadd.s32 $0xFFFFC800  }
0x36: {  	[spmem:s9] =	stream.linear.scatter [tilespmem:s21], [sflag:$0xB], $0x3800, $0x38;
	[tilespmem:$0x1F800] =	vst v63  }
0x37: {  	_ =	swait.ge [sflag:s22], $0x3800  }
0x38: {  	[sflag:s22] =	ssyncset.done $0x0  }
0x39: {  	s17 =	rddreg [dreg:$0xd];
	[sflag:s22] =	ssyncadd.s32 $0xFFFFC800  }
0x3a: {  	[spmem:s17] =	stream.linear.scatter [tilespmem:s21], [sflag:$0xB], $0x3800, $0x38;
	[tilespmem:$0x1F800] =	vst v63  }
0x3b: {  	_ =	swait.ge [sflag:s22], $0x3800  }
0x3c: {  	[sflag:s22] =	ssyncset.done $0x0  }
0x3d: {  	s19 =	rddreg [dreg:$0xe];
	[sflag:s22] =	ssyncadd.s32 $0xFFFFC800  }
0x3e: {  	[spmem:s19] =	stream.linear.scatter [tilespmem:s21], [sflag:$0xB], $0x3800, $0x38;
	[tilespmem:$0x1F800] =	vst v63  }
0x3f: {  	_ =	swait.ge [sflag:s22], $0x3800  }
0x40: {  	[sflag:s22] =	ssyncset.done $0x0  }
0x41: {  	s20 =	rddreg [dreg:$0xf];
	[sflag:s22] =	ssyncadd.s32 $0xFFFFC800  }
0x42: {  	[spmem:s20] =	stream.linear.scatter [tilespmem:s21], [sflag:$0xB], $0x2800, $0x38;
	[tilespmem:$0x1F800] =	vst v63  }
0x43: {  	_ =	swait.ge [sflag:s22], $0x2800  }
0x44: {  	[sflag:s22] =	ssyncset.done $0x0  }
0x45: {  	[sflag:s22] =	ssyncadd.s32 $0xFFFFD800  }
0x46: {  	[bflag:$0x0] =	sbarrier.arrive $0xFFFF  }
0x47: {  	_ =	swait.ge [sflag:s23], $0x300  }
0x48: {  	[sflag:s23] =	ssyncset.done $0x0  }
0x49: {  	[sflag:s23] =	ssyncadd.s32 $0xFFFFFD00  }
0x4a: {  	_ =	swait.ge [sflag:s24], $0x300  }
0x4b: {  	[sflag:s24] =	ssyncset.done $0x0  }
0x4c: {  	[sflag:s24] =	ssyncadd.s32 $0xFFFFFD00  }
0x4d: {  	[tilespmem:s21], [sflag:$0x5] =	stream.indirect.gather [hbm4b:s1+s25], $0x80, s11, s25, $0xb8;
	[tilespmem:$0x1F800] =	vst v63  }
0x4e: {  	s9 =	simm.s32 $0x14080  }
0x4f: {  	[tilespmem:s28], [sflag:$0x6] =	stream.indirect.gather [hbm4b:s1+s25], $0x80, s9, s25, $0xb8;
	[tilespmem:$0x1F800] =	vst v63  }
0x50: {  	_ =	swait.ge [sflag:s29], $0x3800  }
0x51: {  	[sflag:s29] =	ssyncset.done $0x0  }
0x52: {  	[sflag:s29] =	ssyncadd.s32 $0xFFFFC800  }
0x53: {  	[spmem:s2] =	stream.indirect.scatter.add.f32 [tilespmem:s21], [sflag:$0x8], $0x80, s13, s25, $0xb8;
	[tilespmem:$0x1F800] =	vst v63  }
0x54: {  	s0 =	simm.s32 $0x0;
	s22 =	rddreg [dreg:$0x10]  }
0x55: {  	[tilespmem:s14], [sflag:$0x2] =	stream.linear.gather [hbm4b:s22+s0], $0x300, $0x38;
	[tilespmem:$0x1F800] =	vst v63  }
0x56: {  	s26 =	rddreg [dreg:$0x11]  }
0x57: {  	[tilespmem:s16], [sflag:$0x4] =	stream.linear.gather [hbm4b:s26+s0], $0x300, $0x38;
	[tilespmem:$0x1F800] =	vst v63  }
0x58: {  	s26 =	simm.s32 $0x14100  }
0x59: {  	[tilespmem:s3], [sflag:$0x7] =	stream.indirect.gather [hbm4b:s1+s25], $0x80, s26, s25, $0xb8;
	[tilespmem:$0x1F800] =	vst v63  }
0x5a: {  	_ =	swait.ge [sflag:s5], $0x3800  }
0x5b: {  	[sflag:s5] =	ssyncset.done $0x0  }
0x5c: {  	s22 =	simm.s32 $0x14880;
	[sflag:s5] =	ssyncadd.s32 $0xFFFFC800  }
0x5d: {  	[spmem:s2] =	stream.indirect.scatter.add.f32 [tilespmem:s28], [sflag:$0x9], $0x80, s22, s25, $0xb8;
	[tilespmem:$0x1F800] =	vst v63  }
0x5e: {  	_ =	swait.ge [sflag:s8], $0x3800  }
0x5f: {  	[sflag:s8] =	ssyncset.done $0x0  }
0x60: {  	s31 =	simm.s32 $0x14180;
	[sflag:s8] =	ssyncadd.s32 $0xFFFFC800  }
0x61: {  	[tilespmem:s21], [sflag:$0x5] =	stream.indirect.gather [hbm4b:s1+s25], $0x80, s31, s25, $0xb8;
	[tilespmem:$0x1F800] =	vst v63  }
0x62: {  	_ =	swait.ge [sflag:s10], $0x3800  }
0x63: {  	[sflag:s10] =	ssyncset.done $0x0  }
0x64: {  	s17 =	simm.s32 $0x14900;
	[sflag:s10] =	ssyncadd.s32 $0xFFFFC800  }
0x65: {  	[spmem:s2] =	stream.indirect.scatter.add.f32 [tilespmem:s3], [sflag:$0xA], $0x80, s17, s25, $0xb8;
	[tilespmem:$0x1F800] =	vst v63  }
0x66: {  	_ =	swait.ge [sflag:s12], $0x3800  }
0x67: {  	[sflag:s12] =	ssyncset.done $0x0  }
0x68: {  	s19 =	simm.s32 $0x14200;
	[sflag:s12] =	ssyncadd.s32 $0xFFFFC800  }
0x69: {  	[tilespmem:s28], [sflag:$0x6] =	stream.indirect.gather [hbm4b:s1+s25], $0x80, s19, s25, $0xb8;
	[tilespmem:$0x1F800] =	vst v63  }
0x6a: {  	_ =	swait.ge [sflag:s29], $0x3800  }
0x6b: {  	[sflag:s29] =	ssyncset.done $0x0  }
0x6c: {  	s20 =	simm.s32 $0x14980;
	[sflag:s29] =	ssyncadd.s32 $0xFFFFC800  }
0x6d: {  	[spmem:s2] =	stream.indirect.scatter.add.f32 [tilespmem:s21], [sflag:$0x8], $0x80, s20, s25, $0xb8;
	[tilespmem:$0x1F800] =	vst v63  }
0x6e: {  	_ =	swait.ge [sflag:s15], $0x3800  }
0x6f: {  	[sflag:s15] =	ssyncset.done $0x0  }
0x70: {  	s17 =	simm.s32 $0x14280;
	[sflag:s15] =	ssyncadd.s32 $0xFFFFC800  }
0x71: {  	[tilespmem:s3], [sflag:$0x7] =	stream.indirect.gather [hbm4b:s1+s25], $0x80, s17, s25, $0xb8;
	[tilespmem:$0x1F800] =	vst v63  }
0x72: {  	_ =	swait.ge [sflag:s5], $0x3800  }
0x73: {  	[sflag:s5] =	ssyncset.done $0x0  }
0x74: {  	s19 =	simm.s32 $0x14A00;
	[sflag:s5] =	ssyncadd.s32 $0xFFFFC800  }
0x75: {  	[spmem:s2] =	stream.indirect.scatter.add.f32 [tilespmem:s28], [sflag:$0x9], $0x80, s19, s25, $0xb8;
	[tilespmem:$0x1F800] =	vst v63  }
0x76: {  	_ =	swait.ge [sflag:s8], $0x3800  }
0x77: {  	[sflag:s8] =	ssyncset.done $0x0  }
0x78: {  	[sflag:s8] =	ssyncadd.s32 $0xFFFFC800  }
0x79: {  	_ =	swait.ge [sflag:s18], $0x300  }
0x7a: {  	[sflag:s18] =	ssyncset.done $0x0  }
0x7b: {  	[sflag:s18] =	ssyncadd.s32 $0xFFFFFD00  }
0x7c: {  	_ =	swait.ge [sflag:s7], $0x300  }
0x7d: {  	[sflag:s7] =	ssyncset.done $0x0  }
0x7e: {  	[sflag:s7] =	ssyncadd.s32 $0xFFFFFD00  }
0x7f: {  	[tilespmem:s21], [sflag:$0x5] =	stream.indirect.gather [hbm4b:s1+s25], $0x80, s14, s25, $0xb8;
	[tilespmem:$0x1F800] =	vst v63  }
0x80: {  	_ =	swait.ge [sflag:s10], $0x3800  }
0x81: {  	[sflag:s10] =	ssyncset.done $0x0  }
0x82: {  	s20 =	simm.s32 $0x14A80;
	[sflag:s10] =	ssyncadd.s32 $0xFFFFC800  }
0x83: {  	[spmem:s2] =	stream.indirect.scatter.add.f32 [tilespmem:s3], [sflag:$0xA], $0x80, s20, s25, $0xb8;
	[tilespmem:$0x1F800] =	vst v63  }
0x84: {  	_ =	swait.ge [sflag:s12], $0x3800  }
0x85: {  	[sflag:s12] =	ssyncset.done $0x0  }
0x86: {  	s17 =	simm.s32 $0x14480;
	[sflag:s12] =	ssyncadd.s32 $0xFFFFC800  }
0x87: {  	[tilespmem:s28], [sflag:$0x6] =	stream.indirect.gather [hbm4b:s1+s25], $0x80, s17, s25, $0xb8;
	[tilespmem:$0x1F800] =	vst v63  }
0x88: {  	_ =	swait.ge [sflag:s29], $0x3800  }
0x89: {  	[sflag:s29] =	ssyncset.done $0x0  }
0x8a: {  	[sflag:s29] =	ssyncadd.s32 $0xFFFFC800  }
0x8b: {  	[spmem:s2] =	stream.indirect.scatter.add.f32 [tilespmem:s21], [sflag:$0x8], $0x80, s16, s25, $0xb8;
	[tilespmem:$0x1F800] =	vst v63  }
0x8c: {  	_ =	swait.ge [sflag:s15], $0x3800  }
0x8d: {  	[sflag:s15] =	ssyncset.done $0x0  }
0x8e: {  	s19 =	rddreg [dreg:$0x12];
	[sflag:s15] =	ssyncadd.s32 $0xFFFFC800  }
0x8f: {  	[tilespmem:s11], [sflag:$0x1] =	stream.linear.gather [hbm4b:s19+s0], $0x300, $0x38;
	[tilespmem:$0x1F800] =	vst v63  }
0x90: {  	s20 =	rddreg [dreg:$0x13]  }
0x91: {  	[tilespmem:s13], [sflag:$0x3] =	stream.linear.gather [hbm4b:s20+s0], $0x300, $0x38;
	[tilespmem:$0x1F800] =	vst v63  }
0x92: {  	s17 =	simm.s32 $0x14500  }
0x93: {  	[tilespmem:s3], [sflag:$0x7] =	stream.indirect.gather [hbm4b:s1+s25], $0x80, s17, s25, $0xb8;
	[tilespmem:$0x1F800] =	vst v63  }
0x94: {  	_ =	swait.ge [sflag:s5], $0x3800  }
0x95: {  	[sflag:s5] =	ssyncset.done $0x0  }
0x96: {  	s19 =	simm.s32 $0x14C80;
	[sflag:s5] =	ssyncadd.s32 $0xFFFFC800  }
0x97: {  	[spmem:s2] =	stream.indirect.scatter.add.f32 [tilespmem:s28], [sflag:$0x9], $0x80, s19, s25, $0xb8;
	[tilespmem:$0x1F800] =	vst v63  }
0x98: {  	_ =	swait.ge [sflag:s8], $0x3800  }
0x99: {  	[sflag:s8] =	ssyncset.done $0x0  }
0x9a: {  	s20 =	simm.s32 $0x14580;
	[sflag:s8] =	ssyncadd.s32 $0xFFFFC800  }
0x9b: {  	[tilespmem:s21], [sflag:$0x5] =	stream.indirect.gather [hbm4b:s1+s25], $0x80, s20, s25, $0xb8;
	[tilespmem:$0x1F800] =	vst v63  }
0x9c: {  	_ =	swait.ge [sflag:s10], $0x3800  }
0x9d: {  	[sflag:s10] =	ssyncset.done $0x0  }
0x9e: {  	s30 =	simm.s32 $0x14D00;
	[sflag:s10] =	ssyncadd.s32 $0xFFFFC800  }
0x9f: {  	[spmem:s2] =	stream.indirect.scatter.add.f32 [tilespmem:s3], [sflag:$0xA], $0x80, s30, s25, $0xb8;
	[tilespmem:$0x1F800] =	vst v63  }
0xa0: {  	_ =	swait.ge [sflag:s12], $0x3800  }
0xa1: {  	[sflag:s12] =	ssyncset.done $0x0  }
0xa2: {  	s6 =	simm.s32 $0x14600;
	[sflag:s12] =	ssyncadd.s32 $0xFFFFC800  }
0xa3: {  	[tilespmem:s28], [sflag:$0x6] =	stream.indirect.gather [hbm4b:s1+s25], $0x80, s6, s25, $0xb8;
	[tilespmem:$0x1F800] =	vst v63  }
0xa4: {  	_ =	swait.ge [sflag:s29], $0x3800  }
0xa5: {  	[sflag:s29] =	ssyncset.done $0x0  }
0xa6: {  	s6 =	simm.s32 $0x14D80;
	[sflag:s29] =	ssyncadd.s32 $0xFFFFC800  }
0xa7: {  	[spmem:s2] =	stream.indirect.scatter.add.f32 [tilespmem:s21], [sflag:$0x8], $0x80, s6, s25, $0xb8;
	[tilespmem:$0x1F800] =	vst v63  }
0xa8: {  	_ =	swait.ge [sflag:s15], $0x3800  }
0xa9: {  	[sflag:s15] =	ssyncset.done $0x0  }
0xaa: {  	s6 =	simm.s32 $0x14680;
	[sflag:s15] =	ssyncadd.s32 $0xFFFFC800  }
0xab: {  	[tilespmem:s3], [sflag:$0x7] =	stream.indirect.gather [hbm4b:s1+s25], $0x80, s6, s25, $0xb8;
	[tilespmem:$0x1F800] =	vst v63  }
0xac: {  	_ =	swait.ge [sflag:s5], $0x3800  }
0xad: {  	[sflag:s5] =	ssyncset.done $0x0  }
0xae: {  	s6 =	simm.s32 $0x14E00;
	[sflag:s5] =	ssyncadd.s32 $0xFFFFC800  }
0xaf: {  	[spmem:s2] =	stream.indirect.scatter.add.f32 [tilespmem:s28], [sflag:$0x9], $0x80, s6, s25, $0xb8;
	[tilespmem:$0x1F800] =	vst v63  }
0xb0: {  	_ =	swait.ge [sflag:s8], $0x3800  }
0xb1: {  	[sflag:s8] =	ssyncset.done $0x0  }
0xb2: {  	[sflag:s8] =	ssyncadd.s32 $0xFFFFC800  }
0xb3: {  	_ =	swait.ge [sflag:s23], $0x300  }
0xb4: {  	[sflag:s23] =	ssyncset.done $0x0  }
0xb5: {  	[sflag:s23] =	ssyncadd.s32 $0xFFFFFD00  }
0xb6: {  	_ =	swait.ge [sflag:s24], $0x300  }
0xb7: {  	[sflag:s24] =	ssyncset.done $0x0  }
0xb8: {  	[sflag:s24] =	ssyncadd.s32 $0xFFFFFD00  }
0xb9: {  	[tilespmem:s21], [sflag:$0x5] =	stream.indirect.gather [hbm4b:s1+s25], $0x80, s11, s25, $0xb8;
	[tilespmem:$0x1F800] =	vst v63  }
0xba: {  	_ =	swait.ge [sflag:s10], $0x3800  }
0xbb: {  	[sflag:s10] =	ssyncset.done $0x0  }
0xbc: {  	s6 =	simm.s32 $0x14E80;
	[sflag:s10] =	ssyncadd.s32 $0xFFFFC800  }
0xbd: {  	[spmem:s2] =	stream.indirect.scatter.add.f32 [tilespmem:s3], [sflag:$0xA], $0x80, s6, s25, $0xb8;
	[tilespmem:$0x1F800] =	vst v63  }
0xbe: {  	_ =	swait.ge [sflag:s12], $0x3800  }
0xbf: {  	[sflag:s12] =	ssyncset.done $0x0  }
0xc0: {  	[sflag:s12] =	ssyncadd.s32 $0xFFFFC800  }
0xc1: {  	[tilespmem:s28], [sflag:$0x6] =	stream.indirect.gather [hbm4b:s1+s25], $0x80, s9, s25, $0xb8;
	[tilespmem:$0x1F800] =	vst v63  }
0xc2: {  	_ =	swait.ge [sflag:s29], $0x3800  }
0xc3: {  	[sflag:s29] =	ssyncset.done $0x0  }
0xc4: {  	[sflag:s29] =	ssyncadd.s32 $0xFFFFC800  }
0xc5: {  	[spmem:s2] =	stream.indirect.scatter.add.f32 [tilespmem:s21], [sflag:$0x8], $0x80, s13, s25, $0xb8;
	[tilespmem:$0x1F800] =	vst v63  }
0xc6: {  	_ =	swait.ge [sflag:s15], $0x3800  }
0xc7: {  	s0 =	rddreg [dreg:$0x7];
	[sflag:s15] =	ssyncset.done $0x0  }
0xc8: {  	s6 =	rddreg [dreg:$0x6];
	[sflag:s15] =	ssyncadd.s32 $0xFFFFC800;
	s0 =	sadd.s32 $0x0, s0  }
0xc9: {  	[tilespmem:s14], [sflag:$0x2] =	stream.linear.gather [hbm4b:s0+s4], $0x300, $0x38;
	[tilespmem:$0x1F800] =	vst v63  }
0xca: {  	s6 =	sadd.s32 $0x0, s6  }
0xcb: {  	[tilespmem:s16], [sflag:$0x4] =	stream.linear.gather [hbm4b:s6+s4], $0x300, $0x38;
	[tilespmem:$0x1F800] =	vst v63  }
0xcc: {  	_ = 	snop  }
0xcd: {  	[tilespmem:s3], [sflag:$0x7] =	stream.indirect.gather [hbm4b:s1+s25], $0x80, s26, s25, $0xb8;
	[tilespmem:$0x1F800] =	vst v63  }
0xce: {  	_ =	swait.ge [sflag:s5], $0x3800  }
0xcf: {  	[sflag:s5] =	ssyncset.done $0x0  }
0xd0: {  	[sflag:s5] =	ssyncadd.s32 $0xFFFFC800  }
0xd1: {  	[spmem:s2] =	stream.indirect.scatter.add.f32 [tilespmem:s28], [sflag:$0x9], $0x80, s22, s25, $0xb8;
	[tilespmem:$0x1F800] =	vst v63  }
0xd2: {  	_ =	swait.ge [sflag:s8], $0x3800  }
0xd3: {  	[sflag:s8] =	ssyncset.done $0x0  }
0xd4: {  	[sflag:s8] =	ssyncadd.s32 $0xFFFFC800  }
0xd5: {  	[tilespmem:s21], [sflag:$0x5] =	stream.indirect.gather [hbm4b:s1+s25], $0x80, s31, s25, $0xb8;
	[tilespmem:$0x1F800] =	vst v63  }
0xd6: {  	_ =	swait.ge [sflag:s10], $0x3800  }
0xd7: {  	[sflag:s10] =	ssyncset.done $0x0  }
0xd8: {  	s6 =	simm.s32 $0x14900;
	[sflag:s10] =	ssyncadd.s32 $0xFFFFC800  }
0xd9: {  	[spmem:s2] =	stream.indirect.scatter.add.f32 [tilespmem:s3], [sflag:$0xA], $0x80, s6, s25, $0xb8;
	[tilespmem:$0x1F800] =	vst v63  }
0xda: {  	_ =	swait.ge [sflag:s12], $0x3800  }
0xdb: {  	[sflag:s12] =	ssyncset.done $0x0  }
0xdc: {  	s22 =	simm.s32 $0x14200;
	[sflag:s12] =	ssyncadd.s32 $0xFFFFC800  }
0xdd: {  	[tilespmem:s28], [sflag:$0x6] =	stream.indirect.gather [hbm4b:s1+s25], $0x80, s22, s25, $0xb8;
	[tilespmem:$0x1F800] =	vst v63  }
0xde: {  	_ =	swait.ge [sflag:s29], $0x3800  }
0xdf: {  	[sflag:s29] =	ssyncset.done $0x0  }
0xe0: {  	s26 =	simm.s32 $0x14980;
	[sflag:s29] =	ssyncadd.s32 $0xFFFFC800  }
0xe1: {  	[spmem:s2] =	stream.indirect.scatter.add.f32 [tilespmem:s21], [sflag:$0x8], $0x80, s26, s25, $0xb8;
	[tilespmem:$0x1F800] =	vst v63  }
0xe2: {  	_ =	swait.ge [sflag:s15], $0x3800  }
0xe3: {  	[sflag:s15] =	ssyncset.done $0x0  }
0xe4: {  	s6 =	simm.s32 $0x14280;
	[sflag:s15] =	ssyncadd.s32 $0xFFFFC800  }
0xe5: {  	[tilespmem:s3], [sflag:$0x7] =	stream.indirect.gather [hbm4b:s1+s25], $0x80, s6, s25, $0xb8;
	[tilespmem:$0x1F800] =	vst v63  }
0xe6: {  	_ =	swait.ge [sflag:s5], $0x3800  }
0xe7: {  	[sflag:s5] =	ssyncset.done $0x0  }
0xe8: {  	s22 =	simm.s32 $0x14A00;
	[sflag:s5] =	ssyncadd.s32 $0xFFFFC800  }
0xe9: {  	[spmem:s2] =	stream.indirect.scatter.add.f32 [tilespmem:s28], [sflag:$0x9], $0x80, s22, s25, $0xb8;
	[tilespmem:$0x1F800] =	vst v63  }
0xea: {  	_ =	swait.ge [sflag:s8], $0x3800  }
0xeb: {  	[sflag:s8] =	ssyncset.done $0x0  }
0xec: {  	[sflag:s8] =	ssyncadd.s32 $0xFFFFC800  }
0xed: {  	_ =	swait.ge [sflag:s18], $0x300  }
0xee: {  	[sflag:s18] =	ssyncset.done $0x0  }
0xef: {  	[sflag:s18] =	ssyncadd.s32 $0xFFFFFD00  }
0xf0: {  	_ =	swait.ge [sflag:s7], $0x300  }
0xf1: {  	[sflag:s7] =	ssyncset.done $0x0  }
0xf2: {  	[sflag:s7] =	ssyncadd.s32 $0xFFFFFD00  }
0xf3: {  	[tilespmem:s21], [sflag:$0x5] =	stream.indirect.gather [hbm4b:s1+s25], $0x80, s14, s25, $0xb8;
	[tilespmem:$0x1F800] =	vst v63  }
0xf4: {  	_ =	swait.ge [sflag:s10], $0x3800  }
0xf5: {  	[sflag:s10] =	ssyncset.done $0x0  }
0xf6: {  	s26 =	simm.s32 $0x14A80;
	[sflag:s10] =	ssyncadd.s32 $0xFFFFC800  }
0xf7: {  	[spmem:s2] =	stream.indirect.scatter.add.f32 [tilespmem:s3], [sflag:$0xA], $0x80, s26, s25, $0xb8;
	[tilespmem:$0x1F800] =	vst v63  }
0xf8: {  	_ =	swait.ge [sflag:s12], $0x3800  }
0xf9: {  	[sflag:s12] =	ssyncset.done $0x0  }
0xfa: {  	s6 =	simm.s32 $0x14480;
	[sflag:s12] =	ssyncadd.s32 $0xFFFFC800  }
0xfb: {  	[tilespmem:s28], [sflag:$0x6] =	stream.indirect.gather [hbm4b:s1+s25], $0x80, s6, s25, $0xb8;
	[tilespmem:$0x1F800] =	vst v63  }
0xfc: {  	_ =	swait.ge [sflag:s29], $0x3800  }
0xfd: {  	[sflag:s29] =	ssyncset.done $0x0  }
0xfe: {  	[sflag:s29] =	ssyncadd.s32 $0xFFFFC800  }
0xff: {  	[spmem:s2] =	stream.indirect.scatter.add.f32 [tilespmem:s21], [sflag:$0x8], $0x80, s16, s25, $0xb8;
	[tilespmem:$0x1F800] =	vst v63  }
0x100: {  	_ =	swait.ge [sflag:s15], $0x3800  }
0x101: {  	s14 =	rddreg [dreg:$0x5];
	[sflag:s15] =	ssyncset.done $0x0  }
0x102: {  	s16 =	rddreg [dreg:$0x4];
	[sflag:s15] =	ssyncadd.s32 $0xFFFFC800;
	s0 =	sadd.s32 $0x0, s14  }
0x103: {  	[tilespmem:s11], [sflag:$0x1] =	stream.linear.gather [hbm4b:s0+s4], $0x300, $0x38;
	[tilespmem:$0x1F800] =	vst v63  }
0x104: {  	s22 =	sadd.s32 $0x0, s16  }
0x105: {  	[tilespmem:s13], [sflag:$0x3] =	stream.linear.gather [hbm4b:s22+s4], $0x300, $0x38;
	[tilespmem:$0x1F800] =	vst v63  }
0x106: {  	_ = 	snop  }
0x107: {  	[tilespmem:s3], [sflag:$0x7] =	stream.indirect.gather [hbm4b:s1+s25], $0x80, s17, s25, $0xb8;
	[tilespmem:$0x1F800] =	vst v63  }
0x108: {  	_ =	swait.ge [sflag:s5], $0x3800  }
0x109: {  	[sflag:s5] =	ssyncset.done $0x0  }
0x10a: {  	[sflag:s5] =	ssyncadd.s32 $0xFFFFC800  }
0x10b: {  	[spmem:s2] =	stream.indirect.scatter.add.f32 [tilespmem:s28], [sflag:$0x9], $0x80, s19, s25, $0xb8;
	[tilespmem:$0x1F800] =	vst v63  }
0x10c: {  	_ =	swait.ge [sflag:s8], $0x3800  }
0x10d: {  	[sflag:s8] =	ssyncset.done $0x0  }
0x10e: {  	[sflag:s8] =	ssyncadd.s32 $0xFFFFC800  }
0x10f: {  	[tilespmem:s21], [sflag:$0x5] =	stream.indirect.gather [hbm4b:s1+s25], $0x80, s20, s25, $0xb8;
	[tilespmem:$0x1F800] =	vst v63  }
0x110: {  	_ =	swait.ge [sflag:s10], $0x3800  }
0x111: {  	[sflag:s10] =	ssyncset.done $0x0  }
0x112: {  	[sflag:s10] =	ssyncadd.s32 $0xFFFFC800  }
0x113: {  	[spmem:s2] =	stream.indirect.scatter.add.f32 [tilespmem:s3], [sflag:$0xA], $0x80, s30, s25, $0xb8;
	[tilespmem:$0x1F800] =	vst v63  }
0x114: {  	_ =	swait.ge [sflag:s12], $0x3800  }
0x115: {  	[sflag:s12] =	ssyncset.done $0x0  }
0x116: {  	s26 =	simm.s32 $0x14600;
	[sflag:s12] =	ssyncadd.s32 $0xFFFFC800  }
0x117: {  	[tilespmem:s28], [sflag:$0x6] =	stream.indirect.gather [hbm4b:s1+s25], $0x80, s26, s25, $0xb8;
	[tilespmem:$0x1F800] =	vst v63  }
0x118: {  	_ =	swait.ge [sflag:s29], $0x3800  }
0x119: {  	[sflag:s29] =	ssyncset.done $0x0  }
0x11a: {  	s6 =	simm.s32 $0x14D80;
	[sflag:s29] =	ssyncadd.s32 $0xFFFFC800  }
0x11b: {  	[spmem:s2] =	stream.indirect.scatter.add.f32 [tilespmem:s21], [sflag:$0x8], $0x80, s6, s25, $0xb8;
	[tilespmem:$0x1F800] =	vst v63  }
0x11c: {  	_ =	swait.ge [sflag:s15], $0x3800  }
0x11d: {  	[sflag:s15] =	ssyncset.done $0x0  }
0x11e: {  	s16 =	simm.s32 $0x14680;
	[sflag:s15] =	ssyncadd.s32 $0xFFFFC800  }
0x11f: {  	[tilespmem:s3], [sflag:$0x7] =	stream.indirect.gather [hbm4b:s1+s25], $0x80, s16, s25, $0xb8;
	[tilespmem:$0x1F800] =	vst v63  }
0x120: {  	_ =	swait.ge [sflag:s5], $0x3800  }
0x121: {  	[sflag:s5] =	ssyncset.done $0x0  }
0x122: {  	s17 =	simm.s32 $0x14E00;
	[sflag:s5] =	ssyncadd.s32 $0xFFFFC800  }
0x123: {  	[spmem:s2] =	stream.indirect.scatter.add.f32 [tilespmem:s28], [sflag:$0x9], $0x80, s17, s25, $0xb8;
	[tilespmem:$0x1F800] =	vst v63  }
0x124: {  	_ =	swait.ge [sflag:s8], $0x3800  }
0x125: {  	[sflag:s8] =	ssyncset.done $0x0  }
0x126: {  	[sflag:s8] =	ssyncadd.s32 $0xFFFFC800  }
0x127: {  	_ =	swait.ge [sflag:s23], $0x300  }
0x128: {  	[sflag:s23] =	ssyncset.done $0x0  }
0x129: {  	[sflag:s23] =	ssyncadd.s32 $0xFFFFFD00  }
0x12a: {  	_ =	swait.ge [sflag:s24], $0x300  }
0x12b: {  	[sflag:s24] =	ssyncset.done $0x0  }
0x12c: {  	s13 =	simm.s32 $0x14000;
	[sflag:s24] =	ssyncadd.s32 $0xFFFFFD00  }
0x12d: {  	[tilespmem:s21], [sflag:$0x5] =	stream.indirect.gather [hbm4b:s1+s25], $0x80, s13, s25, $0xb8;
	[tilespmem:$0x1F800] =	vst v63  }
0x12e: {  	s31 =	simm.s32 $0x14400;
	_ =	swait.ge [sflag:s10], $0x3800  }
0x12f: {  	s14 =	simm.s32 $0x14C00;
	s11 =	simm.s32 $0x14600;
	[sflag:s10] =	ssyncset.done $0x0  }
0x130: {  	s22 =	simm.s32 $0x14D00;
	s26 =	simm.s32 $0x14E80;
	[sflag:s10] =	ssyncadd.s32 $0xFFFFC800  }
0x131: {  	[spmem:s2] =	stream.indirect.scatter.add.f32 [tilespmem:s3], [sflag:$0xA], $0x80, s26, s25, $0xb8;
	[tilespmem:$0x1F800] =	vst v63  }
0x132: {  	s19 =	simm.s32 $0x14D80;
	s20 =	simm.s32 $0x14680;
	_ =	swait.ge [sflag:s12], $0x3800  }
0x133: {  	s30 =	simm.s32 $0x14800;
	s16 =	simm.s32 $0x14E00;
	[sflag:s12] =	ssyncset.done $0x0  }
0x134: {  	s17 =	simm.s32 $0x14E80;
	s26 =	simm.s32 $0x100;
	[sflag:s12] =	ssyncadd.s32 $0xFFFFC800  }
.LBB2_4:
0x135: {  	[tilespmem:s28], [sflag:$0x6] =	stream.indirect.gather [hbm4b:s1+s25], $0x80, s9, s25, $0xb8;
	[tilespmem:$0x1F800] =	vst v63  }
0x136: {  	_ =	swait.ge [sflag:s29], $0x3800  }
0x137: {  	[sflag:s29] =	ssyncset.done $0x0  }
0x138: {  	[sflag:s29] =	ssyncadd.s32 $0xFFFFC800  }
0x139: {  	[spmem:s2] =	stream.indirect.scatter.add.f32 [tilespmem:s21], [sflag:$0x8], $0x80, s30, s25, $0xb8;
	[tilespmem:$0x1F800] =	vst v63  }
0x13a: {  	_ =	swait.ge [sflag:s15], $0x3800  }
0x13b: {  	s0 =	smov.u32 s26;
	s6 =	rddreg [dreg:$0x7];
	[sflag:s15] =	ssyncset.done $0x0  }
0x13c: {  	s9 =	rddreg [dreg:$0x6];
	[sflag:s15] =	ssyncadd.s32 $0xFFFFC800;
	s6 =	sadd.s32 s0, s6  }
0x13d: {  	[tilespmem:s31], [sflag:$0x2] =	stream.linear.gather [hbm4b:s6+s4], $0x300, $0x38;
	[tilespmem:$0x1F800] =	vst v63  }
0x13e: {  	s9 =	sadd.s32 s0, s9  }
0x13f: {  	[tilespmem:s14], [sflag:$0x4] =	stream.linear.gather [hbm4b:s9+s4], $0x300, $0x38;
	[tilespmem:$0x1F800] =	vst v63  }
0x140: {  	s9 =	simm.s32 $0x14100  }
0x141: {  	[tilespmem:s3], [sflag:$0x7] =	stream.indirect.gather [hbm4b:s1+s25], $0x80, s9, s25, $0xb8;
	[tilespmem:$0x1F800] =	vst v63  }
0x142: {  	_ =	swait.ge [sflag:s5], $0x3800  }
0x143: {  	[sflag:s5] =	ssyncset.done $0x0  }
0x144: {  	s9 =	simm.s32 $0x14880;
	[sflag:s5] =	ssyncadd.s32 $0xFFFFC800  }
0x145: {  	[spmem:s2] =	stream.indirect.scatter.add.f32 [tilespmem:s28], [sflag:$0x9], $0x80, s9, s25, $0xb8;
	[tilespmem:$0x1F800] =	vst v63  }
0x146: {  	_ =	swait.ge [sflag:s8], $0x3800  }
0x147: {  	[sflag:s8] =	ssyncset.done $0x0  }
0x148: {  	s9 =	simm.s32 $0x14180;
	[sflag:s8] =	ssyncadd.s32 $0xFFFFC800  }
0x149: {  	[tilespmem:s21], [sflag:$0x5] =	stream.indirect.gather [hbm4b:s1+s25], $0x80, s9, s25, $0xb8;
	[tilespmem:$0x1F800] =	vst v63  }
0x14a: {  	_ =	swait.ge [sflag:s10], $0x3800  }
0x14b: {  	[sflag:s10] =	ssyncset.done $0x0  }
0x14c: {  	s9 =	simm.s32 $0x14900;
	[sflag:s10] =	ssyncadd.s32 $0xFFFFC800  }
0x14d: {  	[spmem:s2] =	stream.indirect.scatter.add.f32 [tilespmem:s3], [sflag:$0xA], $0x80, s9, s25, $0xb8;
	[tilespmem:$0x1F800] =	vst v63  }
0x14e: {  	_ =	swait.ge [sflag:s12], $0x3800  }
0x14f: {  	[sflag:s12] =	ssyncset.done $0x0  }
0x150: {  	s9 =	simm.s32 $0x14200;
	[sflag:s12] =	ssyncadd.s32 $0xFFFFC800  }
0x151: {  	[tilespmem:s28], [sflag:$0x6] =	stream.indirect.gather [hbm4b:s1+s25], $0x80, s9, s25, $0xb8;
	[tilespmem:$0x1F800] =	vst v63  }
0x152: {  	_ =	swait.ge [sflag:s29], $0x3800  }
0x153: {  	[sflag:s29] =	ssyncset.done $0x0  }
0x154: {  	s9 =	simm.s32 $0x14980;
	[sflag:s29] =	ssyncadd.s32 $0xFFFFC800  }
0x155: {  	[spmem:s2] =	stream.indirect.scatter.add.f32 [tilespmem:s21], [sflag:$0x8], $0x80, s9, s25, $0xb8;
	[tilespmem:$0x1F800] =	vst v63  }
0x156: {  	_ =	swait.ge [sflag:s15], $0x3800  }
0x157: {  	[sflag:s15] =	ssyncset.done $0x0  }
0x158: {  	s9 =	simm.s32 $0x14280;
	[sflag:s15] =	ssyncadd.s32 $0xFFFFC800  }
0x159: {  	[tilespmem:s3], [sflag:$0x7] =	stream.indirect.gather [hbm4b:s1+s25], $0x80, s9, s25, $0xb8;
	[tilespmem:$0x1F800] =	vst v63  }
0x15a: {  	_ =	swait.ge [sflag:s5], $0x3800  }
0x15b: {  	[sflag:s5] =	ssyncset.done $0x0  }
0x15c: {  	s9 =	simm.s32 $0x14A00;
	[sflag:s5] =	ssyncadd.s32 $0xFFFFC800  }
0x15d: {  	[spmem:s2] =	stream.indirect.scatter.add.f32 [tilespmem:s28], [sflag:$0x9], $0x80, s9, s25, $0xb8;
	[tilespmem:$0x1F800] =	vst v63  }
0x15e: {  	_ =	swait.ge [sflag:s8], $0x3800  }
0x15f: {  	[sflag:s8] =	ssyncset.done $0x0  }
0x160: {  	[sflag:s8] =	ssyncadd.s32 $0xFFFFC800  }
0x161: {  	_ =	swait.ge [sflag:s18], $0x300  }
0x162: {  	[sflag:s18] =	ssyncset.done $0x0  }
0x163: {  	[sflag:s18] =	ssyncadd.s32 $0xFFFFFD00  }
0x164: {  	_ =	swait.ge [sflag:s7], $0x300  }
0x165: {  	[sflag:s7] =	ssyncset.done $0x0  }
0x166: {  	[sflag:s7] =	ssyncadd.s32 $0xFFFFFD00  }
0x167: {  	[tilespmem:s21], [sflag:$0x5] =	stream.indirect.gather [hbm4b:s1+s25], $0x80, s31, s25, $0xb8;
	[tilespmem:$0x1F800] =	vst v63  }
0x168: {  	_ =	swait.ge [sflag:s10], $0x3800  }
0x169: {  	[sflag:s10] =	ssyncset.done $0x0  }
0x16a: {  	s9 =	simm.s32 $0x14A80;
	[sflag:s10] =	ssyncadd.s32 $0xFFFFC800  }
0x16b: {  	[spmem:s2] =	stream.indirect.scatter.add.f32 [tilespmem:s3], [sflag:$0xA], $0x80, s9, s25, $0xb8;
	[tilespmem:$0x1F800] =	vst v63  }
0x16c: {  	_ =	swait.ge [sflag:s12], $0x3800  }
0x16d: {  	[sflag:s12] =	ssyncset.done $0x0  }
0x16e: {  	s9 =	simm.s32 $0x14480;
	[sflag:s12] =	ssyncadd.s32 $0xFFFFC800  }
0x16f: {  	[tilespmem:s28], [sflag:$0x6] =	stream.indirect.gather [hbm4b:s1+s25], $0x80, s9, s25, $0xb8;
	[tilespmem:$0x1F800] =	vst v63  }
0x170: {  	_ =	swait.ge [sflag:s29], $0x3800  }
0x171: {  	[sflag:s29] =	ssyncset.done $0x0  }
0x172: {  	[sflag:s29] =	ssyncadd.s32 $0xFFFFC800  }
0x173: {  	[spmem:s2] =	stream.indirect.scatter.add.f32 [tilespmem:s21], [sflag:$0x8], $0x80, s14, s25, $0xb8;
	[tilespmem:$0x1F800] =	vst v63  }
0x174: {  	_ =	swait.ge [sflag:s15], $0x3800  }
0x175: {  	s6 =	rddreg [dreg:$0x5];
	[sflag:s15] =	ssyncset.done $0x0  }
0x176: {  	s9 =	rddreg [dreg:$0x4];
	[sflag:s15] =	ssyncadd.s32 $0xFFFFC800;
	s6 =	sadd.s32 s0, s6  }
0x177: {  	[tilespmem:s13], [sflag:$0x1] =	stream.linear.gather [hbm4b:s6+s4], $0x300, $0x38;
	[tilespmem:$0x1F800] =	vst v63  }
0x178: {  	s0 =	sadd.s32 s0, s9  }
0x179: {  	[tilespmem:s30], [sflag:$0x3] =	stream.linear.gather [hbm4b:s0+s4], $0x300, $0x38;
	[tilespmem:$0x1F800] =	vst v63  }
0x17a: {  	s6 =	simm.s32 $0x14500  }
0x17b: {  	[tilespmem:s3], [sflag:$0x7] =	stream.indirect.gather [hbm4b:s1+s25], $0x80, s6, s25, $0xb8;
	[tilespmem:$0x1F800] =	vst v63  }
0x17c: {  	_ =	swait.ge [sflag:s5], $0x3800  }
0x17d: {  	[sflag:s5] =	ssyncset.done $0x0  }
0x17e: {  	s6 =	simm.s32 $0x14C80;
	[sflag:s5] =	ssyncadd.s32 $0xFFFFC800  }
0x17f: {  	[spmem:s2] =	stream.indirect.scatter.add.f32 [tilespmem:s28], [sflag:$0x9], $0x80, s6, s25, $0xb8;
	[tilespmem:$0x1F800] =	vst v63  }
0x180: {  	_ =	swait.ge [sflag:s8], $0x3800  }
0x181: {  	[sflag:s8] =	ssyncset.done $0x0  }
0x182: {  	s6 =	simm.s32 $0x14580;
	[sflag:s8] =	ssyncadd.s32 $0xFFFFC800  }
0x183: {  	[tilespmem:s21], [sflag:$0x5] =	stream.indirect.gather [hbm4b:s1+s25], $0x80, s6, s25, $0xb8;
	[tilespmem:$0x1F800] =	vst v63  }
0x184: {  	_ =	swait.ge [sflag:s10], $0x3800  }
0x185: {  	[sflag:s10] =	ssyncset.done $0x0  }
0x186: {  	[sflag:s10] =	ssyncadd.s32 $0xFFFFC800  }
0x187: {  	[spmem:s2] =	stream.indirect.scatter.add.f32 [tilespmem:s3], [sflag:$0xA], $0x80, s22, s25, $0xb8;
	[tilespmem:$0x1F800] =	vst v63  }
0x188: {  	_ =	swait.ge [sflag:s12], $0x3800  }
0x189: {  	[sflag:s12] =	ssyncset.done $0x0  }
0x18a: {  	[sflag:s12] =	ssyncadd.s32 $0xFFFFC800  }
0x18b: {  	[tilespmem:s28], [sflag:$0x6] =	stream.indirect.gather [hbm4b:s1+s25], $0x80, s11, s25, $0xb8;
	[tilespmem:$0x1F800] =	vst v63  }
0x18c: {  	_ =	swait.ge [sflag:s29], $0x3800  }
0x18d: {  	[sflag:s29] =	ssyncset.done $0x0  }
0x18e: {  	[sflag:s29] =	ssyncadd.s32 $0xFFFFC800  }
0x18f: {  	[spmem:s2] =	stream.indirect.scatter.add.f32 [tilespmem:s21], [sflag:$0x8], $0x80, s19, s25, $0xb8;
	[tilespmem:$0x1F800] =	vst v63  }
0x190: {  	_ =	swait.ge [sflag:s15], $0x3800  }
0x191: {  	[sflag:s15] =	ssyncset.done $0x0  }
0x192: {  	[sflag:s15] =	ssyncadd.s32 $0xFFFFC800  }
0x193: {  	[tilespmem:s3], [sflag:$0x7] =	stream.indirect.gather [hbm4b:s1+s25], $0x80, s20, s25, $0xb8;
	[tilespmem:$0x1F800] =	vst v63  }
0x194: {  	_ =	swait.ge [sflag:s5], $0x3800  }
0x195: {  	[sflag:s5] =	ssyncset.done $0x0  }
0x196: {  	[sflag:s5] =	ssyncadd.s32 $0xFFFFC800  }
0x197: {  	[spmem:s2] =	stream.indirect.scatter.add.f32 [tilespmem:s28], [sflag:$0x9], $0x80, s16, s25, $0xb8;
	[tilespmem:$0x1F800] =	vst v63  }
0x198: {  	_ =	swait.ge [sflag:s8], $0x3800  }
0x199: {  	[sflag:s8] =	ssyncset.done $0x0  }
0x19a: {  	[sflag:s8] =	ssyncadd.s32 $0xFFFFC800  }
0x19b: {  	_ =	swait.ge [sflag:s23], $0x300  }
0x19c: {  	[sflag:s23] =	ssyncset.done $0x0  }
0x19d: {  	[sflag:s23] =	ssyncadd.s32 $0xFFFFFD00  }
0x19e: {  	_ =	swait.ge [sflag:s24], $0x300  }
0x19f: {  	[sflag:s24] =	ssyncset.done $0x0  }
0x1a0: {  	[sflag:s24] =	ssyncadd.s32 $0xFFFFFD00  }
0x1a1: {  	[tilespmem:s21], [sflag:$0x5] =	stream.indirect.gather [hbm4b:s1+s25], $0x80, s13, s25, $0xb8;
	[tilespmem:$0x1F800] =	vst v63  }
0x1a2: {  	_ =	swait.ge [sflag:s10], $0x3800  }
0x1a3: {  	p0 =	sne.s32 s26, $0x500;
	[sflag:s10] =	ssyncset.done $0x0  }
.Ltmp1:
0x1a4: {  	[sflag:s10] =	ssyncadd.s32 $0xFFFFC800;
	(pc) =	sbr.rel @p0 .LBB2_4-.Ltmp1, $4  }
0x1a5: {  	[spmem:s2] =	stream.indirect.scatter.add.f32 [tilespmem:s3], [sflag:$0xA], $0x80, s17, s25, $0xb8;
	[tilespmem:$0x1F800] =	vst v63  }
0x1a6: {  	_ =	swait.ge [sflag:s12], $0x3800  }
0x1a7: {  	[sflag:s12] =	ssyncset.done $0x0  }
0x1a8: {  	s26 =	sadd.s32 $0x100, s26;
	s9 =	simm.s32 $0x14080;
	[sflag:s12] =	ssyncadd.s32 $0xFFFFC800  }
0x1a9: {  	[tilespmem:s28], [sflag:$0x6] =	stream.indirect.gather [hbm4b:s1+s25], $0x80, s9, s25, $0xb8;
	[tilespmem:$0x1F800] =	vst v63  }
0x1aa: {  	_ =	swait.ge [sflag:s29], $0x3800  }
0x1ab: {  	[sflag:s29] =	ssyncset.done $0x0  }
0x1ac: {  	[sflag:s29] =	ssyncadd.s32 $0xFFFFC800  }
0x1ad: {  	[spmem:s2] =	stream.indirect.scatter.add.f32 [tilespmem:s21], [sflag:$0x8], $0x80, s30, s25, $0xb8;
	[tilespmem:$0x1F800] =	vst v63  }
0x1ae: {  	_ =	swait.ge [sflag:s15], $0x3800  }
0x1af: {  	[sflag:s15] =	ssyncset.done $0x0  }
0x1b0: {  	s0 =	simm.s32 $0x14100;
	[sflag:s15] =	ssyncadd.s32 $0xFFFFC800  }
0x1b1: {  	[tilespmem:s3], [sflag:$0x7] =	stream.indirect.gather [hbm4b:s1+s25], $0x80, s0, s25, $0xb8;
	[tilespmem:$0x1F800] =	vst v63  }
0x1b2: {  	_ =	swait.ge [sflag:s5], $0x3800  }
0x1b3: {  	[sflag:s5] =	ssyncset.done $0x0  }
0x1b4: {  	s6 =	simm.s32 $0x14880;
	[sflag:s5] =	ssyncadd.s32 $0xFFFFC800  }
0x1b5: {  	[spmem:s2] =	stream.indirect.scatter.add.f32 [tilespmem:s28], [sflag:$0x9], $0x80, s6, s25, $0xb8;
	[tilespmem:$0x1F800] =	vst v63  }
0x1b6: {  	_ =	swait.ge [sflag:s8], $0x3800  }
0x1b7: {  	[sflag:s8] =	ssyncset.done $0x0  }
0x1b8: {  	s9 =	simm.s32 $0x14180;
	[sflag:s8] =	ssyncadd.s32 $0xFFFFC800  }
0x1b9: {  	[tilespmem:s21], [sflag:$0x5] =	stream.indirect.gather [hbm4b:s1+s25], $0x80, s9, s25, $0xb8;
	[tilespmem:$0x1F800] =	vst v63  }
0x1ba: {  	_ =	swait.ge [sflag:s10], $0x3800  }
0x1bb: {  	[sflag:s10] =	ssyncset.done $0x0  }
0x1bc: {  	s11 =	simm.s32 $0x14900;
	[sflag:s10] =	ssyncadd.s32 $0xFFFFC800  }
0x1bd: {  	[spmem:s2] =	stream.indirect.scatter.add.f32 [tilespmem:s3], [sflag:$0xA], $0x80, s11, s25, $0xb8;
	[tilespmem:$0x1F800] =	vst v63  }
0x1be: {  	_ =	swait.ge [sflag:s12], $0x3800  }
0x1bf: {  	[sflag:s12] =	ssyncset.done $0x0  }
0x1c0: {  	s13 =	simm.s32 $0x14200;
	[sflag:s12] =	ssyncadd.s32 $0xFFFFC800  }
0x1c1: {  	[tilespmem:s28], [sflag:$0x6] =	stream.indirect.gather [hbm4b:s1+s25], $0x80, s13, s25, $0xb8;
	[tilespmem:$0x1F800] =	vst v63  }
0x1c2: {  	_ =	swait.ge [sflag:s29], $0x3800  }
0x1c3: {  	[sflag:s29] =	ssyncset.done $0x0  }
0x1c4: {  	s14 =	simm.s32 $0x14980;
	[sflag:s29] =	ssyncadd.s32 $0xFFFFC800  }
0x1c5: {  	[spmem:s2] =	stream.indirect.scatter.add.f32 [tilespmem:s21], [sflag:$0x8], $0x80, s14, s25, $0xb8;
	[tilespmem:$0x1F800] =	vst v63  }
0x1c6: {  	_ =	swait.ge [sflag:s15], $0x3800  }
0x1c7: {  	[sflag:s15] =	ssyncset.done $0x0  }
0x1c8: {  	s16 =	simm.s32 $0x14280;
	[sflag:s15] =	ssyncadd.s32 $0xFFFFC800  }
0x1c9: {  	[tilespmem:s3], [sflag:$0x7] =	stream.indirect.gather [hbm4b:s1+s25], $0x80, s16, s25, $0xb8;
	[tilespmem:$0x1F800] =	vst v63  }
0x1ca: {  	_ =	swait.ge [sflag:s5], $0x3800  }
0x1cb: {  	[sflag:s5] =	ssyncset.done $0x0  }
0x1cc: {  	s17 =	simm.s32 $0x14A00;
	[sflag:s5] =	ssyncadd.s32 $0xFFFFC800  }
0x1cd: {  	[spmem:s2] =	stream.indirect.scatter.add.f32 [tilespmem:s28], [sflag:$0x9], $0x80, s17, s25, $0xb8;
	[tilespmem:$0x1F800] =	vst v63  }
0x1ce: {  	_ =	swait.ge [sflag:s8], $0x3800  }
0x1cf: {  	[sflag:s8] =	ssyncset.done $0x0  }
0x1d0: {  	[sflag:s8] =	ssyncadd.s32 $0xFFFFC800  }
0x1d1: {  	_ =	swait.ge [sflag:s10], $0x3800  }
0x1d2: {  	[sflag:s10] =	ssyncset.done $0x0  }
0x1d3: {  	s19 =	simm.s32 $0x14A80;
	[sflag:s10] =	ssyncadd.s32 $0xFFFFC800  }
0x1d4: {  	[spmem:s2] =	stream.indirect.scatter.add.f32 [tilespmem:s3], [sflag:$0xA], $0x80, s19, s25, $0xb8;
	[tilespmem:$0x1F800] =	vst v63  }
0x1d5: {  	_ =	swait.ge [sflag:s12], $0x3800  }
0x1d6: {  	[sflag:s12] =	ssyncset.done $0x0  }
0x1d7: {  	[sflag:s12] =	ssyncadd.s32 $0xFFFFC800  }
0x1d8: {  	_ =	swait.ge [sflag:s15], $0x3800  }
0x1d9: {  	[sflag:s15] =	ssyncset.done $0x0  }
0x1da: {  	[sflag:s15] =	ssyncadd.s32 $0xFFFFC800  }
0x1db: {  	s20 =	stileid.u32;
	[bflag:$0x0] =	sbarrier.arrive $0xFFFF  }
0x1dc: {  	s26 =	simm.s32 $0xB;
	s0 =	sshll.u32 s20, $0x6;
	s6 =	rddreg [dreg:$0xa]  }
0x1dd: {  	s0 =	sor.u32 $0x1C0B, s0;
	s22 =	rddreg [dreg:$0x14];
	s6 =	sshrl.u32 s6, $0x3  }
0x1de: {  	[hbm:s22], [sflag:s0] =	dma.local [spmem:s6], $0x2800  }
0x1df: {  	_ =	swait.ge [sflag:s26], $0x2800  }
0x1e0: {  	s30 =	rddreg [dreg:$0x16]  }
0x1e1: {  	s31 =	rddreg [dreg:$0x15];
	s9 =	sadd.s32 $0x1, s30  }
0x1e2: {  	p0 =	sne.s32 s9, s31  }
.Ltmp2:
0x1e3: {  	_ = 	snop;
	(pc) =	sbr.rel @p0 .LBB2_1-.Ltmp2, $3  }
0x1e4: {  	_ =	sdelay $0x1  }
0x1e5: {  	s11 =	simm.s32 $0x14000;
	s13 =	simm.s32 $0x14800;
	[sflag:s26] =	ssyncset.done $0x0  }
0x1e6: {  	s14 =	simm.s32 $0x14400;
	s16 =	simm.s32 $0x14C00;
	[sflag:s26] =	ssyncadd.s32 $0xFFFFD800  }
0x1e7: {  	_ =	sfence.sel $0x180000  }
0x1e8: {  	[bflag:$0x0] =	sbarrier.arrive $0xFFFF  }
0x1e9: {  	_ =	strace $0x9000004A  }
0x1ea: {  	s0 =	stileid.u32;
	[bflag:$0x2] =	sbarrier.arrive $0xFFFF  }
0x1eb: {  	p0 =	sne.s32 s0, $0x0;
	s0 =	rddreg [dreg:$0x3]  }
0x1ec: {  	s0 =	sadd.s32 @!p0 $0x100000, s0  }
0x1ed: {  	[sflag:s0] =	ssyncadd.tile.s32 @!p0 $0x1;
	_ =	shalt  }
.Lfunc_end2:
_tile_overlayer_lowered:
.L_overlay_start_2:
0x1ee: {  	(tag) =	ssettag $0x2  }
0x1ef: {  	s0 =	rddreg [dreg:$0x0];
	s2 =	stileid.u32  }
0x1f0: {  	s1 =	rddreg [dreg:$0x1];
	p0 =	sne.s32 s2, $0x0  }
0x1f1: {  	s3 =	rddreg [dreg:$0x2];
	[bflag:$0x3] =	sbarrier.arrive $0xFFFF;
	s2 =	simm.s32 @!p0 $0x1C0B  }
0x1f2: {  	[timem:s3], [sflag:s2] =	dma.local @!p0 [hbm:s0], s1  }
0x1f3: {  	s0 =	simm.s32 @!p0 $0xB  }
0x1f4: {  	_ =	swait.ge @!p0 [sflag:s0], s1  }
0x1f5: {  	s1 =	ssub.s32 @!p0 $0x0, s1;
	[sflag:s0] =	ssyncset.done @!p0 $0x0  }
0x1f6: {  	[sflag:s0] =	ssyncadd.s32 @!p0 s1  }
0x1f7: {  	[bflag:$0x3] =	sbarrier.arrive $0xFFFF  }
0x1f8: {  	_ =	shalt  }

// kernel: kernel.7.cloned.1.call-start
scs
__scs_entry_jumppad:
0x0: {  	(pc) =	sbr.rel $0x88, $3  }
0x1: {  	(tag) =	ssettag $0x0;
	lr =	simm.s32 $0x1  }
0x2: {  	[smem:$0x3F98] =	sst lr;
	_ =	strace $0xD0000000  }
0x3: {  	_ = 	snop  }
0x4: {  	_ = 	snop  }
0x5: {  	_ = 	snop  }
0x6: {  	_ = 	snop  }
0x7: {  	_ = 	snop  }
__scs_overlays_trampoline_lowered:
0x8: {  	[smem:$0x3FA7] =	sst s0  }
0x9: {  	[smem:$0x3FA8] =	sst s1  }
0xa: {  	[smem:$0x3FA9] =	sst s2  }
0xb: {  	[smem:$0x3FAA] =	sst s3  }
0xc: {  	[smem:$0x3FAB] =	sst s4  }
0xd: {  	[smem:$0x3FAC] =	sst s5  }
0xe: {  	[smem:$0x3FAD] =	sst s6  }
0xf: {  	[smem:$0x3FAE] =	sst s7  }
0x10: {  	[smem:$0x3FAF] =	sst s8  }
0x11: {  	[smem:$0x3FB0] =	sst s9;
	s0 =	simm.s32 @!p0 $0x0  }
0x12: {  	s1 =	sld [smem:$0x3F96];
	s0 =	simm.s32 @p0 $0x1  }
0x13: {  	[smem:$0x3FB1] =	sst s0;
	s0 =	simm.s32 @!p1 $0x0  }
0x14: {  	s2 =	sld [smem:$0x3F95];
	s0 =	simm.s32 @p1 $0x1  }
0x15: {  	[smem:$0x3FB2] =	sst s0;
	s0 =	simm.s32 @!p2 $0x0  }
0x16: {  	s3 =	sld [smem:$0x3FDB];
	s0 =	simm.s32 @p2 $0x1  }
0x17: {  	s4 =	simm.s32 $0x1BF5;
	[smem:$0x3FB4] =	sst s0  }
0x18: {  	s0 =	sld [smem:$0x3F97];
	_ =	swait.ge [sflag:s4], $0x0  }
0x19: {  	s7 =	sld [smem:$0x3F98]  }
0x1a: {  	s8 =	sadd.s32 $0xFFFFE003, lr  }
0x1b: {  	s9 =	sadd.s32 $0xFFFFFEF7, lr;
	s5 =	simm.s32 $0xFFFFFFFF;
	p2 =	slt.u32 s8, $0xFFFFF086  }
0x1c: {  	p1 =	slt.u32 s9, $0xF7A;
	s5 =	simm.s32 @!p2 $0x0  }
0x1d: {  	s5 =	simm.s32 @p1 $0x1;
	p0 =	seq.s32 s7, s2  }
0x1e: {  	s7 =	smul.u32 @!p0 $0xF7A, s2;
	p2 =	seq.s32 @!p0 s5, $0x0  }
0x1f: {  	s9 =	smul.u32 $0xF7A, s1;
	s8 =	simm.s32 @!p0 $0x1BF5;
	p2 =	por !p2, p0  }
0x20: {  	[sflag:s8] =	ssyncset.s32 @!p0 $0xFFFFF086;
	s6 =	sadd.s32 @!p0 s3, s7;
	s7 =	simm.s32 @!p0 $0x108  }
0x21: {  	s3 =	sadd.s32 s3, s9;
	s6 =	sadd.s32 @!p0 $0x88, s6;
	s7 =	simm.s32 @p2 $0x1082  }
0x22: {  	[simem:s7], [sflag:s8] =	dma.local @!p0 [hbm:s6], $0xF7A  }
0x23: {  	s9 =	sor.u32 $0xD0000000, s2;
	s6 =	simm.s32 $0x108;
	_ =	swait.ge @!p0 [sflag:s8], $0x0  }
0x24: {  	s3 =	sadd.s32 $0x88, s3;
	s6 =	simm.s32 @!p1 $0x1082;
	[sflag:s4] =	ssyncset.s32 $0xFFFFF086  }
0x25: {  	[simem:s6], [sflag:s4] =	dma.local [hbm:s3], $0xF7A  }
0x26: {  	[smem:$0x3F98] =	sst s1;
	(tag) =	ssettag s2;
	_ =	strace s9  }
0x27: {  	s1 =	sld [smem:$0x3FA8]  }
0x28: {  	s2 =	sld [smem:$0x3FA9]  }
0x29: {  	s4 =	sld [smem:$0x3FAB]  }
0x2a: {  	p0 =	seq.s32 s5, $0x0;
	s5 =	sld [smem:$0x3FAC]  }
0x2b: {  	s6 =	sld [smem:$0x3FAD]  }
0x2c: {  	s7 =	sld [smem:$0x3FAE]  }
0x2d: {  	s3 =	simm.s32 $0x108;
	s8 =	sld [smem:$0x3FAF]  }
0x2e: {  	s3 =	simm.s32 @!p0 $0x1082;
	s9 =	sld [smem:$0x3FB0]  }
0x2f: {  	lr =	sadd.s32 s0, s3;
	s0 =	sld [smem:$0x3FA7]  }
0x30: {  	s3 =	sld [smem:$0x3FAA]  }
0x31: {  	[smem:$0x3FB3] =	sst s10  }
0x32: {  	s10 =	sld [smem:$0x3FB1];
	_ =	sdelay $0x3  }
0x33: {  	p0 =	seq.s32 s10, $0x1;
	s10 =	sld [smem:$0x3FB3];
	_ =	sdelay $0x3  }
0x34: {  	[smem:$0x3FB3] =	sst s10  }
0x35: {  	s10 =	sld [smem:$0x3FB2];
	_ =	sdelay $0x3  }
0x36: {  	p1 =	seq.s32 s10, $0x1;
	s10 =	sld [smem:$0x3FB3];
	_ =	sdelay $0x3  }
0x37: {  	[smem:$0x3FB3] =	sst s10  }
0x38: {  	s10 =	sld [smem:$0x3FB4]  }
0x39: {  	_ = 	snop;
	(pc) =	sbr.ind lr, $3  }
0x3a: {  	_ = 	snop  }
0x3b: {  	_ = 	snop  }
0x3c: {  	p2 =	seq.s32 s10, $0x1;
	s10 =	sld [smem:$0x3FB3]  }
0x3d: {  	_ =	shalt  }
0x3e: {  	_ =	shalt  }
0x3f: {  	_ =	shalt  }
0x40: {  	_ =	shalt  }
0x41: {  	_ =	shalt  }
0x42: {  	_ =	shalt  }
0x43: {  	_ =	shalt  }
0x44: {  	_ =	shalt  }
0x45: {  	_ =	shalt  }
0x46: {  	_ =	shalt  }
0x47: {  	_ =	shalt  }
0x48: {  	_ =	shalt  }
0x49: {  	_ =	shalt  }
0x4a: {  	_ =	shalt  }
0x4b: {  	_ =	shalt  }
0x4c: {  	_ =	shalt  }
0x4d: {  	_ =	shalt  }
0x4e: {  	_ =	shalt  }
0x4f: {  	_ =	shalt  }
0x50: {  	_ =	shalt  }
0x51: {  	_ =	shalt  }
0x52: {  	_ =	shalt  }
0x53: {  	_ =	shalt  }
0x54: {  	_ =	shalt  }
0x55: {  	_ =	shalt  }
0x56: {  	_ =	shalt  }
0x57: {  	_ =	shalt  }
0x58: {  	_ =	shalt  }
0x59: {  	_ =	shalt  }
0x5a: {  	_ =	shalt  }
0x5b: {  	_ =	shalt  }
0x5c: {  	_ =	shalt  }
0x5d: {  	_ =	shalt  }
0x5e: {  	_ =	shalt  }
0x5f: {  	_ =	shalt  }
0x60: {  	_ =	shalt  }
0x61: {  	_ =	shalt  }
0x62: {  	_ =	shalt  }
0x63: {  	_ =	shalt  }
0x64: {  	_ =	shalt  }
0x65: {  	_ =	shalt  }
0x66: {  	_ =	shalt  }
0x67: {  	_ =	shalt  }
0x68: {  	_ =	shalt  }
0x69: {  	_ =	shalt  }
0x6a: {  	_ =	shalt  }
0x6b: {  	_ =	shalt  }
0x6c: {  	_ =	shalt  }
0x6d: {  	_ =	shalt  }
0x6e: {  	_ =	shalt  }
0x6f: {  	_ =	shalt  }
0x70: {  	_ =	shalt  }
0x71: {  	_ =	shalt  }
0x72: {  	_ =	shalt  }
0x73: {  	_ =	shalt  }
0x74: {  	_ =	shalt  }
0x75: {  	_ =	shalt  }
0x76: {  	_ =	shalt  }
0x77: {  	_ =	shalt  }
0x78: {  	_ =	shalt  }
0x79: {  	_ =	shalt  }
0x7a: {  	_ =	shalt  }
0x7b: {  	_ =	shalt  }
0x7c: {  	_ =	shalt  }
0x7d: {  	_ =	shalt  }
0x7e: {  	_ =	shalt  }
0x7f: {  	_ =	shalt  }
0x80: {  	_ =	shalt  }
0x81: {  	_ =	shalt  }
0x82: {  	_ =	shalt  }
0x83: {  	_ =	shalt  }
0x84: {  	_ =	shalt  }
0x85: {  	_ =	shalt  }
0x86: {  	_ =	shalt  }
0x87: {  	_ =	shalt  }
.Lfunc_end0:
.L_simem_size_0:
called_computation_lowered:
.L_overlay_start_0:
0x88: {  	s2 =	sld [smem:$0x3FD9]  }
0x89: {  	s3 =	sld [smem:$0x3FFE];
	_ =	sdelay $0x1  }
0x8a: {  	s1 =	srdreg.scid  }
0x8b: {  	s0 =	sand.u32 $0x1, s1  }
0x8c: {  	s17 =	sshll.u32 s0, $0xA;
	s2 =	sadd.s32 s3, s2  }
0x8d: {  	s2 =	sadd.s32 s2, s17  }
0x8e: {  	[smem:$0x3FBF] =	sst s2  }
0x8f: {  	_ = 	snop  }
0x90: {  	s2 =	sld [smem:$0x3FD0];
	(tm) =	ssettm $0x1  }
0x91: {  	s18 =	sld [smem:$0x3FFB];
	_ =	sdelay $0x3  }
0x92: {  	_ =	strace s18  }
0x93: {  	s3 =	sld [smem:$0x3FFC];
	_ =	sdelay $0x3  }
0x94: {  	_ =	strace s3  }
0x95: {  	s3 =	sld [smem:$0x3FFD];
	_ =	sdelay $0x3  }
0x96: {  	_ =	strace s3  }
0x97: {  	_ =	strace $0x8FFFFFFF  }
0x98: {  	s19 =	sld [smem:$0x3FDB];
	_ =	sdelay $0x1  }
0x99: {  	s4 =	simm.s32 $_scs_section_size  }
0x9a: {  	s5 =	simm.s32 $_size__tile_overlayer_lowered;
	s6 =	simm.s32 $_tile_overlayer_lowered  }
0x9b: {  	s22 =	simm.s32 $0x1BFF;
	s21 =	sshll.u32 s6, $0x1;
	s3 =	sadd.s32 s4, s19  }
0x9c: {  	s7 =	simm.s32 $0x0;
	s20 =	sshll.u32 s5, $0x1;
	s5 =	sadd.s32 s21, s3  }
0x9d: {  	[timem:s7], [sflag:s22] =	dma.local [hbm:s5], s20  }
0x9e: {  	_ =	swait.ge [sflag:s22], s20  }
0x9f: {  	s4 =	ssub.s32 $0x0, s20;
	[sflag:s22] =	ssyncset.done $0x0  }
0xa0: {  	[sflag:s22] =	ssyncadd.s32 s4;
	_ =	sdelay $0x1  }
0xa1: {  	s23 =	simm.s32 $0x1B8B  }
0xa2: {  	_ =	swait.ge [sflag:s23], $0x1  }
0xa3: {  	[sflag:s23] =	ssyncset.done $0x0  }
0xa4: {  	s25 =	simm.s32 $0x1B8E;
	s24 =	sld [smem:$0x3FFE];
	[sflag:s23] =	ssyncadd.s32 $0xFFFFFFFF  }
0xa5: {  	s26 =	simm.s32 $execute0_lowered;
	[smem:$0x3FD2] =	sst s25  }
0xa6: {  	s5 =	sshll.u32 s26, $0x1;
	_ =	strace $0x80000046;
	[dreg:$0x1] =	wrdreg $0xFFFFFFFF  }
0xa7: {  	s28 =	simm.s32 $_size_execute0_lowered;
	s3 =	sadd.s32 s3, s5;
	[dreg:$0x0] =	wrdreg $0x0  }
0xa8: {  	s5 =	sshll.u32 s28, $0x1;
	[dreg:$0x2] =	wrdreg s3  }
0xa9: {  	[dreg:$0x3] =	wrdreg s5  }
0xaa: {  	[dreg:$0x4] =	wrdreg $0xC0  }
0xab: {  	_ =	task [dreg:s7], $0x5FFFF  }
0xac: {  	[dreg:$0x1] =	wrdreg $0xFFFFFFFF  }
0xad: {  	[dreg:$0x0] =	wrdreg $0x60  }
0xae: {  	[dreg:$0x2] =	wrdreg s2  }
0xaf: {  	[dreg:$0x3] =	wrdreg s24  }
0xb0: {  	[dreg:$0x4] =	wrdreg $0x0  }
0xb1: {  	[dreg:$0x5] =	wrdreg $0x9  }
0xb2: {  	_ =	task.clear_ibuf [dreg:s7], $0x6FFFF;
	_ =	strace $0x90000046  }
0xb3: {  	s29 =	simm.s32 $0x9;
	_ =	strace $0x80000048  }
0xb4: {  	_ =	swait.ge [sflag:s29], $0x1  }
0xb5: {  	[sflag:s29] =	ssyncadd.s32 $0xFFFFFFFF  }
0xb6: {  	_ =	strace $0x90000048  }
0xb7: {  	_ =	sfence  }
0xb8: {  	s30 =	sld [smem:$0x0];
	_ =	sdelay $0x2  }
0xb9: {  	s31 =	sshll.u32 s1, $0xD;
	s1 =	sshrl.u32 s1, $0x2  }
0xba: {  	s3 =	sand.u32 $0x4000, s31;
	s1 =	sadd.s32 s1, s30  }
0xbb: {  	s0 =	sor.u32 s3, s0;
	s1 =	sshll.u32 s1, $0x11  }
0xbc: {  	s0 =	sor.u32 s1, s0  }
0xbd: {  	s0 =	sadd.s32 $0x8F2B, s0  }
0xbe: {  	[sflag:s0] =	ssyncadd.remote.s32 $0x1  }
0xbf: {  	_ =	sfence.sel $0xFFFF  }
0xc0: {  	[dreg:$0x0] =	wrdreg $0xFFFFFFFF;
	(pc) =	sbr.abs _section_cstart, $3  }
0xc1: {  	[dreg:$0x1] =	wrdreg $0xFFFFFFFF  }
0xc2: {  	_ =	task.clear_ibuf [dreg:s7], $0x2FFFF;
	_ =	strace $0x9FFFFFFF  }
0xc3: {  	(tm) =	ssettm $0x7FFFFFFF  }
tec
execute0_lowered:
.L_overlay_start_1:
0x0: {  	(tag) =	ssettag $0x1  }
0x1: {  	s1 =	rddreg [dreg:$0x0]  }
0x2: {  	s0 =	rddreg [dreg:$0x1]  }
0x3: {  	s2 =	rddreg [dreg:$0x2];
	s4 =	simm.s32 $0x0;
	s12 =	stileid.u32  }
0x4: {  	s3 =	srdreg.scid;
	s28 =	simm.s32 $0x18800;
	s6 =	smul.u32 $0x14000, s12  }
0x5: {  	s29 =	simm.s32 $0x5;
	[smem:$0x7FF] =	sst s4;
	s11 =	smul.u32 $0x50000, s12  }
0x6: {  	s3 =	sand.u32 $0x1, s3;
	s8 =	sadd.s32 $0x2600, s0;
	s15 =	smul.u32 $0x3C00, s12  }
0x7: {  	s9 =	sadd.s32 $0x11600, s0;
	s5 =	smul.u32 $0x140000, s3;
	_ =	strace $0x80000047  }
0x8: {  	s7 =	sshll.u32 s3, $0x4;
	s30 =	ssub.s32 $0x2, s3;
	s3 =	smul.u32 $0x3C000, s3  }
0x9: {  	s7 =	sor.u32 s12, s7;
	s10 =	sshrl.u32 s30, $0x1;
	s13 =	sshrl.u32 s11, $0x2  }
0xa: {  	s12 =	simm.s32 $0x9;
	s5 =	sadd.s32 s6, s5;
	s7 =	smul.u32 $0x3C00, s7  }
0xb: {  	s11 =	sadd.s32 s13, s2;
	s3 =	sadd.s32 s15, s3;
	s13 =	simm.s32 $0x14800  }
0xc: {  	s15 =	simm.s32 $0xA;
	s5 =	sshrl.u32 s5, $0x3;
	s16 =	sadd.s32 $0x3800, s11  }
0xd: {  	s17 =	sadd.s32 $0x7000, s11;
	s18 =	sadd.s32 $0xA800, s11;
	[dreg:$0xa] =	wrdreg s11  }
0xe: {  	s19 =	sadd.s32 $0xE000, s11;
	s21 =	sadd.s32 $0x11800, s11;
	[dreg:$0xb] =	wrdreg s16  }
0xf: {  	s23 =	sadd.s32 $0x1000, s3;
	s3 =	sadd.s32 $0xC00, s3;
	[dreg:$0xc] =	wrdreg s17  }
0x10: {  	s11 =	simm.s32 $0x14000;
	s0 =	sadd.s32 s5, s0;
	[dreg:$0xd] =	wrdreg s18  }
0x11: {  	s5 =	ssub.s32 s30, s10;
	s31 =	sshrl.u32 s7, $0x3;
	[dreg:$0xe] =	wrdreg s19  }
0x12: {  	[dreg:$0xf] =	wrdreg s21;
	s3 =	sshrl.u32 s3, $0x3;
	s21 =	simm.s32 $0x15000  }
0x13: {  	s16 =	simm.s32 $0x14C00;
	s18 =	simm.s32 $0x2;
	s7 =	sadd.s32 s8, s31  }
0x14: {  	s14 =	sadd.s32 s9, s31;
	s20 =	sadd.s32 $0x80, s31;
	[dreg:$0x8] =	wrdreg s7  }
0x15: {  	s6 =	sadd.s32 $0x100, s31;
	s0 =	sadd.s32 $0x20600, s0;
	[dreg:$0x9] =	wrdreg s14  }
0x16: {  	s26 =	sadd.s32 s3, s9;
	s30 =	sadd.s32 s3, s8;
	[dreg:$0x14] =	wrdreg s0  }
0x17: {  	s31 =	smax.u32 s5, $0x1;
	s3 =	simm.s32 $0x1C000;
	[dreg:$0x6] =	wrdreg s26  }
0x18: {  	s5 =	simm.s32 $0x6;
	s22 =	sadd.s32 s8, s20;
	[dreg:$0x15] =	wrdreg s31  }
0x19: {  	s10 =	sadd.s32 s9, s20;
	s7 =	sshrl.u32 s23, $0x3;
	[dreg:$0x7] =	wrdreg s30  }
0x1a: {  	s24 =	sadd.s32 s8, s6;
	s6 =	sadd.s32 s9, s6;
	[dreg:$0x10] =	wrdreg s22  }
0x1b: {  	s23 =	simm.s32 $0x1;
	s14 =	simm.s32 $0x14400;
	[dreg:$0x11] =	wrdreg s10  }
0x1c: {  	[dreg:$0x12] =	wrdreg s24;
	s25 =	sadd.s32 s7, s9;
	s7 =	sadd.s32 s7, s8  }
0x1d: {  	[dreg:$0x13] =	wrdreg s6;
	s24 =	simm.s32 $0x3;
	s8 =	simm.s32 $0x8  }
0x1e: {  	s10 =	simm.s32 $0x7;
	s9 =	simm.s32 $0x0;
	[dreg:$0x4] =	wrdreg s25  }
0x1f: {  	v0 =	vimm.f32 $0.0e+00;
	[dreg:$0x5] =	wrdreg s7;
	s25 =	simm.s32 $0x70;
	s7 =	simm.s32 $0x4  }
.LBB2_1:
0x20: {  	[dreg:$0x16] =	wrdreg s9  }
0x21: {  	s0 =	rddreg [dreg:$0x8];
	s31 =	sand.u32 $0xFE00, s4  }
0x22: {  	[tilespmem:s11], [sflag:$0x1] =	stream.linear.gather [hbm4b:s0+s4], $0x300, $0x38;
	[tilespmem:$0x1F800] =	vst v63  }
0x23: {  	s30 =	rddreg [dreg:$0x9];
	s6 =	sand.u32 $0x70, s4;
	s26 =	sshrl.u32 s31, $0x2  }
0x24: {  	s0 =	simm.s32 $0x40;
	s6 =	sor.u32 s6, s26;
	s26 =	simm.s32 $0x0  }
0x25: {  	[tilespmem:s13], [sflag:$0x3] =	stream.linear.gather [hbm4b:s30+s4], $0x300, $0x38;
	[tilespmem:$0x1F800] =	vst v63  }
.LBB2_2:
0x26: {  	p0 =	sne.s32 s0, $0xDFC0  }
0x27: {  	[tilespmem:s6+$0x15000] =	vst v0;
	s26 =	sadd.s32 $0x10, s26;
	s6 =	smov.u32 s0;
	s0 =	sadd.s32 $0x40, s0  }
.Ltmp0:
0x28: {  	(pc) =	sbr.rel @p0 .LBB2_2-.Ltmp0, $4  }
0x29: {  	_ = 	snop  }
0x2a: {  	s6 =	sand.u32 $0xFE00, s6  }
0x2b: {  	s9 =	sand.u32 $0x70, s26;
	s6 =	sshrl.u32 s6, $0x2  }
0x2c: {  	s6 =	sor.u32 s9, s6  }
0x2d: {  	[tilespmem:s6+$0x15000] =	vst v0;
	s0 =	rddreg [dreg:$0xa];
	s22 =	simm.s32 $0xB  }
0x2e: {  	[spmem:s0] =	stream.linear.scatter [tilespmem:s21], [sflag:$0xB], $0x3800, $0x38;
	[tilespmem:$0x1F800] =	vst v63  }
0x2f: {  	_ =	swait.ge [sflag:s22], $0x3800  }
0x30: {  	[sflag:s22] =	ssyncset.done $0x0  }
0x31: {  	s26 =	rddreg [dreg:$0xb];
	[sflag:s22] =	ssyncadd.s32 $0xFFFFC800  }
0x32: {  	[spmem:s26] =	stream.linear.scatter [tilespmem:s21], [sflag:$0xB], $0x3800, $0x38;
	[tilespmem:$0x1F800] =	vst v63  }
0x33: {  	_ =	swait.ge [sflag:s22], $0x3800  }
0x34: {  	[sflag:s22] =	ssyncset.done $0x0  }
0x35: {  	s9 =	rddreg [dreg:$0xc];
	[sflag:s22] =	ssyncadd.s32 $0xFFFFC800  }
0x36: {  	[spmem:s9] =	stream.linear.scatter [tilespmem:s21], [sflag:$0xB], $0x3800, $0x38;
	[tilespmem:$0x1F800] =	vst v63  }
0x37: {  	_ =	swait.ge [sflag:s22], $0x3800  }
0x38: {  	[sflag:s22] =	ssyncset.done $0x0  }
0x39: {  	s17 =	rddreg [dreg:$0xd];
	[sflag:s22] =	ssyncadd.s32 $0xFFFFC800  }
0x3a: {  	[spmem:s17] =	stream.linear.scatter [tilespmem:s21], [sflag:$0xB], $0x3800, $0x38;
	[tilespmem:$0x1F800] =	vst v63  }
0x3b: {  	_ =	swait.ge [sflag:s22], $0x3800  }
0x3c: {  	[sflag:s22] =	ssyncset.done $0x0  }
0x3d: {  	s19 =	rddreg [dreg:$0xe];
	[sflag:s22] =	ssyncadd.s32 $0xFFFFC800  }
0x3e: {  	[spmem:s19] =	stream.linear.scatter [tilespmem:s21], [sflag:$0xB], $0x3800, $0x38;
	[tilespmem:$0x1F800] =	vst v63  }
0x3f: {  	_ =	swait.ge [sflag:s22], $0x3800  }
0x40: {  	[sflag:s22] =	ssyncset.done $0x0  }
0x41: {  	s20 =	rddreg [dreg:$0xf];
	[sflag:s22] =	ssyncadd.s32 $0xFFFFC800  }
0x42: {  	[spmem:s20] =	stream.linear.scatter [tilespmem:s21], [sflag:$0xB], $0x2800, $0x38;
	[tilespmem:$0x1F800] =	vst v63  }
0x43: {  	_ =	swait.ge [sflag:s22], $0x2800  }
0x44: {  	[sflag:s22] =	ssyncset.done $0x0  }
0x45: {  	[sflag:s22] =	ssyncadd.s32 $0xFFFFD800  }
0x46: {  	[bflag:$0x0] =	sbarrier.arrive $0xFFFF  }
0x47: {  	_ =	swait.ge [sflag:s23], $0x300  }
0x48: {  	[sflag:s23] =	ssyncset.done $0x0  }
0x49: {  	[sflag:s23] =	ssyncadd.s32 $0xFFFFFD00  }
0x4a: {  	_ =	swait.ge [sflag:s24], $0x300  }
0x4b: {  	[sflag:s24] =	ssyncset.done $0x0  }
0x4c: {  	[sflag:s24] =	ssyncadd.s32 $0xFFFFFD00  }
0x4d: {  	[tilespmem:s21], [sflag:$0x5] =	stream.indirect.gather [hbm4b:s1+s25], $0x80, s11, s25, $0xb8;
	[tilespmem:$0x1F800] =	vst v63  }
0x4e: {  	s9 =	simm.s32 $0x14080  }
0x4f: {  	[tilespmem:s28], [sflag:$0x6] =	stream.indirect.gather [hbm4b:s1+s25], $0x80, s9, s25, $0xb8;
	[tilespmem:$0x1F800] =	vst v63  }
0x50: {  	_ =	swait.ge [sflag:s29], $0x3800  }
0x51: {  	[sflag:s29] =	ssyncset.done $0x0  }
0x52: {  	[sflag:s29] =	ssyncadd.s32 $0xFFFFC800  }
0x53: {  	[spmem:s2] =	stream.indirect.scatter.add.f32 [tilespmem:s21], [sflag:$0x8], $0x80, s13, s25, $0xb8;
	[tilespmem:$0x1F800] =	vst v63  }
0x54: {  	s0 =	simm.s32 $0x0;
	s22 =	rddreg [dreg:$0x10]  }
0x55: {  	[tilespmem:s14], [sflag:$0x2] =	stream.linear.gather [hbm4b:s22+s0], $0x300, $0x38;
	[tilespmem:$0x1F800] =	vst v63  }
0x56: {  	s26 =	rddreg [dreg:$0x11]  }
0x57: {  	[tilespmem:s16], [sflag:$0x4] =	stream.linear.gather [hbm4b:s26+s0], $0x300, $0x38;
	[tilespmem:$0x1F800] =	vst v63  }
0x58: {  	s26 =	simm.s32 $0x14100  }
0x59: {  	[tilespmem:s3], [sflag:$0x7] =	stream.indirect.gather [hbm4b:s1+s25], $0x80, s26, s25, $0xb8;
	[tilespmem:$0x1F800] =	vst v63  }
0x5a: {  	_ =	swait.ge [sflag:s5], $0x3800  }
0x5b: {  	[sflag:s5] =	ssyncset.done $0x0  }
0x5c: {  	s22 =	simm.s32 $0x14880;
	[sflag:s5] =	ssyncadd.s32 $0xFFFFC800  }
0x5d: {  	[spmem:s2] =	stream.indirect.scatter.add.f32 [tilespmem:s28], [sflag:$0x9], $0x80, s22, s25, $0xb8;
	[tilespmem:$0x1F800] =	vst v63  }
0x5e: {  	_ =	swait.ge [sflag:s8], $0x3800  }
0x5f: {  	[sflag:s8] =	ssyncset.done $0x0  }
0x60: {  	s31 =	simm.s32 $0x14180;
	[sflag:s8] =	ssyncadd.s32 $0xFFFFC800  }
0x61: {  	[tilespmem:s21], [sflag:$0x5] =	stream.indirect.gather [hbm4b:s1+s25], $0x80, s31, s25, $0xb8;
	[tilespmem:$0x1F800] =	vst v63  }
0x62: {  	_ =	swait.ge [sflag:s10], $0x3800  }
0x63: {  	[sflag:s10] =	ssyncset.done $0x0  }
0x64: {  	s17 =	simm.s32 $0x14900;
	[sflag:s10] =	ssyncadd.s32 $0xFFFFC800  }
0x65: {  	[spmem:s2] =	stream.indirect.scatter.add.f32 [tilespmem:s3], [sflag:$0xA], $0x80, s17, s25, $0xb8;
	[tilespmem:$0x1F800] =	vst v63  }
0x66: {  	_ =	swait.ge [sflag:s12], $0x3800  }
0x67: {  	[sflag:s12] =	ssyncset.done $0x0  }
0x68: {  	s19 =	simm.s32 $0x14200;
	[sflag:s12] =	ssyncadd.s32 $0xFFFFC800  }
0x69: {  	[tilespmem:s28], [sflag:$0x6] =	stream.indirect.gather [hbm4b:s1+s25], $0x80, s19, s25, $0xb8;
	[tilespmem:$0x1F800] =	vst v63  }
0x6a: {  	_ =	swait.ge [sflag:s29], $0x3800  }
0x6b: {  	[sflag:s29] =	ssyncset.done $0x0  }
0x6c: {  	s20 =	simm.s32 $0x14980;
	[sflag:s29] =	ssyncadd.s32 $0xFFFFC800  }
0x6d: {  	[spmem:s2] =	stream.indirect.scatter.add.f32 [tilespmem:s21], [sflag:$0x8], $0x80, s20, s25, $0xb8;
	[tilespmem:$0x1F800] =	vst v63  }
0x6e: {  	_ =	swait.ge [sflag:s15], $0x3800  }
0x6f: {  	[sflag:s15] =	ssyncset.done $0x0  }
0x70: {  	s17 =	simm.s32 $0x14280;
	[sflag:s15] =	ssyncadd.s32 $0xFFFFC800  }
0x71: {  	[tilespmem:s3], [sflag:$0x7] =	stream.indirect.gather [hbm4b:s1+s25], $0x80, s17, s25, $0xb8;
	[tilespmem:$0x1F800] =	vst v63  }
0x72: {  	_ =	swait.ge [sflag:s5], $0x3800  }
0x73: {  	[sflag:s5] =	ssyncset.done $0x0  }
0x74: {  	s19 =	simm.s32 $0x14A00;
	[sflag:s5] =	ssyncadd.s32 $0xFFFFC800  }
0x75: {  	[spmem:s2] =	stream.indirect.scatter.add.f32 [tilespmem:s28], [sflag:$0x9], $0x80, s19, s25, $0xb8;
	[tilespmem:$0x1F800] =	vst v63  }
0x76: {  	_ =	swait.ge [sflag:s8], $0x3800  }
0x77: {  	[sflag:s8] =	ssyncset.done $0x0  }
0x78: {  	[sflag:s8] =	ssyncadd.s32 $0xFFFFC800  }
0x79: {  	_ =	swait.ge [sflag:s18], $0x300  }
0x7a: {  	[sflag:s18] =	ssyncset.done $0x0  }
0x7b: {  	[sflag:s18] =	ssyncadd.s32 $0xFFFFFD00  }
0x7c: {  	_ =	swait.ge [sflag:s7], $0x300  }
0x7d: {  	[sflag:s7] =	ssyncset.done $0x0  }
0x7e: {  	[sflag:s7] =	ssyncadd.s32 $0xFFFFFD00  }
0x7f: {  	[tilespmem:s21], [sflag:$0x5] =	stream.indirect.gather [hbm4b:s1+s25], $0x80, s14, s25, $0xb8;
	[tilespmem:$0x1F800] =	vst v63  }
0x80: {  	_ =	swait.ge [sflag:s10], $0x3800  }
0x81: {  	[sflag:s10] =	ssyncset.done $0x0  }
0x82: {  	s20 =	simm.s32 $0x14A80;
	[sflag:s10] =	ssyncadd.s32 $0xFFFFC800  }
0x83: {  	[spmem:s2] =	stream.indirect.scatter.add.f32 [tilespmem:s3], [sflag:$0xA], $0x80, s20, s25, $0xb8;
	[tilespmem:$0x1F800] =	vst v63  }
0x84: {  	_ =	swait.ge [sflag:s12], $0x3800  }
0x85: {  	[sflag:s12] =	ssyncset.done $0x0  }
0x86: {  	s17 =	simm.s32 $0x14480;
	[sflag:s12] =	ssyncadd.s32 $0xFFFFC800  }
0x87: {  	[tilespmem:s28], [sflag:$0x6] =	stream.indirect.gather [hbm4b:s1+s25], $0x80, s17, s25, $0xb8;
	[tilespmem:$0x1F800] =	vst v63  }
0x88: {  	_ =	swait.ge [sflag:s29], $0x3800  }
0x89: {  	[sflag:s29] =	ssyncset.done $0x0  }
0x8a: {  	[sflag:s29] =	ssyncadd.s32 $0xFFFFC800  }
0x8b: {  	[spmem:s2] =	stream.indirect.scatter.add.f32 [tilespmem:s21], [sflag:$0x8], $0x80, s16, s25, $0xb8;
	[tilespmem:$0x1F800] =	vst v63  }
0x8c: {  	_ =	swait.ge [sflag:s15], $0x3800  }
0x8d: {  	[sflag:s15] =	ssyncset.done $0x0  }
0x8e: {  	s19 =	rddreg [dreg:$0x12];
	[sflag:s15] =	ssyncadd.s32 $0xFFFFC800  }
0x8f: {  	[tilespmem:s11], [sflag:$0x1] =	stream.linear.gather [hbm4b:s19+s0], $0x300, $0x38;
	[tilespmem:$0x1F800] =	vst v63  }
0x90: {  	s20 =	rddreg [dreg:$0x13]  }
0x91: {  	[tilespmem:s13], [sflag:$0x3] =	stream.linear.gather [hbm4b:s20+s0], $0x300, $0x38;
	[tilespmem:$0x1F800] =	vst v63  }
0x92: {  	s17 =	simm.s32 $0x14500  }
0x93: {  	[tilespmem:s3], [sflag:$0x7] =	stream.indirect.gather [hbm4b:s1+s25], $0x80, s17, s25, $0xb8;
	[tilespmem:$0x1F800] =	vst v63  }
0x94: {  	_ =	swait.ge [sflag:s5], $0x3800  }
0x95: {  	[sflag:s5] =	ssyncset.done $0x0  }
0x96: {  	s19 =	simm.s32 $0x14C80;
	[sflag:s5] =	ssyncadd.s32 $0xFFFFC800  }
0x97: {  	[spmem:s2] =	stream.indirect.scatter.add.f32 [tilespmem:s28], [sflag:$0x9], $0x80, s19, s25, $0xb8;
	[tilespmem:$0x1F800] =	vst v63  }
0x98: {  	_ =	swait.ge [sflag:s8], $0x3800  }
0x99: {  	[sflag:s8] =	ssyncset.done $0x0  }
0x9a: {  	s20 =	simm.s32 $0x14580;
	[sflag:s8] =	ssyncadd.s32 $0xFFFFC800  }
0x9b: {  	[tilespmem:s21], [sflag:$0x5] =	stream.indirect.gather [hbm4b:s1+s25], $0x80, s20, s25, $0xb8;
	[tilespmem:$0x1F800] =	vst v63  }
0x9c: {  	_ =	swait.ge [sflag:s10], $0x3800  }
0x9d: {  	[sflag:s10] =	ssyncset.done $0x0  }
0x9e: {  	s30 =	simm.s32 $0x14D00;
	[sflag:s10] =	ssyncadd.s32 $0xFFFFC800  }
0x9f: {  	[spmem:s2] =	stream.indirect.scatter.add.f32 [tilespmem:s3], [sflag:$0xA], $0x80, s30, s25, $0xb8;
	[tilespmem:$0x1F800] =	vst v63  }
0xa0: {  	_ =	swait.ge [sflag:s12], $0x3800  }
0xa1: {  	[sflag:s12] =	ssyncset.done $0x0  }
0xa2: {  	s6 =	simm.s32 $0x14600;
	[sflag:s12] =	ssyncadd.s32 $0xFFFFC800  }
0xa3: {  	[tilespmem:s28], [sflag:$0x6] =	stream.indirect.gather [hbm4b:s1+s25], $0x80, s6, s25, $0xb8;
	[tilespmem:$0x1F800] =	vst v63  }
0xa4: {  	_ =	swait.ge [sflag:s29], $0x3800  }
0xa5: {  	[sflag:s29] =	ssyncset.done $0x0  }
0xa6: {  	s6 =	simm.s32 $0x14D80;
	[sflag:s29] =	ssyncadd.s32 $0xFFFFC800  }
0xa7: {  	[spmem:s2] =	stream.indirect.scatter.add.f32 [tilespmem:s21], [sflag:$0x8], $0x80, s6, s25, $0xb8;
	[tilespmem:$0x1F800] =	vst v63  }
0xa8: {  	_ =	swait.ge [sflag:s15], $0x3800  }
0xa9: {  	[sflag:s15] =	ssyncset.done $0x0  }
0xaa: {  	s6 =	simm.s32 $0x14680;
	[sflag:s15] =	ssyncadd.s32 $0xFFFFC800  }
0xab: {  	[tilespmem:s3], [sflag:$0x7] =	stream.indirect.gather [hbm4b:s1+s25], $0x80, s6, s25, $0xb8;
	[tilespmem:$0x1F800] =	vst v63  }
0xac: {  	_ =	swait.ge [sflag:s5], $0x3800  }
0xad: {  	[sflag:s5] =	ssyncset.done $0x0  }
0xae: {  	s6 =	simm.s32 $0x14E00;
	[sflag:s5] =	ssyncadd.s32 $0xFFFFC800  }
0xaf: {  	[spmem:s2] =	stream.indirect.scatter.add.f32 [tilespmem:s28], [sflag:$0x9], $0x80, s6, s25, $0xb8;
	[tilespmem:$0x1F800] =	vst v63  }
0xb0: {  	_ =	swait.ge [sflag:s8], $0x3800  }
0xb1: {  	[sflag:s8] =	ssyncset.done $0x0  }
0xb2: {  	[sflag:s8] =	ssyncadd.s32 $0xFFFFC800  }
0xb3: {  	_ =	swait.ge [sflag:s23], $0x300  }
0xb4: {  	[sflag:s23] =	ssyncset.done $0x0  }
0xb5: {  	[sflag:s23] =	ssyncadd.s32 $0xFFFFFD00  }
0xb6: {  	_ =	swait.ge [sflag:s24], $0x300  }
0xb7: {  	[sflag:s24] =	ssyncset.done $0x0  }
0xb8: {  	[sflag:s24] =	ssyncadd.s32 $0xFFFFFD00  }
0xb9: {  	[tilespmem:s21], [sflag:$0x5] =	stream.indirect.gather [hbm4b:s1+s25], $0x80, s11, s25, $0xb8;
	[tilespmem:$0x1F800] =	vst v63  }
0xba: {  	_ =	swait.ge [sflag:s10], $0x3800  }
0xbb: {  	[sflag:s10] =	ssyncset.done $0x0  }
0xbc: {  	s6 =	simm.s32 $0x14E80;
	[sflag:s10] =	ssyncadd.s32 $0xFFFFC800  }
0xbd: {  	[spmem:s2] =	stream.indirect.scatter.add.f32 [tilespmem:s3], [sflag:$0xA], $0x80, s6, s25, $0xb8;
	[tilespmem:$0x1F800] =	vst v63  }
0xbe: {  	_ =	swait.ge [sflag:s12], $0x3800  }
0xbf: {  	[sflag:s12] =	ssyncset.done $0x0  }
0xc0: {  	[sflag:s12] =	ssyncadd.s32 $0xFFFFC800  }
0xc1: {  	[tilespmem:s28], [sflag:$0x6] =	stream.indirect.gather [hbm4b:s1+s25], $0x80, s9, s25, $0xb8;
	[tilespmem:$0x1F800] =	vst v63  }
0xc2: {  	_ =	swait.ge [sflag:s29], $0x3800  }
0xc3: {  	[sflag:s29] =	ssyncset.done $0x0  }
0xc4: {  	[sflag:s29] =	ssyncadd.s32 $0xFFFFC800  }
0xc5: {  	[spmem:s2] =	stream.indirect.scatter.add.f32 [tilespmem:s21], [sflag:$0x8], $0x80, s13, s25, $0xb8;
	[tilespmem:$0x1F800] =	vst v63  }
0xc6: {  	_ =	swait.ge [sflag:s15], $0x3800  }
0xc7: {  	s0 =	rddreg [dreg:$0x7];
	[sflag:s15] =	ssyncset.done $0x0  }
0xc8: {  	s6 =	rddreg [dreg:$0x6];
	[sflag:s15] =	ssyncadd.s32 $0xFFFFC800;
	s0 =	sadd.s32 $0x0, s0  }
0xc9: {  	[tilespmem:s14], [sflag:$0x2] =	stream.linear.gather [hbm4b:s0+s4], $0x300, $0x38;
	[tilespmem:$0x1F800] =	vst v63  }
0xca: {  	s6 =	sadd.s32 $0x0, s6  }
0xcb: {  	[tilespmem:s16], [sflag:$0x4] =	stream.linear.gather [hbm4b:s6+s4], $0x300, $0x38;
	[tilespmem:$0x1F800] =	vst v63  }
0xcc: {  	_ = 	snop  }
0xcd: {  	[tilespmem:s3], [sflag:$0x7] =	stream.indirect.gather [hbm4b:s1+s25], $0x80, s26, s25, $0xb8;
	[tilespmem:$0x1F800] =	vst v63  }
0xce: {  	_ =	swait.ge [sflag:s5], $0x3800  }
0xcf: {  	[sflag:s5] =	ssyncset.done $0x0  }
0xd0: {  	[sflag:s5] =	ssyncadd.s32 $0xFFFFC800  }
0xd1: {  	[spmem:s2] =	stream.indirect.scatter.add.f32 [tilespmem:s28], [sflag:$0x9], $0x80, s22, s25, $0xb8;
	[tilespmem:$0x1F800] =	vst v63  }
0xd2: {  	_ =	swait.ge [sflag:s8], $0x3800  }
0xd3: {  	[sflag:s8] =	ssyncset.done $0x0  }
0xd4: {  	[sflag:s8] =	ssyncadd.s32 $0xFFFFC800  }
0xd5: {  	[tilespmem:s21], [sflag:$0x5] =	stream.indirect.gather [hbm4b:s1+s25], $0x80, s31, s25, $0xb8;
	[tilespmem:$0x1F800] =	vst v63  }
0xd6: {  	_ =	swait.ge [sflag:s10], $0x3800  }
0xd7: {  	[sflag:s10] =	ssyncset.done $0x0  }
0xd8: {  	s6 =	simm.s32 $0x14900;
	[sflag:s10] =	ssyncadd.s32 $0xFFFFC800  }
0xd9: {  	[spmem:s2] =	stream.indirect.scatter.add.f32 [tilespmem:s3], [sflag:$0xA], $0x80, s6, s25, $0xb8;
	[tilespmem:$0x1F800] =	vst v63  }
0xda: {  	_ =	swait.ge [sflag:s12], $0x3800  }
0xdb: {  	[sflag:s12] =	ssyncset.done $0x0  }
0xdc: {  	s22 =	simm.s32 $0x14200;
	[sflag:s12] =	ssyncadd.s32 $0xFFFFC800  }
0xdd: {  	[tilespmem:s28], [sflag:$0x6] =	stream.indirect.gather [hbm4b:s1+s25], $0x80, s22, s25, $0xb8;
	[tilespmem:$0x1F800] =	vst v63  }
0xde: {  	_ =	swait.ge [sflag:s29], $0x3800  }
0xdf: {  	[sflag:s29] =	ssyncset.done $0x0  }
0xe0: {  	s26 =	simm.s32 $0x14980;
	[sflag:s29] =	ssyncadd.s32 $0xFFFFC800  }
0xe1: {  	[spmem:s2] =	stream.indirect.scatter.add.f32 [tilespmem:s21], [sflag:$0x8], $0x80, s26, s25, $0xb8;
	[tilespmem:$0x1F800] =	vst v63  }
0xe2: {  	_ =	swait.ge [sflag:s15], $0x3800  }
0xe3: {  	[sflag:s15] =	ssyncset.done $0x0  }
0xe4: {  	s6 =	simm.s32 $0x14280;
	[sflag:s15] =	ssyncadd.s32 $0xFFFFC800  }
0xe5: {  	[tilespmem:s3], [sflag:$0x7] =	stream.indirect.gather [hbm4b:s1+s25], $0x80, s6, s25, $0xb8;
	[tilespmem:$0x1F800] =	vst v63  }
0xe6: {  	_ =	swait.ge [sflag:s5], $0x3800  }
0xe7: {  	[sflag:s5] =	ssyncset.done $0x0  }
0xe8: {  	s22 =	simm.s32 $0x14A00;
	[sflag:s5] =	ssyncadd.s32 $0xFFFFC800  }
0xe9: {  	[spmem:s2] =	stream.indirect.scatter.add.f32 [tilespmem:s28], [sflag:$0x9], $0x80, s22, s25, $0xb8;
	[tilespmem:$0x1F800] =	vst v63  }
0xea: {  	_ =	swait.ge [sflag:s8], $0x3800  }
0xeb: {  	[sflag:s8] =	ssyncset.done $0x0  }
0xec: {  	[sflag:s8] =	ssyncadd.s32 $0xFFFFC800  }
0xed: {  	_ =	swait.ge [sflag:s18], $0x300  }
0xee: {  	[sflag:s18] =	ssyncset.done $0x0  }
0xef: {  	[sflag:s18] =	ssyncadd.s32 $0xFFFFFD00  }
0xf0: {  	_ =	swait.ge [sflag:s7], $0x300  }
0xf1: {  	[sflag:s7] =	ssyncset.done $0x0  }
0xf2: {  	[sflag:s7] =	ssyncadd.s32 $0xFFFFFD00  }
0xf3: {  	[tilespmem:s21], [sflag:$0x5] =	stream.indirect.gather [hbm4b:s1+s25], $0x80, s14, s25, $0xb8;
	[tilespmem:$0x1F800] =	vst v63  }
0xf4: {  	_ =	swait.ge [sflag:s10], $0x3800  }
0xf5: {  	[sflag:s10] =	ssyncset.done $0x0  }
0xf6: {  	s26 =	simm.s32 $0x14A80;
	[sflag:s10] =	ssyncadd.s32 $0xFFFFC800  }
0xf7: {  	[spmem:s2] =	stream.indirect.scatter.add.f32 [tilespmem:s3], [sflag:$0xA], $0x80, s26, s25, $0xb8;
	[tilespmem:$0x1F800] =	vst v63  }
0xf8: {  	_ =	swait.ge [sflag:s12], $0x3800  }
0xf9: {  	[sflag:s12] =	ssyncset.done $0x0  }
0xfa: {  	s6 =	simm.s32 $0x14480;
	[sflag:s12] =	ssyncadd.s32 $0xFFFFC800  }
0xfb: {  	[tilespmem:s28], [sflag:$0x6] =	stream.indirect.gather [hbm4b:s1+s25], $0x80, s6, s25, $0xb8;
	[tilespmem:$0x1F800] =	vst v63  }
0xfc: {  	_ =	swait.ge [sflag:s29], $0x3800  }
0xfd: {  	[sflag:s29] =	ssyncset.done $0x0  }
0xfe: {  	[sflag:s29] =	ssyncadd.s32 $0xFFFFC800  }
0xff: {  	[spmem:s2] =	stream.indirect.scatter.add.f32 [tilespmem:s21], [sflag:$0x8], $0x80, s16, s25, $0xb8;
	[tilespmem:$0x1F800] =	vst v63  }
0x100: {  	_ =	swait.ge [sflag:s15], $0x3800  }
0x101: {  	s14 =	rddreg [dreg:$0x5];
	[sflag:s15] =	ssyncset.done $0x0  }
0x102: {  	s16 =	rddreg [dreg:$0x4];
	[sflag:s15] =	ssyncadd.s32 $0xFFFFC800;
	s0 =	sadd.s32 $0x0, s14  }
0x103: {  	[tilespmem:s11], [sflag:$0x1] =	stream.linear.gather [hbm4b:s0+s4], $0x300, $0x38;
	[tilespmem:$0x1F800] =	vst v63  }
0x104: {  	s22 =	sadd.s32 $0x0, s16  }
0x105: {  	[tilespmem:s13], [sflag:$0x3] =	stream.linear.gather [hbm4b:s22+s4], $0x300, $0x38;
	[tilespmem:$0x1F800] =	vst v63  }
0x106: {  	_ = 	snop  }
0x107: {  	[tilespmem:s3], [sflag:$0x7] =	stream.indirect.gather [hbm4b:s1+s25], $0x80, s17, s25, $0xb8;
	[tilespmem:$0x1F800] =	vst v63  }
0x108: {  	_ =	swait.ge [sflag:s5], $0x3800  }
0x109: {  	[sflag:s5] =	ssyncset.done $0x0  }
0x10a: {  	[sflag:s5] =	ssyncadd.s32 $0xFFFFC800  }
0x10b: {  	[spmem:s2] =	stream.indirect.scatter.add.f32 [tilespmem:s28], [sflag:$0x9], $0x80, s19, s25, $0xb8;
	[tilespmem:$0x1F800] =	vst v63  }
0x10c: {  	_ =	swait.ge [sflag:s8], $0x3800  }
0x10d: {  	[sflag:s8] =	ssyncset.done $0x0  }
0x10e: {  	[sflag:s8] =	ssyncadd.s32 $0xFFFFC800  }
0x10f: {  	[tilespmem:s21], [sflag:$0x5] =	stream.indirect.gather [hbm4b:s1+s25], $0x80, s20, s25, $0xb8;
	[tilespmem:$0x1F800] =	vst v63  }
0x110: {  	_ =	swait.ge [sflag:s10], $0x3800  }
0x111: {  	[sflag:s10] =	ssyncset.done $0x0  }
0x112: {  	[sflag:s10] =	ssyncadd.s32 $0xFFFFC800  }
0x113: {  	[spmem:s2] =	stream.indirect.scatter.add.f32 [tilespmem:s3], [sflag:$0xA], $0x80, s30, s25, $0xb8;
	[tilespmem:$0x1F800] =	vst v63  }
0x114: {  	_ =	swait.ge [sflag:s12], $0x3800  }
0x115: {  	[sflag:s12] =	ssyncset.done $0x0  }
0x116: {  	s26 =	simm.s32 $0x14600;
	[sflag:s12] =	ssyncadd.s32 $0xFFFFC800  }
0x117: {  	[tilespmem:s28], [sflag:$0x6] =	stream.indirect.gather [hbm4b:s1+s25], $0x80, s26, s25, $0xb8;
	[tilespmem:$0x1F800] =	vst v63  }
0x118: {  	_ =	swait.ge [sflag:s29], $0x3800  }
0x119: {  	[sflag:s29] =	ssyncset.done $0x0  }
0x11a: {  	s6 =	simm.s32 $0x14D80;
	[sflag:s29] =	ssyncadd.s32 $0xFFFFC800  }
0x11b: {  	[spmem:s2] =	stream.indirect.scatter.add.f32 [tilespmem:s21], [sflag:$0x8], $0x80, s6, s25, $0xb8;
	[tilespmem:$0x1F800] =	vst v63  }
0x11c: {  	_ =	swait.ge [sflag:s15], $0x3800  }
0x11d: {  	[sflag:s15] =	ssyncset.done $0x0  }
0x11e: {  	s16 =	simm.s32 $0x14680;
	[sflag:s15] =	ssyncadd.s32 $0xFFFFC800  }
0x11f: {  	[tilespmem:s3], [sflag:$0x7] =	stream.indirect.gather [hbm4b:s1+s25], $0x80, s16, s25, $0xb8;
	[tilespmem:$0x1F800] =	vst v63  }
0x120: {  	_ =	swait.ge [sflag:s5], $0x3800  }
0x121: {  	[sflag:s5] =	ssyncset.done $0x0  }
0x122: {  	s17 =	simm.s32 $0x14E00;
	[sflag:s5] =	ssyncadd.s32 $0xFFFFC800  }
0x123: {  	[spmem:s2] =	stream.indirect.scatter.add.f32 [tilespmem:s28], [sflag:$0x9], $0x80, s17, s25, $0xb8;
	[tilespmem:$0x1F800] =	vst v63  }
0x124: {  	_ =	swait.ge [sflag:s8], $0x3800  }
0x125: {  	[sflag:s8] =	ssyncset.done $0x0  }
0x126: {  	[sflag:s8] =	ssyncadd.s32 $0xFFFFC800  }
0x127: {  	_ =	swait.ge [sflag:s23], $0x300  }
0x128: {  	[sflag:s23] =	ssyncset.done $0x0  }
0x129: {  	[sflag:s23] =	ssyncadd.s32 $0xFFFFFD00  }
0x12a: {  	_ =	swait.ge [sflag:s24], $0x300  }
0x12b: {  	[sflag:s24] =	ssyncset.done $0x0  }
0x12c: {  	s13 =	simm.s32 $0x14000;
	[sflag:s24] =	ssyncadd.s32 $0xFFFFFD00  }
0x12d: {  	[tilespmem:s21], [sflag:$0x5] =	stream.indirect.gather [hbm4b:s1+s25], $0x80, s13, s25, $0xb8;
	[tilespmem:$0x1F800] =	vst v63  }
0x12e: {  	s31 =	simm.s32 $0x14400;
	_ =	swait.ge [sflag:s10], $0x3800  }
0x12f: {  	s14 =	simm.s32 $0x14C00;
	s11 =	simm.s32 $0x14600;
	[sflag:s10] =	ssyncset.done $0x0  }
0x130: {  	s22 =	simm.s32 $0x14D00;
	s26 =	simm.s32 $0x14E80;
	[sflag:s10] =	ssyncadd.s32 $0xFFFFC800  }
0x131: {  	[spmem:s2] =	stream.indirect.scatter.add.f32 [tilespmem:s3], [sflag:$0xA], $0x80, s26, s25, $0xb8;
	[tilespmem:$0x1F800] =	vst v63  }
0x132: {  	s19 =	simm.s32 $0x14D80;
	s20 =	simm.s32 $0x14680;
	_ =	swait.ge [sflag:s12], $0x3800  }
0x133: {  	s30 =	simm.s32 $0x14800;
	s16 =	simm.s32 $0x14E00;
	[sflag:s12] =	ssyncset.done $0x0  }
0x134: {  	s17 =	simm.s32 $0x14E80;
	s26 =	simm.s32 $0x100;
	[sflag:s12] =	ssyncadd.s32 $0xFFFFC800  }
.LBB2_4:
0x135: {  	[tilespmem:s28], [sflag:$0x6] =	stream.indirect.gather [hbm4b:s1+s25], $0x80, s9, s25, $0xb8;
	[tilespmem:$0x1F800] =	vst v63  }
0x136: {  	_ =	swait.ge [sflag:s29], $0x3800  }
0x137: {  	[sflag:s29] =	ssyncset.done $0x0  }
0x138: {  	[sflag:s29] =	ssyncadd.s32 $0xFFFFC800  }
0x139: {  	[spmem:s2] =	stream.indirect.scatter.add.f32 [tilespmem:s21], [sflag:$0x8], $0x80, s30, s25, $0xb8;
	[tilespmem:$0x1F800] =	vst v63  }
0x13a: {  	_ =	swait.ge [sflag:s15], $0x3800  }
0x13b: {  	s0 =	smov.u32 s26;
	s6 =	rddreg [dreg:$0x7];
	[sflag:s15] =	ssyncset.done $0x0  }
0x13c: {  	s9 =	rddreg [dreg:$0x6];
	[sflag:s15] =	ssyncadd.s32 $0xFFFFC800;
	s6 =	sadd.s32 s0, s6  }
0x13d: {  	[tilespmem:s31], [sflag:$0x2] =	stream.linear.gather [hbm4b:s6+s4], $0x300, $0x38;
	[tilespmem:$0x1F800] =	vst v63  }
0x13e: {  	s9 =	sadd.s32 s0, s9  }
0x13f: {  	[tilespmem:s14], [sflag:$0x4] =	stream.linear.gather [hbm4b:s9+s4], $0x300, $0x38;
	[tilespmem:$0x1F800] =	vst v63  }
0x140: {  	s9 =	simm.s32 $0x14100  }
0x141: {  	[tilespmem:s3], [sflag:$0x7] =	stream.indirect.gather [hbm4b:s1+s25], $0x80, s9, s25, $0xb8;
	[tilespmem:$0x1F800] =	vst v63  }
0x142: {  	_ =	swait.ge [sflag:s5], $0x3800  }
0x143: {  	[sflag:s5] =	ssyncset.done $0x0  }
0x144: {  	s9 =	simm.s32 $0x14880;
	[sflag:s5] =	ssyncadd.s32 $0xFFFFC800  }
0x145: {  	[spmem:s2] =	stream.indirect.scatter.add.f32 [tilespmem:s28], [sflag:$0x9], $0x80, s9, s25, $0xb8;
	[tilespmem:$0x1F800] =	vst v63  }
0x146: {  	_ =	swait.ge [sflag:s8], $0x3800  }
0x147: {  	[sflag:s8] =	ssyncset.done $0x0  }
0x148: {  	s9 =	simm.s32 $0x14180;
	[sflag:s8] =	ssyncadd.s32 $0xFFFFC800  }
0x149: {  	[tilespmem:s21], [sflag:$0x5] =	stream.indirect.gather [hbm4b:s1+s25], $0x80, s9, s25, $0xb8;
	[tilespmem:$0x1F800] =	vst v63  }
0x14a: {  	_ =	swait.ge [sflag:s10], $0x3800  }
0x14b: {  	[sflag:s10] =	ssyncset.done $0x0  }
0x14c: {  	s9 =	simm.s32 $0x14900;
	[sflag:s10] =	ssyncadd.s32 $0xFFFFC800  }
0x14d: {  	[spmem:s2] =	stream.indirect.scatter.add.f32 [tilespmem:s3], [sflag:$0xA], $0x80, s9, s25, $0xb8;
	[tilespmem:$0x1F800] =	vst v63  }
0x14e: {  	_ =	swait.ge [sflag:s12], $0x3800  }
0x14f: {  	[sflag:s12] =	ssyncset.done $0x0  }
0x150: {  	s9 =	simm.s32 $0x14200;
	[sflag:s12] =	ssyncadd.s32 $0xFFFFC800  }
0x151: {  	[tilespmem:s28], [sflag:$0x6] =	stream.indirect.gather [hbm4b:s1+s25], $0x80, s9, s25, $0xb8;
	[tilespmem:$0x1F800] =	vst v63  }
0x152: {  	_ =	swait.ge [sflag:s29], $0x3800  }
0x153: {  	[sflag:s29] =	ssyncset.done $0x0  }
0x154: {  	s9 =	simm.s32 $0x14980;
	[sflag:s29] =	ssyncadd.s32 $0xFFFFC800  }
0x155: {  	[spmem:s2] =	stream.indirect.scatter.add.f32 [tilespmem:s21], [sflag:$0x8], $0x80, s9, s25, $0xb8;
	[tilespmem:$0x1F800] =	vst v63  }
0x156: {  	_ =	swait.ge [sflag:s15], $0x3800  }
0x157: {  	[sflag:s15] =	ssyncset.done $0x0  }
0x158: {  	s9 =	simm.s32 $0x14280;
	[sflag:s15] =	ssyncadd.s32 $0xFFFFC800  }
0x159: {  	[tilespmem:s3], [sflag:$0x7] =	stream.indirect.gather [hbm4b:s1+s25], $0x80, s9, s25, $0xb8;
	[tilespmem:$0x1F800] =	vst v63  }
0x15a: {  	_ =	swait.ge [sflag:s5], $0x3800  }
0x15b: {  	[sflag:s5] =	ssyncset.done $0x0  }
0x15c: {  	s9 =	simm.s32 $0x14A00;
	[sflag:s5] =	ssyncadd.s32 $0xFFFFC800  }
0x15d: {  	[spmem:s2] =	stream.indirect.scatter.add.f32 [tilespmem:s28], [sflag:$0x9], $0x80, s9, s25, $0xb8;
	[tilespmem:$0x1F800] =	vst v63  }
0x15e: {  	_ =	swait.ge [sflag:s8], $0x3800  }
0x15f: {  	[sflag:s8] =	ssyncset.done $0x0  }
0x160: {  	[sflag:s8] =	ssyncadd.s32 $0xFFFFC800  }
0x161: {  	_ =	swait.ge [sflag:s18], $0x300  }
0x162: {  	[sflag:s18] =	ssyncset.done $0x0  }
0x163: {  	[sflag:s18] =	ssyncadd.s32 $0xFFFFFD00  }
0x164: {  	_ =	swait.ge [sflag:s7], $0x300  }
0x165: {  	[sflag:s7] =	ssyncset.done $0x0  }
0x166: {  	[sflag:s7] =	ssyncadd.s32 $0xFFFFFD00  }
0x167: {  	[tilespmem:s21], [sflag:$0x5] =	stream.indirect.gather [hbm4b:s1+s25], $0x80, s31, s25, $0xb8;
	[tilespmem:$0x1F800] =	vst v63  }
0x168: {  	_ =	swait.ge [sflag:s10], $0x3800  }
0x169: {  	[sflag:s10] =	ssyncset.done $0x0  }
0x16a: {  	s9 =	simm.s32 $0x14A80;
	[sflag:s10] =	ssyncadd.s32 $0xFFFFC800  }
0x16b: {  	[spmem:s2] =	stream.indirect.scatter.add.f32 [tilespmem:s3], [sflag:$0xA], $0x80, s9, s25, $0xb8;
	[tilespmem:$0x1F800] =	vst v63  }
0x16c: {  	_ =	swait.ge [sflag:s12], $0x3800  }
0x16d: {  	[sflag:s12] =	ssyncset.done $0x0  }
0x16e: {  	s9 =	simm.s32 $0x14480;
	[sflag:s12] =	ssyncadd.s32 $0xFFFFC800  }
0x16f: {  	[tilespmem:s28], [sflag:$0x6] =	stream.indirect.gather [hbm4b:s1+s25], $0x80, s9, s25, $0xb8;
	[tilespmem:$0x1F800] =	vst v63  }
0x170: {  	_ =	swait.ge [sflag:s29], $0x3800  }
0x171: {  	[sflag:s29] =	ssyncset.done $0x0  }
0x172: {  	[sflag:s29] =	ssyncadd.s32 $0xFFFFC800  }
0x173: {  	[spmem:s2] =	stream.indirect.scatter.add.f32 [tilespmem:s21], [sflag:$0x8], $0x80, s14, s25, $0xb8;
	[tilespmem:$0x1F800] =	vst v63  }
0x174: {  	_ =	swait.ge [sflag:s15], $0x3800  }
0x175: {  	s6 =	rddreg [dreg:$0x5];
	[sflag:s15] =	ssyncset.done $0x0  }
0x176: {  	s9 =	rddreg [dreg:$0x4];
	[sflag:s15] =	ssyncadd.s32 $0xFFFFC800;
	s6 =	sadd.s32 s0, s6  }
0x177: {  	[tilespmem:s13], [sflag:$0x1] =	stream.linear.gather [hbm4b:s6+s4], $0x300, $0x38;
	[tilespmem:$0x1F800] =	vst v63  }
0x178: {  	s0 =	sadd.s32 s0, s9  }
0x179: {  	[tilespmem:s30], [sflag:$0x3] =	stream.linear.gather [hbm4b:s0+s4], $0x300, $0x38;
	[tilespmem:$0x1F800] =	vst v63  }
0x17a: {  	s6 =	simm.s32 $0x14500  }
0x17b: {  	[tilespmem:s3], [sflag:$0x7] =	stream.indirect.gather [hbm4b:s1+s25], $0x80, s6, s25, $0xb8;
	[tilespmem:$0x1F800] =	vst v63  }
0x17c: {  	_ =	swait.ge [sflag:s5], $0x3800  }
0x17d: {  	[sflag:s5] =	ssyncset.done $0x0  }
0x17e: {  	s6 =	simm.s32 $0x14C80;
	[sflag:s5] =	ssyncadd.s32 $0xFFFFC800  }
0x17f: {  	[spmem:s2] =	stream.indirect.scatter.add.f32 [tilespmem:s28], [sflag:$0x9], $0x80, s6, s25, $0xb8;
	[tilespmem:$0x1F800] =	vst v63  }
0x180: {  	_ =	swait.ge [sflag:s8], $0x3800  }
0x181: {  	[sflag:s8] =	ssyncset.done $0x0  }
0x182: {  	s6 =	simm.s32 $0x14580;
	[sflag:s8] =	ssyncadd.s32 $0xFFFFC800  }
0x183: {  	[tilespmem:s21], [sflag:$0x5] =	stream.indirect.gather [hbm4b:s1+s25], $0x80, s6, s25, $0xb8;
	[tilespmem:$0x1F800] =	vst v63  }
0x184: {  	_ =	swait.ge [sflag:s10], $0x3800  }
0x185: {  	[sflag:s10] =	ssyncset.done $0x0  }
0x186: {  	[sflag:s10] =	ssyncadd.s32 $0xFFFFC800  }
0x187: {  	[spmem:s2] =	stream.indirect.scatter.add.f32 [tilespmem:s3], [sflag:$0xA], $0x80, s22, s25, $0xb8;
	[tilespmem:$0x1F800] =	vst v63  }
0x188: {  	_ =	swait.ge [sflag:s12], $0x3800  }
0x189: {  	[sflag:s12] =	ssyncset.done $0x0  }
0x18a: {  	[sflag:s12] =	ssyncadd.s32 $0xFFFFC800  }
0x18b: {  	[tilespmem:s28], [sflag:$0x6] =	stream.indirect.gather [hbm4b:s1+s25], $0x80, s11, s25, $0xb8;
	[tilespmem:$0x1F800] =	vst v63  }
0x18c: {  	_ =	swait.ge [sflag:s29], $0x3800  }
0x18d: {  	[sflag:s29] =	ssyncset.done $0x0  }
0x18e: {  	[sflag:s29] =	ssyncadd.s32 $0xFFFFC800  }
0x18f: {  	[spmem:s2] =	stream.indirect.scatter.add.f32 [tilespmem:s21], [sflag:$0x8], $0x80, s19, s25, $0xb8;
	[tilespmem:$0x1F800] =	vst v63  }
0x190: {  	_ =	swait.ge [sflag:s15], $0x3800  }
0x191: {  	[sflag:s15] =	ssyncset.done $0x0  }
0x192: {  	[sflag:s15] =	ssyncadd.s32 $0xFFFFC800  }
0x193: {  	[tilespmem:s3], [sflag:$0x7] =	stream.indirect.gather [hbm4b:s1+s25], $0x80, s20, s25, $0xb8;
	[tilespmem:$0x1F800] =	vst v63  }
0x194: {  	_ =	swait.ge [sflag:s5], $0x3800  }
0x195: {  	[sflag:s5] =	ssyncset.done $0x0  }
0x196: {  	[sflag:s5] =	ssyncadd.s32 $0xFFFFC800  }
0x197: {  	[spmem:s2] =	stream.indirect.scatter.add.f32 [tilespmem:s28], [sflag:$0x9], $0x80, s16, s25, $0xb8;
	[tilespmem:$0x1F800] =	vst v63  }
0x198: {  	_ =	swait.ge [sflag:s8], $0x3800  }
0x199: {  	[sflag:s8] =	ssyncset.done $0x0  }
0x19a: {  	[sflag:s8] =	ssyncadd.s32 $0xFFFFC800  }
0x19b: {  	_ =	swait.ge [sflag:s23], $0x300  }
0x19c: {  	[sflag:s23] =	ssyncset.done $0x0  }
0x19d: {  	[sflag:s23] =	ssyncadd.s32 $0xFFFFFD00  }
0x19e: {  	_ =	swait.ge [sflag:s24], $0x300  }
0x19f: {  	[sflag:s24] =	ssyncset.done $0x0  }
0x1a0: {  	[sflag:s24] =	ssyncadd.s32 $0xFFFFFD00  }
0x1a1: {  	[tilespmem:s21], [sflag:$0x5] =	stream.indirect.gather [hbm4b:s1+s25], $0x80, s13, s25, $0xb8;
	[tilespmem:$0x1F800] =	vst v63  }
0x1a2: {  	_ =	swait.ge [sflag:s10], $0x3800  }
0x1a3: {  	p0 =	sne.s32 s26, $0x500;
	[sflag:s10] =	ssyncset.done $0x0  }
.Ltmp1:
0x1a4: {  	[sflag:s10] =	ssyncadd.s32 $0xFFFFC800;
	(pc) =	sbr.rel @p0 .LBB2_4-.Ltmp1, $4  }
0x1a5: {  	[spmem:s2] =	stream.indirect.scatter.add.f32 [tilespmem:s3], [sflag:$0xA], $0x80, s17, s25, $0xb8;
	[tilespmem:$0x1F800] =	vst v63  }
0x1a6: {  	_ =	swait.ge [sflag:s12], $0x3800  }
0x1a7: {  	[sflag:s12] =	ssyncset.done $0x0  }
0x1a8: {  	s26 =	sadd.s32 $0x100, s26;
	s9 =	simm.s32 $0x14080;
	[sflag:s12] =	ssyncadd.s32 $0xFFFFC800  }
0x1a9: {  	[tilespmem:s28], [sflag:$0x6] =	stream.indirect.gather [hbm4b:s1+s25], $0x80, s9, s25, $0xb8;
	[tilespmem:$0x1F800] =	vst v63  }
0x1aa: {  	_ =	swait.ge [sflag:s29], $0x3800  }
0x1ab: {  	[sflag:s29] =	ssyncset.done $0x0  }
0x1ac: {  	[sflag:s29] =	ssyncadd.s32 $0xFFFFC800  }
0x1ad: {  	[spmem:s2] =	stream.indirect.scatter.add.f32 [tilespmem:s21], [sflag:$0x8], $0x80, s30, s25, $0xb8;
	[tilespmem:$0x1F800] =	vst v63  }
0x1ae: {  	_ =	swait.ge [sflag:s15], $0x3800  }
0x1af: {  	[sflag:s15] =	ssyncset.done $0x0  }
0x1b0: {  	s0 =	simm.s32 $0x14100;
	[sflag:s15] =	ssyncadd.s32 $0xFFFFC800  }
0x1b1: {  	[tilespmem:s3], [sflag:$0x7] =	stream.indirect.gather [hbm4b:s1+s25], $0x80, s0, s25, $0xb8;
	[tilespmem:$0x1F800] =	vst v63  }
0x1b2: {  	_ =	swait.ge [sflag:s5], $0x3800  }
0x1b3: {  	[sflag:s5] =	ssyncset.done $0x0  }
0x1b4: {  	s6 =	simm.s32 $0x14880;
	[sflag:s5] =	ssyncadd.s32 $0xFFFFC800  }
0x1b5: {  	[spmem:s2] =	stream.indirect.scatter.add.f32 [tilespmem:s28], [sflag:$0x9], $0x80, s6, s25, $0xb8;
	[tilespmem:$0x1F800] =	vst v63  }
0x1b6: {  	_ =	swait.ge [sflag:s8], $0x3800  }
0x1b7: {  	[sflag:s8] =	ssyncset.done $0x0  }
0x1b8: {  	s9 =	simm.s32 $0x14180;
	[sflag:s8] =	ssyncadd.s32 $0xFFFFC800  }
0x1b9: {  	[tilespmem:s21], [sflag:$0x5] =	stream.indirect.gather [hbm4b:s1+s25], $0x80, s9, s25, $0xb8;
	[tilespmem:$0x1F800] =	vst v63  }
0x1ba: {  	_ =	swait.ge [sflag:s10], $0x3800  }
0x1bb: {  	[sflag:s10] =	ssyncset.done $0x0  }
0x1bc: {  	s11 =	simm.s32 $0x14900;
	[sflag:s10] =	ssyncadd.s32 $0xFFFFC800  }
0x1bd: {  	[spmem:s2] =	stream.indirect.scatter.add.f32 [tilespmem:s3], [sflag:$0xA], $0x80, s11, s25, $0xb8;
	[tilespmem:$0x1F800] =	vst v63  }
0x1be: {  	_ =	swait.ge [sflag:s12], $0x3800  }
0x1bf: {  	[sflag:s12] =	ssyncset.done $0x0  }
0x1c0: {  	s13 =	simm.s32 $0x14200;
	[sflag:s12] =	ssyncadd.s32 $0xFFFFC800  }
0x1c1: {  	[tilespmem:s28], [sflag:$0x6] =	stream.indirect.gather [hbm4b:s1+s25], $0x80, s13, s25, $0xb8;
	[tilespmem:$0x1F800] =	vst v63  }
0x1c2: {  	_ =	swait.ge [sflag:s29], $0x3800  }
0x1c3: {  	[sflag:s29] =	ssyncset.done $0x0  }
0x1c4: {  	s14 =	simm.s32 $0x14980;
	[sflag:s29] =	ssyncadd.s32 $0xFFFFC800  }
0x1c5: {  	[spmem:s2] =	stream.indirect.scatter.add.f32 [tilespmem:s21], [sflag:$0x8], $0x80, s14, s25, $0xb8;
	[tilespmem:$0x1F800] =	vst v63  }
0x1c6: {  	_ =	swait.ge [sflag:s15], $0x3800  }
0x1c7: {  	[sflag:s15] =	ssyncset.done $0x0  }
0x1c8: {  	s16 =	simm.s32 $0x14280;
	[sflag:s15] =	ssyncadd.s32 $0xFFFFC800  }
0x1c9: {  	[tilespmem:s3], [sflag:$0x7] =	stream.indirect.gather [hbm4b:s1+s25], $0x80, s16, s25, $0xb8;
	[tilespmem:$0x1F800] =	vst v63  }
0x1ca: {  	_ =	swait.ge [sflag:s5], $0x3800  }
0x1cb: {  	[sflag:s5] =	ssyncset.done $0x0  }
0x1cc: {  	s17 =	simm.s32 $0x14A00;
	[sflag:s5] =	ssyncadd.s32 $0xFFFFC800  }
0x1cd: {  	[spmem:s2] =	stream.indirect.scatter.add.f32 [tilespmem:s28], [sflag:$0x9], $0x80, s17, s25, $0xb8;
	[tilespmem:$0x1F800] =	vst v63  }
0x1ce: {  	_ =	swait.ge [sflag:s8], $0x3800  }
0x1cf: {  	[sflag:s8] =	ssyncset.done $0x0  }
0x1d0: {  	[sflag:s8] =	ssyncadd.s32 $0xFFFFC800  }
0x1d1: {  	_ =	swait.ge [sflag:s10], $0x3800  }
0x1d2: {  	[sflag:s10] =	ssyncset.done $0x0  }
0x1d3: {  	s19 =	simm.s32 $0x14A80;
	[sflag:s10] =	ssyncadd.s32 $0xFFFFC800  }
0x1d4: {  	[spmem:s2] =	stream.indirect.scatter.add.f32 [tilespmem:s3], [sflag:$0xA], $0x80, s19, s25, $0xb8;
	[tilespmem:$0x1F800] =	vst v63  }
0x1d5: {  	_ =	swait.ge [sflag:s12], $0x3800  }
0x1d6: {  	[sflag:s12] =	ssyncset.done $0x0  }
0x1d7: {  	[sflag:s12] =	ssyncadd.s32 $0xFFFFC800  }
0x1d8: {  	_ =	swait.ge [sflag:s15], $0x3800  }
0x1d9: {  	[sflag:s15] =	ssyncset.done $0x0  }
0x1da: {  	[sflag:s15] =	ssyncadd.s32 $0xFFFFC800  }
0x1db: {  	s20 =	stileid.u32;
	[bflag:$0x0] =	sbarrier.arrive $0xFFFF  }
0x1dc: {  	s26 =	simm.s32 $0xB;
	s0 =	sshll.u32 s20, $0x6;
	s6 =	rddreg [dreg:$0xa]  }
0x1dd: {  	s0 =	sor.u32 $0x1C0B, s0;
	s22 =	rddreg [dreg:$0x14];
	s6 =	sshrl.u32 s6, $0x3  }
0x1de: {  	[hbm:s22], [sflag:s0] =	dma.local [spmem:s6], $0x2800  }
0x1df: {  	_ =	swait.ge [sflag:s26], $0x2800  }
0x1e0: {  	s30 =	rddreg [dreg:$0x16]  }
0x1e1: {  	s31 =	rddreg [dreg:$0x15];
	s9 =	sadd.s32 $0x1, s30  }
0x1e2: {  	p0 =	sne.s32 s9, s31  }
.Ltmp2:
0x1e3: {  	_ = 	snop;
	(pc) =	sbr.rel @p0 .LBB2_1-.Ltmp2, $3  }
0x1e4: {  	_ =	sdelay $0x1  }
0x1e5: {  	s11 =	simm.s32 $0x14000;
	s13 =	simm.s32 $0x14800;
	[sflag:s26] =	ssyncset.done $0x0  }
0x1e6: {  	s14 =	simm.s32 $0x14400;
	s16 =	simm.s32 $0x14C00;
	[sflag:s26] =	ssyncadd.s32 $0xFFFFD800  }
0x1e7: {  	_ =	sfence.sel $0x180000  }
0x1e8: {  	[bflag:$0x0] =	sbarrier.arrive $0xFFFF  }
0x1e9: {  	_ =	strace $0x90000047  }
0x1ea: {  	s0 =	stileid.u32;
	[bflag:$0x2] =	sbarrier.arrive $0xFFFF  }
0x1eb: {  	p0 =	sne.s32 s0, $0x0;
	s0 =	rddreg [dreg:$0x3]  }
0x1ec: {  	s0 =	sadd.s32 @!p0 $0x100000, s0  }
0x1ed: {  	[sflag:s0] =	ssyncadd.tile.s32 @!p0 $0x1;
	_ =	shalt  }
.Lfunc_end2:
_tile_overlayer_lowered:
.L_overlay_start_2:
0x1ee: {  	(tag) =	ssettag $0x2  }
0x1ef: {  	s0 =	rddreg [dreg:$0x0];
	s2 =	stileid.u32  }
0x1f0: {  	s1 =	rddreg [dreg:$0x1];
	p0 =	sne.s32 s2, $0x0  }
0x1f1: {  	s3 =	rddreg [dreg:$0x2];
	[bflag:$0x3] =	sbarrier.arrive $0xFFFF;
	s2 =	simm.s32 @!p0 $0x1C0B  }
0x1f2: {  	[timem:s3], [sflag:s2] =	dma.local @!p0 [hbm:s0], s1  }
0x1f3: {  	s0 =	simm.s32 @!p0 $0xB  }
0x1f4: {  	_ =	swait.ge @!p0 [sflag:s0], s1  }
0x1f5: {  	s1 =	ssub.s32 @!p0 $0x0, s1;
	[sflag:s0] =	ssyncset.done @!p0 $0x0  }
0x1f6: {  	[sflag:s0] =	ssyncadd.s32 @!p0 s1  }
0x1f7: {  	[bflag:$0x3] =	sbarrier.arrive $0xFFFF  }
0x1f8: {  	_ =	shalt  }

</sc_bundles>
